<compile_context>
chip_gen: v7x
topology: tpu7x:2x2x1
jax: 0.10.2.dev20260603
libtpu: 0.0.44.dev20260713+nightly
codegen_flags: <defaults>
</compile_context>

<pallas_src>
import functools

import jax
import jax.numpy as jnp
from jax import lax
from jax.experimental import pallas as pl
from jax.experimental.pallas import tpu as pltpu
from jax.experimental.pallas import tpu_sc as plsc

VOCAB_SIZE = 100000
EMBED_DIM = 128

NC = 2
NS = 16
NW = NC * NS

SPC = 4
NB = 3


def _make_gather(n_seq, seq_len):
    assert n_seq % (NW * SPC) == 0
    seq_per_w = n_seq // NW
    n_chunk = seq_per_w // SPC
    n_loop = (n_chunk - NB) // NB
    n_tail = n_chunk - NB * n_loop
    assert n_loop >= 1 and NB <= n_tail <= 2 * NB

    mesh = plsc.VectorSubcoreMesh(core_axis_name="c", subcore_axis_name="s")

    @functools.partial(
        pl.kernel,
        mesh=mesh,
        out_type=jax.ShapeDtypeStruct((n_seq, seq_len, EMBED_DIM), jnp.float32),
        scratch_types=[
            pltpu.VMEM((seq_per_w, seq_len), jnp.int32),
            pltpu.VMEM((NB, SPC * seq_len, EMBED_DIM), jnp.float32),
            [pltpu.SemaphoreType.DMA] * NB,
            [pltpu.SemaphoreType.DMA] * NB,
        ],
    )
    def gather_kernel(table_hbm, idx_hbm, out_hbm, idx_v, rows_v, gsems, wsems):
        wid = lax.axis_index("s") * NC + lax.axis_index("c")
        seq_base = wid * seq_per_w

        pltpu.sync_copy(idx_hbm.at[wid], idx_v)

        def start_gather(j, b):
            for r in range(SPC):
                pltpu.async_copy(
                    table_hbm.at[idx_v.at[j * SPC + r]],
                    rows_v.at[b].at[pl.ds(r * seq_len, seq_len)],
                    gsems[b],
                )

        def wait_gather(b):
            for _ in range(SPC):
                pltpu.make_async_copy(
                    table_hbm.at[idx_v.at[0]],
                    rows_v.at[b].at[pl.ds(0, seq_len)],
                    gsems[b],
                ).wait()

        def start_write(j, b):
            for r in range(SPC):
                pltpu.async_copy(
                    rows_v.at[b].at[pl.ds(r * seq_len, seq_len)],
                    out_hbm.at[seq_base + j * SPC + r],
                    wsems[b],
                )

        def wait_write(b):
            for _ in range(SPC):
                pltpu.make_async_copy(
                    rows_v.at[b].at[pl.ds(0, seq_len)],
                    out_hbm.at[0],
                    wsems[b],
                ).wait()

        for b in range(NB):
            start_gather(b, b)

        def body(i, _):
            for b in range(NB):
                wait_gather(b)
                start_write(i * NB + b, b)
            for b in range(NB):
                wait_write(b)
                start_gather(i * NB + b + NB, b)
            return ()

        lax.fori_loop(0, n_loop, body, (), unroll=False)

        for b in range(NB):
            j = NB * n_loop + b
            wait_gather(b)
            start_write(j, b)
        for b in range(n_tail - NB):
            j = NB * n_loop + NB + b
            wait_write(b)
            start_gather(j, b)
            wait_gather(b)
            start_write(j, b)
        for b in range(NB):
            wait_write(b)

    return gather_kernel


def kernel(inputs, embedding):
    n_seq, seq_len = inputs.shape
    idx = inputs.astype(jnp.int32).reshape(NW, n_seq // NW, seq_len)
    return _make_gather(n_seq, seq_len)(embedding, idx)

# --- scband reference (transcript-rebuilt; emitter-appended) ---
"""Pipeline reference for scband-tied-embedding-35381940584725 (READ-ONLY COPY).

The authoritative reference and input builder live on the scoring server;
editing this copy changes nothing except your own understanding.
"""

import jax, jax.numpy as jnp
import numpy as np

VOCAB_SIZE = 100000
EMBED_DIM = 128

def setup_inputs(seed: int = 0) -> dict:
    key = jax.random.key(seed)
    k_idx, k_emb = jax.random.split(key)
    inputs = jax.random.randint(k_idx, (4096, 50), 0, VOCAB_SIZE, dtype=jnp.int64)
    embedding = jax.random.normal(k_emb, (VOCAB_SIZE, EMBED_DIM), dtype=jnp.float32) * 0.02
    return {"inputs": inputs, "embedding": embedding}

def reference(inputs, embedding):
    # Faithful translation of TiedEmbedding.__call__
    inputs = jnp.clip(inputs, 0, VOCAB_SIZE - 1)
    embeddings = jnp.take(embedding, inputs, axis=0)
    return embeddings.astype(jnp.float32)

if __name__ == "__main__":
    import jax
    _d = setup_inputs()
    print(jax.jit(kernel)(*tuple(_d.values())))

</pallas_src>

<mosaic_0001>
#map = affine_map<(d0, d1) -> (0, 0)>
#map1 = affine_map<(d0, d1) -> (0, 0, 0)>
module attributes {stable_mosaic.version = 14 : i64} {
  func.func @gather_kernel(%arg0: i32, %arg1: i32, %arg2: memref<100000x128xf32, #tpu.memory_space<hbm>>, %arg3: memref<32x128x50xi32, #tpu.memory_space<hbm>>, %arg4: memref<4096x50x128xf32, #tpu.memory_space<hbm>>, %arg5: memref<128x50xi32, #tpu.memory_space<vmem>>, %arg6: memref<3x200x128xf32, #tpu.memory_space<vmem>>, %arg7: memref<!tpu.dma_semaphore, #tpu.memory_space<semaphore_mem>>, %arg8: memref<!tpu.dma_semaphore, #tpu.memory_space<semaphore_mem>>, %arg9: memref<!tpu.dma_semaphore, #tpu.memory_space<semaphore_mem>>, %arg10: memref<!tpu.dma_semaphore, #tpu.memory_space<semaphore_mem>>, %arg11: memref<!tpu.dma_semaphore, #tpu.memory_space<semaphore_mem>>, %arg12: memref<!tpu.dma_semaphore, #tpu.memory_space<semaphore_mem>>) attributes {dimension_semantics = [#tpu.dimension_semantics<core_parallel>, #tpu.dimension_semantics<subcore_parallel>], iteration_bounds = array<i64: 2, 16>, scalar_prefetch = 0 : i64, scratch_operands = 8 : i64, tpu.core_type = #tpu.core_type<sc_vector_subcore>, window_params = [{transform_indices = #map}, {transform_indices = #map1}, {transform_indices = #map1}]} {
    %mul3A = arith.constant 2 : i32
    %mul3A_0 = arith.muli %arg1, %mul3A : i32
    %add3A = arith.addi %mul3A_0, %arg0 : i32
    %mul3A_1 = arith.constant 128 : i32
    %mul3A_2 = arith.muli %add3A, %mul3A_1 : i32
    "tpu.region"() ({
      %run_scoped3A = tpu.sem_alloc : memref<!tpu.dma_semaphore, #tpu.memory_space<semaphore_mem>>
      %dma_start3A_1625 = arith.constant 0 : i32
      %dma_start3A_1626 = arith.constant 0 : i32
      %dma_start3A_1627 = tpu.memref_slice %arg3[%add3A, %dma_start3A_1625, %dma_start3A_1626] : memref<32x128x50xi32, #tpu.memory_space<hbm>> -> memref<1x128x50xi32, #tpu.memory_space<hbm>>
      %dma_start3A_1628 = tpu.memref_squeeze %dma_start3A_1627 : memref<1x128x50xi32, #tpu.memory_space<hbm>> -> memref<128x50xi32, #tpu.memory_space<hbm>>
      %dma_start3A_1629 = arith.constant 0 : i32
      %dma_start3A_1630 = arith.constant 0 : i32
      %dma_start3A_1631 = tpu.memref_slice %arg3[%add3A, %dma_start3A_1629, %dma_start3A_1630] : memref<32x128x50xi32, #tpu.memory_space<hbm>> -> memref<1x128x50xi32, #tpu.memory_space<hbm>>
      %dma_start3A_1632 = tpu.memref_squeeze %dma_start3A_1631 : memref<1x128x50xi32, #tpu.memory_space<hbm>> -> memref<128x50xi32, #tpu.memory_space<hbm>>
      tpu.enqueue_dma source(%dma_start3A_1632 : memref<128x50xi32, #tpu.memory_space<hbm>>) target(%arg5 : memref<128x50xi32, #tpu.memory_space<vmem>>) target_semaphore(%run_scoped3A : memref<!tpu.dma_semaphore, #tpu.memory_space<semaphore_mem>>)
      %dma_wait3A_1633 = arith.constant 0 : i32
      %dma_wait3A_1634 = arith.constant 0 : i32
      %dma_wait3A_1635 = tpu.memref_slice %arg3[%add3A, %dma_wait3A_1633, %dma_wait3A_1634] : memref<32x128x50xi32, #tpu.memory_space<hbm>> -> memref<1x128x50xi32, #tpu.memory_space<hbm>>
      %dma_wait3A_1636 = tpu.memref_squeeze %dma_wait3A_1635 : memref<1x128x50xi32, #tpu.memory_space<hbm>> -> memref<128x50xi32, #tpu.memory_space<hbm>>
      %dma_wait3A_1637 = arith.constant 0 : i32
      %dma_wait3A_1638 = arith.constant 0 : i32
      %dma_wait3A_1639 = tpu.memref_slice %arg3[%add3A, %dma_wait3A_1637, %dma_wait3A_1638] : memref<32x128x50xi32, #tpu.memory_space<hbm>> -> memref<1x128x50xi32, #tpu.memory_space<hbm>>
      %dma_wait3A_1640 = tpu.memref_squeeze %dma_wait3A_1639 : memref<1x128x50xi32, #tpu.memory_space<hbm>> -> memref<128x50xi32, #tpu.memory_space<hbm>>
      tpu.wait_dma2 semaphore(%run_scoped3A : memref<!tpu.dma_semaphore, #tpu.memory_space<semaphore_mem>>) src(%dma_wait3A_1640 : memref<128x50xi32, #tpu.memory_space<hbm>>) dst(%arg5 : memref<128x50xi32, #tpu.memory_space<vmem>>)
      tpu.yield
    }) : () -> ()
    %dma_start3A = arith.constant 0 : i32
    %dma_start3A_3 = arith.constant 0 : i32
    %dma_start3A_4 = arith.constant 0 : i32
    %dma_start3A_5 = arith.constant 0 : i32
    %dma_start3A_6 = tpu.memref_slice %arg6[%dma_start3A_3, %dma_start3A_4, %dma_start3A_5] : memref<3x200x128xf32, #tpu.memory_space<vmem>> -> memref<1x200x128xf32, #tpu.memory_space<vmem>>
    %dma_start3A_7 = tpu.memref_squeeze %dma_start3A_6 : memref<1x200x128xf32, #tpu.memory_space<vmem>> -> memref<200x128xf32, #tpu.memory_space<vmem>>
    %dma_start3A_8 = arith.constant 0 : i32
    %dma_start3A_9 = arith.constant 0 : i32
    %dma_start3A_10 = tpu.memref_slice %dma_start3A_7[%dma_start3A_8, %dma_start3A_9] : memref<200x128xf32, #tpu.memory_space<vmem>> -> memref<50x128xf32, #tpu.memory_space<vmem>>
    %dma_start3A_11 = arith.constant 0 : i32
    %dma_start3A_12 = tpu.memref_slice %arg5[%dma_start3A, %dma_start3A_11] : memref<128x50xi32, #tpu.memory_space<vmem>> -> memref<1x50xi32, #tpu.memory_space<vmem>>
    %dma_start3A_13 = tpu.memref_squeeze %dma_start3A_12 : memref<1x50xi32, #tpu.memory_space<vmem>> -> memref<50xi32, #tpu.memory_space<vmem>>
    %dma_start3A_14 = arith.constant 0 : i32
    %dma_start3A_15 = arith.constant 0 : i32
    %dma_start3A_16 = tpu.memref_slice %arg2[%dma_start3A_14, %dma_start3A_15] : memref<100000x128xf32, #tpu.memory_space<hbm>> -> memref<100000x128xf32, #tpu.memory_space<hbm>>
    tpu.enqueue_indirect_dma source(%dma_start3A_16 : memref<100000x128xf32, #tpu.memory_space<hbm>>) target(%dma_start3A_10 : memref<50x128xf32, #tpu.memory_space<vmem>>) offsets(%dma_start3A_13 : memref<50xi32, #tpu.memory_space<vmem>>) semaphore(%arg7 : memref<!tpu.dma_semaphore, #tpu.memory_space<semaphore_mem>>)
    %dma_start3A_17 = arith.constant 1 : i32
    %dma_start3A_18 = arith.constant 0 : i32
    %dma_start3A_19 = arith.constant 0 : i32
    %dma_start3A_20 = arith.constant 0 : i32
    %dma_start3A_21 = tpu.memref_slice %arg6[%dma_start3A_18, %dma_start3A_19, %dma_start3A_20] : memref<3x200x128xf32, #tpu.memory_space<vmem>> -> memref<1x200x128xf32, #tpu.memory_space<vmem>>
    %dma_start3A_22 = tpu.memref_squeeze %dma_start3A_21 : memref<1x200x128xf32, #tpu.memory_space<vmem>> -> memref<200x128xf32, #tpu.memory_space<vmem>>
    %dma_start3A_23 = arith.constant 50 : i32
    %dma_start3A_24 = arith.constant 0 : i32
    %dma_start3A_25 = tpu.memref_slice %dma_start3A_22[%dma_start3A_23, %dma_start3A_24] : memref<200x128xf32, #tpu.memory_space<vmem>> -> memref<50x128xf32, #tpu.memory_space<vmem>>
    %dma_start3A_26 = arith.constant 0 : i32
    %dma_start3A_27 = tpu.memref_slice %arg5[%dma_start3A_17, %dma_start3A_26] : memref<128x50xi32, #tpu.memory_space<vmem>> -> memref<1x50xi32, #tpu.memory_space<vmem>>
    %dma_start3A_28 = tpu.memref_squeeze %dma_start3A_27 : memref<1x50xi32, #tpu.memory_space<vmem>> -> memref<50xi32, #tpu.memory_space<vmem>>
    %dma_start3A_29 = arith.constant 0 : i32
    %dma_start3A_30 = arith.constant 0 : i32
    %dma_start3A_31 = tpu.memref_slice %arg2[%dma_start3A_29, %dma_start3A_30] : memref<100000x128xf32, #tpu.memory_space<hbm>> -> memref<100000x128xf32, #tpu.memory_space<hbm>>
    tpu.enqueue_indirect_dma source(%dma_start3A_31 : memref<100000x128xf32, #tpu.memory_space<hbm>>) target(%dma_start3A_25 : memref<50x128xf32, #tpu.memory_space<vmem>>) offsets(%dma_start3A_28 : memref<50xi32, #tpu.memory_space<vmem>>) semaphore(%arg7 : memref<!tpu.dma_semaphore, #tpu.memory_space<semaphore_mem>>)
    %dma_start3A_32 = arith.constant 2 : i32
    %dma_start3A_33 = arith.constant 0 : i32
    %dma_start3A_34 = arith.constant 0 : i32
    %dma_start3A_35 = arith.constant 0 : i32
    %dma_start3A_36 = tpu.memref_slice %arg6[%dma_start3A_33, %dma_start3A_34, %dma_start3A_35] : memref<3x200x128xf32, #tpu.memory_space<vmem>> -> memref<1x200x128xf32, #tpu.memory_space<vmem>>
    %dma_start3A_37 = tpu.memref_squeeze %dma_start3A_36 : memref<1x200x128xf32, #tpu.memory_space<vmem>> -> memref<200x128xf32, #tpu.memory_space<vmem>>
    %dma_start3A_38 = arith.constant 100 : i32
    %dma_start3A_39 = arith.constant 0 : i32
    %dma_start3A_40 = tpu.memref_slice %dma_start3A_37[%dma_start3A_38, %dma_start3A_39] : memref<200x128xf32, #tpu.memory_space<vmem>> -> memref<50x128xf32, #tpu.memory_space<vmem>>
    %dma_start3A_41 = arith.constant 0 : i32
    %dma_start3A_42 = tpu.memref_slice %arg5[%dma_start3A_32, %dma_start3A_41] : memref<128x50xi32, #tpu.memory_space<vmem>> -> memref<1x50xi32, #tpu.memory_space<vmem>>
    %dma_start3A_43 = tpu.memref_squeeze %dma_start3A_42 : memref<1x50xi32, #tpu.memory_space<vmem>> -> memref<50xi32, #tpu.memory_space<vmem>>
    %dma_start3A_44 = arith.constant 0 : i32
    %dma_start3A_45 = arith.constant 0 : i32
    %dma_start3A_46 = tpu.memref_slice %arg2[%dma_start3A_44, %dma_start3A_45] : memref<100000x128xf32, #tpu.memory_space<hbm>> -> memref<100000x128xf32, #tpu.memory_space<hbm>>
    tpu.enqueue_indirect_dma source(%dma_start3A_46 : memref<100000x128xf32, #tpu.memory_space<hbm>>) target(%dma_start3A_40 : memref<50x128xf32, #tpu.memory_space<vmem>>) offsets(%dma_start3A_43 : memref<50xi32, #tpu.memory_space<vmem>>) semaphore(%arg7 : memref<!tpu.dma_semaphore, #tpu.memory_space<semaphore_mem>>)
    %dma_start3A_47 = arith.constant 3 : i32
    %dma_start3A_48 = arith.constant 0 : i32
    %dma_start3A_49 = arith.constant 0 : i32
    %dma_start3A_50 = arith.constant 0 : i32
    %dma_start3A_51 = tpu.memref_slice %arg6[%dma_start3A_48, %dma_start3A_49, %dma_start3A_50] : memref<3x200x128xf32, #tpu.memory_space<vmem>> -> memref<1x200x128xf32, #tpu.memory_space<vmem>>
    %dma_start3A_52 = tpu.memref_squeeze %dma_start3A_51 : memref<1x200x128xf32, #tpu.memory_space<vmem>> -> memref<200x128xf32, #tpu.memory_space<vmem>>
    %dma_start3A_53 = arith.constant 150 : i32
    %dma_start3A_54 = arith.constant 0 : i32
    %dma_start3A_55 = tpu.memref_slice %dma_start3A_52[%dma_start3A_53, %dma_start3A_54] : memref<200x128xf32, #tpu.memory_space<vmem>> -> memref<50x128xf32, #tpu.memory_space<vmem>>
    %dma_start3A_56 = arith.constant 0 : i32
    %dma_start3A_57 = tpu.memref_slice %arg5[%dma_start3A_47, %dma_start3A_56] : memref<128x50xi32, #tpu.memory_space<vmem>> -> memref<1x50xi32, #tpu.memory_space<vmem>>
    %dma_start3A_58 = tpu.memref_squeeze %dma_start3A_57 : memref<1x50xi32, #tpu.memory_space<vmem>> -> memref<50xi32, #tpu.memory_space<vmem>>
    %dma_start3A_59 = arith.constant 0 : i32
    %dma_start3A_60 = arith.constant 0 : i32
    %dma_start3A_61 = tpu.memref_slice %arg2[%dma_start3A_59, %dma_start3A_60] : memref<100000x128xf32, #tpu.memory_space<hbm>> -> memref<100000x128xf32, #tpu.memory_space<hbm>>
    tpu.enqueue_indirect_dma source(%dma_start3A_61 : memref<100000x128xf32, #tpu.memory_space<hbm>>) target(%dma_start3A_55 : memref<50x128xf32, #tpu.memory_space<vmem>>) offsets(%dma_start3A_58 : memref<50xi32, #tpu.memory_space<vmem>>) semaphore(%arg7 : memref<!tpu.dma_semaphore, #tpu.memory_space<semaphore_mem>>)
    %dma_start3A_62 = arith.constant 4 : i32
    %dma_start3A_63 = arith.constant 1 : i32
    %dma_start3A_64 = arith.constant 0 : i32
    %dma_start3A_65 = arith.constant 0 : i32
    %dma_start3A_66 = tpu.memref_slice %arg6[%dma_start3A_63, %dma_start3A_64, %dma_start3A_65] : memref<3x200x128xf32, #tpu.memory_space<vmem>> -> memref<1x200x128xf32, #tpu.memory_space<vmem>>
    %dma_start3A_67 = tpu.memref_squeeze %dma_start3A_66 : memref<1x200x128xf32, #tpu.memory_space<vmem>> -> memref<200x128xf32, #tpu.memory_space<vmem>>
    %dma_start3A_68 = arith.constant 0 : i32
    %dma_start3A_69 = arith.constant 0 : i32
    %dma_start3A_70 = tpu.memref_slice %dma_start3A_67[%dma_start3A_68, %dma_start3A_69] : memref<200x128xf32, #tpu.memory_space<vmem>> -> memref<50x128xf32, #tpu.memory_space<vmem>>
    %dma_start3A_71 = arith.constant 0 : i32
    %dma_start3A_72 = tpu.memref_slice %arg5[%dma_start3A_62, %dma_start3A_71] : memref<128x50xi32, #tpu.memory_space<vmem>> -> memref<1x50xi32, #tpu.memory_space<vmem>>
    %dma_start3A_73 = tpu.memref_squeeze %dma_start3A_72 : memref<1x50xi32, #tpu.memory_space<vmem>> -> memref<50xi32, #tpu.memory_space<vmem>>
    %dma_start3A_74 = arith.constant 0 : i32
    %dma_start3A_75 = arith.constant 0 : i32
    %dma_start3A_76 = tpu.memref_slice %arg2[%dma_start3A_74, %dma_start3A_75] : memref<100000x128xf32, #tpu.memory_space<hbm>> -> memref<100000x128xf32, #tpu.memory_space<hbm>>
    tpu.enqueue_indirect_dma source(%dma_start3A_76 : memref<100000x128xf32, #tpu.memory_space<hbm>>) target(%dma_start3A_70 : memref<50x128xf32, #tpu.memory_space<vmem>>) offsets(%dma_start3A_73 : memref<50xi32, #tpu.memory_space<vmem>>) semaphore(%arg8 : memref<!tpu.dma_semaphore, #tpu.memory_space<semaphore_mem>>)
    %dma_start3A_77 = arith.constant 5 : i32
    %dma_start3A_78 = arith.constant 1 : i32
    %dma_start3A_79 = arith.constant 0 : i32
    %dma_start3A_80 = arith.constant 0 : i32
    %dma_start3A_81 = tpu.memref_slice %arg6[%dma_start3A_78, %dma_start3A_79, %dma_start3A_80] : memref<3x200x128xf32, #tpu.memory_space<vmem>> -> memref<1x200x128xf32, #tpu.memory_space<vmem>>
    %dma_start3A_82 = tpu.memref_squeeze %dma_start3A_81 : memref<1x200x128xf32, #tpu.memory_space<vmem>> -> memref<200x128xf32, #tpu.memory_space<vmem>>
    %dma_start3A_83 = arith.constant 50 : i32
    %dma_start3A_84 = arith.constant 0 : i32
    %dma_start3A_85 = tpu.memref_slice %dma_start3A_82[%dma_start3A_83, %dma_start3A_84] : memref<200x128xf32, #tpu.memory_space<vmem>> -> memref<50x128xf32, #tpu.memory_space<vmem>>
    %dma_start3A_86 = arith.constant 0 : i32
    %dma_start3A_87 = tpu.memref_slice %arg5[%dma_start3A_77, %dma_start3A_86] : memref<128x50xi32, #tpu.memory_space<vmem>> -> memref<1x50xi32, #tpu.memory_space<vmem>>
    %dma_start3A_88 = tpu.memref_squeeze %dma_start3A_87 : memref<1x50xi32, #tpu.memory_space<vmem>> -> memref<50xi32, #tpu.memory_space<vmem>>
    %dma_start3A_89 = arith.constant 0 : i32
    %dma_start3A_90 = arith.constant 0 : i32
    %dma_start3A_91 = tpu.memref_slice %arg2[%dma_start3A_89, %dma_start3A_90] : memref<100000x128xf32, #tpu.memory_space<hbm>> -> memref<100000x128xf32, #tpu.memory_space<hbm>>
    tpu.enqueue_indirect_dma source(%dma_start3A_91 : memref<100000x128xf32, #tpu.memory_space<hbm>>) target(%dma_start3A_85 : memref<50x128xf32, #tpu.memory_space<vmem>>) offsets(%dma_start3A_88 : memref<50xi32, #tpu.memory_space<vmem>>) semaphore(%arg8 : memref<!tpu.dma_semaphore, #tpu.memory_space<semaphore_mem>>)
    %dma_start3A_92 = arith.constant 6 : i32
    %dma_start3A_93 = arith.constant 1 : i32
    %dma_start3A_94 = arith.constant 0 : i32
    %dma_start3A_95 = arith.constant 0 : i32
    %dma_start3A_96 = tpu.memref_slice %arg6[%dma_start3A_93, %dma_start3A_94, %dma_start3A_95] : memref<3x200x128xf32, #tpu.memory_space<vmem>> -> memref<1x200x128xf32, #tpu.memory_space<vmem>>
    %dma_start3A_97 = tpu.memref_squeeze %dma_start3A_96 : memref<1x200x128xf32, #tpu.memory_space<vmem>> -> memref<200x128xf32, #tpu.memory_space<vmem>>
    %dma_start3A_98 = arith.constant 100 : i32
    %dma_start3A_99 = arith.constant 0 : i32
    %dma_start3A_100 = tpu.memref_slice %dma_start3A_97[%dma_start3A_98, %dma_start3A_99] : memref<200x128xf32, #tpu.memory_space<vmem>> -> memref<50x128xf32, #tpu.memory_space<vmem>>
    %dma_start3A_101 = arith.constant 0 : i32
    %dma_start3A_102 = tpu.memref_slice %arg5[%dma_start3A_92, %dma_start3A_101] : memref<128x50xi32, #tpu.memory_space<vmem>> -> memref<1x50xi32, #tpu.memory_space<vmem>>
    %dma_start3A_103 = tpu.memref_squeeze %dma_start3A_102 : memref<1x50xi32, #tpu.memory_space<vmem>> -> memref<50xi32, #tpu.memory_space<vmem>>
    %dma_start3A_104 = arith.constant 0 : i32
    %dma_start3A_105 = arith.constant 0 : i32
    %dma_start3A_106 = tpu.memref_slice %arg2[%dma_start3A_104, %dma_start3A_105] : memref<100000x128xf32, #tpu.memory_space<hbm>> -> memref<100000x128xf32, #tpu.memory_space<hbm>>
    tpu.enqueue_indirect_dma source(%dma_start3A_106 : memref<100000x128xf32, #tpu.memory_space<hbm>>) target(%dma_start3A_100 : memref<50x128xf32, #tpu.memory_space<vmem>>) offsets(%dma_start3A_103 : memref<50xi32, #tpu.memory_space<vmem>>) semaphore(%arg8 : memref<!tpu.dma_semaphore, #tpu.memory_space<semaphore_mem>>)
    %dma_start3A_107 = arith.constant 7 : i32
    %dma_start3A_108 = arith.constant 1 : i32
    %dma_start3A_109 = arith.constant 0 : i32
    %dma_start3A_110 = arith.constant 0 : i32
    %dma_start3A_111 = tpu.memref_slice %arg6[%dma_start3A_108, %dma_start3A_109, %dma_start3A_110] : memref<3x200x128xf32, #tpu.memory_space<vmem>> -> memref<1x200x128xf32, #tpu.memory_space<vmem>>
    %dma_start3A_112 = tpu.memref_squeeze %dma_start3A_111 : memref<1x200x128xf32, #tpu.memory_space<vmem>> -> memref<200x128xf32, #tpu.memory_space<vmem>>
    %dma_start3A_113 = arith.constant 150 : i32
    %dma_start3A_114 = arith.constant 0 : i32
    %dma_start3A_115 = tpu.memref_slice %dma_start3A_112[%dma_start3A_113, %dma_start3A_114] : memref<200x128xf32, #tpu.memory_space<vmem>> -> memref<50x128xf32, #tpu.memory_space<vmem>>
    %dma_start3A_116 = arith.constant 0 : i32
    %dma_start3A_117 = tpu.memref_slice %arg5[%dma_start3A_107, %dma_start3A_116] : memref<128x50xi32, #tpu.memory_space<vmem>> -> memref<1x50xi32, #tpu.memory_space<vmem>>
    %dma_start3A_118 = tpu.memref_squeeze %dma_start3A_117 : memref<1x50xi32, #tpu.memory_space<vmem>> -> memref<50xi32, #tpu.memory_space<vmem>>
    %dma_start3A_119 = arith.constant 0 : i32
    %dma_start3A_120 = arith.constant 0 : i32
    %dma_start3A_121 = tpu.memref_slice %arg2[%dma_start3A_119, %dma_start3A_120] : memref<100000x128xf32, #tpu.memory_space<hbm>> -> memref<100000x128xf32, #tpu.memory_space<hbm>>
    tpu.enqueue_indirect_dma source(%dma_start3A_121 : memref<100000x128xf32, #tpu.memory_space<hbm>>) target(%dma_start3A_115 : memref<50x128xf32, #tpu.memory_space<vmem>>) offsets(%dma_start3A_118 : memref<50xi32, #tpu.memory_space<vmem>>) semaphore(%arg8 : memref<!tpu.dma_semaphore, #tpu.memory_space<semaphore_mem>>)
    %dma_start3A_122 = arith.constant 8 : i32
    %dma_start3A_123 = arith.constant 2 : i32
    %dma_start3A_124 = arith.constant 0 : i32
    %dma_start3A_125 = arith.constant 0 : i32
    %dma_start3A_126 = tpu.memref_slice %arg6[%dma_start3A_123, %dma_start3A_124, %dma_start3A_125] : memref<3x200x128xf32, #tpu.memory_space<vmem>> -> memref<1x200x128xf32, #tpu.memory_space<vmem>>
    %dma_start3A_127 = tpu.memref_squeeze %dma_start3A_126 : memref<1x200x128xf32, #tpu.memory_space<vmem>> -> memref<200x128xf32, #tpu.memory_space<vmem>>
    %dma_start3A_128 = arith.constant 0 : i32
    %dma_start3A_129 = arith.constant 0 : i32
    %dma_start3A_130 = tpu.memref_slice %dma_start3A_127[%dma_start3A_128, %dma_start3A_129] : memref<200x128xf32, #tpu.memory_space<vmem>> -> memref<50x128xf32, #tpu.memory_space<vmem>>
    %dma_start3A_131 = arith.constant 0 : i32
    %dma_start3A_132 = tpu.memref_slice %arg5[%dma_start3A_122, %dma_start3A_131] : memref<128x50xi32, #tpu.memory_space<vmem>> -> memref<1x50xi32, #tpu.memory_space<vmem>>
    %dma_start3A_133 = tpu.memref_squeeze %dma_start3A_132 : memref<1x50xi32, #tpu.memory_space<vmem>> -> memref<50xi32, #tpu.memory_space<vmem>>
    %dma_start3A_134 = arith.constant 0 : i32
    %dma_start3A_135 = arith.constant 0 : i32
    %dma_start3A_136 = tpu.memref_slice %arg2[%dma_start3A_134, %dma_start3A_135] : memref<100000x128xf32, #tpu.memory_space<hbm>> -> memref<100000x128xf32, #tpu.memory_space<hbm>>
    tpu.enqueue_indirect_dma source(%dma_start3A_136 : memref<100000x128xf32, #tpu.memory_space<hbm>>) target(%dma_start3A_130 : memref<50x128xf32, #tpu.memory_space<vmem>>) offsets(%dma_start3A_133 : memref<50xi32, #tpu.memory_space<vmem>>) semaphore(%arg9 : memref<!tpu.dma_semaphore, #tpu.memory_space<semaphore_mem>>)
    %dma_start3A_137 = arith.constant 9 : i32
    %dma_start3A_138 = arith.constant 2 : i32
    %dma_start3A_139 = arith.constant 0 : i32
    %dma_start3A_140 = arith.constant 0 : i32
    %dma_start3A_141 = tpu.memref_slice %arg6[%dma_start3A_138, %dma_start3A_139, %dma_start3A_140] : memref<3x200x128xf32, #tpu.memory_space<vmem>> -> memref<1x200x128xf32, #tpu.memory_space<vmem>>
    %dma_start3A_142 = tpu.memref_squeeze %dma_start3A_141 : memref<1x200x128xf32, #tpu.memory_space<vmem>> -> memref<200x128xf32, #tpu.memory_space<vmem>>
    %dma_start3A_143 = arith.constant 50 : i32
    %dma_start3A_144 = arith.constant 0 : i32
    %dma_start3A_145 = tpu.memref_slice %dma_start3A_142[%dma_start3A_143, %dma_start3A_144] : memref<200x128xf32, #tpu.memory_space<vmem>> -> memref<50x128xf32, #tpu.memory_space<vmem>>
    %dma_start3A_146 = arith.constant 0 : i32
    %dma_start3A_147 = tpu.memref_slice %arg5[%dma_start3A_137, %dma_start3A_146] : memref<128x50xi32, #tpu.memory_space<vmem>> -> memref<1x50xi32, #tpu.memory_space<vmem>>
    %dma_start3A_148 = tpu.memref_squeeze %dma_start3A_147 : memref<1x50xi32, #tpu.memory_space<vmem>> -> memref<50xi32, #tpu.memory_space<vmem>>
    %dma_start3A_149 = arith.constant 0 : i32
    %dma_start3A_150 = arith.constant 0 : i32
    %dma_start3A_151 = tpu.memref_slice %arg2[%dma_start3A_149, %dma_start3A_150] : memref<100000x128xf32, #tpu.memory_space<hbm>> -> memref<100000x128xf32, #tpu.memory_space<hbm>>
    tpu.enqueue_indirect_dma source(%dma_start3A_151 : memref<100000x128xf32, #tpu.memory_space<hbm>>) target(%dma_start3A_145 : memref<50x128xf32, #tpu.memory_space<vmem>>) offsets(%dma_start3A_148 : memref<50xi32, #tpu.memory_space<vmem>>) semaphore(%arg9 : memref<!tpu.dma_semaphore, #tpu.memory_space<semaphore_mem>>)
    %dma_start3A_152 = arith.constant 10 : i32
    %dma_start3A_153 = arith.constant 2 : i32
    %dma_start3A_154 = arith.constant 0 : i32
    %dma_start3A_155 = arith.constant 0 : i32
    %dma_start3A_156 = tpu.memref_slice %arg6[%dma_start3A_153, %dma_start3A_154, %dma_start3A_155] : memref<3x200x128xf32, #tpu.memory_space<vmem>> -> memref<1x200x128xf32, #tpu.memory_space<vmem>>
    %dma_start3A_157 = tpu.memref_squeeze %dma_start3A_156 : memref<1x200x128xf32, #tpu.memory_space<vmem>> -> memref<200x128xf32, #tpu.memory_space<vmem>>
    %dma_start3A_158 = arith.constant 100 : i32
    %dma_start3A_159 = arith.constant 0 : i32
    %dma_start3A_160 = tpu.memref_slice %dma_start3A_157[%dma_start3A_158, %dma_start3A_159] : memref<200x128xf32, #tpu.memory_space<vmem>> -> memref<50x128xf32, #tpu.memory_space<vmem>>
    %dma_start3A_161 = arith.constant 0 : i32
    %dma_start3A_162 = tpu.memref_slice %arg5[%dma_start3A_152, %dma_start3A_161] : memref<128x50xi32, #tpu.memory_space<vmem>> -> memref<1x50xi32, #tpu.memory_space<vmem>>
    %dma_start3A_163 = tpu.memref_squeeze %dma_start3A_162 : memref<1x50xi32, #tpu.memory_space<vmem>> -> memref<50xi32, #tpu.memory_space<vmem>>
    %dma_start3A_164 = arith.constant 0 : i32
    %dma_start3A_165 = arith.constant 0 : i32
    %dma_start3A_166 = tpu.memref_slice %arg2[%dma_start3A_164, %dma_start3A_165] : memref<100000x128xf32, #tpu.memory_space<hbm>> -> memref<100000x128xf32, #tpu.memory_space<hbm>>
    tpu.enqueue_indirect_dma source(%dma_start3A_166 : memref<100000x128xf32, #tpu.memory_space<hbm>>) target(%dma_start3A_160 : memref<50x128xf32, #tpu.memory_space<vmem>>) offsets(%dma_start3A_163 : memref<50xi32, #tpu.memory_space<vmem>>) semaphore(%arg9 : memref<!tpu.dma_semaphore, #tpu.memory_space<semaphore_mem>>)
    %dma_start3A_167 = arith.constant 11 : i32
    %dma_start3A_168 = arith.constant 2 : i32
    %dma_start3A_169 = arith.constant 0 : i32
    %dma_start3A_170 = arith.constant 0 : i32
    %dma_start3A_171 = tpu.memref_slice %arg6[%dma_start3A_168, %dma_start3A_169, %dma_start3A_170] : memref<3x200x128xf32, #tpu.memory_space<vmem>> -> memref<1x200x128xf32, #tpu.memory_space<vmem>>
    %dma_start3A_172 = tpu.memref_squeeze %dma_start3A_171 : memref<1x200x128xf32, #tpu.memory_space<vmem>> -> memref<200x128xf32, #tpu.memory_space<vmem>>
    %dma_start3A_173 = arith.constant 150 : i32
    %dma_start3A_174 = arith.constant 0 : i32
    %dma_start3A_175 = tpu.memref_slice %dma_start3A_172[%dma_start3A_173, %dma_start3A_174] : memref<200x128xf32, #tpu.memory_space<vmem>> -> memref<50x128xf32, #tpu.memory_space<vmem>>
    %dma_start3A_176 = arith.constant 0 : i32
    %dma_start3A_177 = tpu.memref_slice %arg5[%dma_start3A_167, %dma_start3A_176] : memref<128x50xi32, #tpu.memory_space<vmem>> -> memref<1x50xi32, #tpu.memory_space<vmem>>
    %dma_start3A_178 = tpu.memref_squeeze %dma_start3A_177 : memref<1x50xi32, #tpu.memory_space<vmem>> -> memref<50xi32, #tpu.memory_space<vmem>>
    %dma_start3A_179 = arith.constant 0 : i32
    %dma_start3A_180 = arith.constant 0 : i32
    %dma_start3A_181 = tpu.memref_slice %arg2[%dma_start3A_179, %dma_start3A_180] : memref<100000x128xf32, #tpu.memory_space<hbm>> -> memref<100000x128xf32, #tpu.memory_space<hbm>>
    tpu.enqueue_indirect_dma source(%dma_start3A_181 : memref<100000x128xf32, #tpu.memory_space<hbm>>) target(%dma_start3A_175 : memref<50x128xf32, #tpu.memory_space<vmem>>) offsets(%dma_start3A_178 : memref<50xi32, #tpu.memory_space<vmem>>) semaphore(%arg9 : memref<!tpu.dma_semaphore, #tpu.memory_space<semaphore_mem>>)
    %scan3A = arith.constant 0 : i32
    %scan3A_182 = arith.constant 9 : i32
    %scan3A_183 = arith.addi %scan3A, %scan3A_182 : i32
    %scan3A_184 = arith.constant 1 : i32
    scf.for %scan3A_1625 = %scan3A to %scan3A_183 step %scan3A_184  : i32 {
      %dma_wait3A_1626 = arith.constant 0 : i32
      %dma_wait3A_1627 = arith.constant 0 : i32
      %dma_wait3A_1628 = arith.constant 0 : i32
      %dma_wait3A_1629 = arith.constant 0 : i32
      %dma_wait3A_1630 = tpu.memref_slice %arg6[%dma_wait3A_1627, %dma_wait3A_1628, %dma_wait3A_1629] : memref<3x200x128xf32, #tpu.memory_space<vmem>> -> memref<1x200x128xf32, #tpu.memory_space<vmem>>
      %dma_wait3A_1631 = tpu.memref_squeeze %dma_wait3A_1630 : memref<1x200x128xf32, #tpu.memory_space<vmem>> -> memref<200x128xf32, #tpu.memory_space<vmem>>
      %dma_wait3A_1632 = arith.constant 0 : i32
      %dma_wait3A_1633 = arith.constant 0 : i32
      %dma_wait3A_1634 = tpu.memref_slice %dma_wait3A_1631[%dma_wait3A_1632, %dma_wait3A_1633] : memref<200x128xf32, #tpu.memory_space<vmem>> -> memref<50x128xf32, #tpu.memory_space<vmem>>
      %dma_wait3A_1635 = arith.constant 0 : i32
      %dma_wait3A_1636 = tpu.memref_slice %arg5[%dma_wait3A_1626, %dma_wait3A_1635] : memref<128x50xi32, #tpu.memory_space<vmem>> -> memref<1x50xi32, #tpu.memory_space<vmem>>
      %dma_wait3A_1637 = tpu.memref_squeeze %dma_wait3A_1636 : memref<1x50xi32, #tpu.memory_space<vmem>> -> memref<50xi32, #tpu.memory_space<vmem>>
      %dma_wait3A_1638 = arith.constant 0 : i32
      %dma_wait3A_1639 = arith.constant 0 : i32
      %dma_wait3A_1640 = tpu.memref_slice %arg2[%dma_wait3A_1638, %dma_wait3A_1639] : memref<100000x128xf32, #tpu.memory_space<hbm>> -> memref<100000x128xf32, #tpu.memory_space<hbm>>
      tpu.wait_indirect_dma semaphore(%arg7 : memref<!tpu.dma_semaphore, #tpu.memory_space<semaphore_mem>>) src(%dma_wait3A_1640 : memref<100000x128xf32, #tpu.memory_space<hbm>>) dst(%dma_wait3A_1634 : memref<50x128xf32, #tpu.memory_space<vmem>>)
      %dma_wait3A_1641 = arith.constant 0 : i32
      %dma_wait3A_1642 = arith.constant 0 : i32
      %dma_wait3A_1643 = arith.constant 0 : i32
      %dma_wait3A_1644 = arith.constant 0 : i32
      %dma_wait3A_1645 = tpu.memref_slice %arg6[%dma_wait3A_1642, %dma_wait3A_1643, %dma_wait3A_1644] : memref<3x200x128xf32, #tpu.memory_space<vmem>> -> memref<1x200x128xf32, #tpu.memory_space<vmem>>
      %dma_wait3A_1646 = tpu.memref_squeeze %dma_wait3A_1645 : memref<1x200x128xf32, #tpu.memory_space<vmem>> -> memref<200x128xf32, #tpu.memory_space<vmem>>
      %dma_wait3A_1647 = arith.constant 0 : i32
      %dma_wait3A_1648 = arith.constant 0 : i32
      %dma_wait3A_1649 = tpu.memref_slice %dma_wait3A_1646[%dma_wait3A_1647, %dma_wait3A_1648] : memref<200x128xf32, #tpu.memory_space<vmem>> -> memref<50x128xf32, #tpu.memory_space<vmem>>
      %dma_wait3A_1650 = arith.constant 0 : i32
      %dma_wait3A_1651 = tpu.memref_slice %arg5[%dma_wait3A_1641, %dma_wait3A_1650] : memref<128x50xi32, #tpu.memory_space<vmem>> -> memref<1x50xi32, #tpu.memory_space<vmem>>
      %dma_wait3A_1652 = tpu.memref_squeeze %dma_wait3A_1651 : memref<1x50xi32, #tpu.memory_space<vmem>> -> memref<50xi32, #tpu.memory_space<vmem>>
      %dma_wait3A_1653 = arith.constant 0 : i32
      %dma_wait3A_1654 = arith.constant 0 : i32
      %dma_wait3A_1655 = tpu.memref_slice %arg2[%dma_wait3A_1653, %dma_wait3A_1654] : memref<100000x128xf32, #tpu.memory_space<hbm>> -> memref<100000x128xf32, #tpu.memory_space<hbm>>
      tpu.wait_indirect_dma semaphore(%arg7 : memref<!tpu.dma_semaphore, #tpu.memory_space<semaphore_mem>>) src(%dma_wait3A_1655 : memref<100000x128xf32, #tpu.memory_space<hbm>>) dst(%dma_wait3A_1649 : memref<50x128xf32, #tpu.memory_space<vmem>>)
      %dma_wait3A_1656 = arith.constant 0 : i32
      %dma_wait3A_1657 = arith.constant 0 : i32
      %dma_wait3A_1658 = arith.constant 0 : i32
      %dma_wait3A_1659 = arith.constant 0 : i32
      %dma_wait3A_1660 = tpu.memref_slice %arg6[%dma_wait3A_1657, %dma_wait3A_1658, %dma_wait3A_1659] : memref<3x200x128xf32, #tpu.memory_space<vmem>> -> memref<1x200x128xf32, #tpu.memory_space<vmem>>
      %dma_wait3A_1661 = tpu.memref_squeeze %dma_wait3A_1660 : memref<1x200x128xf32, #tpu.memory_space<vmem>> -> memref<200x128xf32, #tpu.memory_space<vmem>>
      %dma_wait3A_1662 = arith.constant 0 : i32
      %dma_wait3A_1663 = arith.constant 0 : i32
      %dma_wait3A_1664 = tpu.memref_slice %dma_wait3A_1661[%dma_wait3A_1662, %dma_wait3A_1663] : memref<200x128xf32, #tpu.memory_space<vmem>> -> memref<50x128xf32, #tpu.memory_space<vmem>>
      %dma_wait3A_1665 = arith.constant 0 : i32
      %dma_wait3A_1666 = tpu.memref_slice %arg5[%dma_wait3A_1656, %dma_wait3A_1665] : memref<128x50xi32, #tpu.memory_space<vmem>> -> memref<1x50xi32, #tpu.memory_space<vmem>>
      %dma_wait3A_1667 = tpu.memref_squeeze %dma_wait3A_1666 : memref<1x50xi32, #tpu.memory_space<vmem>> -> memref<50xi32, #tpu.memory_space<vmem>>
      %dma_wait3A_1668 = arith.constant 0 : i32
      %dma_wait3A_1669 = arith.constant 0 : i32
      %dma_wait3A_1670 = tpu.memref_slice %arg2[%dma_wait3A_1668, %dma_wait3A_1669] : memref<100000x128xf32, #tpu.memory_space<hbm>> -> memref<100000x128xf32, #tpu.memory_space<hbm>>
      tpu.wait_indirect_dma semaphore(%arg7 : memref<!tpu.dma_semaphore, #tpu.memory_space<semaphore_mem>>) src(%dma_wait3A_1670 : memref<100000x128xf32, #tpu.memory_space<hbm>>) dst(%dma_wait3A_1664 : memref<50x128xf32, #tpu.memory_space<vmem>>)
      %dma_wait3A_1671 = arith.constant 0 : i32
      %dma_wait3A_1672 = arith.constant 0 : i32
      %dma_wait3A_1673 = arith.constant 0 : i32
      %dma_wait3A_1674 = arith.constant 0 : i32
      %dma_wait3A_1675 = tpu.memref_slice %arg6[%dma_wait3A_1672, %dma_wait3A_1673, %dma_wait3A_1674] : memref<3x200x128xf32, #tpu.memory_space<vmem>> -> memref<1x200x128xf32, #tpu.memory_space<vmem>>
      %dma_wait3A_1676 = tpu.memref_squeeze %dma_wait3A_1675 : memref<1x200x128xf32, #tpu.memory_space<vmem>> -> memref<200x128xf32, #tpu.memory_space<vmem>>
      %dma_wait3A_1677 = arith.constant 0 : i32
      %dma_wait3A_1678 = arith.constant 0 : i32
      %dma_wait3A_1679 = tpu.memref_slice %dma_wait3A_1676[%dma_wait3A_1677, %dma_wait3A_1678] : memref<200x128xf32, #tpu.memory_space<vmem>> -> memref<50x128xf32, #tpu.memory_space<vmem>>
      %dma_wait3A_1680 = arith.constant 0 : i32
      %dma_wait3A_1681 = tpu.memref_slice %arg5[%dma_wait3A_1671, %dma_wait3A_1680] : memref<128x50xi32, #tpu.memory_space<vmem>> -> memref<1x50xi32, #tpu.memory_space<vmem>>
      %dma_wait3A_1682 = tpu.memref_squeeze %dma_wait3A_1681 : memref<1x50xi32, #tpu.memory_space<vmem>> -> memref<50xi32, #tpu.memory_space<vmem>>
      %dma_wait3A_1683 = arith.constant 0 : i32
      %dma_wait3A_1684 = arith.constant 0 : i32
      %dma_wait3A_1685 = tpu.memref_slice %arg2[%dma_wait3A_1683, %dma_wait3A_1684] : memref<100000x128xf32, #tpu.memory_space<hbm>> -> memref<100000x128xf32, #tpu.memory_space<hbm>>
      tpu.wait_indirect_dma semaphore(%arg7 : memref<!tpu.dma_semaphore, #tpu.memory_space<semaphore_mem>>) src(%dma_wait3A_1685 : memref<100000x128xf32, #tpu.memory_space<hbm>>) dst(%dma_wait3A_1679 : memref<50x128xf32, #tpu.memory_space<vmem>>)
      %mul3A_1686 = arith.constant 3 : i32
      %mul3A_1687 = arith.muli %scan3A_1625, %mul3A_1686 : i32
      %add3A_1688 = arith.constant 0 : i32
      %add3A_1689 = arith.addi %mul3A_1687, %add3A_1688 : i32
      %mul3A_1690 = arith.constant 4 : i32
      %mul3A_1691 = arith.muli %add3A_1689, %mul3A_1690 : i32
      %add3A_1692 = arith.addi %mul3A_2, %mul3A_1691 : i32
      %add3A_1693 = arith.constant 0 : i32
      %add3A_1694 = arith.addi %add3A_1692, %add3A_1693 : i32
      %dma_start3A_1695 = arith.constant 0 : i32
      %dma_start3A_1696 = arith.constant 0 : i32
      %dma_start3A_1697 = arith.constant 0 : i32
      %dma_start3A_1698 = tpu.memref_slice %arg6[%dma_start3A_1695, %dma_start3A_1696, %dma_start3A_1697] : memref<3x200x128xf32, #tpu.memory_space<vmem>> -> memref<1x200x128xf32, #tpu.memory_space<vmem>>
      %dma_start3A_1699 = tpu.memref_squeeze %dma_start3A_1698 : memref<1x200x128xf32, #tpu.memory_space<vmem>> -> memref<200x128xf32, #tpu.memory_space<vmem>>
      %dma_start3A_1700 = arith.constant 0 : i32
      %dma_start3A_1701 = arith.constant 0 : i32
      %dma_start3A_1702 = tpu.memref_slice %dma_start3A_1699[%dma_start3A_1700, %dma_start3A_1701] : memref<200x128xf32, #tpu.memory_space<vmem>> -> memref<50x128xf32, #tpu.memory_space<vmem>>
      %dma_start3A_1703 = arith.constant 0 : i32
      %dma_start3A_1704 = arith.constant 0 : i32
      %dma_start3A_1705 = tpu.memref_slice %arg4[%add3A_1694, %dma_start3A_1703, %dma_start3A_1704] : memref<4096x50x128xf32, #tpu.memory_space<hbm>> -> memref<1x50x128xf32, #tpu.memory_space<hbm>>
      %dma_start3A_1706 = tpu.memref_squeeze %dma_start3A_1705 : memref<1x50x128xf32, #tpu.memory_space<hbm>> -> memref<50x128xf32, #tpu.memory_space<hbm>>
      %dma_start3A_1707 = arith.constant 0 : i32
      %dma_start3A_1708 = arith.constant 0 : i32
      %dma_start3A_1709 = tpu.memref_slice %arg4[%add3A_1694, %dma_start3A_1707, %dma_start3A_1708] : memref<4096x50x128xf32, #tpu.memory_space<hbm>> -> memref<1x50x128xf32, #tpu.memory_space<hbm>>
      %dma_start3A_1710 = tpu.memref_squeeze %dma_start3A_1709 : memref<1x50x128xf32, #tpu.memory_space<hbm>> -> memref<50x128xf32, #tpu.memory_space<hbm>>
      %dma_start3A_1711 = arith.constant 0 : i32
      %dma_start3A_1712 = arith.constant 0 : i32
      %dma_start3A_1713 = tpu.memref_slice %arg6[%dma_start3A_1695, %dma_start3A_1711, %dma_start3A_1712] : memref<3x200x128xf32, #tpu.memory_space<vmem>> -> memref<1x200x128xf32, #tpu.memory_space<vmem>>
      %dma_start3A_1714 = tpu.memref_squeeze %dma_start3A_1713 : memref<1x200x128xf32, #tpu.memory_space<vmem>> -> memref<200x128xf32, #tpu.memory_space<vmem>>
      %dma_start3A_1715 = arith.constant 0 : i32
      %dma_start3A_1716 = arith.constant 0 : i32
      %dma_start3A_1717 = tpu.memref_slice %dma_start3A_1714[%dma_start3A_1715, %dma_start3A_1716] : memref<200x128xf32, #tpu.memory_space<vmem>> -> memref<50x128xf32, #tpu.memory_space<vmem>>
      tpu.enqueue_dma source(%dma_start3A_1717 : memref<50x128xf32, #tpu.memory_space<vmem>>) target(%dma_start3A_1710 : memref<50x128xf32, #tpu.memory_space<hbm>>) target_semaphore(%arg10 : memref<!tpu.dma_semaphore, #tpu.memory_space<semaphore_mem>>)
      %mul3A_1718 = arith.constant 4 : i32
      %mul3A_1719 = arith.muli %add3A_1689, %mul3A_1718 : i32
      %add3A_1720 = arith.addi %mul3A_2, %mul3A_1719 : i32
      %add3A_1721 = arith.constant 1 : i32
      %add3A_1722 = arith.addi %add3A_1720, %add3A_1721 : i32
      %dma_start3A_1723 = arith.constant 0 : i32
      %dma_start3A_1724 = arith.constant 0 : i32
      %dma_start3A_1725 = arith.constant 0 : i32
      %dma_start3A_1726 = tpu.memref_slice %arg6[%dma_start3A_1723, %dma_start3A_1724, %dma_start3A_1725] : memref<3x200x128xf32, #tpu.memory_space<vmem>> -> memref<1x200x128xf32, #tpu.memory_space<vmem>>
      %dma_start3A_1727 = tpu.memref_squeeze %dma_start3A_1726 : memref<1x200x128xf32, #tpu.memory_space<vmem>> -> memref<200x128xf32, #tpu.memory_space<vmem>>
      %dma_start3A_1728 = arith.constant 50 : i32
      %dma_start3A_1729 = arith.constant 0 : i32
      %dma_start3A_1730 = tpu.memref_slice %dma_start3A_1727[%dma_start3A_1728, %dma_start3A_1729] : memref<200x128xf32, #tpu.memory_space<vmem>> -> memref<50x128xf32, #tpu.memory_space<vmem>>
      %dma_start3A_1731 = arith.constant 0 : i32
      %dma_start3A_1732 = arith.constant 0 : i32
      %dma_start3A_1733 = tpu.memref_slice %arg4[%add3A_1722, %dma_start3A_1731, %dma_start3A_1732] : memref<4096x50x128xf32, #tpu.memory_space<hbm>> -> memref<1x50x128xf32, #tpu.memory_space<hbm>>
      %dma_start3A_1734 = tpu.memref_squeeze %dma_start3A_1733 : memref<1x50x128xf32, #tpu.memory_space<hbm>> -> memref<50x128xf32, #tpu.memory_space<hbm>>
      %dma_start3A_1735 = arith.constant 0 : i32
      %dma_start3A_1736 = arith.constant 0 : i32
      %dma_start3A_1737 = tpu.memref_slice %arg4[%add3A_1722, %dma_start3A_1735, %dma_start3A_1736] : memref<4096x50x128xf32, #tpu.memory_space<hbm>> -> memref<1x50x128xf32, #tpu.memory_space<hbm>>
      %dma_start3A_1738 = tpu.memref_squeeze %dma_start3A_1737 : memref<1x50x128xf32, #tpu.memory_space<hbm>> -> memref<50x128xf32, #tpu.memory_space<hbm>>
      %dma_start3A_1739 = arith.constant 0 : i32
      %dma_start3A_1740 = arith.constant 0 : i32
      %dma_start3A_1741 = tpu.memref_slice %arg6[%dma_start3A_1723, %dma_start3A_1739, %dma_start3A_1740] : memref<3x200x128xf32, #tpu.memory_space<vmem>> -> memref<1x200x128xf32, #tpu.memory_space<vmem>>
      %dma_start3A_1742 = tpu.memref_squeeze %dma_start3A_1741 : memref<1x200x128xf32, #tpu.memory_space<vmem>> -> memref<200x128xf32, #tpu.memory_space<vmem>>
      %dma_start3A_1743 = arith.constant 50 : i32
      %dma_start3A_1744 = arith.constant 0 : i32
      %dma_start3A_1745 = tpu.memref_slice %dma_start3A_1742[%dma_start3A_1743, %dma_start3A_1744] : memref<200x128xf32, #tpu.memory_space<vmem>> -> memref<50x128xf32, #tpu.memory_space<vmem>>
      tpu.enqueue_dma source(%dma_start3A_1745 : memref<50x128xf32, #tpu.memory_space<vmem>>) target(%dma_start3A_1738 : memref<50x128xf32, #tpu.memory_space<hbm>>) target_semaphore(%arg10 : memref<!tpu.dma_semaphore, #tpu.memory_space<semaphore_mem>>)
      %mul3A_1746 = arith.constant 4 : i32
      %mul3A_1747 = arith.muli %add3A_1689, %mul3A_1746 : i32
      %add3A_1748 = arith.addi %mul3A_2, %mul3A_1747 : i32
      %add3A_1749 = arith.constant 2 : i32
      %add3A_1750 = arith.addi %add3A_1748, %add3A_1749 : i32
      %dma_start3A_1751 = arith.constant 0 : i32
      %dma_start3A_1752 = arith.constant 0 : i32
      %dma_start3A_1753 = arith.constant 0 : i32
      %dma_start3A_1754 = tpu.memref_slice %arg6[%dma_start3A_1751, %dma_start3A_1752, %dma_start3A_1753] : memref<3x200x128xf32, #tpu.memory_space<vmem>> -> memref<1x200x128xf32, #tpu.memory_space<vmem>>
      %dma_start3A_1755 = tpu.memref_squeeze %dma_start3A_1754 : memref<1x200x128xf32, #tpu.memory_space<vmem>> -> memref<200x128xf32, #tpu.memory_space<vmem>>
      %dma_start3A_1756 = arith.constant 100 : i32
      %dma_start3A_1757 = arith.constant 0 : i32
      %dma_start3A_1758 = tpu.memref_slice %dma_start3A_1755[%dma_start3A_1756, %dma_start3A_1757] : memref<200x128xf32, #tpu.memory_space<vmem>> -> memref<50x128xf32, #tpu.memory_space<vmem>>
      %dma_start3A_1759 = arith.constant 0 : i32
      %dma_start3A_1760 = arith.constant 0 : i32
      %dma_start3A_1761 = tpu.memref_slice %arg4[%add3A_1750, %dma_start3A_1759, %dma_start3A_1760] : memref<4096x50x128xf32, #tpu.memory_space<hbm>> -> memref<1x50x128xf32, #tpu.memory_space<hbm>>
      %dma_start3A_1762 = tpu.memref_squeeze %dma_start3A_1761 : memref<1x50x128xf32, #tpu.memory_space<hbm>> -> memref<50x128xf32, #tpu.memory_space<hbm>>
      %dma_start3A_1763 = arith.constant 0 : i32
      %dma_start3A_1764 = arith.constant 0 : i32
      %dma_start3A_1765 = tpu.memref_slice %arg4[%add3A_1750, %dma_start3A_1763, %dma_start3A_1764] : memref<4096x50x128xf32, #tpu.memory_space<hbm>> -> memref<1x50x128xf32, #tpu.memory_space<hbm>>
      %dma_start3A_1766 = tpu.memref_squeeze %dma_start3A_1765 : memref<1x50x128xf32, #tpu.memory_space<hbm>> -> memref<50x128xf32, #tpu.memory_space<hbm>>
      %dma_start3A_1767 = arith.constant 0 : i32
      %dma_start3A_1768 = arith.constant 0 : i32
      %dma_start3A_1769 = tpu.memref_slice %arg6[%dma_start3A_1751, %dma_start3A_1767, %dma_start3A_1768] : memref<3x200x128xf32, #tpu.memory_space<vmem>> -> memref<1x200x128xf32, #tpu.memory_space<vmem>>
      %dma_start3A_1770 = tpu.memref_squeeze %dma_start3A_1769 : memref<1x200x128xf32, #tpu.memory_space<vmem>> -> memref<200x128xf32, #tpu.memory_space<vmem>>
      %dma_start3A_1771 = arith.constant 100 : i32
      %dma_start3A_1772 = arith.constant 0 : i32
      %dma_start3A_1773 = tpu.memref_slice %dma_start3A_1770[%dma_start3A_1771, %dma_start3A_1772] : memref<200x128xf32, #tpu.memory_space<vmem>> -> memref<50x128xf32, #tpu.memory_space<vmem>>
      tpu.enqueue_dma source(%dma_start3A_1773 : memref<50x128xf32, #tpu.memory_space<vmem>>) target(%dma_start3A_1766 : memref<50x128xf32, #tpu.memory_space<hbm>>) target_semaphore(%arg10 : memref<!tpu.dma_semaphore, #tpu.memory_space<semaphore_mem>>)
      %mul3A_1774 = arith.constant 4 : i32
      %mul3A_1775 = arith.muli %add3A_1689, %mul3A_1774 : i32
      %add3A_1776 = arith.addi %mul3A_2, %mul3A_1775 : i32
      %add3A_1777 = arith.constant 3 : i32
      %add3A_1778 = arith.addi %add3A_1776, %add3A_1777 : i32
      %dma_start3A_1779 = arith.constant 0 : i32
      %dma_start3A_1780 = arith.constant 0 : i32
      %dma_start3A_1781 = arith.constant 0 : i32
      %dma_start3A_1782 = tpu.memref_slice %arg6[%dma_start3A_1779, %dma_start3A_1780, %dma_start3A_1781] : memref<3x200x128xf32, #tpu.memory_space<vmem>> -> memref<1x200x128xf32, #tpu.memory_space<vmem>>
      %dma_start3A_1783 = tpu.memref_squeeze %dma_start3A_1782 : memref<1x200x128xf32, #tpu.memory_space<vmem>> -> memref<200x128xf32, #tpu.memory_space<vmem>>
      %dma_start3A_1784 = arith.constant 150 : i32
      %dma_start3A_1785 = arith.constant 0 : i32
      %dma_start3A_1786 = tpu.memref_slice %dma_start3A_1783[%dma_start3A_1784, %dma_start3A_1785] : memref<200x128xf32, #tpu.memory_space<vmem>> -> memref<50x128xf32, #tpu.memory_space<vmem>>
      %dma_start3A_1787 = arith.constant 0 : i32
      %dma_start3A_1788 = arith.constant 0 : i32
      %dma_start3A_1789 = tpu.memref_slice %arg4[%add3A_1778, %dma_start3A_1787, %dma_start3A_1788] : memref<4096x50x128xf32, #tpu.memory_space<hbm>> -> memref<1x50x128xf32, #tpu.memory_space<hbm>>
      %dma_start3A_1790 = tpu.memref_squeeze %dma_start3A_1789 : memref<1x50x128xf32, #tpu.memory_space<hbm>> -> memref<50x128xf32, #tpu.memory_space<hbm>>
      %dma_start3A_1791 = arith.constant 0 : i32
      %dma_start3A_1792 = arith.constant 0 : i32
      %dma_start3A_1793 = tpu.memref_slice %arg4[%add3A_1778, %dma_start3A_1791, %dma_start3A_1792] : memref<4096x50x128xf32, #tpu.memory_space<hbm>> -> memref<1x50x128xf32, #tpu.memory_space<hbm>>
      %dma_start3A_1794 = tpu.memref_squeeze %dma_start3A_1793 : memref<1x50x128xf32, #tpu.memory_space<hbm>> -> memref<50x128xf32, #tpu.memory_space<hbm>>
      %dma_start3A_1795 = arith.constant 0 : i32
      %dma_start3A_1796 = arith.constant 0 : i32
      %dma_start3A_1797 = tpu.memref_slice %arg6[%dma_start3A_1779, %dma_start3A_1795, %dma_start3A_1796] : memref<3x200x128xf32, #tpu.memory_space<vmem>> -> memref<1x200x128xf32, #tpu.memory_space<vmem>>
      %dma_start3A_1798 = tpu.memref_squeeze %dma_start3A_1797 : memref<1x200x128xf32, #tpu.memory_space<vmem>> -> memref<200x128xf32, #tpu.memory_space<vmem>>
      %dma_start3A_1799 = arith.constant 150 : i32
      %dma_start3A_1800 = arith.constant 0 : i32
      %dma_start3A_1801 = tpu.memref_slice %dma_start3A_1798[%dma_start3A_1799, %dma_start3A_1800] : memref<200x128xf32, #tpu.memory_space<vmem>> -> memref<50x128xf32, #tpu.memory_space<vmem>>
      tpu.enqueue_dma source(%dma_start3A_1801 : memref<50x128xf32, #tpu.memory_space<vmem>>) target(%dma_start3A_1794 : memref<50x128xf32, #tpu.memory_space<hbm>>) target_semaphore(%arg10 : memref<!tpu.dma_semaphore, #tpu.memory_space<semaphore_mem>>)
      %dma_wait3A_1802 = arith.constant 0 : i32
      %dma_wait3A_1803 = arith.constant 1 : i32
      %dma_wait3A_1804 = arith.constant 0 : i32
      %dma_wait3A_1805 = arith.constant 0 : i32
      %dma_wait3A_1806 = tpu.memref_slice %arg6[%dma_wait3A_1803, %dma_wait3A_1804, %dma_wait3A_1805] : memref<3x200x128xf32, #tpu.memory_space<vmem>> -> memref<1x200x128xf32, #tpu.memory_space<vmem>>
      %dma_wait3A_1807 = tpu.memref_squeeze %dma_wait3A_1806 : memref<1x200x128xf32, #tpu.memory_space<vmem>> -> memref<200x128xf32, #tpu.memory_space<vmem>>
      %dma_wait3A_1808 = arith.constant 0 : i32
      %dma_wait3A_1809 = arith.constant 0 : i32
      %dma_wait3A_1810 = tpu.memref_slice %dma_wait3A_1807[%dma_wait3A_1808, %dma_wait3A_1809] : memref<200x128xf32, #tpu.memory_space<vmem>> -> memref<50x128xf32, #tpu.memory_space<vmem>>
      %dma_wait3A_1811 = arith.constant 0 : i32
      %dma_wait3A_1812 = tpu.memref_slice %arg5[%dma_wait3A_1802, %dma_wait3A_1811] : memref<128x50xi32, #tpu.memory_space<vmem>> -> memref<1x50xi32, #tpu.memory_space<vmem>>
      %dma_wait3A_1813 = tpu.memref_squeeze %dma_wait3A_1812 : memref<1x50xi32, #tpu.memory_space<vmem>> -> memref<50xi32, #tpu.memory_space<vmem>>
      %dma_wait3A_1814 = arith.constant 0 : i32
      %dma_wait3A_1815 = arith.constant 0 : i32
      %dma_wait3A_1816 = tpu.memref_slice %arg2[%dma_wait3A_1814, %dma_wait3A_1815] : memref<100000x128xf32, #tpu.memory_space<hbm>> -> memref<100000x128xf32, #tpu.memory_space<hbm>>
      tpu.wait_indirect_dma semaphore(%arg8 : memref<!tpu.dma_semaphore, #tpu.memory_space<semaphore_mem>>) src(%dma_wait3A_1816 : memref<100000x128xf32, #tpu.memory_space<hbm>>) dst(%dma_wait3A_1810 : memref<50x128xf32, #tpu.memory_space<vmem>>)
      %dma_wait3A_1817 = arith.constant 0 : i32
      %dma_wait3A_1818 = arith.constant 1 : i32
      %dma_wait3A_1819 = arith.constant 0 : i32
      %dma_wait3A_1820 = arith.constant 0 : i32
      %dma_wait3A_1821 = tpu.memref_slice %arg6[%dma_wait3A_1818, %dma_wait3A_1819, %dma_wait3A_1820] : memref<3x200x128xf32, #tpu.memory_space<vmem>> -> memref<1x200x128xf32, #tpu.memory_space<vmem>>
      %dma_wait3A_1822 = tpu.memref_squeeze %dma_wait3A_1821 : memref<1x200x128xf32, #tpu.memory_space<vmem>> -> memref<200x128xf32, #tpu.memory_space<vmem>>
      %dma_wait3A_1823 = arith.constant 0 : i32
      %dma_wait3A_1824 = arith.constant 0 : i32
      %dma_wait3A_1825 = tpu.memref_slice %dma_wait3A_1822[%dma_wait3A_1823, %dma_wait3A_1824] : memref<200x128xf32, #tpu.memory_space<vmem>> -> memref<50x128xf32, #tpu.memory_space<vmem>>
      %dma_wait3A_1826 = arith.constant 0 : i32
      %dma_wait3A_1827 = tpu.memref_slice %arg5[%dma_wait3A_1817, %dma_wait3A_1826] : memref<128x50xi32, #tpu.memory_space<vmem>> -> memref<1x50xi32, #tpu.memory_space<vmem>>
      %dma_wait3A_1828 = tpu.memref_squeeze %dma_wait3A_1827 : memref<1x50xi32, #tpu.memory_space<vmem>> -> memref<50xi32, #tpu.memory_space<vmem>>
      %dma_wait3A_1829 = arith.constant 0 : i32
      %dma_wait3A_1830 = arith.constant 0 : i32
      %dma_wait3A_1831 = tpu.memref_slice %arg2[%dma_wait3A_1829, %dma_wait3A_1830] : memref<100000x128xf32, #tpu.memory_space<hbm>> -> memref<100000x128xf32, #tpu.memory_space<hbm>>
      tpu.wait_indirect_dma semaphore(%arg8 : memref<!tpu.dma_semaphore, #tpu.memory_space<semaphore_mem>>) src(%dma_wait3A_1831 : memref<100000x128xf32, #tpu.memory_space<hbm>>) dst(%dma_wait3A_1825 : memref<50x128xf32, #tpu.memory_space<vmem>>)
      %dma_wait3A_1832 = arith.constant 0 : i32
      %dma_wait3A_1833 = arith.constant 1 : i32
      %dma_wait3A_1834 = arith.constant 0 : i32
      %dma_wait3A_1835 = arith.constant 0 : i32
      %dma_wait3A_1836 = tpu.memref_slice %arg6[%dma_wait3A_1833, %dma_wait3A_1834, %dma_wait3A_1835] : memref<3x200x128xf32, #tpu.memory_space<vmem>> -> memref<1x200x128xf32, #tpu.memory_space<vmem>>
      %dma_wait3A_1837 = tpu.memref_squeeze %dma_wait3A_1836 : memref<1x200x128xf32, #tpu.memory_space<vmem>> -> memref<200x128xf32, #tpu.memory_space<vmem>>
      %dma_wait3A_1838 = arith.constant 0 : i32
      %dma_wait3A_1839 = arith.constant 0 : i32
      %dma_wait3A_1840 = tpu.memref_slice %dma_wait3A_1837[%dma_wait3A_1838, %dma_wait3A_1839] : memref<200x128xf32, #tpu.memory_space<vmem>> -> memref<50x128xf32, #tpu.memory_space<vmem>>
      %dma_wait3A_1841 = arith.constant 0 : i32
      %dma_wait3A_1842 = tpu.memref_slice %arg5[%dma_wait3A_1832, %dma_wait3A_1841] : memref<128x50xi32, #tpu.memory_space<vmem>> -> memref<1x50xi32, #tpu.memory_space<vmem>>
      %dma_wait3A_1843 = tpu.memref_squeeze %dma_wait3A_1842 : memref<1x50xi32, #tpu.memory_space<vmem>> -> memref<50xi32, #tpu.memory_space<vmem>>
      %dma_wait3A_1844 = arith.constant 0 : i32
      %dma_wait3A_1845 = arith.constant 0 : i32
      %dma_wait3A_1846 = tpu.memref_slice %arg2[%dma_wait3A_1844, %dma_wait3A_1845] : memref<100000x128xf32, #tpu.memory_space<hbm>> -> memref<100000x128xf32, #tpu.memory_space<hbm>>
      tpu.wait_indirect_dma semaphore(%arg8 : memref<!tpu.dma_semaphore, #tpu.memory_space<semaphore_mem>>) src(%dma_wait3A_1846 : memref<100000x128xf32, #tpu.memory_space<hbm>>) dst(%dma_wait3A_1840 : memref<50x128xf32, #tpu.memory_space<vmem>>)
      %dma_wait3A_1847 = arith.constant 0 : i32
      %dma_wait3A_1848 = arith.constant 1 : i32
      %dma_wait3A_1849 = arith.constant 0 : i32
      %dma_wait3A_1850 = arith.constant 0 : i32
      %dma_wait3A_1851 = tpu.memref_slice %arg6[%dma_wait3A_1848, %dma_wait3A_1849, %dma_wait3A_1850] : memref<3x200x128xf32, #tpu.memory_space<vmem>> -> memref<1x200x128xf32, #tpu.memory_space<vmem>>
      %dma_wait3A_1852 = tpu.memref_squeeze %dma_wait3A_1851 : memref<1x200x128xf32, #tpu.memory_space<vmem>> -> memref<200x128xf32, #tpu.memory_space<vmem>>
      %dma_wait3A_1853 = arith.constant 0 : i32
      %dma_wait3A_1854 = arith.constant 0 : i32
      %dma_wait3A_1855 = tpu.memref_slice %dma_wait3A_1852[%dma_wait3A_1853, %dma_wait3A_1854] : memref<200x128xf32, #tpu.memory_space<vmem>> -> memref<50x128xf32, #tpu.memory_space<vmem>>
      %dma_wait3A_1856 = arith.constant 0 : i32
      %dma_wait3A_1857 = tpu.memref_slice %arg5[%dma_wait3A_1847, %dma_wait3A_1856] : memref<128x50xi32, #tpu.memory_space<vmem>> -> memref<1x50xi32, #tpu.memory_space<vmem>>
      %dma_wait3A_1858 = tpu.memref_squeeze %dma_wait3A_1857 : memref<1x50xi32, #tpu.memory_space<vmem>> -> memref<50xi32, #tpu.memory_space<vmem>>
      %dma_wait3A_1859 = arith.constant 0 : i32
      %dma_wait3A_1860 = arith.constant 0 : i32
      %dma_wait3A_1861 = tpu.memref_slice %arg2[%dma_wait3A_1859, %dma_wait3A_1860] : memref<100000x128xf32, #tpu.memory_space<hbm>> -> memref<100000x128xf32, #tpu.memory_space<hbm>>
      tpu.wait_indirect_dma semaphore(%arg8 : memref<!tpu.dma_semaphore, #tpu.memory_space<semaphore_mem>>) src(%dma_wait3A_1861 : memref<100000x128xf32, #tpu.memory_space<hbm>>) dst(%dma_wait3A_1855 : memref<50x128xf32, #tpu.memory_space<vmem>>)
      %mul3A_1862 = arith.constant 3 : i32
      %mul3A_1863 = arith.muli %scan3A_1625, %mul3A_1862 : i32
      %add3A_1864 = arith.constant 1 : i32
      %add3A_1865 = arith.addi %mul3A_1863, %add3A_1864 : i32
      %mul3A_1866 = arith.constant 4 : i32
      %mul3A_1867 = arith.muli %add3A_1865, %mul3A_1866 : i32
      %add3A_1868 = arith.addi %mul3A_2, %mul3A_1867 : i32
      %add3A_1869 = arith.constant 0 : i32
      %add3A_1870 = arith.addi %add3A_1868, %add3A_1869 : i32
      %dma_start3A_1871 = arith.constant 1 : i32
      %dma_start3A_1872 = arith.constant 0 : i32
      %dma_start3A_1873 = arith.constant 0 : i32
      %dma_start3A_1874 = tpu.memref_slice %arg6[%dma_start3A_1871, %dma_start3A_1872, %dma_start3A_1873] : memref<3x200x128xf32, #tpu.memory_space<vmem>> -> memref<1x200x128xf32, #tpu.memory_space<vmem>>
      %dma_start3A_1875 = tpu.memref_squeeze %dma_start3A_1874 : memref<1x200x128xf32, #tpu.memory_space<vmem>> -> memref<200x128xf32, #tpu.memory_space<vmem>>
      %dma_start3A_1876 = arith.constant 0 : i32
      %dma_start3A_1877 = arith.constant 0 : i32
      %dma_start3A_1878 = tpu.memref_slice %dma_start3A_1875[%dma_start3A_1876, %dma_start3A_1877] : memref<200x128xf32, #tpu.memory_space<vmem>> -> memref<50x128xf32, #tpu.memory_space<vmem>>
      %dma_start3A_1879 = arith.constant 0 : i32
      %dma_start3A_1880 = arith.constant 0 : i32
      %dma_start3A_1881 = tpu.memref_slice %arg4[%add3A_1870, %dma_start3A_1879, %dma_start3A_1880] : memref<4096x50x128xf32, #tpu.memory_space<hbm>> -> memref<1x50x128xf32, #tpu.memory_space<hbm>>
      %dma_start3A_1882 = tpu.memref_squeeze %dma_start3A_1881 : memref<1x50x128xf32, #tpu.memory_space<hbm>> -> memref<50x128xf32, #tpu.memory_space<hbm>>
      %dma_start3A_1883 = arith.constant 0 : i32
      %dma_start3A_1884 = arith.constant 0 : i32
      %dma_start3A_1885 = tpu.memref_slice %arg4[%add3A_1870, %dma_start3A_1883, %dma_start3A_1884] : memref<4096x50x128xf32, #tpu.memory_space<hbm>> -> memref<1x50x128xf32, #tpu.memory_space<hbm>>
      %dma_start3A_1886 = tpu.memref_squeeze %dma_start3A_1885 : memref<1x50x128xf32, #tpu.memory_space<hbm>> -> memref<50x128xf32, #tpu.memory_space<hbm>>
      %dma_start3A_1887 = arith.constant 0 : i32
      %dma_start3A_1888 = arith.constant 0 : i32
      %dma_start3A_1889 = tpu.memref_slice %arg6[%dma_start3A_1871, %dma_start3A_1887, %dma_start3A_1888] : memref<3x200x128xf32, #tpu.memory_space<vmem>> -> memref<1x200x128xf32, #tpu.memory_space<vmem>>
      %dma_start3A_1890 = tpu.memref_squeeze %dma_start3A_1889 : memref<1x200x128xf32, #tpu.memory_space<vmem>> -> memref<200x128xf32, #tpu.memory_space<vmem>>
      %dma_start3A_1891 = arith.constant 0 : i32
      %dma_start3A_1892 = arith.constant 0 : i32
      %dma_start3A_1893 = tpu.memref_slice %dma_start3A_1890[%dma_start3A_1891, %dma_start3A_1892] : memref<200x128xf32, #tpu.memory_space<vmem>> -> memref<50x128xf32, #tpu.memory_space<vmem>>
      tpu.enqueue_dma source(%dma_start3A_1893 : memref<50x128xf32, #tpu.memory_space<vmem>>) target(%dma_start3A_1886 : memref<50x128xf32, #tpu.memory_space<hbm>>) target_semaphore(%arg11 : memref<!tpu.dma_semaphore, #tpu.memory_space<semaphore_mem>>)
      %mul3A_1894 = arith.constant 4 : i32
      %mul3A_1895 = arith.muli %add3A_1865, %mul3A_1894 : i32
      %add3A_1896 = arith.addi %mul3A_2, %mul3A_1895 : i32
      %add3A_1897 = arith.constant 1 : i32
      %add3A_1898 = arith.addi %add3A_1896, %add3A_1897 : i32
      %dma_start3A_1899 = arith.constant 1 : i32
      %dma_start3A_1900 = arith.constant 0 : i32
      %dma_start3A_1901 = arith.constant 0 : i32
      %dma_start3A_1902 = tpu.memref_slice %arg6[%dma_start3A_1899, %dma_start3A_1900, %dma_start3A_1901] : memref<3x200x128xf32, #tpu.memory_space<vmem>> -> memref<1x200x128xf32, #tpu.memory_space<vmem>>
      %dma_start3A_1903 = tpu.memref_squeeze %dma_start3A_1902 : memref<1x200x128xf32, #tpu.memory_space<vmem>> -> memref<200x128xf32, #tpu.memory_space<vmem>>
      %dma_start3A_1904 = arith.constant 50 : i32
      %dma_start3A_1905 = arith.constant 0 : i32
      %dma_start3A_1906 = tpu.memref_slice %dma_start3A_1903[%dma_start3A_1904, %dma_start3A_1905] : memref<200x128xf32, #tpu.memory_space<vmem>> -> memref<50x128xf32, #tpu.memory_space<vmem>>
      %dma_start3A_1907 = arith.constant 0 : i32
      %dma_start3A_1908 = arith.constant 0 : i32
      %dma_start3A_1909 = tpu.memref_slice %arg4[%add3A_1898, %dma_start3A_1907, %dma_start3A_1908] : memref<4096x50x128xf32, #tpu.memory_space<hbm>> -> memref<1x50x128xf32, #tpu.memory_space<hbm>>
      %dma_start3A_1910 = tpu.memref_squeeze %dma_start3A_1909 : memref<1x50x128xf32, #tpu.memory_space<hbm>> -> memref<50x128xf32, #tpu.memory_space<hbm>>
      %dma_start3A_1911 = arith.constant 0 : i32
      %dma_start3A_1912 = arith.constant 0 : i32
      %dma_start3A_1913 = tpu.memref_slice %arg4[%add3A_1898, %dma_start3A_1911, %dma_start3A_1912] : memref<4096x50x128xf32, #tpu.memory_space<hbm>> -> memref<1x50x128xf32, #tpu.memory_space<hbm>>
      %dma_start3A_1914 = tpu.memref_squeeze %dma_start3A_1913 : memref<1x50x128xf32, #tpu.memory_space<hbm>> -> memref<50x128xf32, #tpu.memory_space<hbm>>
      %dma_start3A_1915 = arith.constant 0 : i32
      %dma_start3A_1916 = arith.constant 0 : i32
      %dma_start3A_1917 = tpu.memref_slice %arg6[%dma_start3A_1899, %dma_start3A_1915, %dma_start3A_1916] : memref<3x200x128xf32, #tpu.memory_space<vmem>> -> memref<1x200x128xf32, #tpu.memory_space<vmem>>
      %dma_start3A_1918 = tpu.memref_squeeze %dma_start3A_1917 : memref<1x200x128xf32, #tpu.memory_space<vmem>> -> memref<200x128xf32, #tpu.memory_space<vmem>>
      %dma_start3A_1919 = arith.constant 50 : i32
      %dma_start3A_1920 = arith.constant 0 : i32
      %dma_start3A_1921 = tpu.memref_slice %dma_start3A_1918[%dma_start3A_1919, %dma_start3A_1920] : memref<200x128xf32, #tpu.memory_space<vmem>> -> memref<50x128xf32, #tpu.memory_space<vmem>>
      tpu.enqueue_dma source(%dma_start3A_1921 : memref<50x128xf32, #tpu.memory_space<vmem>>) target(%dma_start3A_1914 : memref<50x128xf32, #tpu.memory_space<hbm>>) target_semaphore(%arg11 : memref<!tpu.dma_semaphore, #tpu.memory_space<semaphore_mem>>)
      %mul3A_1922 = arith.constant 4 : i32
      %mul3A_1923 = arith.muli %add3A_1865, %mul3A_1922 : i32
      %add3A_1924 = arith.addi %mul3A_2, %mul3A_1923 : i32
      %add3A_1925 = arith.constant 2 : i32
      %add3A_1926 = arith.addi %add3A_1924, %add3A_1925 : i32
      %dma_start3A_1927 = arith.constant 1 : i32
      %dma_start3A_1928 = arith.constant 0 : i32
      %dma_start3A_1929 = arith.constant 0 : i32
      %dma_start3A_1930 = tpu.memref_slice %arg6[%dma_start3A_1927, %dma_start3A_1928, %dma_start3A_1929] : memref<3x200x128xf32, #tpu.memory_space<vmem>> -> memref<1x200x128xf32, #tpu.memory_space<vmem>>
      %dma_start3A_1931 = tpu.memref_squeeze %dma_start3A_1930 : memref<1x200x128xf32, #tpu.memory_space<vmem>> -> memref<200x128xf32, #tpu.memory_space<vmem>>
      %dma_start3A_1932 = arith.constant 100 : i32
      %dma_start3A_1933 = arith.constant 0 : i32
      %dma_start3A_1934 = tpu.memref_slice %dma_start3A_1931[%dma_start3A_1932, %dma_start3A_1933] : memref<200x128xf32, #tpu.memory_space<vmem>> -> memref<50x128xf32, #tpu.memory_space<vmem>>
      %dma_start3A_1935 = arith.constant 0 : i32
      %dma_start3A_1936 = arith.constant 0 : i32
      %dma_start3A_1937 = tpu.memref_slice %arg4[%add3A_1926, %dma_start3A_1935, %dma_start3A_1936] : memref<4096x50x128xf32, #tpu.memory_space<hbm>> -> memref<1x50x128xf32, #tpu.memory_space<hbm>>
      %dma_start3A_1938 = tpu.memref_squeeze %dma_start3A_1937 : memref<1x50x128xf32, #tpu.memory_space<hbm>> -> memref<50x128xf32, #tpu.memory_space<hbm>>
      %dma_start3A_1939 = arith.constant 0 : i32
      %dma_start3A_1940 = arith.constant 0 : i32
      %dma_start3A_1941 = tpu.memref_slice %arg4[%add3A_1926, %dma_start3A_1939, %dma_start3A_1940] : memref<4096x50x128xf32, #tpu.memory_space<hbm>> -> memref<1x50x128xf32, #tpu.memory_space<hbm>>
      %dma_start3A_1942 = tpu.memref_squeeze %dma_start3A_1941 : memref<1x50x128xf32, #tpu.memory_space<hbm>> -> memref<50x128xf32, #tpu.memory_space<hbm>>
      %dma_start3A_1943 = arith.constant 0 : i32
      %dma_start3A_1944 = arith.constant 0 : i32
      %dma_start3A_1945 = tpu.memref_slice %arg6[%dma_start3A_1927, %dma_start3A_1943, %dma_start3A_1944] : memref<3x200x128xf32, #tpu.memory_space<vmem>> -> memref<1x200x128xf32, #tpu.memory_space<vmem>>
      %dma_start3A_1946 = tpu.memref_squeeze %dma_start3A_1945 : memref<1x200x128xf32, #tpu.memory_space<vmem>> -> memref<200x128xf32, #tpu.memory_space<vmem>>
      %dma_start3A_1947 = arith.constant 100 : i32
      %dma_start3A_1948 = arith.constant 0 : i32
      %dma_start3A_1949 = tpu.memref_slice %dma_start3A_1946[%dma_start3A_1947, %dma_start3A_1948] : memref<200x128xf32, #tpu.memory_space<vmem>> -> memref<50x128xf32, #tpu.memory_space<vmem>>
      tpu.enqueue_dma source(%dma_start3A_1949 : memref<50x128xf32, #tpu.memory_space<vmem>>) target(%dma_start3A_1942 : memref<50x128xf32, #tpu.memory_space<hbm>>) target_semaphore(%arg11 : memref<!tpu.dma_semaphore, #tpu.memory_space<semaphore_mem>>)
      %mul3A_1950 = arith.constant 4 : i32
      %mul3A_1951 = arith.muli %add3A_1865, %mul3A_1950 : i32
      %add3A_1952 = arith.addi %mul3A_2, %mul3A_1951 : i32
      %add3A_1953 = arith.constant 3 : i32
      %add3A_1954 = arith.addi %add3A_1952, %add3A_1953 : i32
      %dma_start3A_1955 = arith.constant 1 : i32
      %dma_start3A_1956 = arith.constant 0 : i32
      %dma_start3A_1957 = arith.constant 0 : i32
      %dma_start3A_1958 = tpu.memref_slice %arg6[%dma_start3A_1955, %dma_start3A_1956, %dma_start3A_1957] : memref<3x200x128xf32, #tpu.memory_space<vmem>> -> memref<1x200x128xf32, #tpu.memory_space<vmem>>
      %dma_start3A_1959 = tpu.memref_squeeze %dma_start3A_1958 : memref<1x200x128xf32, #tpu.memory_space<vmem>> -> memref<200x128xf32, #tpu.memory_space<vmem>>
      %dma_start3A_1960 = arith.constant 150 : i32
      %dma_start3A_1961 = arith.constant 0 : i32
      %dma_start3A_1962 = tpu.memref_slice %dma_start3A_1959[%dma_start3A_1960, %dma_start3A_1961] : memref<200x128xf32, #tpu.memory_space<vmem>> -> memref<50x128xf32, #tpu.memory_space<vmem>>
      %dma_start3A_1963 = arith.constant 0 : i32
      %dma_start3A_1964 = arith.constant 0 : i32
      %dma_start3A_1965 = tpu.memref_slice %arg4[%add3A_1954, %dma_start3A_1963, %dma_start3A_1964] : memref<4096x50x128xf32, #tpu.memory_space<hbm>> -> memref<1x50x128xf32, #tpu.memory_space<hbm>>
      %dma_start3A_1966 = tpu.memref_squeeze %dma_start3A_1965 : memref<1x50x128xf32, #tpu.memory_space<hbm>> -> memref<50x128xf32, #tpu.memory_space<hbm>>
      %dma_start3A_1967 = arith.constant 0 : i32
      %dma_start3A_1968 = arith.constant 0 : i32
      %dma_start3A_1969 = tpu.memref_slice %arg4[%add3A_1954, %dma_start3A_1967, %dma_start3A_1968] : memref<4096x50x128xf32, #tpu.memory_space<hbm>> -> memref<1x50x128xf32, #tpu.memory_space<hbm>>
      %dma_start3A_1970 = tpu.memref_squeeze %dma_start3A_1969 : memref<1x50x128xf32, #tpu.memory_space<hbm>> -> memref<50x128xf32, #tpu.memory_space<hbm>>
      %dma_start3A_1971 = arith.constant 0 : i32
      %dma_start3A_1972 = arith.constant 0 : i32
      %dma_start3A_1973 = tpu.memref_slice %arg6[%dma_start3A_1955, %dma_start3A_1971, %dma_start3A_1972] : memref<3x200x128xf32, #tpu.memory_space<vmem>> -> memref<1x200x128xf32, #tpu.memory_space<vmem>>
      %dma_start3A_1974 = tpu.memref_squeeze %dma_start3A_1973 : memref<1x200x128xf32, #tpu.memory_space<vmem>> -> memref<200x128xf32, #tpu.memory_space<vmem>>
      %dma_start3A_1975 = arith.constant 150 : i32
      %dma_start3A_1976 = arith.constant 0 : i32
      %dma_start3A_1977 = tpu.memref_slice %dma_start3A_1974[%dma_start3A_1975, %dma_start3A_1976] : memref<200x128xf32, #tpu.memory_space<vmem>> -> memref<50x128xf32, #tpu.memory_space<vmem>>
      tpu.enqueue_dma source(%dma_start3A_1977 : memref<50x128xf32, #tpu.memory_space<vmem>>) target(%dma_start3A_1970 : memref<50x128xf32, #tpu.memory_space<hbm>>) target_semaphore(%arg11 : memref<!tpu.dma_semaphore, #tpu.memory_space<semaphore_mem>>)
      %dma_wait3A_1978 = arith.constant 0 : i32
      %dma_wait3A_1979 = arith.constant 2 : i32
      %dma_wait3A_1980 = arith.constant 0 : i32
      %dma_wait3A_1981 = arith.constant 0 : i32
      %dma_wait3A_1982 = tpu.memref_slice %arg6[%dma_wait3A_1979, %dma_wait3A_1980, %dma_wait3A_1981] : memref<3x200x128xf32, #tpu.memory_space<vmem>> -> memref<1x200x128xf32, #tpu.memory_space<vmem>>
      %dma_wait3A_1983 = tpu.memref_squeeze %dma_wait3A_1982 : memref<1x200x128xf32, #tpu.memory_space<vmem>> -> memref<200x128xf32, #tpu.memory_space<vmem>>
      %dma_wait3A_1984 = arith.constant 0 : i32
      %dma_wait3A_1985 = arith.constant 0 : i32
      %dma_wait3A_1986 = tpu.memref_slice %dma_wait3A_1983[%dma_wait3A_1984, %dma_wait3A_1985] : memref<200x128xf32, #tpu.memory_space<vmem>> -> memref<50x128xf32, #tpu.memory_space<vmem>>
      %dma_wait3A_1987 = arith.constant 0 : i32
      %dma_wait3A_1988 = tpu.memref_slice %arg5[%dma_wait3A_1978, %dma_wait3A_1987] : memref<128x50xi32, #tpu.memory_space<vmem>> -> memref<1x50xi32, #tpu.memory_space<vmem>>
      %dma_wait3A_1989 = tpu.memref_squeeze %dma_wait3A_1988 : memref<1x50xi32, #tpu.memory_space<vmem>> -> memref<50xi32, #tpu.memory_space<vmem>>
      %dma_wait3A_1990 = arith.constant 0 : i32
      %dma_wait3A_1991 = arith.constant 0 : i32
      %dma_wait3A_1992 = tpu.memref_slice %arg2[%dma_wait3A_1990, %dma_wait3A_1991] : memref<100000x128xf32, #tpu.memory_space<hbm>> -> memref<100000x128xf32, #tpu.memory_space<hbm>>
      tpu.wait_indirect_dma semaphore(%arg9 : memref<!tpu.dma_semaphore, #tpu.memory_space<semaphore_mem>>) src(%dma_wait3A_1992 : memref<100000x128xf32, #tpu.memory_space<hbm>>) dst(%dma_wait3A_1986 : memref<50x128xf32, #tpu.memory_space<vmem>>)
      %dma_wait3A_1993 = arith.constant 0 : i32
      %dma_wait3A_1994 = arith.constant 2 : i32
      %dma_wait3A_1995 = arith.constant 0 : i32
      %dma_wait3A_1996 = arith.constant 0 : i32
      %dma_wait3A_1997 = tpu.memref_slice %arg6[%dma_wait3A_1994, %dma_wait3A_1995, %dma_wait3A_1996] : memref<3x200x128xf32, #tpu.memory_space<vmem>> -> memref<1x200x128xf32, #tpu.memory_space<vmem>>
      %dma_wait3A_1998 = tpu.memref_squeeze %dma_wait3A_1997 : memref<1x200x128xf32, #tpu.memory_space<vmem>> -> memref<200x128xf32, #tpu.memory_space<vmem>>
      %dma_wait3A_1999 = arith.constant 0 : i32
      %dma_wait3A_2000 = arith.constant 0 : i32
      %dma_wait3A_2001 = tpu.memref_slice %dma_wait3A_1998[%dma_wait3A_1999, %dma_wait3A_2000] : memref<200x128xf32, #tpu.memory_space<vmem>> -> memref<50x128xf32, #tpu.memory_space<vmem>>
      %dma_wait3A_2002 = arith.constant 0 : i32
      %dma_wait3A_2003 = tpu.memref_slice %arg5[%dma_wait3A_1993, %dma_wait3A_2002] : memref<128x50xi32, #tpu.memory_space<vmem>> -> memref<1x50xi32, #tpu.memory_space<vmem>>
      %dma_wait3A_2004 = tpu.memref_squeeze %dma_wait3A_2003 : memref<1x50xi32, #tpu.memory_space<vmem>> -> memref<50xi32, #tpu.memory_space<vmem>>
      %dma_wait3A_2005 = arith.constant 0 : i32
      %dma_wait3A_2006 = arith.constant 0 : i32
      %dma_wait3A_2007 = tpu.memref_slice %arg2[%dma_wait3A_2005, %dma_wait3A_2006] : memref<100000x128xf32, #tpu.memory_space<hbm>> -> memref<100000x128xf32, #tpu.memory_space<hbm>>
      tpu.wait_indirect_dma semaphore(%arg9 : memref<!tpu.dma_semaphore, #tpu.memory_space<semaphore_mem>>) src(%dma_wait3A_2007 : memref<100000x128xf32, #tpu.memory_space<hbm>>) dst(%dma_wait3A_2001 : memref<50x128xf32, #tpu.memory_space<vmem>>)
      %dma_wait3A_2008 = arith.constant 0 : i32
      %dma_wait3A_2009 = arith.constant 2 : i32
      %dma_wait3A_2010 = arith.constant 0 : i32
      %dma_wait3A_2011 = arith.constant 0 : i32
      %dma_wait3A_2012 = tpu.memref_slice %arg6[%dma_wait3A_2009, %dma_wait3A_2010, %dma_wait3A_2011] : memref<3x200x128xf32, #tpu.memory_space<vmem>> -> memref<1x200x128xf32, #tpu.memory_space<vmem>>
      %dma_wait3A_2013 = tpu.memref_squeeze %dma_wait3A_2012 : memref<1x200x128xf32, #tpu.memory_space<vmem>> -> memref<200x128xf32, #tpu.memory_space<vmem>>
      %dma_wait3A_2014 = arith.constant 0 : i32
      %dma_wait3A_2015 = arith.constant 0 : i32
      %dma_wait3A_2016 = tpu.memref_slice %dma_wait3A_2013[%dma_wait3A_2014, %dma_wait3A_2015] : memref<200x128xf32, #tpu.memory_space<vmem>> -> memref<50x128xf32, #tpu.memory_space<vmem>>
      %dma_wait3A_2017 = arith.constant 0 : i32
      %dma_wait3A_2018 = tpu.memref_slice %arg5[%dma_wait3A_2008, %dma_wait3A_2017] : memref<128x50xi32, #tpu.memory_space<vmem>> -> memref<1x50xi32, #tpu.memory_space<vmem>>
      %dma_wait3A_2019 = tpu.memref_squeeze %dma_wait3A_2018 : memref<1x50xi32, #tpu.memory_space<vmem>> -> memref<50xi32, #tpu.memory_space<vmem>>
      %dma_wait3A_2020 = arith.constant 0 : i32
      %dma_wait3A_2021 = arith.constant 0 : i32
      %dma_wait3A_2022 = tpu.memref_slice %arg2[%dma_wait3A_2020, %dma_wait3A_2021] : memref<100000x128xf32, #tpu.memory_space<hbm>> -> memref<100000x128xf32, #tpu.memory_space<hbm>>
      tpu.wait_indirect_dma semaphore(%arg9 : memref<!tpu.dma_semaphore, #tpu.memory_space<semaphore_mem>>) src(%dma_wait3A_2022 : memref<100000x128xf32, #tpu.memory_space<hbm>>) dst(%dma_wait3A_2016 : memref<50x128xf32, #tpu.memory_space<vmem>>)
      %dma_wait3A_2023 = arith.constant 0 : i32
      %dma_wait3A_2024 = arith.constant 2 : i32
      %dma_wait3A_2025 = arith.constant 0 : i32
      %dma_wait3A_2026 = arith.constant 0 : i32
      %dma_wait3A_2027 = tpu.memref_slice %arg6[%dma_wait3A_2024, %dma_wait3A_2025, %dma_wait3A_2026] : memref<3x200x128xf32, #tpu.memory_space<vmem>> -> memref<1x200x128xf32, #tpu.memory_space<vmem>>
      %dma_wait3A_2028 = tpu.memref_squeeze %dma_wait3A_2027 : memref<1x200x128xf32, #tpu.memory_space<vmem>> -> memref<200x128xf32, #tpu.memory_space<vmem>>
      %dma_wait3A_2029 = arith.constant 0 : i32
      %dma_wait3A_2030 = arith.constant 0 : i32
      %dma_wait3A_2031 = tpu.memref_slice %dma_wait3A_2028[%dma_wait3A_2029, %dma_wait3A_2030] : memref<200x128xf32, #tpu.memory_space<vmem>> -> memref<50x128xf32, #tpu.memory_space<vmem>>
      %dma_wait3A_2032 = arith.constant 0 : i32
      %dma_wait3A_2033 = tpu.memref_slice %arg5[%dma_wait3A_2023, %dma_wait3A_2032] : memref<128x50xi32, #tpu.memory_space<vmem>> -> memref<1x50xi32, #tpu.memory_space<vmem>>
      %dma_wait3A_2034 = tpu.memref_squeeze %dma_wait3A_2033 : memref<1x50xi32, #tpu.memory_space<vmem>> -> memref<50xi32, #tpu.memory_space<vmem>>
      %dma_wait3A_2035 = arith.constant 0 : i32
      %dma_wait3A_2036 = arith.constant 0 : i32
      %dma_wait3A_2037 = tpu.memref_slice %arg2[%dma_wait3A_2035, %dma_wait3A_2036] : memref<100000x128xf32, #tpu.memory_space<hbm>> -> memref<100000x128xf32, #tpu.memory_space<hbm>>
      tpu.wait_indirect_dma semaphore(%arg9 : memref<!tpu.dma_semaphore, #tpu.memory_space<semaphore_mem>>) src(%dma_wait3A_2037 : memref<100000x128xf32, #tpu.memory_space<hbm>>) dst(%dma_wait3A_2031 : memref<50x128xf32, #tpu.memory_space<vmem>>)
      %mul3A_2038 = arith.constant 3 : i32
      %mul3A_2039 = arith.muli %scan3A_1625, %mul3A_2038 : i32
      %add3A_2040 = arith.constant 2 : i32
      %add3A_2041 = arith.addi %mul3A_2039, %add3A_2040 : i32
      %mul3A_2042 = arith.constant 4 : i32
      %mul3A_2043 = arith.muli %add3A_2041, %mul3A_2042 : i32
      %add3A_2044 = arith.addi %mul3A_2, %mul3A_2043 : i32
      %add3A_2045 = arith.constant 0 : i32
      %add3A_2046 = arith.addi %add3A_2044, %add3A_2045 : i32
      %dma_start3A_2047 = arith.constant 2 : i32
      %dma_start3A_2048 = arith.constant 0 : i32
      %dma_start3A_2049 = arith.constant 0 : i32
      %dma_start3A_2050 = tpu.memref_slice %arg6[%dma_start3A_2047, %dma_start3A_2048, %dma_start3A_2049] : memref<3x200x128xf32, #tpu.memory_space<vmem>> -> memref<1x200x128xf32, #tpu.memory_space<vmem>>
      %dma_start3A_2051 = tpu.memref_squeeze %dma_start3A_2050 : memref<1x200x128xf32, #tpu.memory_space<vmem>> -> memref<200x128xf32, #tpu.memory_space<vmem>>
      %dma_start3A_2052 = arith.constant 0 : i32
      %dma_start3A_2053 = arith.constant 0 : i32
      %dma_start3A_2054 = tpu.memref_slice %dma_start3A_2051[%dma_start3A_2052, %dma_start3A_2053] : memref<200x128xf32, #tpu.memory_space<vmem>> -> memref<50x128xf32, #tpu.memory_space<vmem>>
      %dma_start3A_2055 = arith.constant 0 : i32
      %dma_start3A_2056 = arith.constant 0 : i32
      %dma_start3A_2057 = tpu.memref_slice %arg4[%add3A_2046, %dma_start3A_2055, %dma_start3A_2056] : memref<4096x50x128xf32, #tpu.memory_space<hbm>> -> memref<1x50x128xf32, #tpu.memory_space<hbm>>
      %dma_start3A_2058 = tpu.memref_squeeze %dma_start3A_2057 : memref<1x50x128xf32, #tpu.memory_space<hbm>> -> memref<50x128xf32, #tpu.memory_space<hbm>>
      %dma_start3A_2059 = arith.constant 0 : i32
      %dma_start3A_2060 = arith.constant 0 : i32
      %dma_start3A_2061 = tpu.memref_slice %arg4[%add3A_2046, %dma_start3A_2059, %dma_start3A_2060] : memref<4096x50x128xf32, #tpu.memory_space<hbm>> -> memref<1x50x128xf32, #tpu.memory_space<hbm>>
      %dma_start3A_2062 = tpu.memref_squeeze %dma_start3A_2061 : memref<1x50x128xf32, #tpu.memory_space<hbm>> -> memref<50x128xf32, #tpu.memory_space<hbm>>
      %dma_start3A_2063 = arith.constant 0 : i32
      %dma_start3A_2064 = arith.constant 0 : i32
      %dma_start3A_2065 = tpu.memref_slice %arg6[%dma_start3A_2047, %dma_start3A_2063, %dma_start3A_2064] : memref<3x200x128xf32, #tpu.memory_space<vmem>> -> memref<1x200x128xf32, #tpu.memory_space<vmem>>
      %dma_start3A_2066 = tpu.memref_squeeze %dma_start3A_2065 : memref<1x200x128xf32, #tpu.memory_space<vmem>> -> memref<200x128xf32, #tpu.memory_space<vmem>>
      %dma_start3A_2067 = arith.constant 0 : i32
      %dma_start3A_2068 = arith.constant 0 : i32
      %dma_start3A_2069 = tpu.memref_slice %dma_start3A_2066[%dma_start3A_2067, %dma_start3A_2068] : memref<200x128xf32, #tpu.memory_space<vmem>> -> memref<50x128xf32, #tpu.memory_space<vmem>>
      tpu.enqueue_dma source(%dma_start3A_2069 : memref<50x128xf32, #tpu.memory_space<vmem>>) target(%dma_start3A_2062 : memref<50x128xf32, #tpu.memory_space<hbm>>) target_semaphore(%arg12 : memref<!tpu.dma_semaphore, #tpu.memory_space<semaphore_mem>>)
      %mul3A_2070 = arith.constant 4 : i32
      %mul3A_2071 = arith.muli %add3A_2041, %mul3A_2070 : i32
      %add3A_2072 = arith.addi %mul3A_2, %mul3A_2071 : i32
      %add3A_2073 = arith.constant 1 : i32
      %add3A_2074 = arith.addi %add3A_2072, %add3A_2073 : i32
      %dma_start3A_2075 = arith.constant 2 : i32
      %dma_start3A_2076 = arith.constant 0 : i32
      %dma_start3A_2077 = arith.constant 0 : i32
      %dma_start3A_2078 = tpu.memref_slice %arg6[%dma_start3A_2075, %dma_start3A_2076, %dma_start3A_2077] : memref<3x200x128xf32, #tpu.memory_space<vmem>> -> memref<1x200x128xf32, #tpu.memory_space<vmem>>
      %dma_start3A_2079 = tpu.memref_squeeze %dma_start3A_2078 : memref<1x200x128xf32, #tpu.memory_space<vmem>> -> memref<200x128xf32, #tpu.memory_space<vmem>>
      %dma_start3A_2080 = arith.constant 50 : i32
      %dma_start3A_2081 = arith.constant 0 : i32
      %dma_start3A_2082 = tpu.memref_slice %dma_start3A_2079[%dma_start3A_2080, %dma_start3A_2081] : memref<200x128xf32, #tpu.memory_space<vmem>> -> memref<50x128xf32, #tpu.memory_space<vmem>>
      %dma_start3A_2083 = arith.constant 0 : i32
      %dma_start3A_2084 = arith.constant 0 : i32
      %dma_start3A_2085 = tpu.memref_slice %arg4[%add3A_2074, %dma_start3A_2083, %dma_start3A_2084] : memref<4096x50x128xf32, #tpu.memory_space<hbm>> -> memref<1x50x128xf32, #tpu.memory_space<hbm>>
      %dma_start3A_2086 = tpu.memref_squeeze %dma_start3A_2085 : memref<1x50x128xf32, #tpu.memory_space<hbm>> -> memref<50x128xf32, #tpu.memory_space<hbm>>
      %dma_start3A_2087 = arith.constant 0 : i32
      %dma_start3A_2088 = arith.constant 0 : i32
      %dma_start3A_2089 = tpu.memref_slice %arg4[%add3A_2074, %dma_start3A_2087, %dma_start3A_2088] : memref<4096x50x128xf32, #tpu.memory_space<hbm>> -> memref<1x50x128xf32, #tpu.memory_space<hbm>>
      %dma_start3A_2090 = tpu.memref_squeeze %dma_start3A_2089 : memref<1x50x128xf32, #tpu.memory_space<hbm>> -> memref<50x128xf32, #tpu.memory_space<hbm>>
      %dma_start3A_2091 = arith.constant 0 : i32
      %dma_start3A_2092 = arith.constant 0 : i32
      %dma_start3A_2093 = tpu.memref_slice %arg6[%dma_start3A_2075, %dma_start3A_2091, %dma_start3A_2092] : memref<3x200x128xf32, #tpu.memory_space<vmem>> -> memref<1x200x128xf32, #tpu.memory_space<vmem>>
      %dma_start3A_2094 = tpu.memref_squeeze %dma_start3A_2093 : memref<1x200x128xf32, #tpu.memory_space<vmem>> -> memref<200x128xf32, #tpu.memory_space<vmem>>
      %dma_start3A_2095 = arith.constant 50 : i32
      %dma_start3A_2096 = arith.constant 0 : i32
      %dma_start3A_2097 = tpu.memref_slice %dma_start3A_2094[%dma_start3A_2095, %dma_start3A_2096] : memref<200x128xf32, #tpu.memory_space<vmem>> -> memref<50x128xf32, #tpu.memory_space<vmem>>
      tpu.enqueue_dma source(%dma_start3A_2097 : memref<50x128xf32, #tpu.memory_space<vmem>>) target(%dma_start3A_2090 : memref<50x128xf32, #tpu.memory_space<hbm>>) target_semaphore(%arg12 : memref<!tpu.dma_semaphore, #tpu.memory_space<semaphore_mem>>)
      %mul3A_2098 = arith.constant 4 : i32
      %mul3A_2099 = arith.muli %add3A_2041, %mul3A_2098 : i32
      %add3A_2100 = arith.addi %mul3A_2, %mul3A_2099 : i32
      %add3A_2101 = arith.constant 2 : i32
      %add3A_2102 = arith.addi %add3A_2100, %add3A_2101 : i32
      %dma_start3A_2103 = arith.constant 2 : i32
      %dma_start3A_2104 = arith.constant 0 : i32
      %dma_start3A_2105 = arith.constant 0 : i32
      %dma_start3A_2106 = tpu.memref_slice %arg6[%dma_start3A_2103, %dma_start3A_2104, %dma_start3A_2105] : memref<3x200x128xf32, #tpu.memory_space<vmem>> -> memref<1x200x128xf32, #tpu.memory_space<vmem>>
      %dma_start3A_2107 = tpu.memref_squeeze %dma_start3A_2106 : memref<1x200x128xf32, #tpu.memory_space<vmem>> -> memref<200x128xf32, #tpu.memory_space<vmem>>
      %dma_start3A_2108 = arith.constant 100 : i32
      %dma_start3A_2109 = arith.constant 0 : i32
      %dma_start3A_2110 = tpu.memref_slice %dma_start3A_2107[%dma_start3A_2108, %dma_start3A_2109] : memref<200x128xf32, #tpu.memory_space<vmem>> -> memref<50x128xf32, #tpu.memory_space<vmem>>
      %dma_start3A_2111 = arith.constant 0 : i32
      %dma_start3A_2112 = arith.constant 0 : i32
      %dma_start3A_2113 = tpu.memref_slice %arg4[%add3A_2102, %dma_start3A_2111, %dma_start3A_2112] : memref<4096x50x128xf32, #tpu.memory_space<hbm>> -> memref<1x50x128xf32, #tpu.memory_space<hbm>>
      %dma_start3A_2114 = tpu.memref_squeeze %dma_start3A_2113 : memref<1x50x128xf32, #tpu.memory_space<hbm>> -> memref<50x128xf32, #tpu.memory_space<hbm>>
      %dma_start3A_2115 = arith.constant 0 : i32
      %dma_start3A_2116 = arith.constant 0 : i32
      %dma_start3A_2117 = tpu.memref_slice %arg4[%add3A_2102, %dma_start3A_2115, %dma_start3A_2116] : memref<4096x50x128xf32, #tpu.memory_space<hbm>> -> memref<1x50x128xf32, #tpu.memory_space<hbm>>
      %dma_start3A_2118 = tpu.memref_squeeze %dma_start3A_2117 : memref<1x50x128xf32, #tpu.memory_space<hbm>> -> memref<50x128xf32, #tpu.memory_space<hbm>>
      %dma_start3A_2119 = arith.constant 0 : i32
      %dma_start3A_2120 = arith.constant 0 : i32
      %dma_start3A_2121 = tpu.memref_slice %arg6[%dma_start3A_2103, %dma_start3A_2119, %dma_start3A_2120] : memref<3x200x128xf32, #tpu.memory_space<vmem>> -> memref<1x200x128xf32, #tpu.memory_space<vmem>>
      %dma_start3A_2122 = tpu.memref_squeeze %dma_start3A_2121 : memref<1x200x128xf32, #tpu.memory_space<vmem>> -> memref<200x128xf32, #tpu.memory_space<vmem>>
      %dma_start3A_2123 = arith.constant 100 : i32
      %dma_start3A_2124 = arith.constant 0 : i32
      %dma_start3A_2125 = tpu.memref_slice %dma_start3A_2122[%dma_start3A_2123, %dma_start3A_2124] : memref<200x128xf32, #tpu.memory_space<vmem>> -> memref<50x128xf32, #tpu.memory_space<vmem>>
      tpu.enqueue_dma source(%dma_start3A_2125 : memref<50x128xf32, #tpu.memory_space<vmem>>) target(%dma_start3A_2118 : memref<50x128xf32, #tpu.memory_space<hbm>>) target_semaphore(%arg12 : memref<!tpu.dma_semaphore, #tpu.memory_space<semaphore_mem>>)
      %mul3A_2126 = arith.constant 4 : i32
      %mul3A_2127 = arith.muli %add3A_2041, %mul3A_2126 : i32
      %add3A_2128 = arith.addi %mul3A_2, %mul3A_2127 : i32
      %add3A_2129 = arith.constant 3 : i32
      %add3A_2130 = arith.addi %add3A_2128, %add3A_2129 : i32
      %dma_start3A_2131 = arith.constant 2 : i32
      %dma_start3A_2132 = arith.constant 0 : i32
      %dma_start3A_2133 = arith.constant 0 : i32
      %dma_start3A_2134 = tpu.memref_slice %arg6[%dma_start3A_2131, %dma_start3A_2132, %dma_start3A_2133] : memref<3x200x128xf32, #tpu.memory_space<vmem>> -> memref<1x200x128xf32, #tpu.memory_space<vmem>>
      %dma_start3A_2135 = tpu.memref_squeeze %dma_start3A_2134 : memref<1x200x128xf32, #tpu.memory_space<vmem>> -> memref<200x128xf32, #tpu.memory_space<vmem>>
      %dma_start3A_2136 = arith.constant 150 : i32
      %dma_start3A_2137 = arith.constant 0 : i32
      %dma_start3A_2138 = tpu.memref_slice %dma_start3A_2135[%dma_start3A_2136, %dma_start3A_2137] : memref<200x128xf32, #tpu.memory_space<vmem>> -> memref<50x128xf32, #tpu.memory_space<vmem>>
      %dma_start3A_2139 = arith.constant 0 : i32
      %dma_start3A_2140 = arith.constant 0 : i32
      %dma_start3A_2141 = tpu.memref_slice %arg4[%add3A_2130, %dma_start3A_2139, %dma_start3A_2140] : memref<4096x50x128xf32, #tpu.memory_space<hbm>> -> memref<1x50x128xf32, #tpu.memory_space<hbm>>
      %dma_start3A_2142 = tpu.memref_squeeze %dma_start3A_2141 : memref<1x50x128xf32, #tpu.memory_space<hbm>> -> memref<50x128xf32, #tpu.memory_space<hbm>>
      %dma_start3A_2143 = arith.constant 0 : i32
      %dma_start3A_2144 = arith.constant 0 : i32
      %dma_start3A_2145 = tpu.memref_slice %arg4[%add3A_2130, %dma_start3A_2143, %dma_start3A_2144] : memref<4096x50x128xf32, #tpu.memory_space<hbm>> -> memref<1x50x128xf32, #tpu.memory_space<hbm>>
      %dma_start3A_2146 = tpu.memref_squeeze %dma_start3A_2145 : memref<1x50x128xf32, #tpu.memory_space<hbm>> -> memref<50x128xf32, #tpu.memory_space<hbm>>
      %dma_start3A_2147 = arith.constant 0 : i32
      %dma_start3A_2148 = arith.constant 0 : i32
      %dma_start3A_2149 = tpu.memref_slice %arg6[%dma_start3A_2131, %dma_start3A_2147, %dma_start3A_2148] : memref<3x200x128xf32, #tpu.memory_space<vmem>> -> memref<1x200x128xf32, #tpu.memory_space<vmem>>
      %dma_start3A_2150 = tpu.memref_squeeze %dma_start3A_2149 : memref<1x200x128xf32, #tpu.memory_space<vmem>> -> memref<200x128xf32, #tpu.memory_space<vmem>>
      %dma_start3A_2151 = arith.constant 150 : i32
      %dma_start3A_2152 = arith.constant 0 : i32
      %dma_start3A_2153 = tpu.memref_slice %dma_start3A_2150[%dma_start3A_2151, %dma_start3A_2152] : memref<200x128xf32, #tpu.memory_space<vmem>> -> memref<50x128xf32, #tpu.memory_space<vmem>>
      tpu.enqueue_dma source(%dma_start3A_2153 : memref<50x128xf32, #tpu.memory_space<vmem>>) target(%dma_start3A_2146 : memref<50x128xf32, #tpu.memory_space<hbm>>) target_semaphore(%arg12 : memref<!tpu.dma_semaphore, #tpu.memory_space<semaphore_mem>>)
      %dma_wait3A_2154 = arith.constant 0 : i32
      %dma_wait3A_2155 = arith.constant 0 : i32
      %dma_wait3A_2156 = arith.constant 0 : i32
      %dma_wait3A_2157 = arith.constant 0 : i32
      %dma_wait3A_2158 = tpu.memref_slice %arg6[%dma_wait3A_2154, %dma_wait3A_2156, %dma_wait3A_2157] : memref<3x200x128xf32, #tpu.memory_space<vmem>> -> memref<1x200x128xf32, #tpu.memory_space<vmem>>
      %dma_wait3A_2159 = tpu.memref_squeeze %dma_wait3A_2158 : memref<1x200x128xf32, #tpu.memory_space<vmem>> -> memref<200x128xf32, #tpu.memory_space<vmem>>
      %dma_wait3A_2160 = arith.constant 0 : i32
      %dma_wait3A_2161 = arith.constant 0 : i32
      %dma_wait3A_2162 = tpu.memref_slice %dma_wait3A_2159[%dma_wait3A_2160, %dma_wait3A_2161] : memref<200x128xf32, #tpu.memory_space<vmem>> -> memref<50x128xf32, #tpu.memory_space<vmem>>
      %dma_wait3A_2163 = arith.constant 0 : i32
      %dma_wait3A_2164 = arith.constant 0 : i32
      %dma_wait3A_2165 = tpu.memref_slice %arg4[%dma_wait3A_2155, %dma_wait3A_2163, %dma_wait3A_2164] : memref<4096x50x128xf32, #tpu.memory_space<hbm>> -> memref<1x50x128xf32, #tpu.memory_space<hbm>>
      %dma_wait3A_2166 = tpu.memref_squeeze %dma_wait3A_2165 : memref<1x50x128xf32, #tpu.memory_space<hbm>> -> memref<50x128xf32, #tpu.memory_space<hbm>>
      %dma_wait3A_2167 = arith.constant 0 : i32
      %dma_wait3A_2168 = arith.constant 0 : i32
      %dma_wait3A_2169 = tpu.memref_slice %arg4[%dma_wait3A_2155, %dma_wait3A_2167, %dma_wait3A_2168] : memref<4096x50x128xf32, #tpu.memory_space<hbm>> -> memref<1x50x128xf32, #tpu.memory_space<hbm>>
      %dma_wait3A_2170 = tpu.memref_squeeze %dma_wait3A_2169 : memref<1x50x128xf32, #tpu.memory_space<hbm>> -> memref<50x128xf32, #tpu.memory_space<hbm>>
      %dma_wait3A_2171 = arith.constant 0 : i32
      %dma_wait3A_2172 = arith.constant 0 : i32
      %dma_wait3A_2173 = tpu.memref_slice %arg6[%dma_wait3A_2154, %dma_wait3A_2171, %dma_wait3A_2172] : memref<3x200x128xf32, #tpu.memory_space<vmem>> -> memref<1x200x128xf32, #tpu.memory_space<vmem>>
      %dma_wait3A_2174 = tpu.memref_squeeze %dma_wait3A_2173 : memref<1x200x128xf32, #tpu.memory_space<vmem>> -> memref<200x128xf32, #tpu.memory_space<vmem>>
      %dma_wait3A_2175 = arith.constant 0 : i32
      %dma_wait3A_2176 = arith.constant 0 : i32
      %dma_wait3A_2177 = tpu.memref_slice %dma_wait3A_2174[%dma_wait3A_2175, %dma_wait3A_2176] : memref<200x128xf32, #tpu.memory_space<vmem>> -> memref<50x128xf32, #tpu.memory_space<vmem>>
      tpu.wait_dma2 semaphore(%arg10 : memref<!tpu.dma_semaphore, #tpu.memory_space<semaphore_mem>>) src(%dma_wait3A_2177 : memref<50x128xf32, #tpu.memory_space<vmem>>) dst(%dma_wait3A_2170 : memref<50x128xf32, #tpu.memory_space<hbm>>)
      %dma_wait3A_2178 = arith.constant 0 : i32
      %dma_wait3A_2179 = arith.constant 0 : i32
      %dma_wait3A_2180 = arith.constant 0 : i32
      %dma_wait3A_2181 = arith.constant 0 : i32
      %dma_wait3A_2182 = tpu.memref_slice %arg6[%dma_wait3A_2178, %dma_wait3A_2180, %dma_wait3A_2181] : memref<3x200x128xf32, #tpu.memory_space<vmem>> -> memref<1x200x128xf32, #tpu.memory_space<vmem>>
      %dma_wait3A_2183 = tpu.memref_squeeze %dma_wait3A_2182 : memref<1x200x128xf32, #tpu.memory_space<vmem>> -> memref<200x128xf32, #tpu.memory_space<vmem>>
      %dma_wait3A_2184 = arith.constant 0 : i32
      %dma_wait3A_2185 = arith.constant 0 : i32
      %dma_wait3A_2186 = tpu.memref_slice %dma_wait3A_2183[%dma_wait3A_2184, %dma_wait3A_2185] : memref<200x128xf32, #tpu.memory_space<vmem>> -> memref<50x128xf32, #tpu.memory_space<vmem>>
      %dma_wait3A_2187 = arith.constant 0 : i32
      %dma_wait3A_2188 = arith.constant 0 : i32
      %dma_wait3A_2189 = tpu.memref_slice %arg4[%dma_wait3A_2179, %dma_wait3A_2187, %dma_wait3A_2188] : memref<4096x50x128xf32, #tpu.memory_space<hbm>> -> memref<1x50x128xf32, #tpu.memory_space<hbm>>
      %dma_wait3A_2190 = tpu.memref_squeeze %dma_wait3A_2189 : memref<1x50x128xf32, #tpu.memory_space<hbm>> -> memref<50x128xf32, #tpu.memory_space<hbm>>
      %dma_wait3A_2191 = arith.constant 0 : i32
      %dma_wait3A_2192 = arith.constant 0 : i32
      %dma_wait3A_2193 = tpu.memref_slice %arg4[%dma_wait3A_2179, %dma_wait3A_2191, %dma_wait3A_2192] : memref<4096x50x128xf32, #tpu.memory_space<hbm>> -> memref<1x50x128xf32, #tpu.memory_space<hbm>>
      %dma_wait3A_2194 = tpu.memref_squeeze %dma_wait3A_2193 : memref<1x50x128xf32, #tpu.memory_space<hbm>> -> memref<50x128xf32, #tpu.memory_space<hbm>>
      %dma_wait3A_2195 = arith.constant 0 : i32
      %dma_wait3A_2196 = arith.constant 0 : i32
      %dma_wait3A_2197 = tpu.memref_slice %arg6[%dma_wait3A_2178, %dma_wait3A_2195, %dma_wait3A_2196] : memref<3x200x128xf32, #tpu.memory_space<vmem>> -> memref<1x200x128xf32, #tpu.memory_space<vmem>>
      %dma_wait3A_2198 = tpu.memref_squeeze %dma_wait3A_2197 : memref<1x200x128xf32, #tpu.memory_space<vmem>> -> memref<200x128xf32, #tpu.memory_space<vmem>>
      %dma_wait3A_2199 = arith.constant 0 : i32
      %dma_wait3A_2200 = arith.constant 0 : i32
      %dma_wait3A_2201 = tpu.memref_slice %dma_wait3A_2198[%dma_wait3A_2199, %dma_wait3A_2200] : memref<200x128xf32, #tpu.memory_space<vmem>> -> memref<50x128xf32, #tpu.memory_space<vmem>>
      tpu.wait_dma2 semaphore(%arg10 : memref<!tpu.dma_semaphore, #tpu.memory_space<semaphore_mem>>) src(%dma_wait3A_2201 : memref<50x128xf32, #tpu.memory_space<vmem>>) dst(%dma_wait3A_2194 : memref<50x128xf32, #tpu.memory_space<hbm>>)
      %dma_wait3A_2202 = arith.constant 0 : i32
      %dma_wait3A_2203 = arith.constant 0 : i32
      %dma_wait3A_2204 = arith.constant 0 : i32
      %dma_wait3A_2205 = arith.constant 0 : i32
      %dma_wait3A_2206 = tpu.memref_slice %arg6[%dma_wait3A_2202, %dma_wait3A_2204, %dma_wait3A_2205] : memref<3x200x128xf32, #tpu.memory_space<vmem>> -> memref<1x200x128xf32, #tpu.memory_space<vmem>>
      %dma_wait3A_2207 = tpu.memref_squeeze %dma_wait3A_2206 : memref<1x200x128xf32, #tpu.memory_space<vmem>> -> memref<200x128xf32, #tpu.memory_space<vmem>>
      %dma_wait3A_2208 = arith.constant 0 : i32
      %dma_wait3A_2209 = arith.constant 0 : i32
      %dma_wait3A_2210 = tpu.memref_slice %dma_wait3A_2207[%dma_wait3A_2208, %dma_wait3A_2209] : memref<200x128xf32, #tpu.memory_space<vmem>> -> memref<50x128xf32, #tpu.memory_space<vmem>>
      %dma_wait3A_2211 = arith.constant 0 : i32
      %dma_wait3A_2212 = arith.constant 0 : i32
      %dma_wait3A_2213 = tpu.memref_slice %arg4[%dma_wait3A_2203, %dma_wait3A_2211, %dma_wait3A_2212] : memref<4096x50x128xf32, #tpu.memory_space<hbm>> -> memref<1x50x128xf32, #tpu.memory_space<hbm>>
      %dma_wait3A_2214 = tpu.memref_squeeze %dma_wait3A_2213 : memref<1x50x128xf32, #tpu.memory_space<hbm>> -> memref<50x128xf32, #tpu.memory_space<hbm>>
      %dma_wait3A_2215 = arith.constant 0 : i32
      %dma_wait3A_2216 = arith.constant 0 : i32
      %dma_wait3A_2217 = tpu.memref_slice %arg4[%dma_wait3A_2203, %dma_wait3A_2215, %dma_wait3A_2216] : memref<4096x50x128xf32, #tpu.memory_space<hbm>> -> memref<1x50x128xf32, #tpu.memory_space<hbm>>
      %dma_wait3A_2218 = tpu.memref_squeeze %dma_wait3A_2217 : memref<1x50x128xf32, #tpu.memory_space<hbm>> -> memref<50x128xf32, #tpu.memory_space<hbm>>
      %dma_wait3A_2219 = arith.constant 0 : i32
      %dma_wait3A_2220 = arith.constant 0 : i32
      %dma_wait3A_2221 = tpu.memref_slice %arg6[%dma_wait3A_2202, %dma_wait3A_2219, %dma_wait3A_2220] : memref<3x200x128xf32, #tpu.memory_space<vmem>> -> memref<1x200x128xf32, #tpu.memory_space<vmem>>
      %dma_wait3A_2222 = tpu.memref_squeeze %dma_wait3A_2221 : memref<1x200x128xf32, #tpu.memory_space<vmem>> -> memref<200x128xf32, #tpu.memory_space<vmem>>
      %dma_wait3A_2223 = arith.constant 0 : i32
      %dma_wait3A_2224 = arith.constant 0 : i32
      %dma_wait3A_2225 = tpu.memref_slice %dma_wait3A_2222[%dma_wait3A_2223, %dma_wait3A_2224] : memref<200x128xf32, #tpu.memory_space<vmem>> -> memref<50x128xf32, #tpu.memory_space<vmem>>
      tpu.wait_dma2 semaphore(%arg10 : memref<!tpu.dma_semaphore, #tpu.memory_space<semaphore_mem>>) src(%dma_wait3A_2225 : memref<50x128xf32, #tpu.memory_space<vmem>>) dst(%dma_wait3A_2218 : memref<50x128xf32, #tpu.memory_space<hbm>>)
      %dma_wait3A_2226 = arith.constant 0 : i32
      %dma_wait3A_2227 = arith.constant 0 : i32
      %dma_wait3A_2228 = arith.constant 0 : i32
      %dma_wait3A_2229 = arith.constant 0 : i32
      %dma_wait3A_2230 = tpu.memref_slice %arg6[%dma_wait3A_2226, %dma_wait3A_2228, %dma_wait3A_2229] : memref<3x200x128xf32, #tpu.memory_space<vmem>> -> memref<1x200x128xf32, #tpu.memory_space<vmem>>
      %dma_wait3A_2231 = tpu.memref_squeeze %dma_wait3A_2230 : memref<1x200x128xf32, #tpu.memory_space<vmem>> -> memref<200x128xf32, #tpu.memory_space<vmem>>
      %dma_wait3A_2232 = arith.constant 0 : i32
      %dma_wait3A_2233 = arith.constant 0 : i32
      %dma_wait3A_2234 = tpu.memref_slice %dma_wait3A_2231[%dma_wait3A_2232, %dma_wait3A_2233] : memref<200x128xf32, #tpu.memory_space<vmem>> -> memref<50x128xf32, #tpu.memory_space<vmem>>
      %dma_wait3A_2235 = arith.constant 0 : i32
      %dma_wait3A_2236 = arith.constant 0 : i32
      %dma_wait3A_2237 = tpu.memref_slice %arg4[%dma_wait3A_2227, %dma_wait3A_2235, %dma_wait3A_2236] : memref<4096x50x128xf32, #tpu.memory_space<hbm>> -> memref<1x50x128xf32, #tpu.memory_space<hbm>>
      %dma_wait3A_2238 = tpu.memref_squeeze %dma_wait3A_2237 : memref<1x50x128xf32, #tpu.memory_space<hbm>> -> memref<50x128xf32, #tpu.memory_space<hbm>>
      %dma_wait3A_2239 = arith.constant 0 : i32
      %dma_wait3A_2240 = arith.constant 0 : i32
      %dma_wait3A_2241 = tpu.memref_slice %arg4[%dma_wait3A_2227, %dma_wait3A_2239, %dma_wait3A_2240] : memref<4096x50x128xf32, #tpu.memory_space<hbm>> -> memref<1x50x128xf32, #tpu.memory_space<hbm>>
      %dma_wait3A_2242 = tpu.memref_squeeze %dma_wait3A_2241 : memref<1x50x128xf32, #tpu.memory_space<hbm>> -> memref<50x128xf32, #tpu.memory_space<hbm>>
      %dma_wait3A_2243 = arith.constant 0 : i32
      %dma_wait3A_2244 = arith.constant 0 : i32
      %dma_wait3A_2245 = tpu.memref_slice %arg6[%dma_wait3A_2226, %dma_wait3A_2243, %dma_wait3A_2244] : memref<3x200x128xf32, #tpu.memory_space<vmem>> -> memref<1x200x128xf32, #tpu.memory_space<vmem>>
      %dma_wait3A_2246 = tpu.memref_squeeze %dma_wait3A_2245 : memref<1x200x128xf32, #tpu.memory_space<vmem>> -> memref<200x128xf32, #tpu.memory_space<vmem>>
      %dma_wait3A_2247 = arith.constant 0 : i32
      %dma_wait3A_2248 = arith.constant 0 : i32
      %dma_wait3A_2249 = tpu.memref_slice %dma_wait3A_2246[%dma_wait3A_2247, %dma_wait3A_2248] : memref<200x128xf32, #tpu.memory_space<vmem>> -> memref<50x128xf32, #tpu.memory_space<vmem>>
      tpu.wait_dma2 semaphore(%arg10 : memref<!tpu.dma_semaphore, #tpu.memory_space<semaphore_mem>>) src(%dma_wait3A_2249 : memref<50x128xf32, #tpu.memory_space<vmem>>) dst(%dma_wait3A_2242 : memref<50x128xf32, #tpu.memory_space<hbm>>)
      %mul3A_2250 = arith.constant 3 : i32
      %mul3A_2251 = arith.muli %scan3A_1625, %mul3A_2250 : i32
      %add3A_2252 = arith.constant 0 : i32
      %add3A_2253 = arith.addi %mul3A_2251, %add3A_2252 : i32
      %add3A_2254 = arith.constant 3 : i32
      %add3A_2255 = arith.addi %add3A_2253, %add3A_2254 : i32
      %mul3A_2256 = arith.constant 4 : i32
      %mul3A_2257 = arith.muli %add3A_2255, %mul3A_2256 : i32
      %add3A_2258 = arith.constant 0 : i32
      %add3A_2259 = arith.addi %mul3A_2257, %add3A_2258 : i32
      %dma_start3A_2260 = arith.constant 0 : i32
      %dma_start3A_2261 = arith.constant 0 : i32
      %dma_start3A_2262 = arith.constant 0 : i32
      %dma_start3A_2263 = tpu.memref_slice %arg6[%dma_start3A_2260, %dma_start3A_2261, %dma_start3A_2262] : memref<3x200x128xf32, #tpu.memory_space<vmem>> -> memref<1x200x128xf32, #tpu.memory_space<vmem>>
      %dma_start3A_2264 = tpu.memref_squeeze %dma_start3A_2263 : memref<1x200x128xf32, #tpu.memory_space<vmem>> -> memref<200x128xf32, #tpu.memory_space<vmem>>
      %dma_start3A_2265 = arith.constant 0 : i32
      %dma_start3A_2266 = arith.constant 0 : i32
      %dma_start3A_2267 = tpu.memref_slice %dma_start3A_2264[%dma_start3A_2265, %dma_start3A_2266] : memref<200x128xf32, #tpu.memory_space<vmem>> -> memref<50x128xf32, #tpu.memory_space<vmem>>
      %dma_start3A_2268 = arith.constant 0 : i32
      %dma_start3A_2269 = tpu.memref_slice %arg5[%add3A_2259, %dma_start3A_2268] : memref<128x50xi32, #tpu.memory_space<vmem>> -> memref<1x50xi32, #tpu.memory_space<vmem>>
      %dma_start3A_2270 = tpu.memref_squeeze %dma_start3A_2269 : memref<1x50xi32, #tpu.memory_space<vmem>> -> memref<50xi32, #tpu.memory_space<vmem>>
      %dma_start3A_2271 = arith.constant 0 : i32
      %dma_start3A_2272 = arith.constant 0 : i32
      %dma_start3A_2273 = tpu.memref_slice %arg2[%dma_start3A_2271, %dma_start3A_2272] : memref<100000x128xf32, #tpu.memory_space<hbm>> -> memref<100000x128xf32, #tpu.memory_space<hbm>>
      tpu.enqueue_indirect_dma source(%dma_start3A_2273 : memref<100000x128xf32, #tpu.memory_space<hbm>>) target(%dma_start3A_2267 : memref<50x128xf32, #tpu.memory_space<vmem>>) offsets(%dma_start3A_2270 : memref<50xi32, #tpu.memory_space<vmem>>) semaphore(%arg7 : memref<!tpu.dma_semaphore, #tpu.memory_space<semaphore_mem>>)
      %mul3A_2274 = arith.constant 4 : i32
      %mul3A_2275 = arith.muli %add3A_2255, %mul3A_2274 : i32
      %add3A_2276 = arith.constant 1 : i32
      %add3A_2277 = arith.addi %mul3A_2275, %add3A_2276 : i32
      %dma_start3A_2278 = arith.constant 0 : i32
      %dma_start3A_2279 = arith.constant 0 : i32
      %dma_start3A_2280 = arith.constant 0 : i32
      %dma_start3A_2281 = tpu.memref_slice %arg6[%dma_start3A_2278, %dma_start3A_2279, %dma_start3A_2280] : memref<3x200x128xf32, #tpu.memory_space<vmem>> -> memref<1x200x128xf32, #tpu.memory_space<vmem>>
      %dma_start3A_2282 = tpu.memref_squeeze %dma_start3A_2281 : memref<1x200x128xf32, #tpu.memory_space<vmem>> -> memref<200x128xf32, #tpu.memory_space<vmem>>
      %dma_start3A_2283 = arith.constant 50 : i32
      %dma_start3A_2284 = arith.constant 0 : i32
      %dma_start3A_2285 = tpu.memref_slice %dma_start3A_2282[%dma_start3A_2283, %dma_start3A_2284] : memref<200x128xf32, #tpu.memory_space<vmem>> -> memref<50x128xf32, #tpu.memory_space<vmem>>
      %dma_start3A_2286 = arith.constant 0 : i32
      %dma_start3A_2287 = tpu.memref_slice %arg5[%add3A_2277, %dma_start3A_2286] : memref<128x50xi32, #tpu.memory_space<vmem>> -> memref<1x50xi32, #tpu.memory_space<vmem>>
      %dma_start3A_2288 = tpu.memref_squeeze %dma_start3A_2287 : memref<1x50xi32, #tpu.memory_space<vmem>> -> memref<50xi32, #tpu.memory_space<vmem>>
      %dma_start3A_2289 = arith.constant 0 : i32
      %dma_start3A_2290 = arith.constant 0 : i32
      %dma_start3A_2291 = tpu.memref_slice %arg2[%dma_start3A_2289, %dma_start3A_2290] : memref<100000x128xf32, #tpu.memory_space<hbm>> -> memref<100000x128xf32, #tpu.memory_space<hbm>>
      tpu.enqueue_indirect_dma source(%dma_start3A_2291 : memref<100000x128xf32, #tpu.memory_space<hbm>>) target(%dma_start3A_2285 : memref<50x128xf32, #tpu.memory_space<vmem>>) offsets(%dma_start3A_2288 : memref<50xi32, #tpu.memory_space<vmem>>) semaphore(%arg7 : memref<!tpu.dma_semaphore, #tpu.memory_space<semaphore_mem>>)
      %mul3A_2292 = arith.constant 4 : i32
      %mul3A_2293 = arith.muli %add3A_2255, %mul3A_2292 : i32
      %add3A_2294 = arith.constant 2 : i32
      %add3A_2295 = arith.addi %mul3A_2293, %add3A_2294 : i32
      %dma_start3A_2296 = arith.constant 0 : i32
      %dma_start3A_2297 = arith.constant 0 : i32
      %dma_start3A_2298 = arith.constant 0 : i32
      %dma_start3A_2299 = tpu.memref_slice %arg6[%dma_start3A_2296, %dma_start3A_2297, %dma_start3A_2298] : memref<3x200x128xf32, #tpu.memory_space<vmem>> -> memref<1x200x128xf32, #tpu.memory_space<vmem>>
      %dma_start3A_2300 = tpu.memref_squeeze %dma_start3A_2299 : memref<1x200x128xf32, #tpu.memory_space<vmem>> -> memref<200x128xf32, #tpu.memory_space<vmem>>
      %dma_start3A_2301 = arith.constant 100 : i32
      %dma_start3A_2302 = arith.constant 0 : i32
      %dma_start3A_2303 = tpu.memref_slice %dma_start3A_2300[%dma_start3A_2301, %dma_start3A_2302] : memref<200x128xf32, #tpu.memory_space<vmem>> -> memref<50x128xf32, #tpu.memory_space<vmem>>
      %dma_start3A_2304 = arith.constant 0 : i32
      %dma_start3A_2305 = tpu.memref_slice %arg5[%add3A_2295, %dma_start3A_2304] : memref<128x50xi32, #tpu.memory_space<vmem>> -> memref<1x50xi32, #tpu.memory_space<vmem>>
      %dma_start3A_2306 = tpu.memref_squeeze %dma_start3A_2305 : memref<1x50xi32, #tpu.memory_space<vmem>> -> memref<50xi32, #tpu.memory_space<vmem>>
      %dma_start3A_2307 = arith.constant 0 : i32
      %dma_start3A_2308 = arith.constant 0 : i32
      %dma_start3A_2309 = tpu.memref_slice %arg2[%dma_start3A_2307, %dma_start3A_2308] : memref<100000x128xf32, #tpu.memory_space<hbm>> -> memref<100000x128xf32, #tpu.memory_space<hbm>>
      tpu.enqueue_indirect_dma source(%dma_start3A_2309 : memref<100000x128xf32, #tpu.memory_space<hbm>>) target(%dma_start3A_2303 : memref<50x128xf32, #tpu.memory_space<vmem>>) offsets(%dma_start3A_2306 : memref<50xi32, #tpu.memory_space<vmem>>) semaphore(%arg7 : memref<!tpu.dma_semaphore, #tpu.memory_space<semaphore_mem>>)
      %mul3A_2310 = arith.constant 4 : i32
      %mul3A_2311 = arith.muli %add3A_2255, %mul3A_2310 : i32
      %add3A_2312 = arith.constant 3 : i32
      %add3A_2313 = arith.addi %mul3A_2311, %add3A_2312 : i32
      %dma_start3A_2314 = arith.constant 0 : i32
      %dma_start3A_2315 = arith.constant 0 : i32
      %dma_start3A_2316 = arith.constant 0 : i32
      %dma_start3A_2317 = tpu.memref_slice %arg6[%dma_start3A_2314, %dma_start3A_2315, %dma_start3A_2316] : memref<3x200x128xf32, #tpu.memory_space<vmem>> -> memref<1x200x128xf32, #tpu.memory_space<vmem>>
      %dma_start3A_2318 = tpu.memref_squeeze %dma_start3A_2317 : memref<1x200x128xf32, #tpu.memory_space<vmem>> -> memref<200x128xf32, #tpu.memory_space<vmem>>
      %dma_start3A_2319 = arith.constant 150 : i32
      %dma_start3A_2320 = arith.constant 0 : i32
      %dma_start3A_2321 = tpu.memref_slice %dma_start3A_2318[%dma_start3A_2319, %dma_start3A_2320] : memref<200x128xf32, #tpu.memory_space<vmem>> -> memref<50x128xf32, #tpu.memory_space<vmem>>
      %dma_start3A_2322 = arith.constant 0 : i32
      %dma_start3A_2323 = tpu.memref_slice %arg5[%add3A_2313, %dma_start3A_2322] : memref<128x50xi32, #tpu.memory_space<vmem>> -> memref<1x50xi32, #tpu.memory_space<vmem>>
      %dma_start3A_2324 = tpu.memref_squeeze %dma_start3A_2323 : memref<1x50xi32, #tpu.memory_space<vmem>> -> memref<50xi32, #tpu.memory_space<vmem>>
      %dma_start3A_2325 = arith.constant 0 : i32
      %dma_start3A_2326 = arith.constant 0 : i32
      %dma_start3A_2327 = tpu.memref_slice %arg2[%dma_start3A_2325, %dma_start3A_2326] : memref<100000x128xf32, #tpu.memory_space<hbm>> -> memref<100000x128xf32, #tpu.memory_space<hbm>>
      tpu.enqueue_indirect_dma source(%dma_start3A_2327 : memref<100000x128xf32, #tpu.memory_space<hbm>>) target(%dma_start3A_2321 : memref<50x128xf32, #tpu.memory_space<vmem>>) offsets(%dma_start3A_2324 : memref<50xi32, #tpu.memory_space<vmem>>) semaphore(%arg7 : memref<!tpu.dma_semaphore, #tpu.memory_space<semaphore_mem>>)
      %dma_wait3A_2328 = arith.constant 1 : i32
      %dma_wait3A_2329 = arith.constant 0 : i32
      %dma_wait3A_2330 = arith.constant 0 : i32
      %dma_wait3A_2331 = arith.constant 0 : i32
      %dma_wait3A_2332 = tpu.memref_slice %arg6[%dma_wait3A_2328, %dma_wait3A_2330, %dma_wait3A_2331] : memref<3x200x128xf32, #tpu.memory_space<vmem>> -> memref<1x200x128xf32, #tpu.memory_space<vmem>>
      %dma_wait3A_2333 = tpu.memref_squeeze %dma_wait3A_2332 : memref<1x200x128xf32, #tpu.memory_space<vmem>> -> memref<200x128xf32, #tpu.memory_space<vmem>>
      %dma_wait3A_2334 = arith.constant 0 : i32
      %dma_wait3A_2335 = arith.constant 0 : i32
      %dma_wait3A_2336 = tpu.memref_slice %dma_wait3A_2333[%dma_wait3A_2334, %dma_wait3A_2335] : memref<200x128xf32, #tpu.memory_space<vmem>> -> memref<50x128xf32, #tpu.memory_space<vmem>>
      %dma_wait3A_2337 = arith.constant 0 : i32
      %dma_wait3A_2338 = arith.constant 0 : i32
      %dma_wait3A_2339 = tpu.memref_slice %arg4[%dma_wait3A_2329, %dma_wait3A_2337, %dma_wait3A_2338] : memref<4096x50x128xf32, #tpu.memory_space<hbm>> -> memref<1x50x128xf32, #tpu.memory_space<hbm>>
      %dma_wait3A_2340 = tpu.memref_squeeze %dma_wait3A_2339 : memref<1x50x128xf32, #tpu.memory_space<hbm>> -> memref<50x128xf32, #tpu.memory_space<hbm>>
      %dma_wait3A_2341 = arith.constant 0 : i32
      %dma_wait3A_2342 = arith.constant 0 : i32
      %dma_wait3A_2343 = tpu.memref_slice %arg4[%dma_wait3A_2329, %dma_wait3A_2341, %dma_wait3A_2342] : memref<4096x50x128xf32, #tpu.memory_space<hbm>> -> memref<1x50x128xf32, #tpu.memory_space<hbm>>
      %dma_wait3A_2344 = tpu.memref_squeeze %dma_wait3A_2343 : memref<1x50x128xf32, #tpu.memory_space<hbm>> -> memref<50x128xf32, #tpu.memory_space<hbm>>
      %dma_wait3A_2345 = arith.constant 0 : i32
      %dma_wait3A_2346 = arith.constant 0 : i32
      %dma_wait3A_2347 = tpu.memref_slice %arg6[%dma_wait3A_2328, %dma_wait3A_2345, %dma_wait3A_2346] : memref<3x200x128xf32, #tpu.memory_space<vmem>> -> memref<1x200x128xf32, #tpu.memory_space<vmem>>
      %dma_wait3A_2348 = tpu.memref_squeeze %dma_wait3A_2347 : memref<1x200x128xf32, #tpu.memory_space<vmem>> -> memref<200x128xf32, #tpu.memory_space<vmem>>
      %dma_wait3A_2349 = arith.constant 0 : i32
      %dma_wait3A_2350 = arith.constant 0 : i32
      %dma_wait3A_2351 = tpu.memref_slice %dma_wait3A_2348[%dma_wait3A_2349, %dma_wait3A_2350] : memref<200x128xf32, #tpu.memory_space<vmem>> -> memref<50x128xf32, #tpu.memory_space<vmem>>
      tpu.wait_dma2 semaphore(%arg11 : memref<!tpu.dma_semaphore, #tpu.memory_space<semaphore_mem>>) src(%dma_wait3A_2351 : memref<50x128xf32, #tpu.memory_space<vmem>>) dst(%dma_wait3A_2344 : memref<50x128xf32, #tpu.memory_space<hbm>>)
      %dma_wait3A_2352 = arith.constant 1 : i32
      %dma_wait3A_2353 = arith.constant 0 : i32
      %dma_wait3A_2354 = arith.constant 0 : i32
      %dma_wait3A_2355 = arith.constant 0 : i32
      %dma_wait3A_2356 = tpu.memref_slice %arg6[%dma_wait3A_2352, %dma_wait3A_2354, %dma_wait3A_2355] : memref<3x200x128xf32, #tpu.memory_space<vmem>> -> memref<1x200x128xf32, #tpu.memory_space<vmem>>
      %dma_wait3A_2357 = tpu.memref_squeeze %dma_wait3A_2356 : memref<1x200x128xf32, #tpu.memory_space<vmem>> -> memref<200x128xf32, #tpu.memory_space<vmem>>
      %dma_wait3A_2358 = arith.constant 0 : i32
      %dma_wait3A_2359 = arith.constant 0 : i32
      %dma_wait3A_2360 = tpu.memref_slice %dma_wait3A_2357[%dma_wait3A_2358, %dma_wait3A_2359] : memref<200x128xf32, #tpu.memory_space<vmem>> -> memref<50x128xf32, #tpu.memory_space<vmem>>
      %dma_wait3A_2361 = arith.constant 0 : i32
      %dma_wait3A_2362 = arith.constant 0 : i32
      %dma_wait3A_2363 = tpu.memref_slice %arg4[%dma_wait3A_2353, %dma_wait3A_2361, %dma_wait3A_2362] : memref<4096x50x128xf32, #tpu.memory_space<hbm>> -> memref<1x50x128xf32, #tpu.memory_space<hbm>>
      %dma_wait3A_2364 = tpu.memref_squeeze %dma_wait3A_2363 : memref<1x50x128xf32, #tpu.memory_space<hbm>> -> memref<50x128xf32, #tpu.memory_space<hbm>>
      %dma_wait3A_2365 = arith.constant 0 : i32
      %dma_wait3A_2366 = arith.constant 0 : i32
      %dma_wait3A_2367 = tpu.memref_slice %arg4[%dma_wait3A_2353, %dma_wait3A_2365, %dma_wait3A_2366] : memref<4096x50x128xf32, #tpu.memory_space<hbm>> -> memref<1x50x128xf32, #tpu.memory_space<hbm>>
      %dma_wait3A_2368 = tpu.memref_squeeze %dma_wait3A_2367 : memref<1x50x128xf32, #tpu.memory_space<hbm>> -> memref<50x128xf32, #tpu.memory_space<hbm>>
      %dma_wait3A_2369 = arith.constant 0 : i32
      %dma_wait3A_2370 = arith.constant 0 : i32
      %dma_wait3A_2371 = tpu.memref_slice %arg6[%dma_wait3A_2352, %dma_wait3A_2369, %dma_wait3A_2370] : memref<3x200x128xf32, #tpu.memory_space<vmem>> -> memref<1x200x128xf32, #tpu.memory_space<vmem>>
      %dma_wait3A_2372 = tpu.memref_squeeze %dma_wait3A_2371 : memref<1x200x128xf32, #tpu.memory_space<vmem>> -> memref<200x128xf32, #tpu.memory_space<vmem>>
      %dma_wait3A_2373 = arith.constant 0 : i32
      %dma_wait3A_2374 = arith.constant 0 : i32
      %dma_wait3A_2375 = tpu.memref_slice %dma_wait3A_2372[%dma_wait3A_2373, %dma_wait3A_2374] : memref<200x128xf32, #tpu.memory_space<vmem>> -> memref<50x128xf32, #tpu.memory_space<vmem>>
      tpu.wait_dma2 semaphore(%arg11 : memref<!tpu.dma_semaphore, #tpu.memory_space<semaphore_mem>>) src(%dma_wait3A_2375 : memref<50x128xf32, #tpu.memory_space<vmem>>) dst(%dma_wait3A_2368 : memref<50x128xf32, #tpu.memory_space<hbm>>)
      %dma_wait3A_2376 = arith.constant 1 : i32
      %dma_wait3A_2377 = arith.constant 0 : i32
      %dma_wait3A_2378 = arith.constant 0 : i32
      %dma_wait3A_2379 = arith.constant 0 : i32
      %dma_wait3A_2380 = tpu.memref_slice %arg6[%dma_wait3A_2376, %dma_wait3A_2378, %dma_wait3A_2379] : memref<3x200x128xf32, #tpu.memory_space<vmem>> -> memref<1x200x128xf32, #tpu.memory_space<vmem>>
      %dma_wait3A_2381 = tpu.memref_squeeze %dma_wait3A_2380 : memref<1x200x128xf32, #tpu.memory_space<vmem>> -> memref<200x128xf32, #tpu.memory_space<vmem>>
      %dma_wait3A_2382 = arith.constant 0 : i32
      %dma_wait3A_2383 = arith.constant 0 : i32
      %dma_wait3A_2384 = tpu.memref_slice %dma_wait3A_2381[%dma_wait3A_2382, %dma_wait3A_2383] : memref<200x128xf32, #tpu.memory_space<vmem>> -> memref<50x128xf32, #tpu.memory_space<vmem>>
      %dma_wait3A_2385 = arith.constant 0 : i32
      %dma_wait3A_2386 = arith.constant 0 : i32
      %dma_wait3A_2387 = tpu.memref_slice %arg4[%dma_wait3A_2377, %dma_wait3A_2385, %dma_wait3A_2386] : memref<4096x50x128xf32, #tpu.memory_space<hbm>> -> memref<1x50x128xf32, #tpu.memory_space<hbm>>
      %dma_wait3A_2388 = tpu.memref_squeeze %dma_wait3A_2387 : memref<1x50x128xf32, #tpu.memory_space<hbm>> -> memref<50x128xf32, #tpu.memory_space<hbm>>
      %dma_wait3A_2389 = arith.constant 0 : i32
      %dma_wait3A_2390 = arith.constant 0 : i32
      %dma_wait3A_2391 = tpu.memref_slice %arg4[%dma_wait3A_2377, %dma_wait3A_2389, %dma_wait3A_2390] : memref<4096x50x128xf32, #tpu.memory_space<hbm>> -> memref<1x50x128xf32, #tpu.memory_space<hbm>>
      %dma_wait3A_2392 = tpu.memref_squeeze %dma_wait3A_2391 : memref<1x50x128xf32, #tpu.memory_space<hbm>> -> memref<50x128xf32, #tpu.memory_space<hbm>>
      %dma_wait3A_2393 = arith.constant 0 : i32
      %dma_wait3A_2394 = arith.constant 0 : i32
      %dma_wait3A_2395 = tpu.memref_slice %arg6[%dma_wait3A_2376, %dma_wait3A_2393, %dma_wait3A_2394] : memref<3x200x128xf32, #tpu.memory_space<vmem>> -> memref<1x200x128xf32, #tpu.memory_space<vmem>>
      %dma_wait3A_2396 = tpu.memref_squeeze %dma_wait3A_2395 : memref<1x200x128xf32, #tpu.memory_space<vmem>> -> memref<200x128xf32, #tpu.memory_space<vmem>>
      %dma_wait3A_2397 = arith.constant 0 : i32
      %dma_wait3A_2398 = arith.constant 0 : i32
      %dma_wait3A_2399 = tpu.memref_slice %dma_wait3A_2396[%dma_wait3A_2397, %dma_wait3A_2398] : memref<200x128xf32, #tpu.memory_space<vmem>> -> memref<50x128xf32, #tpu.memory_space<vmem>>
      tpu.wait_dma2 semaphore(%arg11 : memref<!tpu.dma_semaphore, #tpu.memory_space<semaphore_mem>>) src(%dma_wait3A_2399 : memref<50x128xf32, #tpu.memory_space<vmem>>) dst(%dma_wait3A_2392 : memref<50x128xf32, #tpu.memory_space<hbm>>)
      %dma_wait3A_2400 = arith.constant 1 : i32
      %dma_wait3A_2401 = arith.constant 0 : i32
      %dma_wait3A_2402 = arith.constant 0 : i32
      %dma_wait3A_2403 = arith.constant 0 : i32
      %dma_wait3A_2404 = tpu.memref_slice %arg6[%dma_wait3A_2400, %dma_wait3A_2402, %dma_wait3A_2403] : memref<3x200x128xf32, #tpu.memory_space<vmem>> -> memref<1x200x128xf32, #tpu.memory_space<vmem>>
      %dma_wait3A_2405 = tpu.memref_squeeze %dma_wait3A_2404 : memref<1x200x128xf32, #tpu.memory_space<vmem>> -> memref<200x128xf32, #tpu.memory_space<vmem>>
      %dma_wait3A_2406 = arith.constant 0 : i32
      %dma_wait3A_2407 = arith.constant 0 : i32
      %dma_wait3A_2408 = tpu.memref_slice %dma_wait3A_2405[%dma_wait3A_2406, %dma_wait3A_2407] : memref<200x128xf32, #tpu.memory_space<vmem>> -> memref<50x128xf32, #tpu.memory_space<vmem>>
      %dma_wait3A_2409 = arith.constant 0 : i32
      %dma_wait3A_2410 = arith.constant 0 : i32
      %dma_wait3A_2411 = tpu.memref_slice %arg4[%dma_wait3A_2401, %dma_wait3A_2409, %dma_wait3A_2410] : memref<4096x50x128xf32, #tpu.memory_space<hbm>> -> memref<1x50x128xf32, #tpu.memory_space<hbm>>
      %dma_wait3A_2412 = tpu.memref_squeeze %dma_wait3A_2411 : memref<1x50x128xf32, #tpu.memory_space<hbm>> -> memref<50x128xf32, #tpu.memory_space<hbm>>
      %dma_wait3A_2413 = arith.constant 0 : i32
      %dma_wait3A_2414 = arith.constant 0 : i32
      %dma_wait3A_2415 = tpu.memref_slice %arg4[%dma_wait3A_2401, %dma_wait3A_2413, %dma_wait3A_2414] : memref<4096x50x128xf32, #tpu.memory_space<hbm>> -> memref<1x50x128xf32, #tpu.memory_space<hbm>>
      %dma_wait3A_2416 = tpu.memref_squeeze %dma_wait3A_2415 : memref<1x50x128xf32, #tpu.memory_space<hbm>> -> memref<50x128xf32, #tpu.memory_space<hbm>>
      %dma_wait3A_2417 = arith.constant 0 : i32
      %dma_wait3A_2418 = arith.constant 0 : i32
      %dma_wait3A_2419 = tpu.memref_slice %arg6[%dma_wait3A_2400, %dma_wait3A_2417, %dma_wait3A_2418] : memref<3x200x128xf32, #tpu.memory_space<vmem>> -> memref<1x200x128xf32, #tpu.memory_space<vmem>>
      %dma_wait3A_2420 = tpu.memref_squeeze %dma_wait3A_2419 : memref<1x200x128xf32, #tpu.memory_space<vmem>> -> memref<200x128xf32, #tpu.memory_space<vmem>>
      %dma_wait3A_2421 = arith.constant 0 : i32
      %dma_wait3A_2422 = arith.constant 0 : i32
      %dma_wait3A_2423 = tpu.memref_slice %dma_wait3A_2420[%dma_wait3A_2421, %dma_wait3A_2422] : memref<200x128xf32, #tpu.memory_space<vmem>> -> memref<50x128xf32, #tpu.memory_space<vmem>>
      tpu.wait_dma2 semaphore(%arg11 : memref<!tpu.dma_semaphore, #tpu.memory_space<semaphore_mem>>) src(%dma_wait3A_2423 : memref<50x128xf32, #tpu.memory_space<vmem>>) dst(%dma_wait3A_2416 : memref<50x128xf32, #tpu.memory_space<hbm>>)
      %mul3A_2424 = arith.constant 3 : i32
      %mul3A_2425 = arith.muli %scan3A_1625, %mul3A_2424 : i32
      %add3A_2426 = arith.constant 1 : i32
      %add3A_2427 = arith.addi %mul3A_2425, %add3A_2426 : i32
      %add3A_2428 = arith.constant 3 : i32
      %add3A_2429 = arith.addi %add3A_2427, %add3A_2428 : i32
      %mul3A_2430 = arith.constant 4 : i32
      %mul3A_2431 = arith.muli %add3A_2429, %mul3A_2430 : i32
      %add3A_2432 = arith.constant 0 : i32
      %add3A_2433 = arith.addi %mul3A_2431, %add3A_2432 : i32
      %dma_start3A_2434 = arith.constant 1 : i32
      %dma_start3A_2435 = arith.constant 0 : i32
      %dma_start3A_2436 = arith.constant 0 : i32
      %dma_start3A_2437 = tpu.memref_slice %arg6[%dma_start3A_2434, %dma_start3A_2435, %dma_start3A_2436] : memref<3x200x128xf32, #tpu.memory_space<vmem>> -> memref<1x200x128xf32, #tpu.memory_space<vmem>>
      %dma_start3A_2438 = tpu.memref_squeeze %dma_start3A_2437 : memref<1x200x128xf32, #tpu.memory_space<vmem>> -> memref<200x128xf32, #tpu.memory_space<vmem>>
      %dma_start3A_2439 = arith.constant 0 : i32
      %dma_start3A_2440 = arith.constant 0 : i32
      %dma_start3A_2441 = tpu.memref_slice %dma_start3A_2438[%dma_start3A_2439, %dma_start3A_2440] : memref<200x128xf32, #tpu.memory_space<vmem>> -> memref<50x128xf32, #tpu.memory_space<vmem>>
      %dma_start3A_2442 = arith.constant 0 : i32
      %dma_start3A_2443 = tpu.memref_slice %arg5[%add3A_2433, %dma_start3A_2442] : memref<128x50xi32, #tpu.memory_space<vmem>> -> memref<1x50xi32, #tpu.memory_space<vmem>>
      %dma_start3A_2444 = tpu.memref_squeeze %dma_start3A_2443 : memref<1x50xi32, #tpu.memory_space<vmem>> -> memref<50xi32, #tpu.memory_space<vmem>>
      %dma_start3A_2445 = arith.constant 0 : i32
      %dma_start3A_2446 = arith.constant 0 : i32
      %dma_start3A_2447 = tpu.memref_slice %arg2[%dma_start3A_2445, %dma_start3A_2446] : memref<100000x128xf32, #tpu.memory_space<hbm>> -> memref<100000x128xf32, #tpu.memory_space<hbm>>
      tpu.enqueue_indirect_dma source(%dma_start3A_2447 : memref<100000x128xf32, #tpu.memory_space<hbm>>) target(%dma_start3A_2441 : memref<50x128xf32, #tpu.memory_space<vmem>>) offsets(%dma_start3A_2444 : memref<50xi32, #tpu.memory_space<vmem>>) semaphore(%arg8 : memref<!tpu.dma_semaphore, #tpu.memory_space<semaphore_mem>>)
      %mul3A_2448 = arith.constant 4 : i32
      %mul3A_2449 = arith.muli %add3A_2429, %mul3A_2448 : i32
      %add3A_2450 = arith.constant 1 : i32
      %add3A_2451 = arith.addi %mul3A_2449, %add3A_2450 : i32
      %dma_start3A_2452 = arith.constant 1 : i32
      %dma_start3A_2453 = arith.constant 0 : i32
      %dma_start3A_2454 = arith.constant 0 : i32
      %dma_start3A_2455 = tpu.memref_slice %arg6[%dma_start3A_2452, %dma_start3A_2453, %dma_start3A_2454] : memref<3x200x128xf32, #tpu.memory_space<vmem>> -> memref<1x200x128xf32, #tpu.memory_space<vmem>>
      %dma_start3A_2456 = tpu.memref_squeeze %dma_start3A_2455 : memref<1x200x128xf32, #tpu.memory_space<vmem>> -> memref<200x128xf32, #tpu.memory_space<vmem>>
      %dma_start3A_2457 = arith.constant 50 : i32
      %dma_start3A_2458 = arith.constant 0 : i32
      %dma_start3A_2459 = tpu.memref_slice %dma_start3A_2456[%dma_start3A_2457, %dma_start3A_2458] : memref<200x128xf32, #tpu.memory_space<vmem>> -> memref<50x128xf32, #tpu.memory_space<vmem>>
      %dma_start3A_2460 = arith.constant 0 : i32
      %dma_start3A_2461 = tpu.memref_slice %arg5[%add3A_2451, %dma_start3A_2460] : memref<128x50xi32, #tpu.memory_space<vmem>> -> memref<1x50xi32, #tpu.memory_space<vmem>>
      %dma_start3A_2462 = tpu.memref_squeeze %dma_start3A_2461 : memref<1x50xi32, #tpu.memory_space<vmem>> -> memref<50xi32, #tpu.memory_space<vmem>>
      %dma_start3A_2463 = arith.constant 0 : i32
      %dma_start3A_2464 = arith.constant 0 : i32
      %dma_start3A_2465 = tpu.memref_slice %arg2[%dma_start3A_2463, %dma_start3A_2464] : memref<100000x128xf32, #tpu.memory_space<hbm>> -> memref<100000x128xf32, #tpu.memory_space<hbm>>
      tpu.enqueue_indirect_dma source(%dma_start3A_2465 : memref<100000x128xf32, #tpu.memory_space<hbm>>) target(%dma_start3A_2459 : memref<50x128xf32, #tpu.memory_space<vmem>>) offsets(%dma_start3A_2462 : memref<50xi32, #tpu.memory_space<vmem>>) semaphore(%arg8 : memref<!tpu.dma_semaphore, #tpu.memory_space<semaphore_mem>>)
      %mul3A_2466 = arith.constant 4 : i32
      %mul3A_2467 = arith.muli %add3A_2429, %mul3A_2466 : i32
      %add3A_2468 = arith.constant 2 : i32
      %add3A_2469 = arith.addi %mul3A_2467, %add3A_2468 : i32
      %dma_start3A_2470 = arith.constant 1 : i32
      %dma_start3A_2471 = arith.constant 0 : i32
      %dma_start3A_2472 = arith.constant 0 : i32
      %dma_start3A_2473 = tpu.memref_slice %arg6[%dma_start3A_2470, %dma_start3A_2471, %dma_start3A_2472] : memref<3x200x128xf32, #tpu.memory_space<vmem>> -> memref<1x200x128xf32, #tpu.memory_space<vmem>>
      %dma_start3A_2474 = tpu.memref_squeeze %dma_start3A_2473 : memref<1x200x128xf32, #tpu.memory_space<vmem>> -> memref<200x128xf32, #tpu.memory_space<vmem>>
      %dma_start3A_2475 = arith.constant 100 : i32
      %dma_start3A_2476 = arith.constant 0 : i32
      %dma_start3A_2477 = tpu.memref_slice %dma_start3A_2474[%dma_start3A_2475, %dma_start3A_2476] : memref<200x128xf32, #tpu.memory_space<vmem>> -> memref<50x128xf32, #tpu.memory_space<vmem>>
      %dma_start3A_2478 = arith.constant 0 : i32
      %dma_start3A_2479 = tpu.memref_slice %arg5[%add3A_2469, %dma_start3A_2478] : memref<128x50xi32, #tpu.memory_space<vmem>> -> memref<1x50xi32, #tpu.memory_space<vmem>>
      %dma_start3A_2480 = tpu.memref_squeeze %dma_start3A_2479 : memref<1x50xi32, #tpu.memory_space<vmem>> -> memref<50xi32, #tpu.memory_space<vmem>>
      %dma_start3A_2481 = arith.constant 0 : i32
      %dma_start3A_2482 = arith.constant 0 : i32
      %dma_start3A_2483 = tpu.memref_slice %arg2[%dma_start3A_2481, %dma_start3A_2482] : memref<100000x128xf32, #tpu.memory_space<hbm>> -> memref<100000x128xf32, #tpu.memory_space<hbm>>
      tpu.enqueue_indirect_dma source(%dma_start3A_2483 : memref<100000x128xf32, #tpu.memory_space<hbm>>) target(%dma_start3A_2477 : memref<50x128xf32, #tpu.memory_space<vmem>>) offsets(%dma_start3A_2480 : memref<50xi32, #tpu.memory_space<vmem>>) semaphore(%arg8 : memref<!tpu.dma_semaphore, #tpu.memory_space<semaphore_mem>>)
      %mul3A_2484 = arith.constant 4 : i32
      %mul3A_2485 = arith.muli %add3A_2429, %mul3A_2484 : i32
      %add3A_2486 = arith.constant 3 : i32
      %add3A_2487 = arith.addi %mul3A_2485, %add3A_2486 : i32
      %dma_start3A_2488 = arith.constant 1 : i32
      %dma_start3A_2489 = arith.constant 0 : i32
      %dma_start3A_2490 = arith.constant 0 : i32
      %dma_start3A_2491 = tpu.memref_slice %arg6[%dma_start3A_2488, %dma_start3A_2489, %dma_start3A_2490] : memref<3x200x128xf32, #tpu.memory_space<vmem>> -> memref<1x200x128xf32, #tpu.memory_space<vmem>>
      %dma_start3A_2492 = tpu.memref_squeeze %dma_start3A_2491 : memref<1x200x128xf32, #tpu.memory_space<vmem>> -> memref<200x128xf32, #tpu.memory_space<vmem>>
      %dma_start3A_2493 = arith.constant 150 : i32
      %dma_start3A_2494 = arith.constant 0 : i32
      %dma_start3A_2495 = tpu.memref_slice %dma_start3A_2492[%dma_start3A_2493, %dma_start3A_2494] : memref<200x128xf32, #tpu.memory_space<vmem>> -> memref<50x128xf32, #tpu.memory_space<vmem>>
      %dma_start3A_2496 = arith.constant 0 : i32
      %dma_start3A_2497 = tpu.memref_slice %arg5[%add3A_2487, %dma_start3A_2496] : memref<128x50xi32, #tpu.memory_space<vmem>> -> memref<1x50xi32, #tpu.memory_space<vmem>>
      %dma_start3A_2498 = tpu.memref_squeeze %dma_start3A_2497 : memref<1x50xi32, #tpu.memory_space<vmem>> -> memref<50xi32, #tpu.memory_space<vmem>>
      %dma_start3A_2499 = arith.constant 0 : i32
      %dma_start3A_2500 = arith.constant 0 : i32
      %dma_start3A_2501 = tpu.memref_slice %arg2[%dma_start3A_2499, %dma_start3A_2500] : memref<100000x128xf32, #tpu.memory_space<hbm>> -> memref<100000x128xf32, #tpu.memory_space<hbm>>
      tpu.enqueue_indirect_dma source(%dma_start3A_2501 : memref<100000x128xf32, #tpu.memory_space<hbm>>) target(%dma_start3A_2495 : memref<50x128xf32, #tpu.memory_space<vmem>>) offsets(%dma_start3A_2498 : memref<50xi32, #tpu.memory_space<vmem>>) semaphore(%arg8 : memref<!tpu.dma_semaphore, #tpu.memory_space<semaphore_mem>>)
      %dma_wait3A_2502 = arith.constant 2 : i32
      %dma_wait3A_2503 = arith.constant 0 : i32
      %dma_wait3A_2504 = arith.constant 0 : i32
      %dma_wait3A_2505 = arith.constant 0 : i32
      %dma_wait3A_2506 = tpu.memref_slice %arg6[%dma_wait3A_2502, %dma_wait3A_2504, %dma_wait3A_2505] : memref<3x200x128xf32, #tpu.memory_space<vmem>> -> memref<1x200x128xf32, #tpu.memory_space<vmem>>
      %dma_wait3A_2507 = tpu.memref_squeeze %dma_wait3A_2506 : memref<1x200x128xf32, #tpu.memory_space<vmem>> -> memref<200x128xf32, #tpu.memory_space<vmem>>
      %dma_wait3A_2508 = arith.constant 0 : i32
      %dma_wait3A_2509 = arith.constant 0 : i32
      %dma_wait3A_2510 = tpu.memref_slice %dma_wait3A_2507[%dma_wait3A_2508, %dma_wait3A_2509] : memref<200x128xf32, #tpu.memory_space<vmem>> -> memref<50x128xf32, #tpu.memory_space<vmem>>
      %dma_wait3A_2511 = arith.constant 0 : i32
      %dma_wait3A_2512 = arith.constant 0 : i32
      %dma_wait3A_2513 = tpu.memref_slice %arg4[%dma_wait3A_2503, %dma_wait3A_2511, %dma_wait3A_2512] : memref<4096x50x128xf32, #tpu.memory_space<hbm>> -> memref<1x50x128xf32, #tpu.memory_space<hbm>>
      %dma_wait3A_2514 = tpu.memref_squeeze %dma_wait3A_2513 : memref<1x50x128xf32, #tpu.memory_space<hbm>> -> memref<50x128xf32, #tpu.memory_space<hbm>>
      %dma_wait3A_2515 = arith.constant 0 : i32
      %dma_wait3A_2516 = arith.constant 0 : i32
      %dma_wait3A_2517 = tpu.memref_slice %arg4[%dma_wait3A_2503, %dma_wait3A_2515, %dma_wait3A_2516] : memref<4096x50x128xf32, #tpu.memory_space<hbm>> -> memref<1x50x128xf32, #tpu.memory_space<hbm>>
      %dma_wait3A_2518 = tpu.memref_squeeze %dma_wait3A_2517 : memref<1x50x128xf32, #tpu.memory_space<hbm>> -> memref<50x128xf32, #tpu.memory_space<hbm>>
      %dma_wait3A_2519 = arith.constant 0 : i32
      %dma_wait3A_2520 = arith.constant 0 : i32
      %dma_wait3A_2521 = tpu.memref_slice %arg6[%dma_wait3A_2502, %dma_wait3A_2519, %dma_wait3A_2520] : memref<3x200x128xf32, #tpu.memory_space<vmem>> -> memref<1x200x128xf32, #tpu.memory_space<vmem>>
      %dma_wait3A_2522 = tpu.memref_squeeze %dma_wait3A_2521 : memref<1x200x128xf32, #tpu.memory_space<vmem>> -> memref<200x128xf32, #tpu.memory_space<vmem>>
      %dma_wait3A_2523 = arith.constant 0 : i32
      %dma_wait3A_2524 = arith.constant 0 : i32
      %dma_wait3A_2525 = tpu.memref_slice %dma_wait3A_2522[%dma_wait3A_2523, %dma_wait3A_2524] : memref<200x128xf32, #tpu.memory_space<vmem>> -> memref<50x128xf32, #tpu.memory_space<vmem>>
      tpu.wait_dma2 semaphore(%arg12 : memref<!tpu.dma_semaphore, #tpu.memory_space<semaphore_mem>>) src(%dma_wait3A_2525 : memref<50x128xf32, #tpu.memory_space<vmem>>) dst(%dma_wait3A_2518 : memref<50x128xf32, #tpu.memory_space<hbm>>)
      %dma_wait3A_2526 = arith.constant 2 : i32
      %dma_wait3A_2527 = arith.constant 0 : i32
      %dma_wait3A_2528 = arith.constant 0 : i32
      %dma_wait3A_2529 = arith.constant 0 : i32
      %dma_wait3A_2530 = tpu.memref_slice %arg6[%dma_wait3A_2526, %dma_wait3A_2528, %dma_wait3A_2529] : memref<3x200x128xf32, #tpu.memory_space<vmem>> -> memref<1x200x128xf32, #tpu.memory_space<vmem>>
      %dma_wait3A_2531 = tpu.memref_squeeze %dma_wait3A_2530 : memref<1x200x128xf32, #tpu.memory_space<vmem>> -> memref<200x128xf32, #tpu.memory_space<vmem>>
      %dma_wait3A_2532 = arith.constant 0 : i32
      %dma_wait3A_2533 = arith.constant 0 : i32
      %dma_wait3A_2534 = tpu.memref_slice %dma_wait3A_2531[%dma_wait3A_2532, %dma_wait3A_2533] : memref<200x128xf32, #tpu.memory_space<vmem>> -> memref<50x128xf32, #tpu.memory_space<vmem>>
      %dma_wait3A_2535 = arith.constant 0 : i32
      %dma_wait3A_2536 = arith.constant 0 : i32
      %dma_wait3A_2537 = tpu.memref_slice %arg4[%dma_wait3A_2527, %dma_wait3A_2535, %dma_wait3A_2536] : memref<4096x50x128xf32, #tpu.memory_space<hbm>> -> memref<1x50x128xf32, #tpu.memory_space<hbm>>
      %dma_wait3A_2538 = tpu.memref_squeeze %dma_wait3A_2537 : memref<1x50x128xf32, #tpu.memory_space<hbm>> -> memref<50x128xf32, #tpu.memory_space<hbm>>
      %dma_wait3A_2539 = arith.constant 0 : i32
      %dma_wait3A_2540 = arith.constant 0 : i32
      %dma_wait3A_2541 = tpu.memref_slice %arg4[%dma_wait3A_2527, %dma_wait3A_2539, %dma_wait3A_2540] : memref<4096x50x128xf32, #tpu.memory_space<hbm>> -> memref<1x50x128xf32, #tpu.memory_space<hbm>>
      %dma_wait3A_2542 = tpu.memref_squeeze %dma_wait3A_2541 : memref<1x50x128xf32, #tpu.memory_space<hbm>> -> memref<50x128xf32, #tpu.memory_space<hbm>>
      %dma_wait3A_2543 = arith.constant 0 : i32
      %dma_wait3A_2544 = arith.constant 0 : i32
      %dma_wait3A_2545 = tpu.memref_slice %arg6[%dma_wait3A_2526, %dma_wait3A_2543, %dma_wait3A_2544] : memref<3x200x128xf32, #tpu.memory_space<vmem>> -> memref<1x200x128xf32, #tpu.memory_space<vmem>>
      %dma_wait3A_2546 = tpu.memref_squeeze %dma_wait3A_2545 : memref<1x200x128xf32, #tpu.memory_space<vmem>> -> memref<200x128xf32, #tpu.memory_space<vmem>>
      %dma_wait3A_2547 = arith.constant 0 : i32
      %dma_wait3A_2548 = arith.constant 0 : i32
      %dma_wait3A_2549 = tpu.memref_slice %dma_wait3A_2546[%dma_wait3A_2547, %dma_wait3A_2548] : memref<200x128xf32, #tpu.memory_space<vmem>> -> memref<50x128xf32, #tpu.memory_space<vmem>>
      tpu.wait_dma2 semaphore(%arg12 : memref<!tpu.dma_semaphore, #tpu.memory_space<semaphore_mem>>) src(%dma_wait3A_2549 : memref<50x128xf32, #tpu.memory_space<vmem>>) dst(%dma_wait3A_2542 : memref<50x128xf32, #tpu.memory_space<hbm>>)
      %dma_wait3A_2550 = arith.constant 2 : i32
      %dma_wait3A_2551 = arith.constant 0 : i32
      %dma_wait3A_2552 = arith.constant 0 : i32
      %dma_wait3A_2553 = arith.constant 0 : i32
      %dma_wait3A_2554 = tpu.memref_slice %arg6[%dma_wait3A_2550, %dma_wait3A_2552, %dma_wait3A_2553] : memref<3x200x128xf32, #tpu.memory_space<vmem>> -> memref<1x200x128xf32, #tpu.memory_space<vmem>>
      %dma_wait3A_2555 = tpu.memref_squeeze %dma_wait3A_2554 : memref<1x200x128xf32, #tpu.memory_space<vmem>> -> memref<200x128xf32, #tpu.memory_space<vmem>>
      %dma_wait3A_2556 = arith.constant 0 : i32
      %dma_wait3A_2557 = arith.constant 0 : i32
      %dma_wait3A_2558 = tpu.memref_slice %dma_wait3A_2555[%dma_wait3A_2556, %dma_wait3A_2557] : memref<200x128xf32, #tpu.memory_space<vmem>> -> memref<50x128xf32, #tpu.memory_space<vmem>>
      %dma_wait3A_2559 = arith.constant 0 : i32
      %dma_wait3A_2560 = arith.constant 0 : i32
      %dma_wait3A_2561 = tpu.memref_slice %arg4[%dma_wait3A_2551, %dma_wait3A_2559, %dma_wait3A_2560] : memref<4096x50x128xf32, #tpu.memory_space<hbm>> -> memref<1x50x128xf32, #tpu.memory_space<hbm>>
      %dma_wait3A_2562 = tpu.memref_squeeze %dma_wait3A_2561 : memref<1x50x128xf32, #tpu.memory_space<hbm>> -> memref<50x128xf32, #tpu.memory_space<hbm>>
      %dma_wait3A_2563 = arith.constant 0 : i32
      %dma_wait3A_2564 = arith.constant 0 : i32
      %dma_wait3A_2565 = tpu.memref_slice %arg4[%dma_wait3A_2551, %dma_wait3A_2563, %dma_wait3A_2564] : memref<4096x50x128xf32, #tpu.memory_space<hbm>> -> memref<1x50x128xf32, #tpu.memory_space<hbm>>
      %dma_wait3A_2566 = tpu.memref_squeeze %dma_wait3A_2565 : memref<1x50x128xf32, #tpu.memory_space<hbm>> -> memref<50x128xf32, #tpu.memory_space<hbm>>
      %dma_wait3A_2567 = arith.constant 0 : i32
      %dma_wait3A_2568 = arith.constant 0 : i32
      %dma_wait3A_2569 = tpu.memref_slice %arg6[%dma_wait3A_2550, %dma_wait3A_2567, %dma_wait3A_2568] : memref<3x200x128xf32, #tpu.memory_space<vmem>> -> memref<1x200x128xf32, #tpu.memory_space<vmem>>
      %dma_wait3A_2570 = tpu.memref_squeeze %dma_wait3A_2569 : memref<1x200x128xf32, #tpu.memory_space<vmem>> -> memref<200x128xf32, #tpu.memory_space<vmem>>
      %dma_wait3A_2571 = arith.constant 0 : i32
      %dma_wait3A_2572 = arith.constant 0 : i32
      %dma_wait3A_2573 = tpu.memref_slice %dma_wait3A_2570[%dma_wait3A_2571, %dma_wait3A_2572] : memref<200x128xf32, #tpu.memory_space<vmem>> -> memref<50x128xf32, #tpu.memory_space<vmem>>
      tpu.wait_dma2 semaphore(%arg12 : memref<!tpu.dma_semaphore, #tpu.memory_space<semaphore_mem>>) src(%dma_wait3A_2573 : memref<50x128xf32, #tpu.memory_space<vmem>>) dst(%dma_wait3A_2566 : memref<50x128xf32, #tpu.memory_space<hbm>>)
      %dma_wait3A_2574 = arith.constant 2 : i32
      %dma_wait3A_2575 = arith.constant 0 : i32
      %dma_wait3A_2576 = arith.constant 0 : i32
      %dma_wait3A_2577 = arith.constant 0 : i32
      %dma_wait3A_2578 = tpu.memref_slice %arg6[%dma_wait3A_2574, %dma_wait3A_2576, %dma_wait3A_2577] : memref<3x200x128xf32, #tpu.memory_space<vmem>> -> memref<1x200x128xf32, #tpu.memory_space<vmem>>
      %dma_wait3A_2579 = tpu.memref_squeeze %dma_wait3A_2578 : memref<1x200x128xf32, #tpu.memory_space<vmem>> -> memref<200x128xf32, #tpu.memory_space<vmem>>
      %dma_wait3A_2580 = arith.constant 0 : i32
      %dma_wait3A_2581 = arith.constant 0 : i32
      %dma_wait3A_2582 = tpu.memref_slice %dma_wait3A_2579[%dma_wait3A_2580, %dma_wait3A_2581] : memref<200x128xf32, #tpu.memory_space<vmem>> -> memref<50x128xf32, #tpu.memory_space<vmem>>
      %dma_wait3A_2583 = arith.constant 0 : i32
      %dma_wait3A_2584 = arith.constant 0 : i32
      %dma_wait3A_2585 = tpu.memref_slice %arg4[%dma_wait3A_2575, %dma_wait3A_2583, %dma_wait3A_2584] : memref<4096x50x128xf32, #tpu.memory_space<hbm>> -> memref<1x50x128xf32, #tpu.memory_space<hbm>>
      %dma_wait3A_2586 = tpu.memref_squeeze %dma_wait3A_2585 : memref<1x50x128xf32, #tpu.memory_space<hbm>> -> memref<50x128xf32, #tpu.memory_space<hbm>>
      %dma_wait3A_2587 = arith.constant 0 : i32
      %dma_wait3A_2588 = arith.constant 0 : i32
      %dma_wait3A_2589 = tpu.memref_slice %arg4[%dma_wait3A_2575, %dma_wait3A_2587, %dma_wait3A_2588] : memref<4096x50x128xf32, #tpu.memory_space<hbm>> -> memref<1x50x128xf32, #tpu.memory_space<hbm>>
      %dma_wait3A_2590 = tpu.memref_squeeze %dma_wait3A_2589 : memref<1x50x128xf32, #tpu.memory_space<hbm>> -> memref<50x128xf32, #tpu.memory_space<hbm>>
      %dma_wait3A_2591 = arith.constant 0 : i32
      %dma_wait3A_2592 = arith.constant 0 : i32
      %dma_wait3A_2593 = tpu.memref_slice %arg6[%dma_wait3A_2574, %dma_wait3A_2591, %dma_wait3A_2592] : memref<3x200x128xf32, #tpu.memory_space<vmem>> -> memref<1x200x128xf32, #tpu.memory_space<vmem>>
      %dma_wait3A_2594 = tpu.memref_squeeze %dma_wait3A_2593 : memref<1x200x128xf32, #tpu.memory_space<vmem>> -> memref<200x128xf32, #tpu.memory_space<vmem>>
      %dma_wait3A_2595 = arith.constant 0 : i32
      %dma_wait3A_2596 = arith.constant 0 : i32
      %dma_wait3A_2597 = tpu.memref_slice %dma_wait3A_2594[%dma_wait3A_2595, %dma_wait3A_2596] : memref<200x128xf32, #tpu.memory_space<vmem>> -> memref<50x128xf32, #tpu.memory_space<vmem>>
      tpu.wait_dma2 semaphore(%arg12 : memref<!tpu.dma_semaphore, #tpu.memory_space<semaphore_mem>>) src(%dma_wait3A_2597 : memref<50x128xf32, #tpu.memory_space<vmem>>) dst(%dma_wait3A_2590 : memref<50x128xf32, #tpu.memory_space<hbm>>)
      %mul3A_2598 = arith.constant 3 : i32
      %mul3A_2599 = arith.muli %scan3A_1625, %mul3A_2598 : i32
      %add3A_2600 = arith.constant 2 : i32
      %add3A_2601 = arith.addi %mul3A_2599, %add3A_2600 : i32
      %add3A_2602 = arith.constant 3 : i32
      %add3A_2603 = arith.addi %add3A_2601, %add3A_2602 : i32
      %mul3A_2604 = arith.constant 4 : i32
      %mul3A_2605 = arith.muli %add3A_2603, %mul3A_2604 : i32
      %add3A_2606 = arith.constant 0 : i32
      %add3A_2607 = arith.addi %mul3A_2605, %add3A_2606 : i32
      %dma_start3A_2608 = arith.constant 2 : i32
      %dma_start3A_2609 = arith.constant 0 : i32
      %dma_start3A_2610 = arith.constant 0 : i32
      %dma_start3A_2611 = tpu.memref_slice %arg6[%dma_start3A_2608, %dma_start3A_2609, %dma_start3A_2610] : memref<3x200x128xf32, #tpu.memory_space<vmem>> -> memref<1x200x128xf32, #tpu.memory_space<vmem>>
      %dma_start3A_2612 = tpu.memref_squeeze %dma_start3A_2611 : memref<1x200x128xf32, #tpu.memory_space<vmem>> -> memref<200x128xf32, #tpu.memory_space<vmem>>
      %dma_start3A_2613 = arith.constant 0 : i32
      %dma_start3A_2614 = arith.constant 0 : i32
      %dma_start3A_2615 = tpu.memref_slice %dma_start3A_2612[%dma_start3A_2613, %dma_start3A_2614] : memref<200x128xf32, #tpu.memory_space<vmem>> -> memref<50x128xf32, #tpu.memory_space<vmem>>
      %dma_start3A_2616 = arith.constant 0 : i32
      %dma_start3A_2617 = tpu.memref_slice %arg5[%add3A_2607, %dma_start3A_2616] : memref<128x50xi32, #tpu.memory_space<vmem>> -> memref<1x50xi32, #tpu.memory_space<vmem>>
      %dma_start3A_2618 = tpu.memref_squeeze %dma_start3A_2617 : memref<1x50xi32, #tpu.memory_space<vmem>> -> memref<50xi32, #tpu.memory_space<vmem>>
      %dma_start3A_2619 = arith.constant 0 : i32
      %dma_start3A_2620 = arith.constant 0 : i32
      %dma_start3A_2621 = tpu.memref_slice %arg2[%dma_start3A_2619, %dma_start3A_2620] : memref<100000x128xf32, #tpu.memory_space<hbm>> -> memref<100000x128xf32, #tpu.memory_space<hbm>>
      tpu.enqueue_indirect_dma source(%dma_start3A_2621 : memref<100000x128xf32, #tpu.memory_space<hbm>>) target(%dma_start3A_2615 : memref<50x128xf32, #tpu.memory_space<vmem>>) offsets(%dma_start3A_2618 : memref<50xi32, #tpu.memory_space<vmem>>) semaphore(%arg9 : memref<!tpu.dma_semaphore, #tpu.memory_space<semaphore_mem>>)
      %mul3A_2622 = arith.constant 4 : i32
      %mul3A_2623 = arith.muli %add3A_2603, %mul3A_2622 : i32
      %add3A_2624 = arith.constant 1 : i32
      %add3A_2625 = arith.addi %mul3A_2623, %add3A_2624 : i32
      %dma_start3A_2626 = arith.constant 2 : i32
      %dma_start3A_2627 = arith.constant 0 : i32
      %dma_start3A_2628 = arith.constant 0 : i32
      %dma_start3A_2629 = tpu.memref_slice %arg6[%dma_start3A_2626, %dma_start3A_2627, %dma_start3A_2628] : memref<3x200x128xf32, #tpu.memory_space<vmem>> -> memref<1x200x128xf32, #tpu.memory_space<vmem>>
      %dma_start3A_2630 = tpu.memref_squeeze %dma_start3A_2629 : memref<1x200x128xf32, #tpu.memory_space<vmem>> -> memref<200x128xf32, #tpu.memory_space<vmem>>
      %dma_start3A_2631 = arith.constant 50 : i32
      %dma_start3A_2632 = arith.constant 0 : i32
      %dma_start3A_2633 = tpu.memref_slice %dma_start3A_2630[%dma_start3A_2631, %dma_start3A_2632] : memref<200x128xf32, #tpu.memory_space<vmem>> -> memref<50x128xf32, #tpu.memory_space<vmem>>
      %dma_start3A_2634 = arith.constant 0 : i32
      %dma_start3A_2635 = tpu.memref_slice %arg5[%add3A_2625, %dma_start3A_2634] : memref<128x50xi32, #tpu.memory_space<vmem>> -> memref<1x50xi32, #tpu.memory_space<vmem>>
      %dma_start3A_2636 = tpu.memref_squeeze %dma_start3A_2635 : memref<1x50xi32, #tpu.memory_space<vmem>> -> memref<50xi32, #tpu.memory_space<vmem>>
      %dma_start3A_2637 = arith.constant 0 : i32
      %dma_start3A_2638 = arith.constant 0 : i32
      %dma_start3A_2639 = tpu.memref_slice %arg2[%dma_start3A_2637, %dma_start3A_2638] : memref<100000x128xf32, #tpu.memory_space<hbm>> -> memref<100000x128xf32, #tpu.memory_space<hbm>>
      tpu.enqueue_indirect_dma source(%dma_start3A_2639 : memref<100000x128xf32, #tpu.memory_space<hbm>>) target(%dma_start3A_2633 : memref<50x128xf32, #tpu.memory_space<vmem>>) offsets(%dma_start3A_2636 : memref<50xi32, #tpu.memory_space<vmem>>) semaphore(%arg9 : memref<!tpu.dma_semaphore, #tpu.memory_space<semaphore_mem>>)
      %mul3A_2640 = arith.constant 4 : i32
      %mul3A_2641 = arith.muli %add3A_2603, %mul3A_2640 : i32
      %add3A_2642 = arith.constant 2 : i32
      %add3A_2643 = arith.addi %mul3A_2641, %add3A_2642 : i32
      %dma_start3A_2644 = arith.constant 2 : i32
      %dma_start3A_2645 = arith.constant 0 : i32
      %dma_start3A_2646 = arith.constant 0 : i32
      %dma_start3A_2647 = tpu.memref_slice %arg6[%dma_start3A_2644, %dma_start3A_2645, %dma_start3A_2646] : memref<3x200x128xf32, #tpu.memory_space<vmem>> -> memref<1x200x128xf32, #tpu.memory_space<vmem>>
      %dma_start3A_2648 = tpu.memref_squeeze %dma_start3A_2647 : memref<1x200x128xf32, #tpu.memory_space<vmem>> -> memref<200x128xf32, #tpu.memory_space<vmem>>
      %dma_start3A_2649 = arith.constant 100 : i32
      %dma_start3A_2650 = arith.constant 0 : i32
      %dma_start3A_2651 = tpu.memref_slice %dma_start3A_2648[%dma_start3A_2649, %dma_start3A_2650] : memref<200x128xf32, #tpu.memory_space<vmem>> -> memref<50x128xf32, #tpu.memory_space<vmem>>
      %dma_start3A_2652 = arith.constant 0 : i32
      %dma_start3A_2653 = tpu.memref_slice %arg5[%add3A_2643, %dma_start3A_2652] : memref<128x50xi32, #tpu.memory_space<vmem>> -> memref<1x50xi32, #tpu.memory_space<vmem>>
      %dma_start3A_2654 = tpu.memref_squeeze %dma_start3A_2653 : memref<1x50xi32, #tpu.memory_space<vmem>> -> memref<50xi32, #tpu.memory_space<vmem>>
      %dma_start3A_2655 = arith.constant 0 : i32
      %dma_start3A_2656 = arith.constant 0 : i32
      %dma_start3A_2657 = tpu.memref_slice %arg2[%dma_start3A_2655, %dma_start3A_2656] : memref<100000x128xf32, #tpu.memory_space<hbm>> -> memref<100000x128xf32, #tpu.memory_space<hbm>>
      tpu.enqueue_indirect_dma source(%dma_start3A_2657 : memref<100000x128xf32, #tpu.memory_space<hbm>>) target(%dma_start3A_2651 : memref<50x128xf32, #tpu.memory_space<vmem>>) offsets(%dma_start3A_2654 : memref<50xi32, #tpu.memory_space<vmem>>) semaphore(%arg9 : memref<!tpu.dma_semaphore, #tpu.memory_space<semaphore_mem>>)
      %mul3A_2658 = arith.constant 4 : i32
      %mul3A_2659 = arith.muli %add3A_2603, %mul3A_2658 : i32
      %add3A_2660 = arith.constant 3 : i32
      %add3A_2661 = arith.addi %mul3A_2659, %add3A_2660 : i32
      %dma_start3A_2662 = arith.constant 2 : i32
      %dma_start3A_2663 = arith.constant 0 : i32
      %dma_start3A_2664 = arith.constant 0 : i32
      %dma_start3A_2665 = tpu.memref_slice %arg6[%dma_start3A_2662, %dma_start3A_2663, %dma_start3A_2664] : memref<3x200x128xf32, #tpu.memory_space<vmem>> -> memref<1x200x128xf32, #tpu.memory_space<vmem>>
      %dma_start3A_2666 = tpu.memref_squeeze %dma_start3A_2665 : memref<1x200x128xf32, #tpu.memory_space<vmem>> -> memref<200x128xf32, #tpu.memory_space<vmem>>
      %dma_start3A_2667 = arith.constant 150 : i32
      %dma_start3A_2668 = arith.constant 0 : i32
      %dma_start3A_2669 = tpu.memref_slice %dma_start3A_2666[%dma_start3A_2667, %dma_start3A_2668] : memref<200x128xf32, #tpu.memory_space<vmem>> -> memref<50x128xf32, #tpu.memory_space<vmem>>
      %dma_start3A_2670 = arith.constant 0 : i32
      %dma_start3A_2671 = tpu.memref_slice %arg5[%add3A_2661, %dma_start3A_2670] : memref<128x50xi32, #tpu.memory_space<vmem>> -> memref<1x50xi32, #tpu.memory_space<vmem>>
      %dma_start3A_2672 = tpu.memref_squeeze %dma_start3A_2671 : memref<1x50xi32, #tpu.memory_space<vmem>> -> memref<50xi32, #tpu.memory_space<vmem>>
      %dma_start3A_2673 = arith.constant 0 : i32
      %dma_start3A_2674 = arith.constant 0 : i32
      %dma_start3A_2675 = tpu.memref_slice %arg2[%dma_start3A_2673, %dma_start3A_2674] : memref<100000x128xf32, #tpu.memory_space<hbm>> -> memref<100000x128xf32, #tpu.memory_space<hbm>>
      tpu.enqueue_indirect_dma source(%dma_start3A_2675 : memref<100000x128xf32, #tpu.memory_space<hbm>>) target(%dma_start3A_2669 : memref<50x128xf32, #tpu.memory_space<vmem>>) offsets(%dma_start3A_2672 : memref<50xi32, #tpu.memory_space<vmem>>) semaphore(%arg9 : memref<!tpu.dma_semaphore, #tpu.memory_space<semaphore_mem>>)
    }
    %scan3A_185 = arith.constant 9 : i32
    %dma_wait3A = arith.constant 0 : i32
    %dma_wait3A_186 = arith.constant 0 : i32
    %dma_wait3A_187 = arith.constant 0 : i32
    %dma_wait3A_188 = arith.constant 0 : i32
    %dma_wait3A_189 = tpu.memref_slice %arg6[%dma_wait3A_186, %dma_wait3A_187, %dma_wait3A_188] : memref<3x200x128xf32, #tpu.memory_space<vmem>> -> memref<1x200x128xf32, #tpu.memory_space<vmem>>
    %dma_wait3A_190 = tpu.memref_squeeze %dma_wait3A_189 : memref<1x200x128xf32, #tpu.memory_space<vmem>> -> memref<200x128xf32, #tpu.memory_space<vmem>>
    %dma_wait3A_191 = arith.constant 0 : i32
    %dma_wait3A_192 = arith.constant 0 : i32
    %dma_wait3A_193 = tpu.memref_slice %dma_wait3A_190[%dma_wait3A_191, %dma_wait3A_192] : memref<200x128xf32, #tpu.memory_space<vmem>> -> memref<50x128xf32, #tpu.memory_space<vmem>>
    %dma_wait3A_194 = arith.constant 0 : i32
    %dma_wait3A_195 = tpu.memref_slice %arg5[%dma_wait3A, %dma_wait3A_194] : memref<128x50xi32, #tpu.memory_space<vmem>> -> memref<1x50xi32, #tpu.memory_space<vmem>>
    %dma_wait3A_196 = tpu.memref_squeeze %dma_wait3A_195 : memref<1x50xi32, #tpu.memory_space<vmem>> -> memref<50xi32, #tpu.memory_space<vmem>>
    %dma_wait3A_197 = arith.constant 0 : i32
    %dma_wait3A_198 = arith.constant 0 : i32
    %dma_wait3A_199 = tpu.memref_slice %arg2[%dma_wait3A_197, %dma_wait3A_198] : memref<100000x128xf32, #tpu.memory_space<hbm>> -> memref<100000x128xf32, #tpu.memory_space<hbm>>
    tpu.wait_indirect_dma semaphore(%arg7 : memref<!tpu.dma_semaphore, #tpu.memory_space<semaphore_mem>>) src(%dma_wait3A_199 : memref<100000x128xf32, #tpu.memory_space<hbm>>) dst(%dma_wait3A_193 : memref<50x128xf32, #tpu.memory_space<vmem>>)
    %dma_wait3A_200 = arith.constant 0 : i32
    %dma_wait3A_201 = arith.constant 0 : i32
    %dma_wait3A_202 = arith.constant 0 : i32
    %dma_wait3A_203 = arith.constant 0 : i32
    %dma_wait3A_204 = tpu.memref_slice %arg6[%dma_wait3A_201, %dma_wait3A_202, %dma_wait3A_203] : memref<3x200x128xf32, #tpu.memory_space<vmem>> -> memref<1x200x128xf32, #tpu.memory_space<vmem>>
    %dma_wait3A_205 = tpu.memref_squeeze %dma_wait3A_204 : memref<1x200x128xf32, #tpu.memory_space<vmem>> -> memref<200x128xf32, #tpu.memory_space<vmem>>
    %dma_wait3A_206 = arith.constant 0 : i32
    %dma_wait3A_207 = arith.constant 0 : i32
    %dma_wait3A_208 = tpu.memref_slice %dma_wait3A_205[%dma_wait3A_206, %dma_wait3A_207] : memref<200x128xf32, #tpu.memory_space<vmem>> -> memref<50x128xf32, #tpu.memory_space<vmem>>
    %dma_wait3A_209 = arith.constant 0 : i32
    %dma_wait3A_210 = tpu.memref_slice %arg5[%dma_wait3A_200, %dma_wait3A_209] : memref<128x50xi32, #tpu.memory_space<vmem>> -> memref<1x50xi32, #tpu.memory_space<vmem>>
    %dma_wait3A_211 = tpu.memref_squeeze %dma_wait3A_210 : memref<1x50xi32, #tpu.memory_space<vmem>> -> memref<50xi32, #tpu.memory_space<vmem>>
    %dma_wait3A_212 = arith.constant 0 : i32
    %dma_wait3A_213 = arith.constant 0 : i32
    %dma_wait3A_214 = tpu.memref_slice %arg2[%dma_wait3A_212, %dma_wait3A_213] : memref<100000x128xf32, #tpu.memory_space<hbm>> -> memref<100000x128xf32, #tpu.memory_space<hbm>>
    tpu.wait_indirect_dma semaphore(%arg7 : memref<!tpu.dma_semaphore, #tpu.memory_space<semaphore_mem>>) src(%dma_wait3A_214 : memref<100000x128xf32, #tpu.memory_space<hbm>>) dst(%dma_wait3A_208 : memref<50x128xf32, #tpu.memory_space<vmem>>)
    %dma_wait3A_215 = arith.constant 0 : i32
    %dma_wait3A_216 = arith.constant 0 : i32
    %dma_wait3A_217 = arith.constant 0 : i32
    %dma_wait3A_218 = arith.constant 0 : i32
    %dma_wait3A_219 = tpu.memref_slice %arg6[%dma_wait3A_216, %dma_wait3A_217, %dma_wait3A_218] : memref<3x200x128xf32, #tpu.memory_space<vmem>> -> memref<1x200x128xf32, #tpu.memory_space<vmem>>
    %dma_wait3A_220 = tpu.memref_squeeze %dma_wait3A_219 : memref<1x200x128xf32, #tpu.memory_space<vmem>> -> memref<200x128xf32, #tpu.memory_space<vmem>>
    %dma_wait3A_221 = arith.constant 0 : i32
    %dma_wait3A_222 = arith.constant 0 : i32
    %dma_wait3A_223 = tpu.memref_slice %dma_wait3A_220[%dma_wait3A_221, %dma_wait3A_222] : memref<200x128xf32, #tpu.memory_space<vmem>> -> memref<50x128xf32, #tpu.memory_space<vmem>>
    %dma_wait3A_224 = arith.constant 0 : i32
    %dma_wait3A_225 = tpu.memref_slice %arg5[%dma_wait3A_215, %dma_wait3A_224] : memref<128x50xi32, #tpu.memory_space<vmem>> -> memref<1x50xi32, #tpu.memory_space<vmem>>
    %dma_wait3A_226 = tpu.memref_squeeze %dma_wait3A_225 : memref<1x50xi32, #tpu.memory_space<vmem>> -> memref<50xi32, #tpu.memory_space<vmem>>
    %dma_wait3A_227 = arith.constant 0 : i32
    %dma_wait3A_228 = arith.constant 0 : i32
    %dma_wait3A_229 = tpu.memref_slice %arg2[%dma_wait3A_227, %dma_wait3A_228] : memref<100000x128xf32, #tpu.memory_space<hbm>> -> memref<100000x128xf32, #tpu.memory_space<hbm>>
    tpu.wait_indirect_dma semaphore(%arg7 : memref<!tpu.dma_semaphore, #tpu.memory_space<semaphore_mem>>) src(%dma_wait3A_229 : memref<100000x128xf32, #tpu.memory_space<hbm>>) dst(%dma_wait3A_223 : memref<50x128xf32, #tpu.memory_space<vmem>>)
    %dma_wait3A_230 = arith.constant 0 : i32
    %dma_wait3A_231 = arith.constant 0 : i32
    %dma_wait3A_232 = arith.constant 0 : i32
    %dma_wait3A_233 = arith.constant 0 : i32
    %dma_wait3A_234 = tpu.memref_slice %arg6[%dma_wait3A_231, %dma_wait3A_232, %dma_wait3A_233] : memref<3x200x128xf32, #tpu.memory_space<vmem>> -> memref<1x200x128xf32, #tpu.memory_space<vmem>>
    %dma_wait3A_235 = tpu.memref_squeeze %dma_wait3A_234 : memref<1x200x128xf32, #tpu.memory_space<vmem>> -> memref<200x128xf32, #tpu.memory_space<vmem>>
    %dma_wait3A_236 = arith.constant 0 : i32
    %dma_wait3A_237 = arith.constant 0 : i32
    %dma_wait3A_238 = tpu.memref_slice %dma_wait3A_235[%dma_wait3A_236, %dma_wait3A_237] : memref<200x128xf32, #tpu.memory_space<vmem>> -> memref<50x128xf32, #tpu.memory_space<vmem>>
    %dma_wait3A_239 = arith.constant 0 : i32
    %dma_wait3A_240 = tpu.memref_slice %arg5[%dma_wait3A_230, %dma_wait3A_239] : memref<128x50xi32, #tpu.memory_space<vmem>> -> memref<1x50xi32, #tpu.memory_space<vmem>>
    %dma_wait3A_241 = tpu.memref_squeeze %dma_wait3A_240 : memref<1x50xi32, #tpu.memory_space<vmem>> -> memref<50xi32, #tpu.memory_space<vmem>>
    %dma_wait3A_242 = arith.constant 0 : i32
    %dma_wait3A_243 = arith.constant 0 : i32
    %dma_wait3A_244 = tpu.memref_slice %arg2[%dma_wait3A_242, %dma_wait3A_243] : memref<100000x128xf32, #tpu.memory_space<hbm>> -> memref<100000x128xf32, #tpu.memory_space<hbm>>
    tpu.wait_indirect_dma semaphore(%arg7 : memref<!tpu.dma_semaphore, #tpu.memory_space<semaphore_mem>>) src(%dma_wait3A_244 : memref<100000x128xf32, #tpu.memory_space<hbm>>) dst(%dma_wait3A_238 : memref<50x128xf32, #tpu.memory_space<vmem>>)
    %add3A_245 = arith.constant 108 : i32
    %add3A_246 = arith.addi %mul3A_2, %add3A_245 : i32
    %add3A_247 = arith.constant 0 : i32
    %add3A_248 = arith.addi %add3A_246, %add3A_247 : i32
    %dma_start3A_249 = arith.constant 0 : i32
    %dma_start3A_250 = arith.constant 0 : i32
    %dma_start3A_251 = arith.constant 0 : i32
    %dma_start3A_252 = tpu.memref_slice %arg6[%dma_start3A_249, %dma_start3A_250, %dma_start3A_251] : memref<3x200x128xf32, #tpu.memory_space<vmem>> -> memref<1x200x128xf32, #tpu.memory_space<vmem>>
    %dma_start3A_253 = tpu.memref_squeeze %dma_start3A_252 : memref<1x200x128xf32, #tpu.memory_space<vmem>> -> memref<200x128xf32, #tpu.memory_space<vmem>>
    %dma_start3A_254 = arith.constant 0 : i32
    %dma_start3A_255 = arith.constant 0 : i32
    %dma_start3A_256 = tpu.memref_slice %dma_start3A_253[%dma_start3A_254, %dma_start3A_255] : memref<200x128xf32, #tpu.memory_space<vmem>> -> memref<50x128xf32, #tpu.memory_space<vmem>>
    %dma_start3A_257 = arith.constant 0 : i32
    %dma_start3A_258 = arith.constant 0 : i32
    %dma_start3A_259 = tpu.memref_slice %arg4[%add3A_248, %dma_start3A_257, %dma_start3A_258] : memref<4096x50x128xf32, #tpu.memory_space<hbm>> -> memref<1x50x128xf32, #tpu.memory_space<hbm>>
    %dma_start3A_260 = tpu.memref_squeeze %dma_start3A_259 : memref<1x50x128xf32, #tpu.memory_space<hbm>> -> memref<50x128xf32, #tpu.memory_space<hbm>>
    %dma_start3A_261 = arith.constant 0 : i32
    %dma_start3A_262 = arith.constant 0 : i32
    %dma_start3A_263 = tpu.memref_slice %arg4[%add3A_248, %dma_start3A_261, %dma_start3A_262] : memref<4096x50x128xf32, #tpu.memory_space<hbm>> -> memref<1x50x128xf32, #tpu.memory_space<hbm>>
    %dma_start3A_264 = tpu.memref_squeeze %dma_start3A_263 : memref<1x50x128xf32, #tpu.memory_space<hbm>> -> memref<50x128xf32, #tpu.memory_space<hbm>>
    %dma_start3A_265 = arith.constant 0 : i32
    %dma_start3A_266 = arith.constant 0 : i32
    %dma_start3A_267 = tpu.memref_slice %arg6[%dma_start3A_249, %dma_start3A_265, %dma_start3A_266] : memref<3x200x128xf32, #tpu.memory_space<vmem>> -> memref<1x200x128xf32, #tpu.memory_space<vmem>>
    %dma_start3A_268 = tpu.memref_squeeze %dma_start3A_267 : memref<1x200x128xf32, #tpu.memory_space<vmem>> -> memref<200x128xf32, #tpu.memory_space<vmem>>
    %dma_start3A_269 = arith.constant 0 : i32
    %dma_start3A_270 = arith.constant 0 : i32
    %dma_start3A_271 = tpu.memref_slice %dma_start3A_268[%dma_start3A_269, %dma_start3A_270] : memref<200x128xf32, #tpu.memory_space<vmem>> -> memref<50x128xf32, #tpu.memory_space<vmem>>
    tpu.enqueue_dma source(%dma_start3A_271 : memref<50x128xf32, #tpu.memory_space<vmem>>) target(%dma_start3A_264 : memref<50x128xf32, #tpu.memory_space<hbm>>) target_semaphore(%arg10 : memref<!tpu.dma_semaphore, #tpu.memory_space<semaphore_mem>>)
    %add3A_272 = arith.constant 108 : i32
    %add3A_273 = arith.addi %mul3A_2, %add3A_272 : i32
    %add3A_274 = arith.constant 1 : i32
    %add3A_275 = arith.addi %add3A_273, %add3A_274 : i32
    %dma_start3A_276 = arith.constant 0 : i32
    %dma_start3A_277 = arith.constant 0 : i32
    %dma_start3A_278 = arith.constant 0 : i32
    %dma_start3A_279 = tpu.memref_slice %arg6[%dma_start3A_276, %dma_start3A_277, %dma_start3A_278] : memref<3x200x128xf32, #tpu.memory_space<vmem>> -> memref<1x200x128xf32, #tpu.memory_space<vmem>>
    %dma_start3A_280 = tpu.memref_squeeze %dma_start3A_279 : memref<1x200x128xf32, #tpu.memory_space<vmem>> -> memref<200x128xf32, #tpu.memory_space<vmem>>
    %dma_start3A_281 = arith.constant 50 : i32
    %dma_start3A_282 = arith.constant 0 : i32
    %dma_start3A_283 = tpu.memref_slice %dma_start3A_280[%dma_start3A_281, %dma_start3A_282] : memref<200x128xf32, #tpu.memory_space<vmem>> -> memref<50x128xf32, #tpu.memory_space<vmem>>
    %dma_start3A_284 = arith.constant 0 : i32
    %dma_start3A_285 = arith.constant 0 : i32
    %dma_start3A_286 = tpu.memref_slice %arg4[%add3A_275, %dma_start3A_284, %dma_start3A_285] : memref<4096x50x128xf32, #tpu.memory_space<hbm>> -> memref<1x50x128xf32, #tpu.memory_space<hbm>>
    %dma_start3A_287 = tpu.memref_squeeze %dma_start3A_286 : memref<1x50x128xf32, #tpu.memory_space<hbm>> -> memref<50x128xf32, #tpu.memory_space<hbm>>
    %dma_start3A_288 = arith.constant 0 : i32
    %dma_start3A_289 = arith.constant 0 : i32
    %dma_start3A_290 = tpu.memref_slice %arg4[%add3A_275, %dma_start3A_288, %dma_start3A_289] : memref<4096x50x128xf32, #tpu.memory_space<hbm>> -> memref<1x50x128xf32, #tpu.memory_space<hbm>>
    %dma_start3A_291 = tpu.memref_squeeze %dma_start3A_290 : memref<1x50x128xf32, #tpu.memory_space<hbm>> -> memref<50x128xf32, #tpu.memory_space<hbm>>
    %dma_start3A_292 = arith.constant 0 : i32
    %dma_start3A_293 = arith.constant 0 : i32
    %dma_start3A_294 = tpu.memref_slice %arg6[%dma_start3A_276, %dma_start3A_292, %dma_start3A_293] : memref<3x200x128xf32, #tpu.memory_space<vmem>> -> memref<1x200x128xf32, #tpu.memory_space<vmem>>
    %dma_start3A_295 = tpu.memref_squeeze %dma_start3A_294 : memref<1x200x128xf32, #tpu.memory_space<vmem>> -> memref<200x128xf32, #tpu.memory_space<vmem>>
    %dma_start3A_296 = arith.constant 50 : i32
    %dma_start3A_297 = arith.constant 0 : i32
    %dma_start3A_298 = tpu.memref_slice %dma_start3A_295[%dma_start3A_296, %dma_start3A_297] : memref<200x128xf32, #tpu.memory_space<vmem>> -> memref<50x128xf32, #tpu.memory_space<vmem>>
    tpu.enqueue_dma source(%dma_start3A_298 : memref<50x128xf32, #tpu.memory_space<vmem>>) target(%dma_start3A_291 : memref<50x128xf32, #tpu.memory_space<hbm>>) target_semaphore(%arg10 : memref<!tpu.dma_semaphore, #tpu.memory_space<semaphore_mem>>)
    %add3A_299 = arith.constant 108 : i32
    %add3A_300 = arith.addi %mul3A_2, %add3A_299 : i32
    %add3A_301 = arith.constant 2 : i32
    %add3A_302 = arith.addi %add3A_300, %add3A_301 : i32
    %dma_start3A_303 = arith.constant 0 : i32
    %dma_start3A_304 = arith.constant 0 : i32
    %dma_start3A_305 = arith.constant 0 : i32
    %dma_start3A_306 = tpu.memref_slice %arg6[%dma_start3A_303, %dma_start3A_304, %dma_start3A_305] : memref<3x200x128xf32, #tpu.memory_space<vmem>> -> memref<1x200x128xf32, #tpu.memory_space<vmem>>
    %dma_start3A_307 = tpu.memref_squeeze %dma_start3A_306 : memref<1x200x128xf32, #tpu.memory_space<vmem>> -> memref<200x128xf32, #tpu.memory_space<vmem>>
    %dma_start3A_308 = arith.constant 100 : i32
    %dma_start3A_309 = arith.constant 0 : i32
    %dma_start3A_310 = tpu.memref_slice %dma_start3A_307[%dma_start3A_308, %dma_start3A_309] : memref<200x128xf32, #tpu.memory_space<vmem>> -> memref<50x128xf32, #tpu.memory_space<vmem>>
    %dma_start3A_311 = arith.constant 0 : i32
    %dma_start3A_312 = arith.constant 0 : i32
    %dma_start3A_313 = tpu.memref_slice %arg4[%add3A_302, %dma_start3A_311, %dma_start3A_312] : memref<4096x50x128xf32, #tpu.memory_space<hbm>> -> memref<1x50x128xf32, #tpu.memory_space<hbm>>
    %dma_start3A_314 = tpu.memref_squeeze %dma_start3A_313 : memref<1x50x128xf32, #tpu.memory_space<hbm>> -> memref<50x128xf32, #tpu.memory_space<hbm>>
    %dma_start3A_315 = arith.constant 0 : i32
    %dma_start3A_316 = arith.constant 0 : i32
    %dma_start3A_317 = tpu.memref_slice %arg4[%add3A_302, %dma_start3A_315, %dma_start3A_316] : memref<4096x50x128xf32, #tpu.memory_space<hbm>> -> memref<1x50x128xf32, #tpu.memory_space<hbm>>
    %dma_start3A_318 = tpu.memref_squeeze %dma_start3A_317 : memref<1x50x128xf32, #tpu.memory_space<hbm>> -> memref<50x128xf32, #tpu.memory_space<hbm>>
    %dma_start3A_319 = arith.constant 0 : i32
    %dma_start3A_320 = arith.constant 0 : i32
    %dma_start3A_321 = tpu.memref_slice %arg6[%dma_start3A_303, %dma_start3A_319, %dma_start3A_320] : memref<3x200x128xf32, #tpu.memory_space<vmem>> -> memref<1x200x128xf32, #tpu.memory_space<vmem>>
    %dma_start3A_322 = tpu.memref_squeeze %dma_start3A_321 : memref<1x200x128xf32, #tpu.memory_space<vmem>> -> memref<200x128xf32, #tpu.memory_space<vmem>>
    %dma_start3A_323 = arith.constant 100 : i32
    %dma_start3A_324 = arith.constant 0 : i32
    %dma_start3A_325 = tpu.memref_slice %dma_start3A_322[%dma_start3A_323, %dma_start3A_324] : memref<200x128xf32, #tpu.memory_space<vmem>> -> memref<50x128xf32, #tpu.memory_space<vmem>>
    tpu.enqueue_dma source(%dma_start3A_325 : memref<50x128xf32, #tpu.memory_space<vmem>>) target(%dma_start3A_318 : memref<50x128xf32, #tpu.memory_space<hbm>>) target_semaphore(%arg10 : memref<!tpu.dma_semaphore, #tpu.memory_space<semaphore_mem>>)
    %add3A_326 = arith.constant 108 : i32
    %add3A_327 = arith.addi %mul3A_2, %add3A_326 : i32
    %add3A_328 = arith.constant 3 : i32
    %add3A_329 = arith.addi %add3A_327, %add3A_328 : i32
    %dma_start3A_330 = arith.constant 0 : i32
    %dma_start3A_331 = arith.constant 0 : i32
    %dma_start3A_332 = arith.constant 0 : i32
    %dma_start3A_333 = tpu.memref_slice %arg6[%dma_start3A_330, %dma_start3A_331, %dma_start3A_332] : memref<3x200x128xf32, #tpu.memory_space<vmem>> -> memref<1x200x128xf32, #tpu.memory_space<vmem>>
    %dma_start3A_334 = tpu.memref_squeeze %dma_start3A_333 : memref<1x200x128xf32, #tpu.memory_space<vmem>> -> memref<200x128xf32, #tpu.memory_space<vmem>>
    %dma_start3A_335 = arith.constant 150 : i32
    %dma_start3A_336 = arith.constant 0 : i32
    %dma_start3A_337 = tpu.memref_slice %dma_start3A_334[%dma_start3A_335, %dma_start3A_336] : memref<200x128xf32, #tpu.memory_space<vmem>> -> memref<50x128xf32, #tpu.memory_space<vmem>>
    %dma_start3A_338 = arith.constant 0 : i32
    %dma_start3A_339 = arith.constant 0 : i32
    %dma_start3A_340 = tpu.memref_slice %arg4[%add3A_329, %dma_start3A_338, %dma_start3A_339] : memref<4096x50x128xf32, #tpu.memory_space<hbm>> -> memref<1x50x128xf32, #tpu.memory_space<hbm>>
    %dma_start3A_341 = tpu.memref_squeeze %dma_start3A_340 : memref<1x50x128xf32, #tpu.memory_space<hbm>> -> memref<50x128xf32, #tpu.memory_space<hbm>>
    %dma_start3A_342 = arith.constant 0 : i32
    %dma_start3A_343 = arith.constant 0 : i32
    %dma_start3A_344 = tpu.memref_slice %arg4[%add3A_329, %dma_start3A_342, %dma_start3A_343] : memref<4096x50x128xf32, #tpu.memory_space<hbm>> -> memref<1x50x128xf32, #tpu.memory_space<hbm>>
    %dma_start3A_345 = tpu.memref_squeeze %dma_start3A_344 : memref<1x50x128xf32, #tpu.memory_space<hbm>> -> memref<50x128xf32, #tpu.memory_space<hbm>>
    %dma_start3A_346 = arith.constant 0 : i32
    %dma_start3A_347 = arith.constant 0 : i32
    %dma_start3A_348 = tpu.memref_slice %arg6[%dma_start3A_330, %dma_start3A_346, %dma_start3A_347] : memref<3x200x128xf32, #tpu.memory_space<vmem>> -> memref<1x200x128xf32, #tpu.memory_space<vmem>>
    %dma_start3A_349 = tpu.memref_squeeze %dma_start3A_348 : memref<1x200x128xf32, #tpu.memory_space<vmem>> -> memref<200x128xf32, #tpu.memory_space<vmem>>
    %dma_start3A_350 = arith.constant 150 : i32
    %dma_start3A_351 = arith.constant 0 : i32
    %dma_start3A_352 = tpu.memref_slice %dma_start3A_349[%dma_start3A_350, %dma_start3A_351] : memref<200x128xf32, #tpu.memory_space<vmem>> -> memref<50x128xf32, #tpu.memory_space<vmem>>
    tpu.enqueue_dma source(%dma_start3A_352 : memref<50x128xf32, #tpu.memory_space<vmem>>) target(%dma_start3A_345 : memref<50x128xf32, #tpu.memory_space<hbm>>) target_semaphore(%arg10 : memref<!tpu.dma_semaphore, #tpu.memory_space<semaphore_mem>>)
    %dma_wait3A_353 = arith.constant 0 : i32
    %dma_wait3A_354 = arith.constant 1 : i32
    %dma_wait3A_355 = arith.constant 0 : i32
    %dma_wait3A_356 = arith.constant 0 : i32
    %dma_wait3A_357 = tpu.memref_slice %arg6[%dma_wait3A_354, %dma_wait3A_355, %dma_wait3A_356] : memref<3x200x128xf32, #tpu.memory_space<vmem>> -> memref<1x200x128xf32, #tpu.memory_space<vmem>>
    %dma_wait3A_358 = tpu.memref_squeeze %dma_wait3A_357 : memref<1x200x128xf32, #tpu.memory_space<vmem>> -> memref<200x128xf32, #tpu.memory_space<vmem>>
    %dma_wait3A_359 = arith.constant 0 : i32
    %dma_wait3A_360 = arith.constant 0 : i32
    %dma_wait3A_361 = tpu.memref_slice %dma_wait3A_358[%dma_wait3A_359, %dma_wait3A_360] : memref<200x128xf32, #tpu.memory_space<vmem>> -> memref<50x128xf32, #tpu.memory_space<vmem>>
    %dma_wait3A_362 = arith.constant 0 : i32
    %dma_wait3A_363 = tpu.memref_slice %arg5[%dma_wait3A_353, %dma_wait3A_362] : memref<128x50xi32, #tpu.memory_space<vmem>> -> memref<1x50xi32, #tpu.memory_space<vmem>>
    %dma_wait3A_364 = tpu.memref_squeeze %dma_wait3A_363 : memref<1x50xi32, #tpu.memory_space<vmem>> -> memref<50xi32, #tpu.memory_space<vmem>>
    %dma_wait3A_365 = arith.constant 0 : i32
    %dma_wait3A_366 = arith.constant 0 : i32
    %dma_wait3A_367 = tpu.memref_slice %arg2[%dma_wait3A_365, %dma_wait3A_366] : memref<100000x128xf32, #tpu.memory_space<hbm>> -> memref<100000x128xf32, #tpu.memory_space<hbm>>
    tpu.wait_indirect_dma semaphore(%arg8 : memref<!tpu.dma_semaphore, #tpu.memory_space<semaphore_mem>>) src(%dma_wait3A_367 : memref<100000x128xf32, #tpu.memory_space<hbm>>) dst(%dma_wait3A_361 : memref<50x128xf32, #tpu.memory_space<vmem>>)
    %dma_wait3A_368 = arith.constant 0 : i32
    %dma_wait3A_369 = arith.constant 1 : i32
    %dma_wait3A_370 = arith.constant 0 : i32
    %dma_wait3A_371 = arith.constant 0 : i32
    %dma_wait3A_372 = tpu.memref_slice %arg6[%dma_wait3A_369, %dma_wait3A_370, %dma_wait3A_371] : memref<3x200x128xf32, #tpu.memory_space<vmem>> -> memref<1x200x128xf32, #tpu.memory_space<vmem>>
    %dma_wait3A_373 = tpu.memref_squeeze %dma_wait3A_372 : memref<1x200x128xf32, #tpu.memory_space<vmem>> -> memref<200x128xf32, #tpu.memory_space<vmem>>
    %dma_wait3A_374 = arith.constant 0 : i32
    %dma_wait3A_375 = arith.constant 0 : i32
    %dma_wait3A_376 = tpu.memref_slice %dma_wait3A_373[%dma_wait3A_374, %dma_wait3A_375] : memref<200x128xf32, #tpu.memory_space<vmem>> -> memref<50x128xf32, #tpu.memory_space<vmem>>
    %dma_wait3A_377 = arith.constant 0 : i32
    %dma_wait3A_378 = tpu.memref_slice %arg5[%dma_wait3A_368, %dma_wait3A_377] : memref<128x50xi32, #tpu.memory_space<vmem>> -> memref<1x50xi32, #tpu.memory_space<vmem>>
    %dma_wait3A_379 = tpu.memref_squeeze %dma_wait3A_378 : memref<1x50xi32, #tpu.memory_space<vmem>> -> memref<50xi32, #tpu.memory_space<vmem>>
    %dma_wait3A_380 = arith.constant 0 : i32
    %dma_wait3A_381 = arith.constant 0 : i32
    %dma_wait3A_382 = tpu.memref_slice %arg2[%dma_wait3A_380, %dma_wait3A_381] : memref<100000x128xf32, #tpu.memory_space<hbm>> -> memref<100000x128xf32, #tpu.memory_space<hbm>>
    tpu.wait_indirect_dma semaphore(%arg8 : memref<!tpu.dma_semaphore, #tpu.memory_space<semaphore_mem>>) src(%dma_wait3A_382 : memref<100000x128xf32, #tpu.memory_space<hbm>>) dst(%dma_wait3A_376 : memref<50x128xf32, #tpu.memory_space<vmem>>)
    %dma_wait3A_383 = arith.constant 0 : i32
    %dma_wait3A_384 = arith.constant 1 : i32
    %dma_wait3A_385 = arith.constant 0 : i32
    %dma_wait3A_386 = arith.constant 0 : i32
    %dma_wait3A_387 = tpu.memref_slice %arg6[%dma_wait3A_384, %dma_wait3A_385, %dma_wait3A_386] : memref<3x200x128xf32, #tpu.memory_space<vmem>> -> memref<1x200x128xf32, #tpu.memory_space<vmem>>
    %dma_wait3A_388 = tpu.memref_squeeze %dma_wait3A_387 : memref<1x200x128xf32, #tpu.memory_space<vmem>> -> memref<200x128xf32, #tpu.memory_space<vmem>>
    %dma_wait3A_389 = arith.constant 0 : i32
    %dma_wait3A_390 = arith.constant 0 : i32
    %dma_wait3A_391 = tpu.memref_slice %dma_wait3A_388[%dma_wait3A_389, %dma_wait3A_390] : memref<200x128xf32, #tpu.memory_space<vmem>> -> memref<50x128xf32, #tpu.memory_space<vmem>>
    %dma_wait3A_392 = arith.constant 0 : i32
    %dma_wait3A_393 = tpu.memref_slice %arg5[%dma_wait3A_383, %dma_wait3A_392] : memref<128x50xi32, #tpu.memory_space<vmem>> -> memref<1x50xi32, #tpu.memory_space<vmem>>
    %dma_wait3A_394 = tpu.memref_squeeze %dma_wait3A_393 : memref<1x50xi32, #tpu.memory_space<vmem>> -> memref<50xi32, #tpu.memory_space<vmem>>
    %dma_wait3A_395 = arith.constant 0 : i32
    %dma_wait3A_396 = arith.constant 0 : i32
    %dma_wait3A_397 = tpu.memref_slice %arg2[%dma_wait3A_395, %dma_wait3A_396] : memref<100000x128xf32, #tpu.memory_space<hbm>> -> memref<100000x128xf32, #tpu.memory_space<hbm>>
    tpu.wait_indirect_dma semaphore(%arg8 : memref<!tpu.dma_semaphore, #tpu.memory_space<semaphore_mem>>) src(%dma_wait3A_397 : memref<100000x128xf32, #tpu.memory_space<hbm>>) dst(%dma_wait3A_391 : memref<50x128xf32, #tpu.memory_space<vmem>>)
    %dma_wait3A_398 = arith.constant 0 : i32
    %dma_wait3A_399 = arith.constant 1 : i32
    %dma_wait3A_400 = arith.constant 0 : i32
    %dma_wait3A_401 = arith.constant 0 : i32
    %dma_wait3A_402 = tpu.memref_slice %arg6[%dma_wait3A_399, %dma_wait3A_400, %dma_wait3A_401] : memref<3x200x128xf32, #tpu.memory_space<vmem>> -> memref<1x200x128xf32, #tpu.memory_space<vmem>>
    %dma_wait3A_403 = tpu.memref_squeeze %dma_wait3A_402 : memref<1x200x128xf32, #tpu.memory_space<vmem>> -> memref<200x128xf32, #tpu.memory_space<vmem>>
    %dma_wait3A_404 = arith.constant 0 : i32
    %dma_wait3A_405 = arith.constant 0 : i32
    %dma_wait3A_406 = tpu.memref_slice %dma_wait3A_403[%dma_wait3A_404, %dma_wait3A_405] : memref<200x128xf32, #tpu.memory_space<vmem>> -> memref<50x128xf32, #tpu.memory_space<vmem>>
    %dma_wait3A_407 = arith.constant 0 : i32
    %dma_wait3A_408 = tpu.memref_slice %arg5[%dma_wait3A_398, %dma_wait3A_407] : memref<128x50xi32, #tpu.memory_space<vmem>> -> memref<1x50xi32, #tpu.memory_space<vmem>>
    %dma_wait3A_409 = tpu.memref_squeeze %dma_wait3A_408 : memref<1x50xi32, #tpu.memory_space<vmem>> -> memref<50xi32, #tpu.memory_space<vmem>>
    %dma_wait3A_410 = arith.constant 0 : i32
    %dma_wait3A_411 = arith.constant 0 : i32
    %dma_wait3A_412 = tpu.memref_slice %arg2[%dma_wait3A_410, %dma_wait3A_411] : memref<100000x128xf32, #tpu.memory_space<hbm>> -> memref<100000x128xf32, #tpu.memory_space<hbm>>
    tpu.wait_indirect_dma semaphore(%arg8 : memref<!tpu.dma_semaphore, #tpu.memory_space<semaphore_mem>>) src(%dma_wait3A_412 : memref<100000x128xf32, #tpu.memory_space<hbm>>) dst(%dma_wait3A_406 : memref<50x128xf32, #tpu.memory_space<vmem>>)
    %add3A_413 = arith.constant 112 : i32
    %add3A_414 = arith.addi %mul3A_2, %add3A_413 : i32
    %add3A_415 = arith.constant 0 : i32
    %add3A_416 = arith.addi %add3A_414, %add3A_415 : i32
    %dma_start3A_417 = arith.constant 1 : i32
    %dma_start3A_418 = arith.constant 0 : i32
    %dma_start3A_419 = arith.constant 0 : i32
    %dma_start3A_420 = tpu.memref_slice %arg6[%dma_start3A_417, %dma_start3A_418, %dma_start3A_419] : memref<3x200x128xf32, #tpu.memory_space<vmem>> -> memref<1x200x128xf32, #tpu.memory_space<vmem>>
    %dma_start3A_421 = tpu.memref_squeeze %dma_start3A_420 : memref<1x200x128xf32, #tpu.memory_space<vmem>> -> memref<200x128xf32, #tpu.memory_space<vmem>>
    %dma_start3A_422 = arith.constant 0 : i32
    %dma_start3A_423 = arith.constant 0 : i32
    %dma_start3A_424 = tpu.memref_slice %dma_start3A_421[%dma_start3A_422, %dma_start3A_423] : memref<200x128xf32, #tpu.memory_space<vmem>> -> memref<50x128xf32, #tpu.memory_space<vmem>>
    %dma_start3A_425 = arith.constant 0 : i32
    %dma_start3A_426 = arith.constant 0 : i32
    %dma_start3A_427 = tpu.memref_slice %arg4[%add3A_416, %dma_start3A_425, %dma_start3A_426] : memref<4096x50x128xf32, #tpu.memory_space<hbm>> -> memref<1x50x128xf32, #tpu.memory_space<hbm>>
    %dma_start3A_428 = tpu.memref_squeeze %dma_start3A_427 : memref<1x50x128xf32, #tpu.memory_space<hbm>> -> memref<50x128xf32, #tpu.memory_space<hbm>>
    %dma_start3A_429 = arith.constant 0 : i32
    %dma_start3A_430 = arith.constant 0 : i32
    %dma_start3A_431 = tpu.memref_slice %arg4[%add3A_416, %dma_start3A_429, %dma_start3A_430] : memref<4096x50x128xf32, #tpu.memory_space<hbm>> -> memref<1x50x128xf32, #tpu.memory_space<hbm>>
    %dma_start3A_432 = tpu.memref_squeeze %dma_start3A_431 : memref<1x50x128xf32, #tpu.memory_space<hbm>> -> memref<50x128xf32, #tpu.memory_space<hbm>>
    %dma_start3A_433 = arith.constant 0 : i32
    %dma_start3A_434 = arith.constant 0 : i32
    %dma_start3A_435 = tpu.memref_slice %arg6[%dma_start3A_417, %dma_start3A_433, %dma_start3A_434] : memref<3x200x128xf32, #tpu.memory_space<vmem>> -> memref<1x200x128xf32, #tpu.memory_space<vmem>>
    %dma_start3A_436 = tpu.memref_squeeze %dma_start3A_435 : memref<1x200x128xf32, #tpu.memory_space<vmem>> -> memref<200x128xf32, #tpu.memory_space<vmem>>
    %dma_start3A_437 = arith.constant 0 : i32
    %dma_start3A_438 = arith.constant 0 : i32
    %dma_start3A_439 = tpu.memref_slice %dma_start3A_436[%dma_start3A_437, %dma_start3A_438] : memref<200x128xf32, #tpu.memory_space<vmem>> -> memref<50x128xf32, #tpu.memory_space<vmem>>
    tpu.enqueue_dma source(%dma_start3A_439 : memref<50x128xf32, #tpu.memory_space<vmem>>) target(%dma_start3A_432 : memref<50x128xf32, #tpu.memory_space<hbm>>) target_semaphore(%arg11 : memref<!tpu.dma_semaphore, #tpu.memory_space<semaphore_mem>>)
    %add3A_440 = arith.constant 112 : i32
    %add3A_441 = arith.addi %mul3A_2, %add3A_440 : i32
    %add3A_442 = arith.constant 1 : i32
    %add3A_443 = arith.addi %add3A_441, %add3A_442 : i32
    %dma_start3A_444 = arith.constant 1 : i32
    %dma_start3A_445 = arith.constant 0 : i32
    %dma_start3A_446 = arith.constant 0 : i32
    %dma_start3A_447 = tpu.memref_slice %arg6[%dma_start3A_444, %dma_start3A_445, %dma_start3A_446] : memref<3x200x128xf32, #tpu.memory_space<vmem>> -> memref<1x200x128xf32, #tpu.memory_space<vmem>>
    %dma_start3A_448 = tpu.memref_squeeze %dma_start3A_447 : memref<1x200x128xf32, #tpu.memory_space<vmem>> -> memref<200x128xf32, #tpu.memory_space<vmem>>
    %dma_start3A_449 = arith.constant 50 : i32
    %dma_start3A_450 = arith.constant 0 : i32
    %dma_start3A_451 = tpu.memref_slice %dma_start3A_448[%dma_start3A_449, %dma_start3A_450] : memref<200x128xf32, #tpu.memory_space<vmem>> -> memref<50x128xf32, #tpu.memory_space<vmem>>
    %dma_start3A_452 = arith.constant 0 : i32
    %dma_start3A_453 = arith.constant 0 : i32
    %dma_start3A_454 = tpu.memref_slice %arg4[%add3A_443, %dma_start3A_452, %dma_start3A_453] : memref<4096x50x128xf32, #tpu.memory_space<hbm>> -> memref<1x50x128xf32, #tpu.memory_space<hbm>>
    %dma_start3A_455 = tpu.memref_squeeze %dma_start3A_454 : memref<1x50x128xf32, #tpu.memory_space<hbm>> -> memref<50x128xf32, #tpu.memory_space<hbm>>
    %dma_start3A_456 = arith.constant 0 : i32
    %dma_start3A_457 = arith.constant 0 : i32
    %dma_start3A_458 = tpu.memref_slice %arg4[%add3A_443, %dma_start3A_456, %dma_start3A_457] : memref<4096x50x128xf32, #tpu.memory_space<hbm>> -> memref<1x50x128xf32, #tpu.memory_space<hbm>>
    %dma_start3A_459 = tpu.memref_squeeze %dma_start3A_458 : memref<1x50x128xf32, #tpu.memory_space<hbm>> -> memref<50x128xf32, #tpu.memory_space<hbm>>
    %dma_start3A_460 = arith.constant 0 : i32
    %dma_start3A_461 = arith.constant 0 : i32
    %dma_start3A_462 = tpu.memref_slice %arg6[%dma_start3A_444, %dma_start3A_460, %dma_start3A_461] : memref<3x200x128xf32, #tpu.memory_space<vmem>> -> memref<1x200x128xf32, #tpu.memory_space<vmem>>
    %dma_start3A_463 = tpu.memref_squeeze %dma_start3A_462 : memref<1x200x128xf32, #tpu.memory_space<vmem>> -> memref<200x128xf32, #tpu.memory_space<vmem>>
    %dma_start3A_464 = arith.constant 50 : i32
    %dma_start3A_465 = arith.constant 0 : i32
    %dma_start3A_466 = tpu.memref_slice %dma_start3A_463[%dma_start3A_464, %dma_start3A_465] : memref<200x128xf32, #tpu.memory_space<vmem>> -> memref<50x128xf32, #tpu.memory_space<vmem>>
    tpu.enqueue_dma source(%dma_start3A_466 : memref<50x128xf32, #tpu.memory_space<vmem>>) target(%dma_start3A_459 : memref<50x128xf32, #tpu.memory_space<hbm>>) target_semaphore(%arg11 : memref<!tpu.dma_semaphore, #tpu.memory_space<semaphore_mem>>)
    %add3A_467 = arith.constant 112 : i32
    %add3A_468 = arith.addi %mul3A_2, %add3A_467 : i32
    %add3A_469 = arith.constant 2 : i32
    %add3A_470 = arith.addi %add3A_468, %add3A_469 : i32
    %dma_start3A_471 = arith.constant 1 : i32
    %dma_start3A_472 = arith.constant 0 : i32
    %dma_start3A_473 = arith.constant 0 : i32
    %dma_start3A_474 = tpu.memref_slice %arg6[%dma_start3A_471, %dma_start3A_472, %dma_start3A_473] : memref<3x200x128xf32, #tpu.memory_space<vmem>> -> memref<1x200x128xf32, #tpu.memory_space<vmem>>
    %dma_start3A_475 = tpu.memref_squeeze %dma_start3A_474 : memref<1x200x128xf32, #tpu.memory_space<vmem>> -> memref<200x128xf32, #tpu.memory_space<vmem>>
    %dma_start3A_476 = arith.constant 100 : i32
    %dma_start3A_477 = arith.constant 0 : i32
    %dma_start3A_478 = tpu.memref_slice %dma_start3A_475[%dma_start3A_476, %dma_start3A_477] : memref<200x128xf32, #tpu.memory_space<vmem>> -> memref<50x128xf32, #tpu.memory_space<vmem>>
    %dma_start3A_479 = arith.constant 0 : i32
    %dma_start3A_480 = arith.constant 0 : i32
    %dma_start3A_481 = tpu.memref_slice %arg4[%add3A_470, %dma_start3A_479, %dma_start3A_480] : memref<4096x50x128xf32, #tpu.memory_space<hbm>> -> memref<1x50x128xf32, #tpu.memory_space<hbm>>
    %dma_start3A_482 = tpu.memref_squeeze %dma_start3A_481 : memref<1x50x128xf32, #tpu.memory_space<hbm>> -> memref<50x128xf32, #tpu.memory_space<hbm>>
    %dma_start3A_483 = arith.constant 0 : i32
    %dma_start3A_484 = arith.constant 0 : i32
    %dma_start3A_485 = tpu.memref_slice %arg4[%add3A_470, %dma_start3A_483, %dma_start3A_484] : memref<4096x50x128xf32, #tpu.memory_space<hbm>> -> memref<1x50x128xf32, #tpu.memory_space<hbm>>
    %dma_start3A_486 = tpu.memref_squeeze %dma_start3A_485 : memref<1x50x128xf32, #tpu.memory_space<hbm>> -> memref<50x128xf32, #tpu.memory_space<hbm>>
    %dma_start3A_487 = arith.constant 0 : i32
    %dma_start3A_488 = arith.constant 0 : i32
    %dma_start3A_489 = tpu.memref_slice %arg6[%dma_start3A_471, %dma_start3A_487, %dma_start3A_488] : memref<3x200x128xf32, #tpu.memory_space<vmem>> -> memref<1x200x128xf32, #tpu.memory_space<vmem>>
    %dma_start3A_490 = tpu.memref_squeeze %dma_start3A_489 : memref<1x200x128xf32, #tpu.memory_space<vmem>> -> memref<200x128xf32, #tpu.memory_space<vmem>>
    %dma_start3A_491 = arith.constant 100 : i32
    %dma_start3A_492 = arith.constant 0 : i32
    %dma_start3A_493 = tpu.memref_slice %dma_start3A_490[%dma_start3A_491, %dma_start3A_492] : memref<200x128xf32, #tpu.memory_space<vmem>> -> memref<50x128xf32, #tpu.memory_space<vmem>>
    tpu.enqueue_dma source(%dma_start3A_493 : memref<50x128xf32, #tpu.memory_space<vmem>>) target(%dma_start3A_486 : memref<50x128xf32, #tpu.memory_space<hbm>>) target_semaphore(%arg11 : memref<!tpu.dma_semaphore, #tpu.memory_space<semaphore_mem>>)
    %add3A_494 = arith.constant 112 : i32
    %add3A_495 = arith.addi %mul3A_2, %add3A_494 : i32
    %add3A_496 = arith.constant 3 : i32
    %add3A_497 = arith.addi %add3A_495, %add3A_496 : i32
    %dma_start3A_498 = arith.constant 1 : i32
    %dma_start3A_499 = arith.constant 0 : i32
    %dma_start3A_500 = arith.constant 0 : i32
    %dma_start3A_501 = tpu.memref_slice %arg6[%dma_start3A_498, %dma_start3A_499, %dma_start3A_500] : memref<3x200x128xf32, #tpu.memory_space<vmem>> -> memref<1x200x128xf32, #tpu.memory_space<vmem>>
    %dma_start3A_502 = tpu.memref_squeeze %dma_start3A_501 : memref<1x200x128xf32, #tpu.memory_space<vmem>> -> memref<200x128xf32, #tpu.memory_space<vmem>>
    %dma_start3A_503 = arith.constant 150 : i32
    %dma_start3A_504 = arith.constant 0 : i32
    %dma_start3A_505 = tpu.memref_slice %dma_start3A_502[%dma_start3A_503, %dma_start3A_504] : memref<200x128xf32, #tpu.memory_space<vmem>> -> memref<50x128xf32, #tpu.memory_space<vmem>>
    %dma_start3A_506 = arith.constant 0 : i32
    %dma_start3A_507 = arith.constant 0 : i32
    %dma_start3A_508 = tpu.memref_slice %arg4[%add3A_497, %dma_start3A_506, %dma_start3A_507] : memref<4096x50x128xf32, #tpu.memory_space<hbm>> -> memref<1x50x128xf32, #tpu.memory_space<hbm>>
    %dma_start3A_509 = tpu.memref_squeeze %dma_start3A_508 : memref<1x50x128xf32, #tpu.memory_space<hbm>> -> memref<50x128xf32, #tpu.memory_space<hbm>>
    %dma_start3A_510 = arith.constant 0 : i32
    %dma_start3A_511 = arith.constant 0 : i32
    %dma_start3A_512 = tpu.memref_slice %arg4[%add3A_497, %dma_start3A_510, %dma_start3A_511] : memref<4096x50x128xf32, #tpu.memory_space<hbm>> -> memref<1x50x128xf32, #tpu.memory_space<hbm>>
    %dma_start3A_513 = tpu.memref_squeeze %dma_start3A_512 : memref<1x50x128xf32, #tpu.memory_space<hbm>> -> memref<50x128xf32, #tpu.memory_space<hbm>>
    %dma_start3A_514 = arith.constant 0 : i32
    %dma_start3A_515 = arith.constant 0 : i32
    %dma_start3A_516 = tpu.memref_slice %arg6[%dma_start3A_498, %dma_start3A_514, %dma_start3A_515] : memref<3x200x128xf32, #tpu.memory_space<vmem>> -> memref<1x200x128xf32, #tpu.memory_space<vmem>>
    %dma_start3A_517 = tpu.memref_squeeze %dma_start3A_516 : memref<1x200x128xf32, #tpu.memory_space<vmem>> -> memref<200x128xf32, #tpu.memory_space<vmem>>
    %dma_start3A_518 = arith.constant 150 : i32
    %dma_start3A_519 = arith.constant 0 : i32
    %dma_start3A_520 = tpu.memref_slice %dma_start3A_517[%dma_start3A_518, %dma_start3A_519] : memref<200x128xf32, #tpu.memory_space<vmem>> -> memref<50x128xf32, #tpu.memory_space<vmem>>
    tpu.enqueue_dma source(%dma_start3A_520 : memref<50x128xf32, #tpu.memory_space<vmem>>) target(%dma_start3A_513 : memref<50x128xf32, #tpu.memory_space<hbm>>) target_semaphore(%arg11 : memref<!tpu.dma_semaphore, #tpu.memory_space<semaphore_mem>>)
    %dma_wait3A_521 = arith.constant 0 : i32
    %dma_wait3A_522 = arith.constant 2 : i32
    %dma_wait3A_523 = arith.constant 0 : i32
    %dma_wait3A_524 = arith.constant 0 : i32
    %dma_wait3A_525 = tpu.memref_slice %arg6[%dma_wait3A_522, %dma_wait3A_523, %dma_wait3A_524] : memref<3x200x128xf32, #tpu.memory_space<vmem>> -> memref<1x200x128xf32, #tpu.memory_space<vmem>>
    %dma_wait3A_526 = tpu.memref_squeeze %dma_wait3A_525 : memref<1x200x128xf32, #tpu.memory_space<vmem>> -> memref<200x128xf32, #tpu.memory_space<vmem>>
    %dma_wait3A_527 = arith.constant 0 : i32
    %dma_wait3A_528 = arith.constant 0 : i32
    %dma_wait3A_529 = tpu.memref_slice %dma_wait3A_526[%dma_wait3A_527, %dma_wait3A_528] : memref<200x128xf32, #tpu.memory_space<vmem>> -> memref<50x128xf32, #tpu.memory_space<vmem>>
    %dma_wait3A_530 = arith.constant 0 : i32
    %dma_wait3A_531 = tpu.memref_slice %arg5[%dma_wait3A_521, %dma_wait3A_530] : memref<128x50xi32, #tpu.memory_space<vmem>> -> memref<1x50xi32, #tpu.memory_space<vmem>>
    %dma_wait3A_532 = tpu.memref_squeeze %dma_wait3A_531 : memref<1x50xi32, #tpu.memory_space<vmem>> -> memref<50xi32, #tpu.memory_space<vmem>>
    %dma_wait3A_533 = arith.constant 0 : i32
    %dma_wait3A_534 = arith.constant 0 : i32
    %dma_wait3A_535 = tpu.memref_slice %arg2[%dma_wait3A_533, %dma_wait3A_534] : memref<100000x128xf32, #tpu.memory_space<hbm>> -> memref<100000x128xf32, #tpu.memory_space<hbm>>
    tpu.wait_indirect_dma semaphore(%arg9 : memref<!tpu.dma_semaphore, #tpu.memory_space<semaphore_mem>>) src(%dma_wait3A_535 : memref<100000x128xf32, #tpu.memory_space<hbm>>) dst(%dma_wait3A_529 : memref<50x128xf32, #tpu.memory_space<vmem>>)
    %dma_wait3A_536 = arith.constant 0 : i32
    %dma_wait3A_537 = arith.constant 2 : i32
    %dma_wait3A_538 = arith.constant 0 : i32
    %dma_wait3A_539 = arith.constant 0 : i32
    %dma_wait3A_540 = tpu.memref_slice %arg6[%dma_wait3A_537, %dma_wait3A_538, %dma_wait3A_539] : memref<3x200x128xf32, #tpu.memory_space<vmem>> -> memref<1x200x128xf32, #tpu.memory_space<vmem>>
    %dma_wait3A_541 = tpu.memref_squeeze %dma_wait3A_540 : memref<1x200x128xf32, #tpu.memory_space<vmem>> -> memref<200x128xf32, #tpu.memory_space<vmem>>
    %dma_wait3A_542 = arith.constant 0 : i32
    %dma_wait3A_543 = arith.constant 0 : i32
    %dma_wait3A_544 = tpu.memref_slice %dma_wait3A_541[%dma_wait3A_542, %dma_wait3A_543] : memref<200x128xf32, #tpu.memory_space<vmem>> -> memref<50x128xf32, #tpu.memory_space<vmem>>
    %dma_wait3A_545 = arith.constant 0 : i32
    %dma_wait3A_546 = tpu.memref_slice %arg5[%dma_wait3A_536, %dma_wait3A_545] : memref<128x50xi32, #tpu.memory_space<vmem>> -> memref<1x50xi32, #tpu.memory_space<vmem>>
    %dma_wait3A_547 = tpu.memref_squeeze %dma_wait3A_546 : memref<1x50xi32, #tpu.memory_space<vmem>> -> memref<50xi32, #tpu.memory_space<vmem>>
    %dma_wait3A_548 = arith.constant 0 : i32
    %dma_wait3A_549 = arith.constant 0 : i32
    %dma_wait3A_550 = tpu.memref_slice %arg2[%dma_wait3A_548, %dma_wait3A_549] : memref<100000x128xf32, #tpu.memory_space<hbm>> -> memref<100000x128xf32, #tpu.memory_space<hbm>>
    tpu.wait_indirect_dma semaphore(%arg9 : memref<!tpu.dma_semaphore, #tpu.memory_space<semaphore_mem>>) src(%dma_wait3A_550 : memref<100000x128xf32, #tpu.memory_space<hbm>>) dst(%dma_wait3A_544 : memref<50x128xf32, #tpu.memory_space<vmem>>)
    %dma_wait3A_551 = arith.constant 0 : i32
    %dma_wait3A_552 = arith.constant 2 : i32
    %dma_wait3A_553 = arith.constant 0 : i32
    %dma_wait3A_554 = arith.constant 0 : i32
    %dma_wait3A_555 = tpu.memref_slice %arg6[%dma_wait3A_552, %dma_wait3A_553, %dma_wait3A_554] : memref<3x200x128xf32, #tpu.memory_space<vmem>> -> memref<1x200x128xf32, #tpu.memory_space<vmem>>
    %dma_wait3A_556 = tpu.memref_squeeze %dma_wait3A_555 : memref<1x200x128xf32, #tpu.memory_space<vmem>> -> memref<200x128xf32, #tpu.memory_space<vmem>>
    %dma_wait3A_557 = arith.constant 0 : i32
    %dma_wait3A_558 = arith.constant 0 : i32
    %dma_wait3A_559 = tpu.memref_slice %dma_wait3A_556[%dma_wait3A_557, %dma_wait3A_558] : memref<200x128xf32, #tpu.memory_space<vmem>> -> memref<50x128xf32, #tpu.memory_space<vmem>>
    %dma_wait3A_560 = arith.constant 0 : i32
    %dma_wait3A_561 = tpu.memref_slice %arg5[%dma_wait3A_551, %dma_wait3A_560] : memref<128x50xi32, #tpu.memory_space<vmem>> -> memref<1x50xi32, #tpu.memory_space<vmem>>
    %dma_wait3A_562 = tpu.memref_squeeze %dma_wait3A_561 : memref<1x50xi32, #tpu.memory_space<vmem>> -> memref<50xi32, #tpu.memory_space<vmem>>
    %dma_wait3A_563 = arith.constant 0 : i32
    %dma_wait3A_564 = arith.constant 0 : i32
    %dma_wait3A_565 = tpu.memref_slice %arg2[%dma_wait3A_563, %dma_wait3A_564] : memref<100000x128xf32, #tpu.memory_space<hbm>> -> memref<100000x128xf32, #tpu.memory_space<hbm>>
    tpu.wait_indirect_dma semaphore(%arg9 : memref<!tpu.dma_semaphore, #tpu.memory_space<semaphore_mem>>) src(%dma_wait3A_565 : memref<100000x128xf32, #tpu.memory_space<hbm>>) dst(%dma_wait3A_559 : memref<50x128xf32, #tpu.memory_space<vmem>>)
    %dma_wait3A_566 = arith.constant 0 : i32
    %dma_wait3A_567 = arith.constant 2 : i32
    %dma_wait3A_568 = arith.constant 0 : i32
    %dma_wait3A_569 = arith.constant 0 : i32
    %dma_wait3A_570 = tpu.memref_slice %arg6[%dma_wait3A_567, %dma_wait3A_568, %dma_wait3A_569] : memref<3x200x128xf32, #tpu.memory_space<vmem>> -> memref<1x200x128xf32, #tpu.memory_space<vmem>>
    %dma_wait3A_571 = tpu.memref_squeeze %dma_wait3A_570 : memref<1x200x128xf32, #tpu.memory_space<vmem>> -> memref<200x128xf32, #tpu.memory_space<vmem>>
    %dma_wait3A_572 = arith.constant 0 : i32
    %dma_wait3A_573 = arith.constant 0 : i32
    %dma_wait3A_574 = tpu.memref_slice %dma_wait3A_571[%dma_wait3A_572, %dma_wait3A_573] : memref<200x128xf32, #tpu.memory_space<vmem>> -> memref<50x128xf32, #tpu.memory_space<vmem>>
    %dma_wait3A_575 = arith.constant 0 : i32
    %dma_wait3A_576 = tpu.memref_slice %arg5[%dma_wait3A_566, %dma_wait3A_575] : memref<128x50xi32, #tpu.memory_space<vmem>> -> memref<1x50xi32, #tpu.memory_space<vmem>>
    %dma_wait3A_577 = tpu.memref_squeeze %dma_wait3A_576 : memref<1x50xi32, #tpu.memory_space<vmem>> -> memref<50xi32, #tpu.memory_space<vmem>>
    %dma_wait3A_578 = arith.constant 0 : i32
    %dma_wait3A_579 = arith.constant 0 : i32
    %dma_wait3A_580 = tpu.memref_slice %arg2[%dma_wait3A_578, %dma_wait3A_579] : memref<100000x128xf32, #tpu.memory_space<hbm>> -> memref<100000x128xf32, #tpu.memory_space<hbm>>
    tpu.wait_indirect_dma semaphore(%arg9 : memref<!tpu.dma_semaphore, #tpu.memory_space<semaphore_mem>>) src(%dma_wait3A_580 : memref<100000x128xf32, #tpu.memory_space<hbm>>) dst(%dma_wait3A_574 : memref<50x128xf32, #tpu.memory_space<vmem>>)
    %add3A_581 = arith.constant 116 : i32
    %add3A_582 = arith.addi %mul3A_2, %add3A_581 : i32
    %add3A_583 = arith.constant 0 : i32
    %add3A_584 = arith.addi %add3A_582, %add3A_583 : i32
    %dma_start3A_585 = arith.constant 2 : i32
    %dma_start3A_586 = arith.constant 0 : i32
    %dma_start3A_587 = arith.constant 0 : i32
    %dma_start3A_588 = tpu.memref_slice %arg6[%dma_start3A_585, %dma_start3A_586, %dma_start3A_587] : memref<3x200x128xf32, #tpu.memory_space<vmem>> -> memref<1x200x128xf32, #tpu.memory_space<vmem>>
    %dma_start3A_589 = tpu.memref_squeeze %dma_start3A_588 : memref<1x200x128xf32, #tpu.memory_space<vmem>> -> memref<200x128xf32, #tpu.memory_space<vmem>>
    %dma_start3A_590 = arith.constant 0 : i32
    %dma_start3A_591 = arith.constant 0 : i32
    %dma_start3A_592 = tpu.memref_slice %dma_start3A_589[%dma_start3A_590, %dma_start3A_591] : memref<200x128xf32, #tpu.memory_space<vmem>> -> memref<50x128xf32, #tpu.memory_space<vmem>>
    %dma_start3A_593 = arith.constant 0 : i32
    %dma_start3A_594 = arith.constant 0 : i32
    %dma_start3A_595 = tpu.memref_slice %arg4[%add3A_584, %dma_start3A_593, %dma_start3A_594] : memref<4096x50x128xf32, #tpu.memory_space<hbm>> -> memref<1x50x128xf32, #tpu.memory_space<hbm>>
    %dma_start3A_596 = tpu.memref_squeeze %dma_start3A_595 : memref<1x50x128xf32, #tpu.memory_space<hbm>> -> memref<50x128xf32, #tpu.memory_space<hbm>>
    %dma_start3A_597 = arith.constant 0 : i32
    %dma_start3A_598 = arith.constant 0 : i32
    %dma_start3A_599 = tpu.memref_slice %arg4[%add3A_584, %dma_start3A_597, %dma_start3A_598] : memref<4096x50x128xf32, #tpu.memory_space<hbm>> -> memref<1x50x128xf32, #tpu.memory_space<hbm>>
    %dma_start3A_600 = tpu.memref_squeeze %dma_start3A_599 : memref<1x50x128xf32, #tpu.memory_space<hbm>> -> memref<50x128xf32, #tpu.memory_space<hbm>>
    %dma_start3A_601 = arith.constant 0 : i32
    %dma_start3A_602 = arith.constant 0 : i32
    %dma_start3A_603 = tpu.memref_slice %arg6[%dma_start3A_585, %dma_start3A_601, %dma_start3A_602] : memref<3x200x128xf32, #tpu.memory_space<vmem>> -> memref<1x200x128xf32, #tpu.memory_space<vmem>>
    %dma_start3A_604 = tpu.memref_squeeze %dma_start3A_603 : memref<1x200x128xf32, #tpu.memory_space<vmem>> -> memref<200x128xf32, #tpu.memory_space<vmem>>
    %dma_start3A_605 = arith.constant 0 : i32
    %dma_start3A_606 = arith.constant 0 : i32
    %dma_start3A_607 = tpu.memref_slice %dma_start3A_604[%dma_start3A_605, %dma_start3A_606] : memref<200x128xf32, #tpu.memory_space<vmem>> -> memref<50x128xf32, #tpu.memory_space<vmem>>
    tpu.enqueue_dma source(%dma_start3A_607 : memref<50x128xf32, #tpu.memory_space<vmem>>) target(%dma_start3A_600 : memref<50x128xf32, #tpu.memory_space<hbm>>) target_semaphore(%arg12 : memref<!tpu.dma_semaphore, #tpu.memory_space<semaphore_mem>>)
    %add3A_608 = arith.constant 116 : i32
    %add3A_609 = arith.addi %mul3A_2, %add3A_608 : i32
    %add3A_610 = arith.constant 1 : i32
    %add3A_611 = arith.addi %add3A_609, %add3A_610 : i32
    %dma_start3A_612 = arith.constant 2 : i32
    %dma_start3A_613 = arith.constant 0 : i32
    %dma_start3A_614 = arith.constant 0 : i32
    %dma_start3A_615 = tpu.memref_slice %arg6[%dma_start3A_612, %dma_start3A_613, %dma_start3A_614] : memref<3x200x128xf32, #tpu.memory_space<vmem>> -> memref<1x200x128xf32, #tpu.memory_space<vmem>>
    %dma_start3A_616 = tpu.memref_squeeze %dma_start3A_615 : memref<1x200x128xf32, #tpu.memory_space<vmem>> -> memref<200x128xf32, #tpu.memory_space<vmem>>
    %dma_start3A_617 = arith.constant 50 : i32
    %dma_start3A_618 = arith.constant 0 : i32
    %dma_start3A_619 = tpu.memref_slice %dma_start3A_616[%dma_start3A_617, %dma_start3A_618] : memref<200x128xf32, #tpu.memory_space<vmem>> -> memref<50x128xf32, #tpu.memory_space<vmem>>
    %dma_start3A_620 = arith.constant 0 : i32
    %dma_start3A_621 = arith.constant 0 : i32
    %dma_start3A_622 = tpu.memref_slice %arg4[%add3A_611, %dma_start3A_620, %dma_start3A_621] : memref<4096x50x128xf32, #tpu.memory_space<hbm>> -> memref<1x50x128xf32, #tpu.memory_space<hbm>>
    %dma_start3A_623 = tpu.memref_squeeze %dma_start3A_622 : memref<1x50x128xf32, #tpu.memory_space<hbm>> -> memref<50x128xf32, #tpu.memory_space<hbm>>
    %dma_start3A_624 = arith.constant 0 : i32
    %dma_start3A_625 = arith.constant 0 : i32
    %dma_start3A_626 = tpu.memref_slice %arg4[%add3A_611, %dma_start3A_624, %dma_start3A_625] : memref<4096x50x128xf32, #tpu.memory_space<hbm>> -> memref<1x50x128xf32, #tpu.memory_space<hbm>>
    %dma_start3A_627 = tpu.memref_squeeze %dma_start3A_626 : memref<1x50x128xf32, #tpu.memory_space<hbm>> -> memref<50x128xf32, #tpu.memory_space<hbm>>
    %dma_start3A_628 = arith.constant 0 : i32
    %dma_start3A_629 = arith.constant 0 : i32
    %dma_start3A_630 = tpu.memref_slice %arg6[%dma_start3A_612, %dma_start3A_628, %dma_start3A_629] : memref<3x200x128xf32, #tpu.memory_space<vmem>> -> memref<1x200x128xf32, #tpu.memory_space<vmem>>
    %dma_start3A_631 = tpu.memref_squeeze %dma_start3A_630 : memref<1x200x128xf32, #tpu.memory_space<vmem>> -> memref<200x128xf32, #tpu.memory_space<vmem>>
    %dma_start3A_632 = arith.constant 50 : i32
    %dma_start3A_633 = arith.constant 0 : i32
    %dma_start3A_634 = tpu.memref_slice %dma_start3A_631[%dma_start3A_632, %dma_start3A_633] : memref<200x128xf32, #tpu.memory_space<vmem>> -> memref<50x128xf32, #tpu.memory_space<vmem>>
    tpu.enqueue_dma source(%dma_start3A_634 : memref<50x128xf32, #tpu.memory_space<vmem>>) target(%dma_start3A_627 : memref<50x128xf32, #tpu.memory_space<hbm>>) target_semaphore(%arg12 : memref<!tpu.dma_semaphore, #tpu.memory_space<semaphore_mem>>)
    %add3A_635 = arith.constant 116 : i32
    %add3A_636 = arith.addi %mul3A_2, %add3A_635 : i32
    %add3A_637 = arith.constant 2 : i32
    %add3A_638 = arith.addi %add3A_636, %add3A_637 : i32
    %dma_start3A_639 = arith.constant 2 : i32
    %dma_start3A_640 = arith.constant 0 : i32
    %dma_start3A_641 = arith.constant 0 : i32
    %dma_start3A_642 = tpu.memref_slice %arg6[%dma_start3A_639, %dma_start3A_640, %dma_start3A_641] : memref<3x200x128xf32, #tpu.memory_space<vmem>> -> memref<1x200x128xf32, #tpu.memory_space<vmem>>
    %dma_start3A_643 = tpu.memref_squeeze %dma_start3A_642 : memref<1x200x128xf32, #tpu.memory_space<vmem>> -> memref<200x128xf32, #tpu.memory_space<vmem>>
    %dma_start3A_644 = arith.constant 100 : i32
    %dma_start3A_645 = arith.constant 0 : i32
    %dma_start3A_646 = tpu.memref_slice %dma_start3A_643[%dma_start3A_644, %dma_start3A_645] : memref<200x128xf32, #tpu.memory_space<vmem>> -> memref<50x128xf32, #tpu.memory_space<vmem>>
    %dma_start3A_647 = arith.constant 0 : i32
    %dma_start3A_648 = arith.constant 0 : i32
    %dma_start3A_649 = tpu.memref_slice %arg4[%add3A_638, %dma_start3A_647, %dma_start3A_648] : memref<4096x50x128xf32, #tpu.memory_space<hbm>> -> memref<1x50x128xf32, #tpu.memory_space<hbm>>
    %dma_start3A_650 = tpu.memref_squeeze %dma_start3A_649 : memref<1x50x128xf32, #tpu.memory_space<hbm>> -> memref<50x128xf32, #tpu.memory_space<hbm>>
    %dma_start3A_651 = arith.constant 0 : i32
    %dma_start3A_652 = arith.constant 0 : i32
    %dma_start3A_653 = tpu.memref_slice %arg4[%add3A_638, %dma_start3A_651, %dma_start3A_652] : memref<4096x50x128xf32, #tpu.memory_space<hbm>> -> memref<1x50x128xf32, #tpu.memory_space<hbm>>
    %dma_start3A_654 = tpu.memref_squeeze %dma_start3A_653 : memref<1x50x128xf32, #tpu.memory_space<hbm>> -> memref<50x128xf32, #tpu.memory_space<hbm>>
    %dma_start3A_655 = arith.constant 0 : i32
    %dma_start3A_656 = arith.constant 0 : i32
    %dma_start3A_657 = tpu.memref_slice %arg6[%dma_start3A_639, %dma_start3A_655, %dma_start3A_656] : memref<3x200x128xf32, #tpu.memory_space<vmem>> -> memref<1x200x128xf32, #tpu.memory_space<vmem>>
    %dma_start3A_658 = tpu.memref_squeeze %dma_start3A_657 : memref<1x200x128xf32, #tpu.memory_space<vmem>> -> memref<200x128xf32, #tpu.memory_space<vmem>>
    %dma_start3A_659 = arith.constant 100 : i32
    %dma_start3A_660 = arith.constant 0 : i32
    %dma_start3A_661 = tpu.memref_slice %dma_start3A_658[%dma_start3A_659, %dma_start3A_660] : memref<200x128xf32, #tpu.memory_space<vmem>> -> memref<50x128xf32, #tpu.memory_space<vmem>>
    tpu.enqueue_dma source(%dma_start3A_661 : memref<50x128xf32, #tpu.memory_space<vmem>>) target(%dma_start3A_654 : memref<50x128xf32, #tpu.memory_space<hbm>>) target_semaphore(%arg12 : memref<!tpu.dma_semaphore, #tpu.memory_space<semaphore_mem>>)
    %add3A_662 = arith.constant 116 : i32
    %add3A_663 = arith.addi %mul3A_2, %add3A_662 : i32
    %add3A_664 = arith.constant 3 : i32
    %add3A_665 = arith.addi %add3A_663, %add3A_664 : i32
    %dma_start3A_666 = arith.constant 2 : i32
    %dma_start3A_667 = arith.constant 0 : i32
    %dma_start3A_668 = arith.constant 0 : i32
    %dma_start3A_669 = tpu.memref_slice %arg6[%dma_start3A_666, %dma_start3A_667, %dma_start3A_668] : memref<3x200x128xf32, #tpu.memory_space<vmem>> -> memref<1x200x128xf32, #tpu.memory_space<vmem>>
    %dma_start3A_670 = tpu.memref_squeeze %dma_start3A_669 : memref<1x200x128xf32, #tpu.memory_space<vmem>> -> memref<200x128xf32, #tpu.memory_space<vmem>>
    %dma_start3A_671 = arith.constant 150 : i32
    %dma_start3A_672 = arith.constant 0 : i32
    %dma_start3A_673 = tpu.memref_slice %dma_start3A_670[%dma_start3A_671, %dma_start3A_672] : memref<200x128xf32, #tpu.memory_space<vmem>> -> memref<50x128xf32, #tpu.memory_space<vmem>>
    %dma_start3A_674 = arith.constant 0 : i32
    %dma_start3A_675 = arith.constant 0 : i32
    %dma_start3A_676 = tpu.memref_slice %arg4[%add3A_665, %dma_start3A_674, %dma_start3A_675] : memref<4096x50x128xf32, #tpu.memory_space<hbm>> -> memref<1x50x128xf32, #tpu.memory_space<hbm>>
    %dma_start3A_677 = tpu.memref_squeeze %dma_start3A_676 : memref<1x50x128xf32, #tpu.memory_space<hbm>> -> memref<50x128xf32, #tpu.memory_space<hbm>>
    %dma_start3A_678 = arith.constant 0 : i32
    %dma_start3A_679 = arith.constant 0 : i32
    %dma_start3A_680 = tpu.memref_slice %arg4[%add3A_665, %dma_start3A_678, %dma_start3A_679] : memref<4096x50x128xf32, #tpu.memory_space<hbm>> -> memref<1x50x128xf32, #tpu.memory_space<hbm>>
    %dma_start3A_681 = tpu.memref_squeeze %dma_start3A_680 : memref<1x50x128xf32, #tpu.memory_space<hbm>> -> memref<50x128xf32, #tpu.memory_space<hbm>>
    %dma_start3A_682 = arith.constant 0 : i32
    %dma_start3A_683 = arith.constant 0 : i32
    %dma_start3A_684 = tpu.memref_slice %arg6[%dma_start3A_666, %dma_start3A_682, %dma_start3A_683] : memref<3x200x128xf32, #tpu.memory_space<vmem>> -> memref<1x200x128xf32, #tpu.memory_space<vmem>>
    %dma_start3A_685 = tpu.memref_squeeze %dma_start3A_684 : memref<1x200x128xf32, #tpu.memory_space<vmem>> -> memref<200x128xf32, #tpu.memory_space<vmem>>
    %dma_start3A_686 = arith.constant 150 : i32
    %dma_start3A_687 = arith.constant 0 : i32
    %dma_start3A_688 = tpu.memref_slice %dma_start3A_685[%dma_start3A_686, %dma_start3A_687] : memref<200x128xf32, #tpu.memory_space<vmem>> -> memref<50x128xf32, #tpu.memory_space<vmem>>
    tpu.enqueue_dma source(%dma_start3A_688 : memref<50x128xf32, #tpu.memory_space<vmem>>) target(%dma_start3A_681 : memref<50x128xf32, #tpu.memory_space<hbm>>) target_semaphore(%arg12 : memref<!tpu.dma_semaphore, #tpu.memory_space<semaphore_mem>>)
    %dma_wait3A_689 = arith.constant 0 : i32
    %dma_wait3A_690 = arith.constant 0 : i32
    %dma_wait3A_691 = arith.constant 0 : i32
    %dma_wait3A_692 = arith.constant 0 : i32
    %dma_wait3A_693 = tpu.memref_slice %arg6[%dma_wait3A_689, %dma_wait3A_691, %dma_wait3A_692] : memref<3x200x128xf32, #tpu.memory_space<vmem>> -> memref<1x200x128xf32, #tpu.memory_space<vmem>>
    %dma_wait3A_694 = tpu.memref_squeeze %dma_wait3A_693 : memref<1x200x128xf32, #tpu.memory_space<vmem>> -> memref<200x128xf32, #tpu.memory_space<vmem>>
    %dma_wait3A_695 = arith.constant 0 : i32
    %dma_wait3A_696 = arith.constant 0 : i32
    %dma_wait3A_697 = tpu.memref_slice %dma_wait3A_694[%dma_wait3A_695, %dma_wait3A_696] : memref<200x128xf32, #tpu.memory_space<vmem>> -> memref<50x128xf32, #tpu.memory_space<vmem>>
    %dma_wait3A_698 = arith.constant 0 : i32
    %dma_wait3A_699 = arith.constant 0 : i32
    %dma_wait3A_700 = tpu.memref_slice %arg4[%dma_wait3A_690, %dma_wait3A_698, %dma_wait3A_699] : memref<4096x50x128xf32, #tpu.memory_space<hbm>> -> memref<1x50x128xf32, #tpu.memory_space<hbm>>
    %dma_wait3A_701 = tpu.memref_squeeze %dma_wait3A_700 : memref<1x50x128xf32, #tpu.memory_space<hbm>> -> memref<50x128xf32, #tpu.memory_space<hbm>>
    %dma_wait3A_702 = arith.constant 0 : i32
    %dma_wait3A_703 = arith.constant 0 : i32
    %dma_wait3A_704 = tpu.memref_slice %arg4[%dma_wait3A_690, %dma_wait3A_702, %dma_wait3A_703] : memref<4096x50x128xf32, #tpu.memory_space<hbm>> -> memref<1x50x128xf32, #tpu.memory_space<hbm>>
    %dma_wait3A_705 = tpu.memref_squeeze %dma_wait3A_704 : memref<1x50x128xf32, #tpu.memory_space<hbm>> -> memref<50x128xf32, #tpu.memory_space<hbm>>
    %dma_wait3A_706 = arith.constant 0 : i32
    %dma_wait3A_707 = arith.constant 0 : i32
    %dma_wait3A_708 = tpu.memref_slice %arg6[%dma_wait3A_689, %dma_wait3A_706, %dma_wait3A_707] : memref<3x200x128xf32, #tpu.memory_space<vmem>> -> memref<1x200x128xf32, #tpu.memory_space<vmem>>
    %dma_wait3A_709 = tpu.memref_squeeze %dma_wait3A_708 : memref<1x200x128xf32, #tpu.memory_space<vmem>> -> memref<200x128xf32, #tpu.memory_space<vmem>>
    %dma_wait3A_710 = arith.constant 0 : i32
    %dma_wait3A_711 = arith.constant 0 : i32
    %dma_wait3A_712 = tpu.memref_slice %dma_wait3A_709[%dma_wait3A_710, %dma_wait3A_711] : memref<200x128xf32, #tpu.memory_space<vmem>> -> memref<50x128xf32, #tpu.memory_space<vmem>>
    tpu.wait_dma2 semaphore(%arg10 : memref<!tpu.dma_semaphore, #tpu.memory_space<semaphore_mem>>) src(%dma_wait3A_712 : memref<50x128xf32, #tpu.memory_space<vmem>>) dst(%dma_wait3A_705 : memref<50x128xf32, #tpu.memory_space<hbm>>)
    %dma_wait3A_713 = arith.constant 0 : i32
    %dma_wait3A_714 = arith.constant 0 : i32
    %dma_wait3A_715 = arith.constant 0 : i32
    %dma_wait3A_716 = arith.constant 0 : i32
    %dma_wait3A_717 = tpu.memref_slice %arg6[%dma_wait3A_713, %dma_wait3A_715, %dma_wait3A_716] : memref<3x200x128xf32, #tpu.memory_space<vmem>> -> memref<1x200x128xf32, #tpu.memory_space<vmem>>
    %dma_wait3A_718 = tpu.memref_squeeze %dma_wait3A_717 : memref<1x200x128xf32, #tpu.memory_space<vmem>> -> memref<200x128xf32, #tpu.memory_space<vmem>>
    %dma_wait3A_719 = arith.constant 0 : i32
    %dma_wait3A_720 = arith.constant 0 : i32
    %dma_wait3A_721 = tpu.memref_slice %dma_wait3A_718[%dma_wait3A_719, %dma_wait3A_720] : memref<200x128xf32, #tpu.memory_space<vmem>> -> memref<50x128xf32, #tpu.memory_space<vmem>>
    %dma_wait3A_722 = arith.constant 0 : i32
    %dma_wait3A_723 = arith.constant 0 : i32
    %dma_wait3A_724 = tpu.memref_slice %arg4[%dma_wait3A_714, %dma_wait3A_722, %dma_wait3A_723] : memref<4096x50x128xf32, #tpu.memory_space<hbm>> -> memref<1x50x128xf32, #tpu.memory_space<hbm>>
    %dma_wait3A_725 = tpu.memref_squeeze %dma_wait3A_724 : memref<1x50x128xf32, #tpu.memory_space<hbm>> -> memref<50x128xf32, #tpu.memory_space<hbm>>
    %dma_wait3A_726 = arith.constant 0 : i32
    %dma_wait3A_727 = arith.constant 0 : i32
    %dma_wait3A_728 = tpu.memref_slice %arg4[%dma_wait3A_714, %dma_wait3A_726, %dma_wait3A_727] : memref<4096x50x128xf32, #tpu.memory_space<hbm>> -> memref<1x50x128xf32, #tpu.memory_space<hbm>>
    %dma_wait3A_729 = tpu.memref_squeeze %dma_wait3A_728 : memref<1x50x128xf32, #tpu.memory_space<hbm>> -> memref<50x128xf32, #tpu.memory_space<hbm>>
    %dma_wait3A_730 = arith.constant 0 : i32
    %dma_wait3A_731 = arith.constant 0 : i32
    %dma_wait3A_732 = tpu.memref_slice %arg6[%dma_wait3A_713, %dma_wait3A_730, %dma_wait3A_731] : memref<3x200x128xf32, #tpu.memory_space<vmem>> -> memref<1x200x128xf32, #tpu.memory_space<vmem>>
    %dma_wait3A_733 = tpu.memref_squeeze %dma_wait3A_732 : memref<1x200x128xf32, #tpu.memory_space<vmem>> -> memref<200x128xf32, #tpu.memory_space<vmem>>
    %dma_wait3A_734 = arith.constant 0 : i32
    %dma_wait3A_735 = arith.constant 0 : i32
    %dma_wait3A_736 = tpu.memref_slice %dma_wait3A_733[%dma_wait3A_734, %dma_wait3A_735] : memref<200x128xf32, #tpu.memory_space<vmem>> -> memref<50x128xf32, #tpu.memory_space<vmem>>
    tpu.wait_dma2 semaphore(%arg10 : memref<!tpu.dma_semaphore, #tpu.memory_space<semaphore_mem>>) src(%dma_wait3A_736 : memref<50x128xf32, #tpu.memory_space<vmem>>) dst(%dma_wait3A_729 : memref<50x128xf32, #tpu.memory_space<hbm>>)
    %dma_wait3A_737 = arith.constant 0 : i32
    %dma_wait3A_738 = arith.constant 0 : i32
    %dma_wait3A_739 = arith.constant 0 : i32
    %dma_wait3A_740 = arith.constant 0 : i32
    %dma_wait3A_741 = tpu.memref_slice %arg6[%dma_wait3A_737, %dma_wait3A_739, %dma_wait3A_740] : memref<3x200x128xf32, #tpu.memory_space<vmem>> -> memref<1x200x128xf32, #tpu.memory_space<vmem>>
    %dma_wait3A_742 = tpu.memref_squeeze %dma_wait3A_741 : memref<1x200x128xf32, #tpu.memory_space<vmem>> -> memref<200x128xf32, #tpu.memory_space<vmem>>
    %dma_wait3A_743 = arith.constant 0 : i32
    %dma_wait3A_744 = arith.constant 0 : i32
    %dma_wait3A_745 = tpu.memref_slice %dma_wait3A_742[%dma_wait3A_743, %dma_wait3A_744] : memref<200x128xf32, #tpu.memory_space<vmem>> -> memref<50x128xf32, #tpu.memory_space<vmem>>
    %dma_wait3A_746 = arith.constant 0 : i32
    %dma_wait3A_747 = arith.constant 0 : i32
    %dma_wait3A_748 = tpu.memref_slice %arg4[%dma_wait3A_738, %dma_wait3A_746, %dma_wait3A_747] : memref<4096x50x128xf32, #tpu.memory_space<hbm>> -> memref<1x50x128xf32, #tpu.memory_space<hbm>>
    %dma_wait3A_749 = tpu.memref_squeeze %dma_wait3A_748 : memref<1x50x128xf32, #tpu.memory_space<hbm>> -> memref<50x128xf32, #tpu.memory_space<hbm>>
    %dma_wait3A_750 = arith.constant 0 : i32
    %dma_wait3A_751 = arith.constant 0 : i32
    %dma_wait3A_752 = tpu.memref_slice %arg4[%dma_wait3A_738, %dma_wait3A_750, %dma_wait3A_751] : memref<4096x50x128xf32, #tpu.memory_space<hbm>> -> memref<1x50x128xf32, #tpu.memory_space<hbm>>
    %dma_wait3A_753 = tpu.memref_squeeze %dma_wait3A_752 : memref<1x50x128xf32, #tpu.memory_space<hbm>> -> memref<50x128xf32, #tpu.memory_space<hbm>>
    %dma_wait3A_754 = arith.constant 0 : i32
    %dma_wait3A_755 = arith.constant 0 : i32
    %dma_wait3A_756 = tpu.memref_slice %arg6[%dma_wait3A_737, %dma_wait3A_754, %dma_wait3A_755] : memref<3x200x128xf32, #tpu.memory_space<vmem>> -> memref<1x200x128xf32, #tpu.memory_space<vmem>>
    %dma_wait3A_757 = tpu.memref_squeeze %dma_wait3A_756 : memref<1x200x128xf32, #tpu.memory_space<vmem>> -> memref<200x128xf32, #tpu.memory_space<vmem>>
    %dma_wait3A_758 = arith.constant 0 : i32
    %dma_wait3A_759 = arith.constant 0 : i32
    %dma_wait3A_760 = tpu.memref_slice %dma_wait3A_757[%dma_wait3A_758, %dma_wait3A_759] : memref<200x128xf32, #tpu.memory_space<vmem>> -> memref<50x128xf32, #tpu.memory_space<vmem>>
    tpu.wait_dma2 semaphore(%arg10 : memref<!tpu.dma_semaphore, #tpu.memory_space<semaphore_mem>>) src(%dma_wait3A_760 : memref<50x128xf32, #tpu.memory_space<vmem>>) dst(%dma_wait3A_753 : memref<50x128xf32, #tpu.memory_space<hbm>>)
    %dma_wait3A_761 = arith.constant 0 : i32
    %dma_wait3A_762 = arith.constant 0 : i32
    %dma_wait3A_763 = arith.constant 0 : i32
    %dma_wait3A_764 = arith.constant 0 : i32
    %dma_wait3A_765 = tpu.memref_slice %arg6[%dma_wait3A_761, %dma_wait3A_763, %dma_wait3A_764] : memref<3x200x128xf32, #tpu.memory_space<vmem>> -> memref<1x200x128xf32, #tpu.memory_space<vmem>>
    %dma_wait3A_766 = tpu.memref_squeeze %dma_wait3A_765 : memref<1x200x128xf32, #tpu.memory_space<vmem>> -> memref<200x128xf32, #tpu.memory_space<vmem>>
    %dma_wait3A_767 = arith.constant 0 : i32
    %dma_wait3A_768 = arith.constant 0 : i32
    %dma_wait3A_769 = tpu.memref_slice %dma_wait3A_766[%dma_wait3A_767, %dma_wait3A_768] : memref<200x128xf32, #tpu.memory_space<vmem>> -> memref<50x128xf32, #tpu.memory_space<vmem>>
    %dma_wait3A_770 = arith.constant 0 : i32
    %dma_wait3A_771 = arith.constant 0 : i32
    %dma_wait3A_772 = tpu.memref_slice %arg4[%dma_wait3A_762, %dma_wait3A_770, %dma_wait3A_771] : memref<4096x50x128xf32, #tpu.memory_space<hbm>> -> memref<1x50x128xf32, #tpu.memory_space<hbm>>
    %dma_wait3A_773 = tpu.memref_squeeze %dma_wait3A_772 : memref<1x50x128xf32, #tpu.memory_space<hbm>> -> memref<50x128xf32, #tpu.memory_space<hbm>>
    %dma_wait3A_774 = arith.constant 0 : i32
    %dma_wait3A_775 = arith.constant 0 : i32
    %dma_wait3A_776 = tpu.memref_slice %arg4[%dma_wait3A_762, %dma_wait3A_774, %dma_wait3A_775] : memref<4096x50x128xf32, #tpu.memory_space<hbm>> -> memref<1x50x128xf32, #tpu.memory_space<hbm>>
    %dma_wait3A_777 = tpu.memref_squeeze %dma_wait3A_776 : memref<1x50x128xf32, #tpu.memory_space<hbm>> -> memref<50x128xf32, #tpu.memory_space<hbm>>
    %dma_wait3A_778 = arith.constant 0 : i32
    %dma_wait3A_779 = arith.constant 0 : i32
    %dma_wait3A_780 = tpu.memref_slice %arg6[%dma_wait3A_761, %dma_wait3A_778, %dma_wait3A_779] : memref<3x200x128xf32, #tpu.memory_space<vmem>> -> memref<1x200x128xf32, #tpu.memory_space<vmem>>
    %dma_wait3A_781 = tpu.memref_squeeze %dma_wait3A_780 : memref<1x200x128xf32, #tpu.memory_space<vmem>> -> memref<200x128xf32, #tpu.memory_space<vmem>>
    %dma_wait3A_782 = arith.constant 0 : i32
    %dma_wait3A_783 = arith.constant 0 : i32
    %dma_wait3A_784 = tpu.memref_slice %dma_wait3A_781[%dma_wait3A_782, %dma_wait3A_783] : memref<200x128xf32, #tpu.memory_space<vmem>> -> memref<50x128xf32, #tpu.memory_space<vmem>>
    tpu.wait_dma2 semaphore(%arg10 : memref<!tpu.dma_semaphore, #tpu.memory_space<semaphore_mem>>) src(%dma_wait3A_784 : memref<50x128xf32, #tpu.memory_space<vmem>>) dst(%dma_wait3A_777 : memref<50x128xf32, #tpu.memory_space<hbm>>)
    %dma_start3A_785 = arith.constant 120 : i32
    %dma_start3A_786 = arith.constant 0 : i32
    %dma_start3A_787 = arith.constant 0 : i32
    %dma_start3A_788 = arith.constant 0 : i32
    %dma_start3A_789 = tpu.memref_slice %arg6[%dma_start3A_786, %dma_start3A_787, %dma_start3A_788] : memref<3x200x128xf32, #tpu.memory_space<vmem>> -> memref<1x200x128xf32, #tpu.memory_space<vmem>>
    %dma_start3A_790 = tpu.memref_squeeze %dma_start3A_789 : memref<1x200x128xf32, #tpu.memory_space<vmem>> -> memref<200x128xf32, #tpu.memory_space<vmem>>
    %dma_start3A_791 = arith.constant 0 : i32
    %dma_start3A_792 = arith.constant 0 : i32
    %dma_start3A_793 = tpu.memref_slice %dma_start3A_790[%dma_start3A_791, %dma_start3A_792] : memref<200x128xf32, #tpu.memory_space<vmem>> -> memref<50x128xf32, #tpu.memory_space<vmem>>
    %dma_start3A_794 = arith.constant 0 : i32
    %dma_start3A_795 = tpu.memref_slice %arg5[%dma_start3A_785, %dma_start3A_794] : memref<128x50xi32, #tpu.memory_space<vmem>> -> memref<1x50xi32, #tpu.memory_space<vmem>>
    %dma_start3A_796 = tpu.memref_squeeze %dma_start3A_795 : memref<1x50xi32, #tpu.memory_space<vmem>> -> memref<50xi32, #tpu.memory_space<vmem>>
    %dma_start3A_797 = arith.constant 0 : i32
    %dma_start3A_798 = arith.constant 0 : i32
    %dma_start3A_799 = tpu.memref_slice %arg2[%dma_start3A_797, %dma_start3A_798] : memref<100000x128xf32, #tpu.memory_space<hbm>> -> memref<100000x128xf32, #tpu.memory_space<hbm>>
    tpu.enqueue_indirect_dma source(%dma_start3A_799 : memref<100000x128xf32, #tpu.memory_space<hbm>>) target(%dma_start3A_793 : memref<50x128xf32, #tpu.memory_space<vmem>>) offsets(%dma_start3A_796 : memref<50xi32, #tpu.memory_space<vmem>>) semaphore(%arg7 : memref<!tpu.dma_semaphore, #tpu.memory_space<semaphore_mem>>)
    %dma_start3A_800 = arith.constant 121 : i32
    %dma_start3A_801 = arith.constant 0 : i32
    %dma_start3A_802 = arith.constant 0 : i32
    %dma_start3A_803 = arith.constant 0 : i32
    %dma_start3A_804 = tpu.memref_slice %arg6[%dma_start3A_801, %dma_start3A_802, %dma_start3A_803] : memref<3x200x128xf32, #tpu.memory_space<vmem>> -> memref<1x200x128xf32, #tpu.memory_space<vmem>>
    %dma_start3A_805 = tpu.memref_squeeze %dma_start3A_804 : memref<1x200x128xf32, #tpu.memory_space<vmem>> -> memref<200x128xf32, #tpu.memory_space<vmem>>
    %dma_start3A_806 = arith.constant 50 : i32
    %dma_start3A_807 = arith.constant 0 : i32
    %dma_start3A_808 = tpu.memref_slice %dma_start3A_805[%dma_start3A_806, %dma_start3A_807] : memref<200x128xf32, #tpu.memory_space<vmem>> -> memref<50x128xf32, #tpu.memory_space<vmem>>
    %dma_start3A_809 = arith.constant 0 : i32
    %dma_start3A_810 = tpu.memref_slice %arg5[%dma_start3A_800, %dma_start3A_809] : memref<128x50xi32, #tpu.memory_space<vmem>> -> memref<1x50xi32, #tpu.memory_space<vmem>>
    %dma_start3A_811 = tpu.memref_squeeze %dma_start3A_810 : memref<1x50xi32, #tpu.memory_space<vmem>> -> memref<50xi32, #tpu.memory_space<vmem>>
    %dma_start3A_812 = arith.constant 0 : i32
    %dma_start3A_813 = arith.constant 0 : i32
    %dma_start3A_814 = tpu.memref_slice %arg2[%dma_start3A_812, %dma_start3A_813] : memref<100000x128xf32, #tpu.memory_space<hbm>> -> memref<100000x128xf32, #tpu.memory_space<hbm>>
    tpu.enqueue_indirect_dma source(%dma_start3A_814 : memref<100000x128xf32, #tpu.memory_space<hbm>>) target(%dma_start3A_808 : memref<50x128xf32, #tpu.memory_space<vmem>>) offsets(%dma_start3A_811 : memref<50xi32, #tpu.memory_space<vmem>>) semaphore(%arg7 : memref<!tpu.dma_semaphore, #tpu.memory_space<semaphore_mem>>)
    %dma_start3A_815 = arith.constant 122 : i32
    %dma_start3A_816 = arith.constant 0 : i32
    %dma_start3A_817 = arith.constant 0 : i32
    %dma_start3A_818 = arith.constant 0 : i32
    %dma_start3A_819 = tpu.memref_slice %arg6[%dma_start3A_816, %dma_start3A_817, %dma_start3A_818] : memref<3x200x128xf32, #tpu.memory_space<vmem>> -> memref<1x200x128xf32, #tpu.memory_space<vmem>>
    %dma_start3A_820 = tpu.memref_squeeze %dma_start3A_819 : memref<1x200x128xf32, #tpu.memory_space<vmem>> -> memref<200x128xf32, #tpu.memory_space<vmem>>
    %dma_start3A_821 = arith.constant 100 : i32
    %dma_start3A_822 = arith.constant 0 : i32
    %dma_start3A_823 = tpu.memref_slice %dma_start3A_820[%dma_start3A_821, %dma_start3A_822] : memref<200x128xf32, #tpu.memory_space<vmem>> -> memref<50x128xf32, #tpu.memory_space<vmem>>
    %dma_start3A_824 = arith.constant 0 : i32
    %dma_start3A_825 = tpu.memref_slice %arg5[%dma_start3A_815, %dma_start3A_824] : memref<128x50xi32, #tpu.memory_space<vmem>> -> memref<1x50xi32, #tpu.memory_space<vmem>>
    %dma_start3A_826 = tpu.memref_squeeze %dma_start3A_825 : memref<1x50xi32, #tpu.memory_space<vmem>> -> memref<50xi32, #tpu.memory_space<vmem>>
    %dma_start3A_827 = arith.constant 0 : i32
    %dma_start3A_828 = arith.constant 0 : i32
    %dma_start3A_829 = tpu.memref_slice %arg2[%dma_start3A_827, %dma_start3A_828] : memref<100000x128xf32, #tpu.memory_space<hbm>> -> memref<100000x128xf32, #tpu.memory_space<hbm>>
    tpu.enqueue_indirect_dma source(%dma_start3A_829 : memref<100000x128xf32, #tpu.memory_space<hbm>>) target(%dma_start3A_823 : memref<50x128xf32, #tpu.memory_space<vmem>>) offsets(%dma_start3A_826 : memref<50xi32, #tpu.memory_space<vmem>>) semaphore(%arg7 : memref<!tpu.dma_semaphore, #tpu.memory_space<semaphore_mem>>)
    %dma_start3A_830 = arith.constant 123 : i32
    %dma_start3A_831 = arith.constant 0 : i32
    %dma_start3A_832 = arith.constant 0 : i32
    %dma_start3A_833 = arith.constant 0 : i32
    %dma_start3A_834 = tpu.memref_slice %arg6[%dma_start3A_831, %dma_start3A_832, %dma_start3A_833] : memref<3x200x128xf32, #tpu.memory_space<vmem>> -> memref<1x200x128xf32, #tpu.memory_space<vmem>>
    %dma_start3A_835 = tpu.memref_squeeze %dma_start3A_834 : memref<1x200x128xf32, #tpu.memory_space<vmem>> -> memref<200x128xf32, #tpu.memory_space<vmem>>
    %dma_start3A_836 = arith.constant 150 : i32
    %dma_start3A_837 = arith.constant 0 : i32
    %dma_start3A_838 = tpu.memref_slice %dma_start3A_835[%dma_start3A_836, %dma_start3A_837] : memref<200x128xf32, #tpu.memory_space<vmem>> -> memref<50x128xf32, #tpu.memory_space<vmem>>
    %dma_start3A_839 = arith.constant 0 : i32
    %dma_start3A_840 = tpu.memref_slice %arg5[%dma_start3A_830, %dma_start3A_839] : memref<128x50xi32, #tpu.memory_space<vmem>> -> memref<1x50xi32, #tpu.memory_space<vmem>>
    %dma_start3A_841 = tpu.memref_squeeze %dma_start3A_840 : memref<1x50xi32, #tpu.memory_space<vmem>> -> memref<50xi32, #tpu.memory_space<vmem>>
    %dma_start3A_842 = arith.constant 0 : i32
    %dma_start3A_843 = arith.constant 0 : i32
    %dma_start3A_844 = tpu.memref_slice %arg2[%dma_start3A_842, %dma_start3A_843] : memref<100000x128xf32, #tpu.memory_space<hbm>> -> memref<100000x128xf32, #tpu.memory_space<hbm>>
    tpu.enqueue_indirect_dma source(%dma_start3A_844 : memref<100000x128xf32, #tpu.memory_space<hbm>>) target(%dma_start3A_838 : memref<50x128xf32, #tpu.memory_space<vmem>>) offsets(%dma_start3A_841 : memref<50xi32, #tpu.memory_space<vmem>>) semaphore(%arg7 : memref<!tpu.dma_semaphore, #tpu.memory_space<semaphore_mem>>)
    %dma_wait3A_845 = arith.constant 0 : i32
    %dma_wait3A_846 = arith.constant 0 : i32
    %dma_wait3A_847 = arith.constant 0 : i32
    %dma_wait3A_848 = arith.constant 0 : i32
    %dma_wait3A_849 = tpu.memref_slice %arg6[%dma_wait3A_846, %dma_wait3A_847, %dma_wait3A_848] : memref<3x200x128xf32, #tpu.memory_space<vmem>> -> memref<1x200x128xf32, #tpu.memory_space<vmem>>
    %dma_wait3A_850 = tpu.memref_squeeze %dma_wait3A_849 : memref<1x200x128xf32, #tpu.memory_space<vmem>> -> memref<200x128xf32, #tpu.memory_space<vmem>>
    %dma_wait3A_851 = arith.constant 0 : i32
    %dma_wait3A_852 = arith.constant 0 : i32
    %dma_wait3A_853 = tpu.memref_slice %dma_wait3A_850[%dma_wait3A_851, %dma_wait3A_852] : memref<200x128xf32, #tpu.memory_space<vmem>> -> memref<50x128xf32, #tpu.memory_space<vmem>>
    %dma_wait3A_854 = arith.constant 0 : i32
    %dma_wait3A_855 = tpu.memref_slice %arg5[%dma_wait3A_845, %dma_wait3A_854] : memref<128x50xi32, #tpu.memory_space<vmem>> -> memref<1x50xi32, #tpu.memory_space<vmem>>
    %dma_wait3A_856 = tpu.memref_squeeze %dma_wait3A_855 : memref<1x50xi32, #tpu.memory_space<vmem>> -> memref<50xi32, #tpu.memory_space<vmem>>
    %dma_wait3A_857 = arith.constant 0 : i32
    %dma_wait3A_858 = arith.constant 0 : i32
    %dma_wait3A_859 = tpu.memref_slice %arg2[%dma_wait3A_857, %dma_wait3A_858] : memref<100000x128xf32, #tpu.memory_space<hbm>> -> memref<100000x128xf32, #tpu.memory_space<hbm>>
    tpu.wait_indirect_dma semaphore(%arg7 : memref<!tpu.dma_semaphore, #tpu.memory_space<semaphore_mem>>) src(%dma_wait3A_859 : memref<100000x128xf32, #tpu.memory_space<hbm>>) dst(%dma_wait3A_853 : memref<50x128xf32, #tpu.memory_space<vmem>>)
    %dma_wait3A_860 = arith.constant 0 : i32
    %dma_wait3A_861 = arith.constant 0 : i32
    %dma_wait3A_862 = arith.constant 0 : i32
    %dma_wait3A_863 = arith.constant 0 : i32
    %dma_wait3A_864 = tpu.memref_slice %arg6[%dma_wait3A_861, %dma_wait3A_862, %dma_wait3A_863] : memref<3x200x128xf32, #tpu.memory_space<vmem>> -> memref<1x200x128xf32, #tpu.memory_space<vmem>>
    %dma_wait3A_865 = tpu.memref_squeeze %dma_wait3A_864 : memref<1x200x128xf32, #tpu.memory_space<vmem>> -> memref<200x128xf32, #tpu.memory_space<vmem>>
    %dma_wait3A_866 = arith.constant 0 : i32
    %dma_wait3A_867 = arith.constant 0 : i32
    %dma_wait3A_868 = tpu.memref_slice %dma_wait3A_865[%dma_wait3A_866, %dma_wait3A_867] : memref<200x128xf32, #tpu.memory_space<vmem>> -> memref<50x128xf32, #tpu.memory_space<vmem>>
    %dma_wait3A_869 = arith.constant 0 : i32
    %dma_wait3A_870 = tpu.memref_slice %arg5[%dma_wait3A_860, %dma_wait3A_869] : memref<128x50xi32, #tpu.memory_space<vmem>> -> memref<1x50xi32, #tpu.memory_space<vmem>>
    %dma_wait3A_871 = tpu.memref_squeeze %dma_wait3A_870 : memref<1x50xi32, #tpu.memory_space<vmem>> -> memref<50xi32, #tpu.memory_space<vmem>>
    %dma_wait3A_872 = arith.constant 0 : i32
    %dma_wait3A_873 = arith.constant 0 : i32
    %dma_wait3A_874 = tpu.memref_slice %arg2[%dma_wait3A_872, %dma_wait3A_873] : memref<100000x128xf32, #tpu.memory_space<hbm>> -> memref<100000x128xf32, #tpu.memory_space<hbm>>
    tpu.wait_indirect_dma semaphore(%arg7 : memref<!tpu.dma_semaphore, #tpu.memory_space<semaphore_mem>>) src(%dma_wait3A_874 : memref<100000x128xf32, #tpu.memory_space<hbm>>) dst(%dma_wait3A_868 : memref<50x128xf32, #tpu.memory_space<vmem>>)
    %dma_wait3A_875 = arith.constant 0 : i32
    %dma_wait3A_876 = arith.constant 0 : i32
    %dma_wait3A_877 = arith.constant 0 : i32
    %dma_wait3A_878 = arith.constant 0 : i32
    %dma_wait3A_879 = tpu.memref_slice %arg6[%dma_wait3A_876, %dma_wait3A_877, %dma_wait3A_878] : memref<3x200x128xf32, #tpu.memory_space<vmem>> -> memref<1x200x128xf32, #tpu.memory_space<vmem>>
    %dma_wait3A_880 = tpu.memref_squeeze %dma_wait3A_879 : memref<1x200x128xf32, #tpu.memory_space<vmem>> -> memref<200x128xf32, #tpu.memory_space<vmem>>
    %dma_wait3A_881 = arith.constant 0 : i32
    %dma_wait3A_882 = arith.constant 0 : i32
    %dma_wait3A_883 = tpu.memref_slice %dma_wait3A_880[%dma_wait3A_881, %dma_wait3A_882] : memref<200x128xf32, #tpu.memory_space<vmem>> -> memref<50x128xf32, #tpu.memory_space<vmem>>
    %dma_wait3A_884 = arith.constant 0 : i32
    %dma_wait3A_885 = tpu.memref_slice %arg5[%dma_wait3A_875, %dma_wait3A_884] : memref<128x50xi32, #tpu.memory_space<vmem>> -> memref<1x50xi32, #tpu.memory_space<vmem>>
    %dma_wait3A_886 = tpu.memref_squeeze %dma_wait3A_885 : memref<1x50xi32, #tpu.memory_space<vmem>> -> memref<50xi32, #tpu.memory_space<vmem>>
    %dma_wait3A_887 = arith.constant 0 : i32
    %dma_wait3A_888 = arith.constant 0 : i32
    %dma_wait3A_889 = tpu.memref_slice %arg2[%dma_wait3A_887, %dma_wait3A_888] : memref<100000x128xf32, #tpu.memory_space<hbm>> -> memref<100000x128xf32, #tpu.memory_space<hbm>>
    tpu.wait_indirect_dma semaphore(%arg7 : memref<!tpu.dma_semaphore, #tpu.memory_space<semaphore_mem>>) src(%dma_wait3A_889 : memref<100000x128xf32, #tpu.memory_space<hbm>>) dst(%dma_wait3A_883 : memref<50x128xf32, #tpu.memory_space<vmem>>)
    %dma_wait3A_890 = arith.constant 0 : i32
    %dma_wait3A_891 = arith.constant 0 : i32
    %dma_wait3A_892 = arith.constant 0 : i32
    %dma_wait3A_893 = arith.constant 0 : i32
    %dma_wait3A_894 = tpu.memref_slice %arg6[%dma_wait3A_891, %dma_wait3A_892, %dma_wait3A_893] : memref<3x200x128xf32, #tpu.memory_space<vmem>> -> memref<1x200x128xf32, #tpu.memory_space<vmem>>
    %dma_wait3A_895 = tpu.memref_squeeze %dma_wait3A_894 : memref<1x200x128xf32, #tpu.memory_space<vmem>> -> memref<200x128xf32, #tpu.memory_space<vmem>>
    %dma_wait3A_896 = arith.constant 0 : i32
    %dma_wait3A_897 = arith.constant 0 : i32
    %dma_wait3A_898 = tpu.memref_slice %dma_wait3A_895[%dma_wait3A_896, %dma_wait3A_897] : memref<200x128xf32, #tpu.memory_space<vmem>> -> memref<50x128xf32, #tpu.memory_space<vmem>>
    %dma_wait3A_899 = arith.constant 0 : i32
    %dma_wait3A_900 = tpu.memref_slice %arg5[%dma_wait3A_890, %dma_wait3A_899] : memref<128x50xi32, #tpu.memory_space<vmem>> -> memref<1x50xi32, #tpu.memory_space<vmem>>
    %dma_wait3A_901 = tpu.memref_squeeze %dma_wait3A_900 : memref<1x50xi32, #tpu.memory_space<vmem>> -> memref<50xi32, #tpu.memory_space<vmem>>
    %dma_wait3A_902 = arith.constant 0 : i32
    %dma_wait3A_903 = arith.constant 0 : i32
    %dma_wait3A_904 = tpu.memref_slice %arg2[%dma_wait3A_902, %dma_wait3A_903] : memref<100000x128xf32, #tpu.memory_space<hbm>> -> memref<100000x128xf32, #tpu.memory_space<hbm>>
    tpu.wait_indirect_dma semaphore(%arg7 : memref<!tpu.dma_semaphore, #tpu.memory_space<semaphore_mem>>) src(%dma_wait3A_904 : memref<100000x128xf32, #tpu.memory_space<hbm>>) dst(%dma_wait3A_898 : memref<50x128xf32, #tpu.memory_space<vmem>>)
    %add3A_905 = arith.constant 120 : i32
    %add3A_906 = arith.addi %mul3A_2, %add3A_905 : i32
    %add3A_907 = arith.constant 0 : i32
    %add3A_908 = arith.addi %add3A_906, %add3A_907 : i32
    %dma_start3A_909 = arith.constant 0 : i32
    %dma_start3A_910 = arith.constant 0 : i32
    %dma_start3A_911 = arith.constant 0 : i32
    %dma_start3A_912 = tpu.memref_slice %arg6[%dma_start3A_909, %dma_start3A_910, %dma_start3A_911] : memref<3x200x128xf32, #tpu.memory_space<vmem>> -> memref<1x200x128xf32, #tpu.memory_space<vmem>>
    %dma_start3A_913 = tpu.memref_squeeze %dma_start3A_912 : memref<1x200x128xf32, #tpu.memory_space<vmem>> -> memref<200x128xf32, #tpu.memory_space<vmem>>
    %dma_start3A_914 = arith.constant 0 : i32
    %dma_start3A_915 = arith.constant 0 : i32
    %dma_start3A_916 = tpu.memref_slice %dma_start3A_913[%dma_start3A_914, %dma_start3A_915] : memref<200x128xf32, #tpu.memory_space<vmem>> -> memref<50x128xf32, #tpu.memory_space<vmem>>
    %dma_start3A_917 = arith.constant 0 : i32
    %dma_start3A_918 = arith.constant 0 : i32
    %dma_start3A_919 = tpu.memref_slice %arg4[%add3A_908, %dma_start3A_917, %dma_start3A_918] : memref<4096x50x128xf32, #tpu.memory_space<hbm>> -> memref<1x50x128xf32, #tpu.memory_space<hbm>>
    %dma_start3A_920 = tpu.memref_squeeze %dma_start3A_919 : memref<1x50x128xf32, #tpu.memory_space<hbm>> -> memref<50x128xf32, #tpu.memory_space<hbm>>
    %dma_start3A_921 = arith.constant 0 : i32
    %dma_start3A_922 = arith.constant 0 : i32
    %dma_start3A_923 = tpu.memref_slice %arg4[%add3A_908, %dma_start3A_921, %dma_start3A_922] : memref<4096x50x128xf32, #tpu.memory_space<hbm>> -> memref<1x50x128xf32, #tpu.memory_space<hbm>>
    %dma_start3A_924 = tpu.memref_squeeze %dma_start3A_923 : memref<1x50x128xf32, #tpu.memory_space<hbm>> -> memref<50x128xf32, #tpu.memory_space<hbm>>
    %dma_start3A_925 = arith.constant 0 : i32
    %dma_start3A_926 = arith.constant 0 : i32
    %dma_start3A_927 = tpu.memref_slice %arg6[%dma_start3A_909, %dma_start3A_925, %dma_start3A_926] : memref<3x200x128xf32, #tpu.memory_space<vmem>> -> memref<1x200x128xf32, #tpu.memory_space<vmem>>
    %dma_start3A_928 = tpu.memref_squeeze %dma_start3A_927 : memref<1x200x128xf32, #tpu.memory_space<vmem>> -> memref<200x128xf32, #tpu.memory_space<vmem>>
    %dma_start3A_929 = arith.constant 0 : i32
    %dma_start3A_930 = arith.constant 0 : i32
    %dma_start3A_931 = tpu.memref_slice %dma_start3A_928[%dma_start3A_929, %dma_start3A_930] : memref<200x128xf32, #tpu.memory_space<vmem>> -> memref<50x128xf32, #tpu.memory_space<vmem>>
    tpu.enqueue_dma source(%dma_start3A_931 : memref<50x128xf32, #tpu.memory_space<vmem>>) target(%dma_start3A_924 : memref<50x128xf32, #tpu.memory_space<hbm>>) target_semaphore(%arg10 : memref<!tpu.dma_semaphore, #tpu.memory_space<semaphore_mem>>)
    %add3A_932 = arith.constant 120 : i32
    %add3A_933 = arith.addi %mul3A_2, %add3A_932 : i32
    %add3A_934 = arith.constant 1 : i32
    %add3A_935 = arith.addi %add3A_933, %add3A_934 : i32
    %dma_start3A_936 = arith.constant 0 : i32
    %dma_start3A_937 = arith.constant 0 : i32
    %dma_start3A_938 = arith.constant 0 : i32
    %dma_start3A_939 = tpu.memref_slice %arg6[%dma_start3A_936, %dma_start3A_937, %dma_start3A_938] : memref<3x200x128xf32, #tpu.memory_space<vmem>> -> memref<1x200x128xf32, #tpu.memory_space<vmem>>
    %dma_start3A_940 = tpu.memref_squeeze %dma_start3A_939 : memref<1x200x128xf32, #tpu.memory_space<vmem>> -> memref<200x128xf32, #tpu.memory_space<vmem>>
    %dma_start3A_941 = arith.constant 50 : i32
    %dma_start3A_942 = arith.constant 0 : i32
    %dma_start3A_943 = tpu.memref_slice %dma_start3A_940[%dma_start3A_941, %dma_start3A_942] : memref<200x128xf32, #tpu.memory_space<vmem>> -> memref<50x128xf32, #tpu.memory_space<vmem>>
    %dma_start3A_944 = arith.constant 0 : i32
    %dma_start3A_945 = arith.constant 0 : i32
    %dma_start3A_946 = tpu.memref_slice %arg4[%add3A_935, %dma_start3A_944, %dma_start3A_945] : memref<4096x50x128xf32, #tpu.memory_space<hbm>> -> memref<1x50x128xf32, #tpu.memory_space<hbm>>
    %dma_start3A_947 = tpu.memref_squeeze %dma_start3A_946 : memref<1x50x128xf32, #tpu.memory_space<hbm>> -> memref<50x128xf32, #tpu.memory_space<hbm>>
    %dma_start3A_948 = arith.constant 0 : i32
    %dma_start3A_949 = arith.constant 0 : i32
    %dma_start3A_950 = tpu.memref_slice %arg4[%add3A_935, %dma_start3A_948, %dma_start3A_949] : memref<4096x50x128xf32, #tpu.memory_space<hbm>> -> memref<1x50x128xf32, #tpu.memory_space<hbm>>
    %dma_start3A_951 = tpu.memref_squeeze %dma_start3A_950 : memref<1x50x128xf32, #tpu.memory_space<hbm>> -> memref<50x128xf32, #tpu.memory_space<hbm>>
    %dma_start3A_952 = arith.constant 0 : i32
    %dma_start3A_953 = arith.constant 0 : i32
    %dma_start3A_954 = tpu.memref_slice %arg6[%dma_start3A_936, %dma_start3A_952, %dma_start3A_953] : memref<3x200x128xf32, #tpu.memory_space<vmem>> -> memref<1x200x128xf32, #tpu.memory_space<vmem>>
    %dma_start3A_955 = tpu.memref_squeeze %dma_start3A_954 : memref<1x200x128xf32, #tpu.memory_space<vmem>> -> memref<200x128xf32, #tpu.memory_space<vmem>>
    %dma_start3A_956 = arith.constant 50 : i32
    %dma_start3A_957 = arith.constant 0 : i32
    %dma_start3A_958 = tpu.memref_slice %dma_start3A_955[%dma_start3A_956, %dma_start3A_957] : memref<200x128xf32, #tpu.memory_space<vmem>> -> memref<50x128xf32, #tpu.memory_space<vmem>>
    tpu.enqueue_dma source(%dma_start3A_958 : memref<50x128xf32, #tpu.memory_space<vmem>>) target(%dma_start3A_951 : memref<50x128xf32, #tpu.memory_space<hbm>>) target_semaphore(%arg10 : memref<!tpu.dma_semaphore, #tpu.memory_space<semaphore_mem>>)
    %add3A_959 = arith.constant 120 : i32
    %add3A_960 = arith.addi %mul3A_2, %add3A_959 : i32
    %add3A_961 = arith.constant 2 : i32
    %add3A_962 = arith.addi %add3A_960, %add3A_961 : i32
    %dma_start3A_963 = arith.constant 0 : i32
    %dma_start3A_964 = arith.constant 0 : i32
    %dma_start3A_965 = arith.constant 0 : i32
    %dma_start3A_966 = tpu.memref_slice %arg6[%dma_start3A_963, %dma_start3A_964, %dma_start3A_965] : memref<3x200x128xf32, #tpu.memory_space<vmem>> -> memref<1x200x128xf32, #tpu.memory_space<vmem>>
    %dma_start3A_967 = tpu.memref_squeeze %dma_start3A_966 : memref<1x200x128xf32, #tpu.memory_space<vmem>> -> memref<200x128xf32, #tpu.memory_space<vmem>>
    %dma_start3A_968 = arith.constant 100 : i32
    %dma_start3A_969 = arith.constant 0 : i32
    %dma_start3A_970 = tpu.memref_slice %dma_start3A_967[%dma_start3A_968, %dma_start3A_969] : memref<200x128xf32, #tpu.memory_space<vmem>> -> memref<50x128xf32, #tpu.memory_space<vmem>>
    %dma_start3A_971 = arith.constant 0 : i32
    %dma_start3A_972 = arith.constant 0 : i32
    %dma_start3A_973 = tpu.memref_slice %arg4[%add3A_962, %dma_start3A_971, %dma_start3A_972] : memref<4096x50x128xf32, #tpu.memory_space<hbm>> -> memref<1x50x128xf32, #tpu.memory_space<hbm>>
    %dma_start3A_974 = tpu.memref_squeeze %dma_start3A_973 : memref<1x50x128xf32, #tpu.memory_space<hbm>> -> memref<50x128xf32, #tpu.memory_space<hbm>>
    %dma_start3A_975 = arith.constant 0 : i32
    %dma_start3A_976 = arith.constant 0 : i32
    %dma_start3A_977 = tpu.memref_slice %arg4[%add3A_962, %dma_start3A_975, %dma_start3A_976] : memref<4096x50x128xf32, #tpu.memory_space<hbm>> -> memref<1x50x128xf32, #tpu.memory_space<hbm>>
    %dma_start3A_978 = tpu.memref_squeeze %dma_start3A_977 : memref<1x50x128xf32, #tpu.memory_space<hbm>> -> memref<50x128xf32, #tpu.memory_space<hbm>>
    %dma_start3A_979 = arith.constant 0 : i32
    %dma_start3A_980 = arith.constant 0 : i32
    %dma_start3A_981 = tpu.memref_slice %arg6[%dma_start3A_963, %dma_start3A_979, %dma_start3A_980] : memref<3x200x128xf32, #tpu.memory_space<vmem>> -> memref<1x200x128xf32, #tpu.memory_space<vmem>>
    %dma_start3A_982 = tpu.memref_squeeze %dma_start3A_981 : memref<1x200x128xf32, #tpu.memory_space<vmem>> -> memref<200x128xf32, #tpu.memory_space<vmem>>
    %dma_start3A_983 = arith.constant 100 : i32
    %dma_start3A_984 = arith.constant 0 : i32
    %dma_start3A_985 = tpu.memref_slice %dma_start3A_982[%dma_start3A_983, %dma_start3A_984] : memref<200x128xf32, #tpu.memory_space<vmem>> -> memref<50x128xf32, #tpu.memory_space<vmem>>
    tpu.enqueue_dma source(%dma_start3A_985 : memref<50x128xf32, #tpu.memory_space<vmem>>) target(%dma_start3A_978 : memref<50x128xf32, #tpu.memory_space<hbm>>) target_semaphore(%arg10 : memref<!tpu.dma_semaphore, #tpu.memory_space<semaphore_mem>>)
    %add3A_986 = arith.constant 120 : i32
    %add3A_987 = arith.addi %mul3A_2, %add3A_986 : i32
    %add3A_988 = arith.constant 3 : i32
    %add3A_989 = arith.addi %add3A_987, %add3A_988 : i32
    %dma_start3A_990 = arith.constant 0 : i32
    %dma_start3A_991 = arith.constant 0 : i32
    %dma_start3A_992 = arith.constant 0 : i32
    %dma_start3A_993 = tpu.memref_slice %arg6[%dma_start3A_990, %dma_start3A_991, %dma_start3A_992] : memref<3x200x128xf32, #tpu.memory_space<vmem>> -> memref<1x200x128xf32, #tpu.memory_space<vmem>>
    %dma_start3A_994 = tpu.memref_squeeze %dma_start3A_993 : memref<1x200x128xf32, #tpu.memory_space<vmem>> -> memref<200x128xf32, #tpu.memory_space<vmem>>
    %dma_start3A_995 = arith.constant 150 : i32
    %dma_start3A_996 = arith.constant 0 : i32
    %dma_start3A_997 = tpu.memref_slice %dma_start3A_994[%dma_start3A_995, %dma_start3A_996] : memref<200x128xf32, #tpu.memory_space<vmem>> -> memref<50x128xf32, #tpu.memory_space<vmem>>
    %dma_start3A_998 = arith.constant 0 : i32
    %dma_start3A_999 = arith.constant 0 : i32
    %dma_start3A_1000 = tpu.memref_slice %arg4[%add3A_989, %dma_start3A_998, %dma_start3A_999] : memref<4096x50x128xf32, #tpu.memory_space<hbm>> -> memref<1x50x128xf32, #tpu.memory_space<hbm>>
    %dma_start3A_1001 = tpu.memref_squeeze %dma_start3A_1000 : memref<1x50x128xf32, #tpu.memory_space<hbm>> -> memref<50x128xf32, #tpu.memory_space<hbm>>
    %dma_start3A_1002 = arith.constant 0 : i32
    %dma_start3A_1003 = arith.constant 0 : i32
    %dma_start3A_1004 = tpu.memref_slice %arg4[%add3A_989, %dma_start3A_1002, %dma_start3A_1003] : memref<4096x50x128xf32, #tpu.memory_space<hbm>> -> memref<1x50x128xf32, #tpu.memory_space<hbm>>
    %dma_start3A_1005 = tpu.memref_squeeze %dma_start3A_1004 : memref<1x50x128xf32, #tpu.memory_space<hbm>> -> memref<50x128xf32, #tpu.memory_space<hbm>>
    %dma_start3A_1006 = arith.constant 0 : i32
    %dma_start3A_1007 = arith.constant 0 : i32
    %dma_start3A_1008 = tpu.memref_slice %arg6[%dma_start3A_990, %dma_start3A_1006, %dma_start3A_1007] : memref<3x200x128xf32, #tpu.memory_space<vmem>> -> memref<1x200x128xf32, #tpu.memory_space<vmem>>
    %dma_start3A_1009 = tpu.memref_squeeze %dma_start3A_1008 : memref<1x200x128xf32, #tpu.memory_space<vmem>> -> memref<200x128xf32, #tpu.memory_space<vmem>>
    %dma_start3A_1010 = arith.constant 150 : i32
    %dma_start3A_1011 = arith.constant 0 : i32
    %dma_start3A_1012 = tpu.memref_slice %dma_start3A_1009[%dma_start3A_1010, %dma_start3A_1011] : memref<200x128xf32, #tpu.memory_space<vmem>> -> memref<50x128xf32, #tpu.memory_space<vmem>>
    tpu.enqueue_dma source(%dma_start3A_1012 : memref<50x128xf32, #tpu.memory_space<vmem>>) target(%dma_start3A_1005 : memref<50x128xf32, #tpu.memory_space<hbm>>) target_semaphore(%arg10 : memref<!tpu.dma_semaphore, #tpu.memory_space<semaphore_mem>>)
    %dma_wait3A_1013 = arith.constant 1 : i32
    %dma_wait3A_1014 = arith.constant 0 : i32
    %dma_wait3A_1015 = arith.constant 0 : i32
    %dma_wait3A_1016 = arith.constant 0 : i32
    %dma_wait3A_1017 = tpu.memref_slice %arg6[%dma_wait3A_1013, %dma_wait3A_1015, %dma_wait3A_1016] : memref<3x200x128xf32, #tpu.memory_space<vmem>> -> memref<1x200x128xf32, #tpu.memory_space<vmem>>
    %dma_wait3A_1018 = tpu.memref_squeeze %dma_wait3A_1017 : memref<1x200x128xf32, #tpu.memory_space<vmem>> -> memref<200x128xf32, #tpu.memory_space<vmem>>
    %dma_wait3A_1019 = arith.constant 0 : i32
    %dma_wait3A_1020 = arith.constant 0 : i32
    %dma_wait3A_1021 = tpu.memref_slice %dma_wait3A_1018[%dma_wait3A_1019, %dma_wait3A_1020] : memref<200x128xf32, #tpu.memory_space<vmem>> -> memref<50x128xf32, #tpu.memory_space<vmem>>
    %dma_wait3A_1022 = arith.constant 0 : i32
    %dma_wait3A_1023 = arith.constant 0 : i32
    %dma_wait3A_1024 = tpu.memref_slice %arg4[%dma_wait3A_1014, %dma_wait3A_1022, %dma_wait3A_1023] : memref<4096x50x128xf32, #tpu.memory_space<hbm>> -> memref<1x50x128xf32, #tpu.memory_space<hbm>>
    %dma_wait3A_1025 = tpu.memref_squeeze %dma_wait3A_1024 : memref<1x50x128xf32, #tpu.memory_space<hbm>> -> memref<50x128xf32, #tpu.memory_space<hbm>>
    %dma_wait3A_1026 = arith.constant 0 : i32
    %dma_wait3A_1027 = arith.constant 0 : i32
    %dma_wait3A_1028 = tpu.memref_slice %arg4[%dma_wait3A_1014, %dma_wait3A_1026, %dma_wait3A_1027] : memref<4096x50x128xf32, #tpu.memory_space<hbm>> -> memref<1x50x128xf32, #tpu.memory_space<hbm>>
    %dma_wait3A_1029 = tpu.memref_squeeze %dma_wait3A_1028 : memref<1x50x128xf32, #tpu.memory_space<hbm>> -> memref<50x128xf32, #tpu.memory_space<hbm>>
    %dma_wait3A_1030 = arith.constant 0 : i32
    %dma_wait3A_1031 = arith.constant 0 : i32
    %dma_wait3A_1032 = tpu.memref_slice %arg6[%dma_wait3A_1013, %dma_wait3A_1030, %dma_wait3A_1031] : memref<3x200x128xf32, #tpu.memory_space<vmem>> -> memref<1x200x128xf32, #tpu.memory_space<vmem>>
    %dma_wait3A_1033 = tpu.memref_squeeze %dma_wait3A_1032 : memref<1x200x128xf32, #tpu.memory_space<vmem>> -> memref<200x128xf32, #tpu.memory_space<vmem>>
    %dma_wait3A_1034 = arith.constant 0 : i32
    %dma_wait3A_1035 = arith.constant 0 : i32
    %dma_wait3A_1036 = tpu.memref_slice %dma_wait3A_1033[%dma_wait3A_1034, %dma_wait3A_1035] : memref<200x128xf32, #tpu.memory_space<vmem>> -> memref<50x128xf32, #tpu.memory_space<vmem>>
    tpu.wait_dma2 semaphore(%arg11 : memref<!tpu.dma_semaphore, #tpu.memory_space<semaphore_mem>>) src(%dma_wait3A_1036 : memref<50x128xf32, #tpu.memory_space<vmem>>) dst(%dma_wait3A_1029 : memref<50x128xf32, #tpu.memory_space<hbm>>)
    %dma_wait3A_1037 = arith.constant 1 : i32
    %dma_wait3A_1038 = arith.constant 0 : i32
    %dma_wait3A_1039 = arith.constant 0 : i32
    %dma_wait3A_1040 = arith.constant 0 : i32
    %dma_wait3A_1041 = tpu.memref_slice %arg6[%dma_wait3A_1037, %dma_wait3A_1039, %dma_wait3A_1040] : memref<3x200x128xf32, #tpu.memory_space<vmem>> -> memref<1x200x128xf32, #tpu.memory_space<vmem>>
    %dma_wait3A_1042 = tpu.memref_squeeze %dma_wait3A_1041 : memref<1x200x128xf32, #tpu.memory_space<vmem>> -> memref<200x128xf32, #tpu.memory_space<vmem>>
    %dma_wait3A_1043 = arith.constant 0 : i32
    %dma_wait3A_1044 = arith.constant 0 : i32
    %dma_wait3A_1045 = tpu.memref_slice %dma_wait3A_1042[%dma_wait3A_1043, %dma_wait3A_1044] : memref<200x128xf32, #tpu.memory_space<vmem>> -> memref<50x128xf32, #tpu.memory_space<vmem>>
    %dma_wait3A_1046 = arith.constant 0 : i32
    %dma_wait3A_1047 = arith.constant 0 : i32
    %dma_wait3A_1048 = tpu.memref_slice %arg4[%dma_wait3A_1038, %dma_wait3A_1046, %dma_wait3A_1047] : memref<4096x50x128xf32, #tpu.memory_space<hbm>> -> memref<1x50x128xf32, #tpu.memory_space<hbm>>
    %dma_wait3A_1049 = tpu.memref_squeeze %dma_wait3A_1048 : memref<1x50x128xf32, #tpu.memory_space<hbm>> -> memref<50x128xf32, #tpu.memory_space<hbm>>
    %dma_wait3A_1050 = arith.constant 0 : i32
    %dma_wait3A_1051 = arith.constant 0 : i32
    %dma_wait3A_1052 = tpu.memref_slice %arg4[%dma_wait3A_1038, %dma_wait3A_1050, %dma_wait3A_1051] : memref<4096x50x128xf32, #tpu.memory_space<hbm>> -> memref<1x50x128xf32, #tpu.memory_space<hbm>>
    %dma_wait3A_1053 = tpu.memref_squeeze %dma_wait3A_1052 : memref<1x50x128xf32, #tpu.memory_space<hbm>> -> memref<50x128xf32, #tpu.memory_space<hbm>>
    %dma_wait3A_1054 = arith.constant 0 : i32
    %dma_wait3A_1055 = arith.constant 0 : i32
    %dma_wait3A_1056 = tpu.memref_slice %arg6[%dma_wait3A_1037, %dma_wait3A_1054, %dma_wait3A_1055] : memref<3x200x128xf32, #tpu.memory_space<vmem>> -> memref<1x200x128xf32, #tpu.memory_space<vmem>>
    %dma_wait3A_1057 = tpu.memref_squeeze %dma_wait3A_1056 : memref<1x200x128xf32, #tpu.memory_space<vmem>> -> memref<200x128xf32, #tpu.memory_space<vmem>>
    %dma_wait3A_1058 = arith.constant 0 : i32
    %dma_wait3A_1059 = arith.constant 0 : i32
    %dma_wait3A_1060 = tpu.memref_slice %dma_wait3A_1057[%dma_wait3A_1058, %dma_wait3A_1059] : memref<200x128xf32, #tpu.memory_space<vmem>> -> memref<50x128xf32, #tpu.memory_space<vmem>>
    tpu.wait_dma2 semaphore(%arg11 : memref<!tpu.dma_semaphore, #tpu.memory_space<semaphore_mem>>) src(%dma_wait3A_1060 : memref<50x128xf32, #tpu.memory_space<vmem>>) dst(%dma_wait3A_1053 : memref<50x128xf32, #tpu.memory_space<hbm>>)
    %dma_wait3A_1061 = arith.constant 1 : i32
    %dma_wait3A_1062 = arith.constant 0 : i32
    %dma_wait3A_1063 = arith.constant 0 : i32
    %dma_wait3A_1064 = arith.constant 0 : i32
    %dma_wait3A_1065 = tpu.memref_slice %arg6[%dma_wait3A_1061, %dma_wait3A_1063, %dma_wait3A_1064] : memref<3x200x128xf32, #tpu.memory_space<vmem>> -> memref<1x200x128xf32, #tpu.memory_space<vmem>>
    %dma_wait3A_1066 = tpu.memref_squeeze %dma_wait3A_1065 : memref<1x200x128xf32, #tpu.memory_space<vmem>> -> memref<200x128xf32, #tpu.memory_space<vmem>>
    %dma_wait3A_1067 = arith.constant 0 : i32
    %dma_wait3A_1068 = arith.constant 0 : i32
    %dma_wait3A_1069 = tpu.memref_slice %dma_wait3A_1066[%dma_wait3A_1067, %dma_wait3A_1068] : memref<200x128xf32, #tpu.memory_space<vmem>> -> memref<50x128xf32, #tpu.memory_space<vmem>>
    %dma_wait3A_1070 = arith.constant 0 : i32
    %dma_wait3A_1071 = arith.constant 0 : i32
    %dma_wait3A_1072 = tpu.memref_slice %arg4[%dma_wait3A_1062, %dma_wait3A_1070, %dma_wait3A_1071] : memref<4096x50x128xf32, #tpu.memory_space<hbm>> -> memref<1x50x128xf32, #tpu.memory_space<hbm>>
    %dma_wait3A_1073 = tpu.memref_squeeze %dma_wait3A_1072 : memref<1x50x128xf32, #tpu.memory_space<hbm>> -> memref<50x128xf32, #tpu.memory_space<hbm>>
    %dma_wait3A_1074 = arith.constant 0 : i32
    %dma_wait3A_1075 = arith.constant 0 : i32
    %dma_wait3A_1076 = tpu.memref_slice %arg4[%dma_wait3A_1062, %dma_wait3A_1074, %dma_wait3A_1075] : memref<4096x50x128xf32, #tpu.memory_space<hbm>> -> memref<1x50x128xf32, #tpu.memory_space<hbm>>
    %dma_wait3A_1077 = tpu.memref_squeeze %dma_wait3A_1076 : memref<1x50x128xf32, #tpu.memory_space<hbm>> -> memref<50x128xf32, #tpu.memory_space<hbm>>
    %dma_wait3A_1078 = arith.constant 0 : i32
    %dma_wait3A_1079 = arith.constant 0 : i32
    %dma_wait3A_1080 = tpu.memref_slice %arg6[%dma_wait3A_1061, %dma_wait3A_1078, %dma_wait3A_1079] : memref<3x200x128xf32, #tpu.memory_space<vmem>> -> memref<1x200x128xf32, #tpu.memory_space<vmem>>
    %dma_wait3A_1081 = tpu.memref_squeeze %dma_wait3A_1080 : memref<1x200x128xf32, #tpu.memory_space<vmem>> -> memref<200x128xf32, #tpu.memory_space<vmem>>
    %dma_wait3A_1082 = arith.constant 0 : i32
    %dma_wait3A_1083 = arith.constant 0 : i32
    %dma_wait3A_1084 = tpu.memref_slice %dma_wait3A_1081[%dma_wait3A_1082, %dma_wait3A_1083] : memref<200x128xf32, #tpu.memory_space<vmem>> -> memref<50x128xf32, #tpu.memory_space<vmem>>
    tpu.wait_dma2 semaphore(%arg11 : memref<!tpu.dma_semaphore, #tpu.memory_space<semaphore_mem>>) src(%dma_wait3A_1084 : memref<50x128xf32, #tpu.memory_space<vmem>>) dst(%dma_wait3A_1077 : memref<50x128xf32, #tpu.memory_space<hbm>>)
    %dma_wait3A_1085 = arith.constant 1 : i32
    %dma_wait3A_1086 = arith.constant 0 : i32
    %dma_wait3A_1087 = arith.constant 0 : i32
    %dma_wait3A_1088 = arith.constant 0 : i32
    %dma_wait3A_1089 = tpu.memref_slice %arg6[%dma_wait3A_1085, %dma_wait3A_1087, %dma_wait3A_1088] : memref<3x200x128xf32, #tpu.memory_space<vmem>> -> memref<1x200x128xf32, #tpu.memory_space<vmem>>
    %dma_wait3A_1090 = tpu.memref_squeeze %dma_wait3A_1089 : memref<1x200x128xf32, #tpu.memory_space<vmem>> -> memref<200x128xf32, #tpu.memory_space<vmem>>
    %dma_wait3A_1091 = arith.constant 0 : i32
    %dma_wait3A_1092 = arith.constant 0 : i32
    %dma_wait3A_1093 = tpu.memref_slice %dma_wait3A_1090[%dma_wait3A_1091, %dma_wait3A_1092] : memref<200x128xf32, #tpu.memory_space<vmem>> -> memref<50x128xf32, #tpu.memory_space<vmem>>
    %dma_wait3A_1094 = arith.constant 0 : i32
    %dma_wait3A_1095 = arith.constant 0 : i32
    %dma_wait3A_1096 = tpu.memref_slice %arg4[%dma_wait3A_1086, %dma_wait3A_1094, %dma_wait3A_1095] : memref<4096x50x128xf32, #tpu.memory_space<hbm>> -> memref<1x50x128xf32, #tpu.memory_space<hbm>>
    %dma_wait3A_1097 = tpu.memref_squeeze %dma_wait3A_1096 : memref<1x50x128xf32, #tpu.memory_space<hbm>> -> memref<50x128xf32, #tpu.memory_space<hbm>>
    %dma_wait3A_1098 = arith.constant 0 : i32
    %dma_wait3A_1099 = arith.constant 0 : i32
    %dma_wait3A_1100 = tpu.memref_slice %arg4[%dma_wait3A_1086, %dma_wait3A_1098, %dma_wait3A_1099] : memref<4096x50x128xf32, #tpu.memory_space<hbm>> -> memref<1x50x128xf32, #tpu.memory_space<hbm>>
    %dma_wait3A_1101 = tpu.memref_squeeze %dma_wait3A_1100 : memref<1x50x128xf32, #tpu.memory_space<hbm>> -> memref<50x128xf32, #tpu.memory_space<hbm>>
    %dma_wait3A_1102 = arith.constant 0 : i32
    %dma_wait3A_1103 = arith.constant 0 : i32
    %dma_wait3A_1104 = tpu.memref_slice %arg6[%dma_wait3A_1085, %dma_wait3A_1102, %dma_wait3A_1103] : memref<3x200x128xf32, #tpu.memory_space<vmem>> -> memref<1x200x128xf32, #tpu.memory_space<vmem>>
    %dma_wait3A_1105 = tpu.memref_squeeze %dma_wait3A_1104 : memref<1x200x128xf32, #tpu.memory_space<vmem>> -> memref<200x128xf32, #tpu.memory_space<vmem>>
    %dma_wait3A_1106 = arith.constant 0 : i32
    %dma_wait3A_1107 = arith.constant 0 : i32
    %dma_wait3A_1108 = tpu.memref_slice %dma_wait3A_1105[%dma_wait3A_1106, %dma_wait3A_1107] : memref<200x128xf32, #tpu.memory_space<vmem>> -> memref<50x128xf32, #tpu.memory_space<vmem>>
    tpu.wait_dma2 semaphore(%arg11 : memref<!tpu.dma_semaphore, #tpu.memory_space<semaphore_mem>>) src(%dma_wait3A_1108 : memref<50x128xf32, #tpu.memory_space<vmem>>) dst(%dma_wait3A_1101 : memref<50x128xf32, #tpu.memory_space<hbm>>)
    %dma_start3A_1109 = arith.constant 124 : i32
    %dma_start3A_1110 = arith.constant 1 : i32
    %dma_start3A_1111 = arith.constant 0 : i32
    %dma_start3A_1112 = arith.constant 0 : i32
    %dma_start3A_1113 = tpu.memref_slice %arg6[%dma_start3A_1110, %dma_start3A_1111, %dma_start3A_1112] : memref<3x200x128xf32, #tpu.memory_space<vmem>> -> memref<1x200x128xf32, #tpu.memory_space<vmem>>
    %dma_start3A_1114 = tpu.memref_squeeze %dma_start3A_1113 : memref<1x200x128xf32, #tpu.memory_space<vmem>> -> memref<200x128xf32, #tpu.memory_space<vmem>>
    %dma_start3A_1115 = arith.constant 0 : i32
    %dma_start3A_1116 = arith.constant 0 : i32
    %dma_start3A_1117 = tpu.memref_slice %dma_start3A_1114[%dma_start3A_1115, %dma_start3A_1116] : memref<200x128xf32, #tpu.memory_space<vmem>> -> memref<50x128xf32, #tpu.memory_space<vmem>>
    %dma_start3A_1118 = arith.constant 0 : i32
    %dma_start3A_1119 = tpu.memref_slice %arg5[%dma_start3A_1109, %dma_start3A_1118] : memref<128x50xi32, #tpu.memory_space<vmem>> -> memref<1x50xi32, #tpu.memory_space<vmem>>
    %dma_start3A_1120 = tpu.memref_squeeze %dma_start3A_1119 : memref<1x50xi32, #tpu.memory_space<vmem>> -> memref<50xi32, #tpu.memory_space<vmem>>
    %dma_start3A_1121 = arith.constant 0 : i32
    %dma_start3A_1122 = arith.constant 0 : i32
    %dma_start3A_1123 = tpu.memref_slice %arg2[%dma_start3A_1121, %dma_start3A_1122] : memref<100000x128xf32, #tpu.memory_space<hbm>> -> memref<100000x128xf32, #tpu.memory_space<hbm>>
    tpu.enqueue_indirect_dma source(%dma_start3A_1123 : memref<100000x128xf32, #tpu.memory_space<hbm>>) target(%dma_start3A_1117 : memref<50x128xf32, #tpu.memory_space<vmem>>) offsets(%dma_start3A_1120 : memref<50xi32, #tpu.memory_space<vmem>>) semaphore(%arg8 : memref<!tpu.dma_semaphore, #tpu.memory_space<semaphore_mem>>)
    %dma_start3A_1124 = arith.constant 125 : i32
    %dma_start3A_1125 = arith.constant 1 : i32
    %dma_start3A_1126 = arith.constant 0 : i32
    %dma_start3A_1127 = arith.constant 0 : i32
    %dma_start3A_1128 = tpu.memref_slice %arg6[%dma_start3A_1125, %dma_start3A_1126, %dma_start3A_1127] : memref<3x200x128xf32, #tpu.memory_space<vmem>> -> memref<1x200x128xf32, #tpu.memory_space<vmem>>
    %dma_start3A_1129 = tpu.memref_squeeze %dma_start3A_1128 : memref<1x200x128xf32, #tpu.memory_space<vmem>> -> memref<200x128xf32, #tpu.memory_space<vmem>>
    %dma_start3A_1130 = arith.constant 50 : i32
    %dma_start3A_1131 = arith.constant 0 : i32
    %dma_start3A_1132 = tpu.memref_slice %dma_start3A_1129[%dma_start3A_1130, %dma_start3A_1131] : memref<200x128xf32, #tpu.memory_space<vmem>> -> memref<50x128xf32, #tpu.memory_space<vmem>>
    %dma_start3A_1133 = arith.constant 0 : i32
    %dma_start3A_1134 = tpu.memref_slice %arg5[%dma_start3A_1124, %dma_start3A_1133] : memref<128x50xi32, #tpu.memory_space<vmem>> -> memref<1x50xi32, #tpu.memory_space<vmem>>
    %dma_start3A_1135 = tpu.memref_squeeze %dma_start3A_1134 : memref<1x50xi32, #tpu.memory_space<vmem>> -> memref<50xi32, #tpu.memory_space<vmem>>
    %dma_start3A_1136 = arith.constant 0 : i32
    %dma_start3A_1137 = arith.constant 0 : i32
    %dma_start3A_1138 = tpu.memref_slice %arg2[%dma_start3A_1136, %dma_start3A_1137] : memref<100000x128xf32, #tpu.memory_space<hbm>> -> memref<100000x128xf32, #tpu.memory_space<hbm>>
    tpu.enqueue_indirect_dma source(%dma_start3A_1138 : memref<100000x128xf32, #tpu.memory_space<hbm>>) target(%dma_start3A_1132 : memref<50x128xf32, #tpu.memory_space<vmem>>) offsets(%dma_start3A_1135 : memref<50xi32, #tpu.memory_space<vmem>>) semaphore(%arg8 : memref<!tpu.dma_semaphore, #tpu.memory_space<semaphore_mem>>)
    %dma_start3A_1139 = arith.constant 126 : i32
    %dma_start3A_1140 = arith.constant 1 : i32
    %dma_start3A_1141 = arith.constant 0 : i32
    %dma_start3A_1142 = arith.constant 0 : i32
    %dma_start3A_1143 = tpu.memref_slice %arg6[%dma_start3A_1140, %dma_start3A_1141, %dma_start3A_1142] : memref<3x200x128xf32, #tpu.memory_space<vmem>> -> memref<1x200x128xf32, #tpu.memory_space<vmem>>
    %dma_start3A_1144 = tpu.memref_squeeze %dma_start3A_1143 : memref<1x200x128xf32, #tpu.memory_space<vmem>> -> memref<200x128xf32, #tpu.memory_space<vmem>>
    %dma_start3A_1145 = arith.constant 100 : i32
    %dma_start3A_1146 = arith.constant 0 : i32
    %dma_start3A_1147 = tpu.memref_slice %dma_start3A_1144[%dma_start3A_1145, %dma_start3A_1146] : memref<200x128xf32, #tpu.memory_space<vmem>> -> memref<50x128xf32, #tpu.memory_space<vmem>>
    %dma_start3A_1148 = arith.constant 0 : i32
    %dma_start3A_1149 = tpu.memref_slice %arg5[%dma_start3A_1139, %dma_start3A_1148] : memref<128x50xi32, #tpu.memory_space<vmem>> -> memref<1x50xi32, #tpu.memory_space<vmem>>
    %dma_start3A_1150 = tpu.memref_squeeze %dma_start3A_1149 : memref<1x50xi32, #tpu.memory_space<vmem>> -> memref<50xi32, #tpu.memory_space<vmem>>
    %dma_start3A_1151 = arith.constant 0 : i32
    %dma_start3A_1152 = arith.constant 0 : i32
    %dma_start3A_1153 = tpu.memref_slice %arg2[%dma_start3A_1151, %dma_start3A_1152] : memref<100000x128xf32, #tpu.memory_space<hbm>> -> memref<100000x128xf32, #tpu.memory_space<hbm>>
    tpu.enqueue_indirect_dma source(%dma_start3A_1153 : memref<100000x128xf32, #tpu.memory_space<hbm>>) target(%dma_start3A_1147 : memref<50x128xf32, #tpu.memory_space<vmem>>) offsets(%dma_start3A_1150 : memref<50xi32, #tpu.memory_space<vmem>>) semaphore(%arg8 : memref<!tpu.dma_semaphore, #tpu.memory_space<semaphore_mem>>)
    %dma_start3A_1154 = arith.constant 127 : i32
    %dma_start3A_1155 = arith.constant 1 : i32
    %dma_start3A_1156 = arith.constant 0 : i32
    %dma_start3A_1157 = arith.constant 0 : i32
    %dma_start3A_1158 = tpu.memref_slice %arg6[%dma_start3A_1155, %dma_start3A_1156, %dma_start3A_1157] : memref<3x200x128xf32, #tpu.memory_space<vmem>> -> memref<1x200x128xf32, #tpu.memory_space<vmem>>
    %dma_start3A_1159 = tpu.memref_squeeze %dma_start3A_1158 : memref<1x200x128xf32, #tpu.memory_space<vmem>> -> memref<200x128xf32, #tpu.memory_space<vmem>>
    %dma_start3A_1160 = arith.constant 150 : i32
    %dma_start3A_1161 = arith.constant 0 : i32
    %dma_start3A_1162 = tpu.memref_slice %dma_start3A_1159[%dma_start3A_1160, %dma_start3A_1161] : memref<200x128xf32, #tpu.memory_space<vmem>> -> memref<50x128xf32, #tpu.memory_space<vmem>>
    %dma_start3A_1163 = arith.constant 0 : i32
    %dma_start3A_1164 = tpu.memref_slice %arg5[%dma_start3A_1154, %dma_start3A_1163] : memref<128x50xi32, #tpu.memory_space<vmem>> -> memref<1x50xi32, #tpu.memory_space<vmem>>
    %dma_start3A_1165 = tpu.memref_squeeze %dma_start3A_1164 : memref<1x50xi32, #tpu.memory_space<vmem>> -> memref<50xi32, #tpu.memory_space<vmem>>
    %dma_start3A_1166 = arith.constant 0 : i32
    %dma_start3A_1167 = arith.constant 0 : i32
    %dma_start3A_1168 = tpu.memref_slice %arg2[%dma_start3A_1166, %dma_start3A_1167] : memref<100000x128xf32, #tpu.memory_space<hbm>> -> memref<100000x128xf32, #tpu.memory_space<hbm>>
    tpu.enqueue_indirect_dma source(%dma_start3A_1168 : memref<100000x128xf32, #tpu.memory_space<hbm>>) target(%dma_start3A_1162 : memref<50x128xf32, #tpu.memory_space<vmem>>) offsets(%dma_start3A_1165 : memref<50xi32, #tpu.memory_space<vmem>>) semaphore(%arg8 : memref<!tpu.dma_semaphore, #tpu.memory_space<semaphore_mem>>)
    %dma_wait3A_1169 = arith.constant 0 : i32
    %dma_wait3A_1170 = arith.constant 1 : i32
    %dma_wait3A_1171 = arith.constant 0 : i32
    %dma_wait3A_1172 = arith.constant 0 : i32
    %dma_wait3A_1173 = tpu.memref_slice %arg6[%dma_wait3A_1170, %dma_wait3A_1171, %dma_wait3A_1172] : memref<3x200x128xf32, #tpu.memory_space<vmem>> -> memref<1x200x128xf32, #tpu.memory_space<vmem>>
    %dma_wait3A_1174 = tpu.memref_squeeze %dma_wait3A_1173 : memref<1x200x128xf32, #tpu.memory_space<vmem>> -> memref<200x128xf32, #tpu.memory_space<vmem>>
    %dma_wait3A_1175 = arith.constant 0 : i32
    %dma_wait3A_1176 = arith.constant 0 : i32
    %dma_wait3A_1177 = tpu.memref_slice %dma_wait3A_1174[%dma_wait3A_1175, %dma_wait3A_1176] : memref<200x128xf32, #tpu.memory_space<vmem>> -> memref<50x128xf32, #tpu.memory_space<vmem>>
    %dma_wait3A_1178 = arith.constant 0 : i32
    %dma_wait3A_1179 = tpu.memref_slice %arg5[%dma_wait3A_1169, %dma_wait3A_1178] : memref<128x50xi32, #tpu.memory_space<vmem>> -> memref<1x50xi32, #tpu.memory_space<vmem>>
    %dma_wait3A_1180 = tpu.memref_squeeze %dma_wait3A_1179 : memref<1x50xi32, #tpu.memory_space<vmem>> -> memref<50xi32, #tpu.memory_space<vmem>>
    %dma_wait3A_1181 = arith.constant 0 : i32
    %dma_wait3A_1182 = arith.constant 0 : i32
    %dma_wait3A_1183 = tpu.memref_slice %arg2[%dma_wait3A_1181, %dma_wait3A_1182] : memref<100000x128xf32, #tpu.memory_space<hbm>> -> memref<100000x128xf32, #tpu.memory_space<hbm>>
    tpu.wait_indirect_dma semaphore(%arg8 : memref<!tpu.dma_semaphore, #tpu.memory_space<semaphore_mem>>) src(%dma_wait3A_1183 : memref<100000x128xf32, #tpu.memory_space<hbm>>) dst(%dma_wait3A_1177 : memref<50x128xf32, #tpu.memory_space<vmem>>)
    %dma_wait3A_1184 = arith.constant 0 : i32
    %dma_wait3A_1185 = arith.constant 1 : i32
    %dma_wait3A_1186 = arith.constant 0 : i32
    %dma_wait3A_1187 = arith.constant 0 : i32
    %dma_wait3A_1188 = tpu.memref_slice %arg6[%dma_wait3A_1185, %dma_wait3A_1186, %dma_wait3A_1187] : memref<3x200x128xf32, #tpu.memory_space<vmem>> -> memref<1x200x128xf32, #tpu.memory_space<vmem>>
    %dma_wait3A_1189 = tpu.memref_squeeze %dma_wait3A_1188 : memref<1x200x128xf32, #tpu.memory_space<vmem>> -> memref<200x128xf32, #tpu.memory_space<vmem>>
    %dma_wait3A_1190 = arith.constant 0 : i32
    %dma_wait3A_1191 = arith.constant 0 : i32
    %dma_wait3A_1192 = tpu.memref_slice %dma_wait3A_1189[%dma_wait3A_1190, %dma_wait3A_1191] : memref<200x128xf32, #tpu.memory_space<vmem>> -> memref<50x128xf32, #tpu.memory_space<vmem>>
    %dma_wait3A_1193 = arith.constant 0 : i32
    %dma_wait3A_1194 = tpu.memref_slice %arg5[%dma_wait3A_1184, %dma_wait3A_1193] : memref<128x50xi32, #tpu.memory_space<vmem>> -> memref<1x50xi32, #tpu.memory_space<vmem>>
    %dma_wait3A_1195 = tpu.memref_squeeze %dma_wait3A_1194 : memref<1x50xi32, #tpu.memory_space<vmem>> -> memref<50xi32, #tpu.memory_space<vmem>>
    %dma_wait3A_1196 = arith.constant 0 : i32
    %dma_wait3A_1197 = arith.constant 0 : i32
    %dma_wait3A_1198 = tpu.memref_slice %arg2[%dma_wait3A_1196, %dma_wait3A_1197] : memref<100000x128xf32, #tpu.memory_space<hbm>> -> memref<100000x128xf32, #tpu.memory_space<hbm>>
    tpu.wait_indirect_dma semaphore(%arg8 : memref<!tpu.dma_semaphore, #tpu.memory_space<semaphore_mem>>) src(%dma_wait3A_1198 : memref<100000x128xf32, #tpu.memory_space<hbm>>) dst(%dma_wait3A_1192 : memref<50x128xf32, #tpu.memory_space<vmem>>)
    %dma_wait3A_1199 = arith.constant 0 : i32
    %dma_wait3A_1200 = arith.constant 1 : i32
    %dma_wait3A_1201 = arith.constant 0 : i32
    %dma_wait3A_1202 = arith.constant 0 : i32
    %dma_wait3A_1203 = tpu.memref_slice %arg6[%dma_wait3A_1200, %dma_wait3A_1201, %dma_wait3A_1202] : memref<3x200x128xf32, #tpu.memory_space<vmem>> -> memref<1x200x128xf32, #tpu.memory_space<vmem>>
    %dma_wait3A_1204 = tpu.memref_squeeze %dma_wait3A_1203 : memref<1x200x128xf32, #tpu.memory_space<vmem>> -> memref<200x128xf32, #tpu.memory_space<vmem>>
    %dma_wait3A_1205 = arith.constant 0 : i32
    %dma_wait3A_1206 = arith.constant 0 : i32
    %dma_wait3A_1207 = tpu.memref_slice %dma_wait3A_1204[%dma_wait3A_1205, %dma_wait3A_1206] : memref<200x128xf32, #tpu.memory_space<vmem>> -> memref<50x128xf32, #tpu.memory_space<vmem>>
    %dma_wait3A_1208 = arith.constant 0 : i32
    %dma_wait3A_1209 = tpu.memref_slice %arg5[%dma_wait3A_1199, %dma_wait3A_1208] : memref<128x50xi32, #tpu.memory_space<vmem>> -> memref<1x50xi32, #tpu.memory_space<vmem>>
    %dma_wait3A_1210 = tpu.memref_squeeze %dma_wait3A_1209 : memref<1x50xi32, #tpu.memory_space<vmem>> -> memref<50xi32, #tpu.memory_space<vmem>>
    %dma_wait3A_1211 = arith.constant 0 : i32
    %dma_wait3A_1212 = arith.constant 0 : i32
    %dma_wait3A_1213 = tpu.memref_slice %arg2[%dma_wait3A_1211, %dma_wait3A_1212] : memref<100000x128xf32, #tpu.memory_space<hbm>> -> memref<100000x128xf32, #tpu.memory_space<hbm>>
    tpu.wait_indirect_dma semaphore(%arg8 : memref<!tpu.dma_semaphore, #tpu.memory_space<semaphore_mem>>) src(%dma_wait3A_1213 : memref<100000x128xf32, #tpu.memory_space<hbm>>) dst(%dma_wait3A_1207 : memref<50x128xf32, #tpu.memory_space<vmem>>)
    %dma_wait3A_1214 = arith.constant 0 : i32
    %dma_wait3A_1215 = arith.constant 1 : i32
    %dma_wait3A_1216 = arith.constant 0 : i32
    %dma_wait3A_1217 = arith.constant 0 : i32
    %dma_wait3A_1218 = tpu.memref_slice %arg6[%dma_wait3A_1215, %dma_wait3A_1216, %dma_wait3A_1217] : memref<3x200x128xf32, #tpu.memory_space<vmem>> -> memref<1x200x128xf32, #tpu.memory_space<vmem>>
    %dma_wait3A_1219 = tpu.memref_squeeze %dma_wait3A_1218 : memref<1x200x128xf32, #tpu.memory_space<vmem>> -> memref<200x128xf32, #tpu.memory_space<vmem>>
    %dma_wait3A_1220 = arith.constant 0 : i32
    %dma_wait3A_1221 = arith.constant 0 : i32
    %dma_wait3A_1222 = tpu.memref_slice %dma_wait3A_1219[%dma_wait3A_1220, %dma_wait3A_1221] : memref<200x128xf32, #tpu.memory_space<vmem>> -> memref<50x128xf32, #tpu.memory_space<vmem>>
    %dma_wait3A_1223 = arith.constant 0 : i32
    %dma_wait3A_1224 = tpu.memref_slice %arg5[%dma_wait3A_1214, %dma_wait3A_1223] : memref<128x50xi32, #tpu.memory_space<vmem>> -> memref<1x50xi32, #tpu.memory_space<vmem>>
    %dma_wait3A_1225 = tpu.memref_squeeze %dma_wait3A_1224 : memref<1x50xi32, #tpu.memory_space<vmem>> -> memref<50xi32, #tpu.memory_space<vmem>>
    %dma_wait3A_1226 = arith.constant 0 : i32
    %dma_wait3A_1227 = arith.constant 0 : i32
    %dma_wait3A_1228 = tpu.memref_slice %arg2[%dma_wait3A_1226, %dma_wait3A_1227] : memref<100000x128xf32, #tpu.memory_space<hbm>> -> memref<100000x128xf32, #tpu.memory_space<hbm>>
    tpu.wait_indirect_dma semaphore(%arg8 : memref<!tpu.dma_semaphore, #tpu.memory_space<semaphore_mem>>) src(%dma_wait3A_1228 : memref<100000x128xf32, #tpu.memory_space<hbm>>) dst(%dma_wait3A_1222 : memref<50x128xf32, #tpu.memory_space<vmem>>)
    %add3A_1229 = arith.constant 124 : i32
    %add3A_1230 = arith.addi %mul3A_2, %add3A_1229 : i32
    %add3A_1231 = arith.constant 0 : i32
    %add3A_1232 = arith.addi %add3A_1230, %add3A_1231 : i32
    %dma_start3A_1233 = arith.constant 1 : i32
    %dma_start3A_1234 = arith.constant 0 : i32
    %dma_start3A_1235 = arith.constant 0 : i32
    %dma_start3A_1236 = tpu.memref_slice %arg6[%dma_start3A_1233, %dma_start3A_1234, %dma_start3A_1235] : memref<3x200x128xf32, #tpu.memory_space<vmem>> -> memref<1x200x128xf32, #tpu.memory_space<vmem>>
    %dma_start3A_1237 = tpu.memref_squeeze %dma_start3A_1236 : memref<1x200x128xf32, #tpu.memory_space<vmem>> -> memref<200x128xf32, #tpu.memory_space<vmem>>
    %dma_start3A_1238 = arith.constant 0 : i32
    %dma_start3A_1239 = arith.constant 0 : i32
    %dma_start3A_1240 = tpu.memref_slice %dma_start3A_1237[%dma_start3A_1238, %dma_start3A_1239] : memref<200x128xf32, #tpu.memory_space<vmem>> -> memref<50x128xf32, #tpu.memory_space<vmem>>
    %dma_start3A_1241 = arith.constant 0 : i32
    %dma_start3A_1242 = arith.constant 0 : i32
    %dma_start3A_1243 = tpu.memref_slice %arg4[%add3A_1232, %dma_start3A_1241, %dma_start3A_1242] : memref<4096x50x128xf32, #tpu.memory_space<hbm>> -> memref<1x50x128xf32, #tpu.memory_space<hbm>>
    %dma_start3A_1244 = tpu.memref_squeeze %dma_start3A_1243 : memref<1x50x128xf32, #tpu.memory_space<hbm>> -> memref<50x128xf32, #tpu.memory_space<hbm>>
    %dma_start3A_1245 = arith.constant 0 : i32
    %dma_start3A_1246 = arith.constant 0 : i32
    %dma_start3A_1247 = tpu.memref_slice %arg4[%add3A_1232, %dma_start3A_1245, %dma_start3A_1246] : memref<4096x50x128xf32, #tpu.memory_space<hbm>> -> memref<1x50x128xf32, #tpu.memory_space<hbm>>
    %dma_start3A_1248 = tpu.memref_squeeze %dma_start3A_1247 : memref<1x50x128xf32, #tpu.memory_space<hbm>> -> memref<50x128xf32, #tpu.memory_space<hbm>>
    %dma_start3A_1249 = arith.constant 0 : i32
    %dma_start3A_1250 = arith.constant 0 : i32
    %dma_start3A_1251 = tpu.memref_slice %arg6[%dma_start3A_1233, %dma_start3A_1249, %dma_start3A_1250] : memref<3x200x128xf32, #tpu.memory_space<vmem>> -> memref<1x200x128xf32, #tpu.memory_space<vmem>>
    %dma_start3A_1252 = tpu.memref_squeeze %dma_start3A_1251 : memref<1x200x128xf32, #tpu.memory_space<vmem>> -> memref<200x128xf32, #tpu.memory_space<vmem>>
    %dma_start3A_1253 = arith.constant 0 : i32
    %dma_start3A_1254 = arith.constant 0 : i32
    %dma_start3A_1255 = tpu.memref_slice %dma_start3A_1252[%dma_start3A_1253, %dma_start3A_1254] : memref<200x128xf32, #tpu.memory_space<vmem>> -> memref<50x128xf32, #tpu.memory_space<vmem>>
    tpu.enqueue_dma source(%dma_start3A_1255 : memref<50x128xf32, #tpu.memory_space<vmem>>) target(%dma_start3A_1248 : memref<50x128xf32, #tpu.memory_space<hbm>>) target_semaphore(%arg11 : memref<!tpu.dma_semaphore, #tpu.memory_space<semaphore_mem>>)
    %add3A_1256 = arith.constant 124 : i32
    %add3A_1257 = arith.addi %mul3A_2, %add3A_1256 : i32
    %add3A_1258 = arith.constant 1 : i32
    %add3A_1259 = arith.addi %add3A_1257, %add3A_1258 : i32
    %dma_start3A_1260 = arith.constant 1 : i32
    %dma_start3A_1261 = arith.constant 0 : i32
    %dma_start3A_1262 = arith.constant 0 : i32
    %dma_start3A_1263 = tpu.memref_slice %arg6[%dma_start3A_1260, %dma_start3A_1261, %dma_start3A_1262] : memref<3x200x128xf32, #tpu.memory_space<vmem>> -> memref<1x200x128xf32, #tpu.memory_space<vmem>>
    %dma_start3A_1264 = tpu.memref_squeeze %dma_start3A_1263 : memref<1x200x128xf32, #tpu.memory_space<vmem>> -> memref<200x128xf32, #tpu.memory_space<vmem>>
    %dma_start3A_1265 = arith.constant 50 : i32
    %dma_start3A_1266 = arith.constant 0 : i32
    %dma_start3A_1267 = tpu.memref_slice %dma_start3A_1264[%dma_start3A_1265, %dma_start3A_1266] : memref<200x128xf32, #tpu.memory_space<vmem>> -> memref<50x128xf32, #tpu.memory_space<vmem>>
    %dma_start3A_1268 = arith.constant 0 : i32
    %dma_start3A_1269 = arith.constant 0 : i32
    %dma_start3A_1270 = tpu.memref_slice %arg4[%add3A_1259, %dma_start3A_1268, %dma_start3A_1269] : memref<4096x50x128xf32, #tpu.memory_space<hbm>> -> memref<1x50x128xf32, #tpu.memory_space<hbm>>
    %dma_start3A_1271 = tpu.memref_squeeze %dma_start3A_1270 : memref<1x50x128xf32, #tpu.memory_space<hbm>> -> memref<50x128xf32, #tpu.memory_space<hbm>>
    %dma_start3A_1272 = arith.constant 0 : i32
    %dma_start3A_1273 = arith.constant 0 : i32
    %dma_start3A_1274 = tpu.memref_slice %arg4[%add3A_1259, %dma_start3A_1272, %dma_start3A_1273] : memref<4096x50x128xf32, #tpu.memory_space<hbm>> -> memref<1x50x128xf32, #tpu.memory_space<hbm>>
    %dma_start3A_1275 = tpu.memref_squeeze %dma_start3A_1274 : memref<1x50x128xf32, #tpu.memory_space<hbm>> -> memref<50x128xf32, #tpu.memory_space<hbm>>
    %dma_start3A_1276 = arith.constant 0 : i32
    %dma_start3A_1277 = arith.constant 0 : i32
    %dma_start3A_1278 = tpu.memref_slice %arg6[%dma_start3A_1260, %dma_start3A_1276, %dma_start3A_1277] : memref<3x200x128xf32, #tpu.memory_space<vmem>> -> memref<1x200x128xf32, #tpu.memory_space<vmem>>
    %dma_start3A_1279 = tpu.memref_squeeze %dma_start3A_1278 : memref<1x200x128xf32, #tpu.memory_space<vmem>> -> memref<200x128xf32, #tpu.memory_space<vmem>>
    %dma_start3A_1280 = arith.constant 50 : i32
    %dma_start3A_1281 = arith.constant 0 : i32
    %dma_start3A_1282 = tpu.memref_slice %dma_start3A_1279[%dma_start3A_1280, %dma_start3A_1281] : memref<200x128xf32, #tpu.memory_space<vmem>> -> memref<50x128xf32, #tpu.memory_space<vmem>>
    tpu.enqueue_dma source(%dma_start3A_1282 : memref<50x128xf32, #tpu.memory_space<vmem>>) target(%dma_start3A_1275 : memref<50x128xf32, #tpu.memory_space<hbm>>) target_semaphore(%arg11 : memref<!tpu.dma_semaphore, #tpu.memory_space<semaphore_mem>>)
    %add3A_1283 = arith.constant 124 : i32
    %add3A_1284 = arith.addi %mul3A_2, %add3A_1283 : i32
    %add3A_1285 = arith.constant 2 : i32
    %add3A_1286 = arith.addi %add3A_1284, %add3A_1285 : i32
    %dma_start3A_1287 = arith.constant 1 : i32
    %dma_start3A_1288 = arith.constant 0 : i32
    %dma_start3A_1289 = arith.constant 0 : i32
    %dma_start3A_1290 = tpu.memref_slice %arg6[%dma_start3A_1287, %dma_start3A_1288, %dma_start3A_1289] : memref<3x200x128xf32, #tpu.memory_space<vmem>> -> memref<1x200x128xf32, #tpu.memory_space<vmem>>
    %dma_start3A_1291 = tpu.memref_squeeze %dma_start3A_1290 : memref<1x200x128xf32, #tpu.memory_space<vmem>> -> memref<200x128xf32, #tpu.memory_space<vmem>>
    %dma_start3A_1292 = arith.constant 100 : i32
    %dma_start3A_1293 = arith.constant 0 : i32
    %dma_start3A_1294 = tpu.memref_slice %dma_start3A_1291[%dma_start3A_1292, %dma_start3A_1293] : memref<200x128xf32, #tpu.memory_space<vmem>> -> memref<50x128xf32, #tpu.memory_space<vmem>>
    %dma_start3A_1295 = arith.constant 0 : i32
    %dma_start3A_1296 = arith.constant 0 : i32
    %dma_start3A_1297 = tpu.memref_slice %arg4[%add3A_1286, %dma_start3A_1295, %dma_start3A_1296] : memref<4096x50x128xf32, #tpu.memory_space<hbm>> -> memref<1x50x128xf32, #tpu.memory_space<hbm>>
    %dma_start3A_1298 = tpu.memref_squeeze %dma_start3A_1297 : memref<1x50x128xf32, #tpu.memory_space<hbm>> -> memref<50x128xf32, #tpu.memory_space<hbm>>
    %dma_start3A_1299 = arith.constant 0 : i32
    %dma_start3A_1300 = arith.constant 0 : i32
    %dma_start3A_1301 = tpu.memref_slice %arg4[%add3A_1286, %dma_start3A_1299, %dma_start3A_1300] : memref<4096x50x128xf32, #tpu.memory_space<hbm>> -> memref<1x50x128xf32, #tpu.memory_space<hbm>>
    %dma_start3A_1302 = tpu.memref_squeeze %dma_start3A_1301 : memref<1x50x128xf32, #tpu.memory_space<hbm>> -> memref<50x128xf32, #tpu.memory_space<hbm>>
    %dma_start3A_1303 = arith.constant 0 : i32
    %dma_start3A_1304 = arith.constant 0 : i32
    %dma_start3A_1305 = tpu.memref_slice %arg6[%dma_start3A_1287, %dma_start3A_1303, %dma_start3A_1304] : memref<3x200x128xf32, #tpu.memory_space<vmem>> -> memref<1x200x128xf32, #tpu.memory_space<vmem>>
    %dma_start3A_1306 = tpu.memref_squeeze %dma_start3A_1305 : memref<1x200x128xf32, #tpu.memory_space<vmem>> -> memref<200x128xf32, #tpu.memory_space<vmem>>
    %dma_start3A_1307 = arith.constant 100 : i32
    %dma_start3A_1308 = arith.constant 0 : i32
    %dma_start3A_1309 = tpu.memref_slice %dma_start3A_1306[%dma_start3A_1307, %dma_start3A_1308] : memref<200x128xf32, #tpu.memory_space<vmem>> -> memref<50x128xf32, #tpu.memory_space<vmem>>
    tpu.enqueue_dma source(%dma_start3A_1309 : memref<50x128xf32, #tpu.memory_space<vmem>>) target(%dma_start3A_1302 : memref<50x128xf32, #tpu.memory_space<hbm>>) target_semaphore(%arg11 : memref<!tpu.dma_semaphore, #tpu.memory_space<semaphore_mem>>)
    %add3A_1310 = arith.constant 124 : i32
    %add3A_1311 = arith.addi %mul3A_2, %add3A_1310 : i32
    %add3A_1312 = arith.constant 3 : i32
    %add3A_1313 = arith.addi %add3A_1311, %add3A_1312 : i32
    %dma_start3A_1314 = arith.constant 1 : i32
    %dma_start3A_1315 = arith.constant 0 : i32
    %dma_start3A_1316 = arith.constant 0 : i32
    %dma_start3A_1317 = tpu.memref_slice %arg6[%dma_start3A_1314, %dma_start3A_1315, %dma_start3A_1316] : memref<3x200x128xf32, #tpu.memory_space<vmem>> -> memref<1x200x128xf32, #tpu.memory_space<vmem>>
    %dma_start3A_1318 = tpu.memref_squeeze %dma_start3A_1317 : memref<1x200x128xf32, #tpu.memory_space<vmem>> -> memref<200x128xf32, #tpu.memory_space<vmem>>
    %dma_start3A_1319 = arith.constant 150 : i32
    %dma_start3A_1320 = arith.constant 0 : i32
    %dma_start3A_1321 = tpu.memref_slice %dma_start3A_1318[%dma_start3A_1319, %dma_start3A_1320] : memref<200x128xf32, #tpu.memory_space<vmem>> -> memref<50x128xf32, #tpu.memory_space<vmem>>
    %dma_start3A_1322 = arith.constant 0 : i32
    %dma_start3A_1323 = arith.constant 0 : i32
    %dma_start3A_1324 = tpu.memref_slice %arg4[%add3A_1313, %dma_start3A_1322, %dma_start3A_1323] : memref<4096x50x128xf32, #tpu.memory_space<hbm>> -> memref<1x50x128xf32, #tpu.memory_space<hbm>>
    %dma_start3A_1325 = tpu.memref_squeeze %dma_start3A_1324 : memref<1x50x128xf32, #tpu.memory_space<hbm>> -> memref<50x128xf32, #tpu.memory_space<hbm>>
    %dma_start3A_1326 = arith.constant 0 : i32
    %dma_start3A_1327 = arith.constant 0 : i32
    %dma_start3A_1328 = tpu.memref_slice %arg4[%add3A_1313, %dma_start3A_1326, %dma_start3A_1327] : memref<4096x50x128xf32, #tpu.memory_space<hbm>> -> memref<1x50x128xf32, #tpu.memory_space<hbm>>
    %dma_start3A_1329 = tpu.memref_squeeze %dma_start3A_1328 : memref<1x50x128xf32, #tpu.memory_space<hbm>> -> memref<50x128xf32, #tpu.memory_space<hbm>>
    %dma_start3A_1330 = arith.constant 0 : i32
    %dma_start3A_1331 = arith.constant 0 : i32
    %dma_start3A_1332 = tpu.memref_slice %arg6[%dma_start3A_1314, %dma_start3A_1330, %dma_start3A_1331] : memref<3x200x128xf32, #tpu.memory_space<vmem>> -> memref<1x200x128xf32, #tpu.memory_space<vmem>>
    %dma_start3A_1333 = tpu.memref_squeeze %dma_start3A_1332 : memref<1x200x128xf32, #tpu.memory_space<vmem>> -> memref<200x128xf32, #tpu.memory_space<vmem>>
    %dma_start3A_1334 = arith.constant 150 : i32
    %dma_start3A_1335 = arith.constant 0 : i32
    %dma_start3A_1336 = tpu.memref_slice %dma_start3A_1333[%dma_start3A_1334, %dma_start3A_1335] : memref<200x128xf32, #tpu.memory_space<vmem>> -> memref<50x128xf32, #tpu.memory_space<vmem>>
    tpu.enqueue_dma source(%dma_start3A_1336 : memref<50x128xf32, #tpu.memory_space<vmem>>) target(%dma_start3A_1329 : memref<50x128xf32, #tpu.memory_space<hbm>>) target_semaphore(%arg11 : memref<!tpu.dma_semaphore, #tpu.memory_space<semaphore_mem>>)
    %dma_wait3A_1337 = arith.constant 0 : i32
    %dma_wait3A_1338 = arith.constant 0 : i32
    %dma_wait3A_1339 = arith.constant 0 : i32
    %dma_wait3A_1340 = arith.constant 0 : i32
    %dma_wait3A_1341 = tpu.memref_slice %arg6[%dma_wait3A_1337, %dma_wait3A_1339, %dma_wait3A_1340] : memref<3x200x128xf32, #tpu.memory_space<vmem>> -> memref<1x200x128xf32, #tpu.memory_space<vmem>>
    %dma_wait3A_1342 = tpu.memref_squeeze %dma_wait3A_1341 : memref<1x200x128xf32, #tpu.memory_space<vmem>> -> memref<200x128xf32, #tpu.memory_space<vmem>>
    %dma_wait3A_1343 = arith.constant 0 : i32
    %dma_wait3A_1344 = arith.constant 0 : i32
    %dma_wait3A_1345 = tpu.memref_slice %dma_wait3A_1342[%dma_wait3A_1343, %dma_wait3A_1344] : memref<200x128xf32, #tpu.memory_space<vmem>> -> memref<50x128xf32, #tpu.memory_space<vmem>>
    %dma_wait3A_1346 = arith.constant 0 : i32
    %dma_wait3A_1347 = arith.constant 0 : i32
    %dma_wait3A_1348 = tpu.memref_slice %arg4[%dma_wait3A_1338, %dma_wait3A_1346, %dma_wait3A_1347] : memref<4096x50x128xf32, #tpu.memory_space<hbm>> -> memref<1x50x128xf32, #tpu.memory_space<hbm>>
    %dma_wait3A_1349 = tpu.memref_squeeze %dma_wait3A_1348 : memref<1x50x128xf32, #tpu.memory_space<hbm>> -> memref<50x128xf32, #tpu.memory_space<hbm>>
    %dma_wait3A_1350 = arith.constant 0 : i32
    %dma_wait3A_1351 = arith.constant 0 : i32
    %dma_wait3A_1352 = tpu.memref_slice %arg4[%dma_wait3A_1338, %dma_wait3A_1350, %dma_wait3A_1351] : memref<4096x50x128xf32, #tpu.memory_space<hbm>> -> memref<1x50x128xf32, #tpu.memory_space<hbm>>
    %dma_wait3A_1353 = tpu.memref_squeeze %dma_wait3A_1352 : memref<1x50x128xf32, #tpu.memory_space<hbm>> -> memref<50x128xf32, #tpu.memory_space<hbm>>
    %dma_wait3A_1354 = arith.constant 0 : i32
    %dma_wait3A_1355 = arith.constant 0 : i32
    %dma_wait3A_1356 = tpu.memref_slice %arg6[%dma_wait3A_1337, %dma_wait3A_1354, %dma_wait3A_1355] : memref<3x200x128xf32, #tpu.memory_space<vmem>> -> memref<1x200x128xf32, #tpu.memory_space<vmem>>
    %dma_wait3A_1357 = tpu.memref_squeeze %dma_wait3A_1356 : memref<1x200x128xf32, #tpu.memory_space<vmem>> -> memref<200x128xf32, #tpu.memory_space<vmem>>
    %dma_wait3A_1358 = arith.constant 0 : i32
    %dma_wait3A_1359 = arith.constant 0 : i32
    %dma_wait3A_1360 = tpu.memref_slice %dma_wait3A_1357[%dma_wait3A_1358, %dma_wait3A_1359] : memref<200x128xf32, #tpu.memory_space<vmem>> -> memref<50x128xf32, #tpu.memory_space<vmem>>
    tpu.wait_dma2 semaphore(%arg10 : memref<!tpu.dma_semaphore, #tpu.memory_space<semaphore_mem>>) src(%dma_wait3A_1360 : memref<50x128xf32, #tpu.memory_space<vmem>>) dst(%dma_wait3A_1353 : memref<50x128xf32, #tpu.memory_space<hbm>>)
    %dma_wait3A_1361 = arith.constant 0 : i32
    %dma_wait3A_1362 = arith.constant 0 : i32
    %dma_wait3A_1363 = arith.constant 0 : i32
    %dma_wait3A_1364 = arith.constant 0 : i32
    %dma_wait3A_1365 = tpu.memref_slice %arg6[%dma_wait3A_1361, %dma_wait3A_1363, %dma_wait3A_1364] : memref<3x200x128xf32, #tpu.memory_space<vmem>> -> memref<1x200x128xf32, #tpu.memory_space<vmem>>
    %dma_wait3A_1366 = tpu.memref_squeeze %dma_wait3A_1365 : memref<1x200x128xf32, #tpu.memory_space<vmem>> -> memref<200x128xf32, #tpu.memory_space<vmem>>
    %dma_wait3A_1367 = arith.constant 0 : i32
    %dma_wait3A_1368 = arith.constant 0 : i32
    %dma_wait3A_1369 = tpu.memref_slice %dma_wait3A_1366[%dma_wait3A_1367, %dma_wait3A_1368] : memref<200x128xf32, #tpu.memory_space<vmem>> -> memref<50x128xf32, #tpu.memory_space<vmem>>
    %dma_wait3A_1370 = arith.constant 0 : i32
    %dma_wait3A_1371 = arith.constant 0 : i32
    %dma_wait3A_1372 = tpu.memref_slice %arg4[%dma_wait3A_1362, %dma_wait3A_1370, %dma_wait3A_1371] : memref<4096x50x128xf32, #tpu.memory_space<hbm>> -> memref<1x50x128xf32, #tpu.memory_space<hbm>>
    %dma_wait3A_1373 = tpu.memref_squeeze %dma_wait3A_1372 : memref<1x50x128xf32, #tpu.memory_space<hbm>> -> memref<50x128xf32, #tpu.memory_space<hbm>>
    %dma_wait3A_1374 = arith.constant 0 : i32
    %dma_wait3A_1375 = arith.constant 0 : i32
    %dma_wait3A_1376 = tpu.memref_slice %arg4[%dma_wait3A_1362, %dma_wait3A_1374, %dma_wait3A_1375] : memref<4096x50x128xf32, #tpu.memory_space<hbm>> -> memref<1x50x128xf32, #tpu.memory_space<hbm>>
    %dma_wait3A_1377 = tpu.memref_squeeze %dma_wait3A_1376 : memref<1x50x128xf32, #tpu.memory_space<hbm>> -> memref<50x128xf32, #tpu.memory_space<hbm>>
    %dma_wait3A_1378 = arith.constant 0 : i32
    %dma_wait3A_1379 = arith.constant 0 : i32
    %dma_wait3A_1380 = tpu.memref_slice %arg6[%dma_wait3A_1361, %dma_wait3A_1378, %dma_wait3A_1379] : memref<3x200x128xf32, #tpu.memory_space<vmem>> -> memref<1x200x128xf32, #tpu.memory_space<vmem>>
    %dma_wait3A_1381 = tpu.memref_squeeze %dma_wait3A_1380 : memref<1x200x128xf32, #tpu.memory_space<vmem>> -> memref<200x128xf32, #tpu.memory_space<vmem>>
    %dma_wait3A_1382 = arith.constant 0 : i32
    %dma_wait3A_1383 = arith.constant 0 : i32
    %dma_wait3A_1384 = tpu.memref_slice %dma_wait3A_1381[%dma_wait3A_1382, %dma_wait3A_1383] : memref<200x128xf32, #tpu.memory_space<vmem>> -> memref<50x128xf32, #tpu.memory_space<vmem>>
    tpu.wait_dma2 semaphore(%arg10 : memref<!tpu.dma_semaphore, #tpu.memory_space<semaphore_mem>>) src(%dma_wait3A_1384 : memref<50x128xf32, #tpu.memory_space<vmem>>) dst(%dma_wait3A_1377 : memref<50x128xf32, #tpu.memory_space<hbm>>)
    %dma_wait3A_1385 = arith.constant 0 : i32
    %dma_wait3A_1386 = arith.constant 0 : i32
    %dma_wait3A_1387 = arith.constant 0 : i32
    %dma_wait3A_1388 = arith.constant 0 : i32
    %dma_wait3A_1389 = tpu.memref_slice %arg6[%dma_wait3A_1385, %dma_wait3A_1387, %dma_wait3A_1388] : memref<3x200x128xf32, #tpu.memory_space<vmem>> -> memref<1x200x128xf32, #tpu.memory_space<vmem>>
    %dma_wait3A_1390 = tpu.memref_squeeze %dma_wait3A_1389 : memref<1x200x128xf32, #tpu.memory_space<vmem>> -> memref<200x128xf32, #tpu.memory_space<vmem>>
    %dma_wait3A_1391 = arith.constant 0 : i32
    %dma_wait3A_1392 = arith.constant 0 : i32
    %dma_wait3A_1393 = tpu.memref_slice %dma_wait3A_1390[%dma_wait3A_1391, %dma_wait3A_1392] : memref<200x128xf32, #tpu.memory_space<vmem>> -> memref<50x128xf32, #tpu.memory_space<vmem>>
    %dma_wait3A_1394 = arith.constant 0 : i32
    %dma_wait3A_1395 = arith.constant 0 : i32
    %dma_wait3A_1396 = tpu.memref_slice %arg4[%dma_wait3A_1386, %dma_wait3A_1394, %dma_wait3A_1395] : memref<4096x50x128xf32, #tpu.memory_space<hbm>> -> memref<1x50x128xf32, #tpu.memory_space<hbm>>
    %dma_wait3A_1397 = tpu.memref_squeeze %dma_wait3A_1396 : memref<1x50x128xf32, #tpu.memory_space<hbm>> -> memref<50x128xf32, #tpu.memory_space<hbm>>
    %dma_wait3A_1398 = arith.constant 0 : i32
    %dma_wait3A_1399 = arith.constant 0 : i32
    %dma_wait3A_1400 = tpu.memref_slice %arg4[%dma_wait3A_1386, %dma_wait3A_1398, %dma_wait3A_1399] : memref<4096x50x128xf32, #tpu.memory_space<hbm>> -> memref<1x50x128xf32, #tpu.memory_space<hbm>>
    %dma_wait3A_1401 = tpu.memref_squeeze %dma_wait3A_1400 : memref<1x50x128xf32, #tpu.memory_space<hbm>> -> memref<50x128xf32, #tpu.memory_space<hbm>>
    %dma_wait3A_1402 = arith.constant 0 : i32
    %dma_wait3A_1403 = arith.constant 0 : i32
    %dma_wait3A_1404 = tpu.memref_slice %arg6[%dma_wait3A_1385, %dma_wait3A_1402, %dma_wait3A_1403] : memref<3x200x128xf32, #tpu.memory_space<vmem>> -> memref<1x200x128xf32, #tpu.memory_space<vmem>>
    %dma_wait3A_1405 = tpu.memref_squeeze %dma_wait3A_1404 : memref<1x200x128xf32, #tpu.memory_space<vmem>> -> memref<200x128xf32, #tpu.memory_space<vmem>>
    %dma_wait3A_1406 = arith.constant 0 : i32
    %dma_wait3A_1407 = arith.constant 0 : i32
    %dma_wait3A_1408 = tpu.memref_slice %dma_wait3A_1405[%dma_wait3A_1406, %dma_wait3A_1407] : memref<200x128xf32, #tpu.memory_space<vmem>> -> memref<50x128xf32, #tpu.memory_space<vmem>>
    tpu.wait_dma2 semaphore(%arg10 : memref<!tpu.dma_semaphore, #tpu.memory_space<semaphore_mem>>) src(%dma_wait3A_1408 : memref<50x128xf32, #tpu.memory_space<vmem>>) dst(%dma_wait3A_1401 : memref<50x128xf32, #tpu.memory_space<hbm>>)
    %dma_wait3A_1409 = arith.constant 0 : i32
    %dma_wait3A_1410 = arith.constant 0 : i32
    %dma_wait3A_1411 = arith.constant 0 : i32
    %dma_wait3A_1412 = arith.constant 0 : i32
    %dma_wait3A_1413 = tpu.memref_slice %arg6[%dma_wait3A_1409, %dma_wait3A_1411, %dma_wait3A_1412] : memref<3x200x128xf32, #tpu.memory_space<vmem>> -> memref<1x200x128xf32, #tpu.memory_space<vmem>>
    %dma_wait3A_1414 = tpu.memref_squeeze %dma_wait3A_1413 : memref<1x200x128xf32, #tpu.memory_space<vmem>> -> memref<200x128xf32, #tpu.memory_space<vmem>>
    %dma_wait3A_1415 = arith.constant 0 : i32
    %dma_wait3A_1416 = arith.constant 0 : i32
    %dma_wait3A_1417 = tpu.memref_slice %dma_wait3A_1414[%dma_wait3A_1415, %dma_wait3A_1416] : memref<200x128xf32, #tpu.memory_space<vmem>> -> memref<50x128xf32, #tpu.memory_space<vmem>>
    %dma_wait3A_1418 = arith.constant 0 : i32
    %dma_wait3A_1419 = arith.constant 0 : i32
    %dma_wait3A_1420 = tpu.memref_slice %arg4[%dma_wait3A_1410, %dma_wait3A_1418, %dma_wait3A_1419] : memref<4096x50x128xf32, #tpu.memory_space<hbm>> -> memref<1x50x128xf32, #tpu.memory_space<hbm>>
    %dma_wait3A_1421 = tpu.memref_squeeze %dma_wait3A_1420 : memref<1x50x128xf32, #tpu.memory_space<hbm>> -> memref<50x128xf32, #tpu.memory_space<hbm>>
    %dma_wait3A_1422 = arith.constant 0 : i32
    %dma_wait3A_1423 = arith.constant 0 : i32
    %dma_wait3A_1424 = tpu.memref_slice %arg4[%dma_wait3A_1410, %dma_wait3A_1422, %dma_wait3A_1423] : memref<4096x50x128xf32, #tpu.memory_space<hbm>> -> memref<1x50x128xf32, #tpu.memory_space<hbm>>
    %dma_wait3A_1425 = tpu.memref_squeeze %dma_wait3A_1424 : memref<1x50x128xf32, #tpu.memory_space<hbm>> -> memref<50x128xf32, #tpu.memory_space<hbm>>
    %dma_wait3A_1426 = arith.constant 0 : i32
    %dma_wait3A_1427 = arith.constant 0 : i32
    %dma_wait3A_1428 = tpu.memref_slice %arg6[%dma_wait3A_1409, %dma_wait3A_1426, %dma_wait3A_1427] : memref<3x200x128xf32, #tpu.memory_space<vmem>> -> memref<1x200x128xf32, #tpu.memory_space<vmem>>
    %dma_wait3A_1429 = tpu.memref_squeeze %dma_wait3A_1428 : memref<1x200x128xf32, #tpu.memory_space<vmem>> -> memref<200x128xf32, #tpu.memory_space<vmem>>
    %dma_wait3A_1430 = arith.constant 0 : i32
    %dma_wait3A_1431 = arith.constant 0 : i32
    %dma_wait3A_1432 = tpu.memref_slice %dma_wait3A_1429[%dma_wait3A_1430, %dma_wait3A_1431] : memref<200x128xf32, #tpu.memory_space<vmem>> -> memref<50x128xf32, #tpu.memory_space<vmem>>
    tpu.wait_dma2 semaphore(%arg10 : memref<!tpu.dma_semaphore, #tpu.memory_space<semaphore_mem>>) src(%dma_wait3A_1432 : memref<50x128xf32, #tpu.memory_space<vmem>>) dst(%dma_wait3A_1425 : memref<50x128xf32, #tpu.memory_space<hbm>>)
    %dma_wait3A_1433 = arith.constant 1 : i32
    %dma_wait3A_1434 = arith.constant 0 : i32
    %dma_wait3A_1435 = arith.constant 0 : i32
    %dma_wait3A_1436 = arith.constant 0 : i32
    %dma_wait3A_1437 = tpu.memref_slice %arg6[%dma_wait3A_1433, %dma_wait3A_1435, %dma_wait3A_1436] : memref<3x200x128xf32, #tpu.memory_space<vmem>> -> memref<1x200x128xf32, #tpu.memory_space<vmem>>
    %dma_wait3A_1438 = tpu.memref_squeeze %dma_wait3A_1437 : memref<1x200x128xf32, #tpu.memory_space<vmem>> -> memref<200x128xf32, #tpu.memory_space<vmem>>
    %dma_wait3A_1439 = arith.constant 0 : i32
    %dma_wait3A_1440 = arith.constant 0 : i32
    %dma_wait3A_1441 = tpu.memref_slice %dma_wait3A_1438[%dma_wait3A_1439, %dma_wait3A_1440] : memref<200x128xf32, #tpu.memory_space<vmem>> -> memref<50x128xf32, #tpu.memory_space<vmem>>
    %dma_wait3A_1442 = arith.constant 0 : i32
    %dma_wait3A_1443 = arith.constant 0 : i32
    %dma_wait3A_1444 = tpu.memref_slice %arg4[%dma_wait3A_1434, %dma_wait3A_1442, %dma_wait3A_1443] : memref<4096x50x128xf32, #tpu.memory_space<hbm>> -> memref<1x50x128xf32, #tpu.memory_space<hbm>>
    %dma_wait3A_1445 = tpu.memref_squeeze %dma_wait3A_1444 : memref<1x50x128xf32, #tpu.memory_space<hbm>> -> memref<50x128xf32, #tpu.memory_space<hbm>>
    %dma_wait3A_1446 = arith.constant 0 : i32
    %dma_wait3A_1447 = arith.constant 0 : i32
    %dma_wait3A_1448 = tpu.memref_slice %arg4[%dma_wait3A_1434, %dma_wait3A_1446, %dma_wait3A_1447] : memref<4096x50x128xf32, #tpu.memory_space<hbm>> -> memref<1x50x128xf32, #tpu.memory_space<hbm>>
    %dma_wait3A_1449 = tpu.memref_squeeze %dma_wait3A_1448 : memref<1x50x128xf32, #tpu.memory_space<hbm>> -> memref<50x128xf32, #tpu.memory_space<hbm>>
    %dma_wait3A_1450 = arith.constant 0 : i32
    %dma_wait3A_1451 = arith.constant 0 : i32
    %dma_wait3A_1452 = tpu.memref_slice %arg6[%dma_wait3A_1433, %dma_wait3A_1450, %dma_wait3A_1451] : memref<3x200x128xf32, #tpu.memory_space<vmem>> -> memref<1x200x128xf32, #tpu.memory_space<vmem>>
    %dma_wait3A_1453 = tpu.memref_squeeze %dma_wait3A_1452 : memref<1x200x128xf32, #tpu.memory_space<vmem>> -> memref<200x128xf32, #tpu.memory_space<vmem>>
    %dma_wait3A_1454 = arith.constant 0 : i32
    %dma_wait3A_1455 = arith.constant 0 : i32
    %dma_wait3A_1456 = tpu.memref_slice %dma_wait3A_1453[%dma_wait3A_1454, %dma_wait3A_1455] : memref<200x128xf32, #tpu.memory_space<vmem>> -> memref<50x128xf32, #tpu.memory_space<vmem>>
    tpu.wait_dma2 semaphore(%arg11 : memref<!tpu.dma_semaphore, #tpu.memory_space<semaphore_mem>>) src(%dma_wait3A_1456 : memref<50x128xf32, #tpu.memory_space<vmem>>) dst(%dma_wait3A_1449 : memref<50x128xf32, #tpu.memory_space<hbm>>)
    %dma_wait3A_1457 = arith.constant 1 : i32
    %dma_wait3A_1458 = arith.constant 0 : i32
    %dma_wait3A_1459 = arith.constant 0 : i32
    %dma_wait3A_1460 = arith.constant 0 : i32
    %dma_wait3A_1461 = tpu.memref_slice %arg6[%dma_wait3A_1457, %dma_wait3A_1459, %dma_wait3A_1460] : memref<3x200x128xf32, #tpu.memory_space<vmem>> -> memref<1x200x128xf32, #tpu.memory_space<vmem>>
    %dma_wait3A_1462 = tpu.memref_squeeze %dma_wait3A_1461 : memref<1x200x128xf32, #tpu.memory_space<vmem>> -> memref<200x128xf32, #tpu.memory_space<vmem>>
    %dma_wait3A_1463 = arith.constant 0 : i32
    %dma_wait3A_1464 = arith.constant 0 : i32
    %dma_wait3A_1465 = tpu.memref_slice %dma_wait3A_1462[%dma_wait3A_1463, %dma_wait3A_1464] : memref<200x128xf32, #tpu.memory_space<vmem>> -> memref<50x128xf32, #tpu.memory_space<vmem>>
    %dma_wait3A_1466 = arith.constant 0 : i32
    %dma_wait3A_1467 = arith.constant 0 : i32
    %dma_wait3A_1468 = tpu.memref_slice %arg4[%dma_wait3A_1458, %dma_wait3A_1466, %dma_wait3A_1467] : memref<4096x50x128xf32, #tpu.memory_space<hbm>> -> memref<1x50x128xf32, #tpu.memory_space<hbm>>
    %dma_wait3A_1469 = tpu.memref_squeeze %dma_wait3A_1468 : memref<1x50x128xf32, #tpu.memory_space<hbm>> -> memref<50x128xf32, #tpu.memory_space<hbm>>
    %dma_wait3A_1470 = arith.constant 0 : i32
    %dma_wait3A_1471 = arith.constant 0 : i32
    %dma_wait3A_1472 = tpu.memref_slice %arg4[%dma_wait3A_1458, %dma_wait3A_1470, %dma_wait3A_1471] : memref<4096x50x128xf32, #tpu.memory_space<hbm>> -> memref<1x50x128xf32, #tpu.memory_space<hbm>>
    %dma_wait3A_1473 = tpu.memref_squeeze %dma_wait3A_1472 : memref<1x50x128xf32, #tpu.memory_space<hbm>> -> memref<50x128xf32, #tpu.memory_space<hbm>>
    %dma_wait3A_1474 = arith.constant 0 : i32
    %dma_wait3A_1475 = arith.constant 0 : i32
    %dma_wait3A_1476 = tpu.memref_slice %arg6[%dma_wait3A_1457, %dma_wait3A_1474, %dma_wait3A_1475] : memref<3x200x128xf32, #tpu.memory_space<vmem>> -> memref<1x200x128xf32, #tpu.memory_space<vmem>>
    %dma_wait3A_1477 = tpu.memref_squeeze %dma_wait3A_1476 : memref<1x200x128xf32, #tpu.memory_space<vmem>> -> memref<200x128xf32, #tpu.memory_space<vmem>>
    %dma_wait3A_1478 = arith.constant 0 : i32
    %dma_wait3A_1479 = arith.constant 0 : i32
    %dma_wait3A_1480 = tpu.memref_slice %dma_wait3A_1477[%dma_wait3A_1478, %dma_wait3A_1479] : memref<200x128xf32, #tpu.memory_space<vmem>> -> memref<50x128xf32, #tpu.memory_space<vmem>>
    tpu.wait_dma2 semaphore(%arg11 : memref<!tpu.dma_semaphore, #tpu.memory_space<semaphore_mem>>) src(%dma_wait3A_1480 : memref<50x128xf32, #tpu.memory_space<vmem>>) dst(%dma_wait3A_1473 : memref<50x128xf32, #tpu.memory_space<hbm>>)
    %dma_wait3A_1481 = arith.constant 1 : i32
    %dma_wait3A_1482 = arith.constant 0 : i32
    %dma_wait3A_1483 = arith.constant 0 : i32
    %dma_wait3A_1484 = arith.constant 0 : i32
    %dma_wait3A_1485 = tpu.memref_slice %arg6[%dma_wait3A_1481, %dma_wait3A_1483, %dma_wait3A_1484] : memref<3x200x128xf32, #tpu.memory_space<vmem>> -> memref<1x200x128xf32, #tpu.memory_space<vmem>>
    %dma_wait3A_1486 = tpu.memref_squeeze %dma_wait3A_1485 : memref<1x200x128xf32, #tpu.memory_space<vmem>> -> memref<200x128xf32, #tpu.memory_space<vmem>>
    %dma_wait3A_1487 = arith.constant 0 : i32
    %dma_wait3A_1488 = arith.constant 0 : i32
    %dma_wait3A_1489 = tpu.memref_slice %dma_wait3A_1486[%dma_wait3A_1487, %dma_wait3A_1488] : memref<200x128xf32, #tpu.memory_space<vmem>> -> memref<50x128xf32, #tpu.memory_space<vmem>>
    %dma_wait3A_1490 = arith.constant 0 : i32
    %dma_wait3A_1491 = arith.constant 0 : i32
    %dma_wait3A_1492 = tpu.memref_slice %arg4[%dma_wait3A_1482, %dma_wait3A_1490, %dma_wait3A_1491] : memref<4096x50x128xf32, #tpu.memory_space<hbm>> -> memref<1x50x128xf32, #tpu.memory_space<hbm>>
    %dma_wait3A_1493 = tpu.memref_squeeze %dma_wait3A_1492 : memref<1x50x128xf32, #tpu.memory_space<hbm>> -> memref<50x128xf32, #tpu.memory_space<hbm>>
    %dma_wait3A_1494 = arith.constant 0 : i32
    %dma_wait3A_1495 = arith.constant 0 : i32
    %dma_wait3A_1496 = tpu.memref_slice %arg4[%dma_wait3A_1482, %dma_wait3A_1494, %dma_wait3A_1495] : memref<4096x50x128xf32, #tpu.memory_space<hbm>> -> memref<1x50x128xf32, #tpu.memory_space<hbm>>
    %dma_wait3A_1497 = tpu.memref_squeeze %dma_wait3A_1496 : memref<1x50x128xf32, #tpu.memory_space<hbm>> -> memref<50x128xf32, #tpu.memory_space<hbm>>
    %dma_wait3A_1498 = arith.constant 0 : i32
    %dma_wait3A_1499 = arith.constant 0 : i32
    %dma_wait3A_1500 = tpu.memref_slice %arg6[%dma_wait3A_1481, %dma_wait3A_1498, %dma_wait3A_1499] : memref<3x200x128xf32, #tpu.memory_space<vmem>> -> memref<1x200x128xf32, #tpu.memory_space<vmem>>
    %dma_wait3A_1501 = tpu.memref_squeeze %dma_wait3A_1500 : memref<1x200x128xf32, #tpu.memory_space<vmem>> -> memref<200x128xf32, #tpu.memory_space<vmem>>
    %dma_wait3A_1502 = arith.constant 0 : i32
    %dma_wait3A_1503 = arith.constant 0 : i32
    %dma_wait3A_1504 = tpu.memref_slice %dma_wait3A_1501[%dma_wait3A_1502, %dma_wait3A_1503] : memref<200x128xf32, #tpu.memory_space<vmem>> -> memref<50x128xf32, #tpu.memory_space<vmem>>
    tpu.wait_dma2 semaphore(%arg11 : memref<!tpu.dma_semaphore, #tpu.memory_space<semaphore_mem>>) src(%dma_wait3A_1504 : memref<50x128xf32, #tpu.memory_space<vmem>>) dst(%dma_wait3A_1497 : memref<50x128xf32, #tpu.memory_space<hbm>>)
    %dma_wait3A_1505 = arith.constant 1 : i32
    %dma_wait3A_1506 = arith.constant 0 : i32
    %dma_wait3A_1507 = arith.constant 0 : i32
    %dma_wait3A_1508 = arith.constant 0 : i32
    %dma_wait3A_1509 = tpu.memref_slice %arg6[%dma_wait3A_1505, %dma_wait3A_1507, %dma_wait3A_1508] : memref<3x200x128xf32, #tpu.memory_space<vmem>> -> memref<1x200x128xf32, #tpu.memory_space<vmem>>
    %dma_wait3A_1510 = tpu.memref_squeeze %dma_wait3A_1509 : memref<1x200x128xf32, #tpu.memory_space<vmem>> -> memref<200x128xf32, #tpu.memory_space<vmem>>
    %dma_wait3A_1511 = arith.constant 0 : i32
    %dma_wait3A_1512 = arith.constant 0 : i32
    %dma_wait3A_1513 = tpu.memref_slice %dma_wait3A_1510[%dma_wait3A_1511, %dma_wait3A_1512] : memref<200x128xf32, #tpu.memory_space<vmem>> -> memref<50x128xf32, #tpu.memory_space<vmem>>
    %dma_wait3A_1514 = arith.constant 0 : i32
    %dma_wait3A_1515 = arith.constant 0 : i32
    %dma_wait3A_1516 = tpu.memref_slice %arg4[%dma_wait3A_1506, %dma_wait3A_1514, %dma_wait3A_1515] : memref<4096x50x128xf32, #tpu.memory_space<hbm>> -> memref<1x50x128xf32, #tpu.memory_space<hbm>>
    %dma_wait3A_1517 = tpu.memref_squeeze %dma_wait3A_1516 : memref<1x50x128xf32, #tpu.memory_space<hbm>> -> memref<50x128xf32, #tpu.memory_space<hbm>>
    %dma_wait3A_1518 = arith.constant 0 : i32
    %dma_wait3A_1519 = arith.constant 0 : i32
    %dma_wait3A_1520 = tpu.memref_slice %arg4[%dma_wait3A_1506, %dma_wait3A_1518, %dma_wait3A_1519] : memref<4096x50x128xf32, #tpu.memory_space<hbm>> -> memref<1x50x128xf32, #tpu.memory_space<hbm>>
    %dma_wait3A_1521 = tpu.memref_squeeze %dma_wait3A_1520 : memref<1x50x128xf32, #tpu.memory_space<hbm>> -> memref<50x128xf32, #tpu.memory_space<hbm>>
    %dma_wait3A_1522 = arith.constant 0 : i32
    %dma_wait3A_1523 = arith.constant 0 : i32
    %dma_wait3A_1524 = tpu.memref_slice %arg6[%dma_wait3A_1505, %dma_wait3A_1522, %dma_wait3A_1523] : memref<3x200x128xf32, #tpu.memory_space<vmem>> -> memref<1x200x128xf32, #tpu.memory_space<vmem>>
    %dma_wait3A_1525 = tpu.memref_squeeze %dma_wait3A_1524 : memref<1x200x128xf32, #tpu.memory_space<vmem>> -> memref<200x128xf32, #tpu.memory_space<vmem>>
    %dma_wait3A_1526 = arith.constant 0 : i32
    %dma_wait3A_1527 = arith.constant 0 : i32
    %dma_wait3A_1528 = tpu.memref_slice %dma_wait3A_1525[%dma_wait3A_1526, %dma_wait3A_1527] : memref<200x128xf32, #tpu.memory_space<vmem>> -> memref<50x128xf32, #tpu.memory_space<vmem>>
    tpu.wait_dma2 semaphore(%arg11 : memref<!tpu.dma_semaphore, #tpu.memory_space<semaphore_mem>>) src(%dma_wait3A_1528 : memref<50x128xf32, #tpu.memory_space<vmem>>) dst(%dma_wait3A_1521 : memref<50x128xf32, #tpu.memory_space<hbm>>)
    %dma_wait3A_1529 = arith.constant 2 : i32
    %dma_wait3A_1530 = arith.constant 0 : i32
    %dma_wait3A_1531 = arith.constant 0 : i32
    %dma_wait3A_1532 = arith.constant 0 : i32
    %dma_wait3A_1533 = tpu.memref_slice %arg6[%dma_wait3A_1529, %dma_wait3A_1531, %dma_wait3A_1532] : memref<3x200x128xf32, #tpu.memory_space<vmem>> -> memref<1x200x128xf32, #tpu.memory_space<vmem>>
    %dma_wait3A_1534 = tpu.memref_squeeze %dma_wait3A_1533 : memref<1x200x128xf32, #tpu.memory_space<vmem>> -> memref<200x128xf32, #tpu.memory_space<vmem>>
    %dma_wait3A_1535 = arith.constant 0 : i32
    %dma_wait3A_1536 = arith.constant 0 : i32
    %dma_wait3A_1537 = tpu.memref_slice %dma_wait3A_1534[%dma_wait3A_1535, %dma_wait3A_1536] : memref<200x128xf32, #tpu.memory_space<vmem>> -> memref<50x128xf32, #tpu.memory_space<vmem>>
    %dma_wait3A_1538 = arith.constant 0 : i32
    %dma_wait3A_1539 = arith.constant 0 : i32
    %dma_wait3A_1540 = tpu.memref_slice %arg4[%dma_wait3A_1530, %dma_wait3A_1538, %dma_wait3A_1539] : memref<4096x50x128xf32, #tpu.memory_space<hbm>> -> memref<1x50x128xf32, #tpu.memory_space<hbm>>
    %dma_wait3A_1541 = tpu.memref_squeeze %dma_wait3A_1540 : memref<1x50x128xf32, #tpu.memory_space<hbm>> -> memref<50x128xf32, #tpu.memory_space<hbm>>
    %dma_wait3A_1542 = arith.constant 0 : i32
    %dma_wait3A_1543 = arith.constant 0 : i32
    %dma_wait3A_1544 = tpu.memref_slice %arg4[%dma_wait3A_1530, %dma_wait3A_1542, %dma_wait3A_1543] : memref<4096x50x128xf32, #tpu.memory_space<hbm>> -> memref<1x50x128xf32, #tpu.memory_space<hbm>>
    %dma_wait3A_1545 = tpu.memref_squeeze %dma_wait3A_1544 : memref<1x50x128xf32, #tpu.memory_space<hbm>> -> memref<50x128xf32, #tpu.memory_space<hbm>>
    %dma_wait3A_1546 = arith.constant 0 : i32
    %dma_wait3A_1547 = arith.constant 0 : i32
    %dma_wait3A_1548 = tpu.memref_slice %arg6[%dma_wait3A_1529, %dma_wait3A_1546, %dma_wait3A_1547] : memref<3x200x128xf32, #tpu.memory_space<vmem>> -> memref<1x200x128xf32, #tpu.memory_space<vmem>>
    %dma_wait3A_1549 = tpu.memref_squeeze %dma_wait3A_1548 : memref<1x200x128xf32, #tpu.memory_space<vmem>> -> memref<200x128xf32, #tpu.memory_space<vmem>>
    %dma_wait3A_1550 = arith.constant 0 : i32
    %dma_wait3A_1551 = arith.constant 0 : i32
    %dma_wait3A_1552 = tpu.memref_slice %dma_wait3A_1549[%dma_wait3A_1550, %dma_wait3A_1551] : memref<200x128xf32, #tpu.memory_space<vmem>> -> memref<50x128xf32, #tpu.memory_space<vmem>>
    tpu.wait_dma2 semaphore(%arg12 : memref<!tpu.dma_semaphore, #tpu.memory_space<semaphore_mem>>) src(%dma_wait3A_1552 : memref<50x128xf32, #tpu.memory_space<vmem>>) dst(%dma_wait3A_1545 : memref<50x128xf32, #tpu.memory_space<hbm>>)
    %dma_wait3A_1553 = arith.constant 2 : i32
    %dma_wait3A_1554 = arith.constant 0 : i32
    %dma_wait3A_1555 = arith.constant 0 : i32
    %dma_wait3A_1556 = arith.constant 0 : i32
    %dma_wait3A_1557 = tpu.memref_slice %arg6[%dma_wait3A_1553, %dma_wait3A_1555, %dma_wait3A_1556] : memref<3x200x128xf32, #tpu.memory_space<vmem>> -> memref<1x200x128xf32, #tpu.memory_space<vmem>>
    %dma_wait3A_1558 = tpu.memref_squeeze %dma_wait3A_1557 : memref<1x200x128xf32, #tpu.memory_space<vmem>> -> memref<200x128xf32, #tpu.memory_space<vmem>>
    %dma_wait3A_1559 = arith.constant 0 : i32
    %dma_wait3A_1560 = arith.constant 0 : i32
    %dma_wait3A_1561 = tpu.memref_slice %dma_wait3A_1558[%dma_wait3A_1559, %dma_wait3A_1560] : memref<200x128xf32, #tpu.memory_space<vmem>> -> memref<50x128xf32, #tpu.memory_space<vmem>>
    %dma_wait3A_1562 = arith.constant 0 : i32
    %dma_wait3A_1563 = arith.constant 0 : i32
    %dma_wait3A_1564 = tpu.memref_slice %arg4[%dma_wait3A_1554, %dma_wait3A_1562, %dma_wait3A_1563] : memref<4096x50x128xf32, #tpu.memory_space<hbm>> -> memref<1x50x128xf32, #tpu.memory_space<hbm>>
    %dma_wait3A_1565 = tpu.memref_squeeze %dma_wait3A_1564 : memref<1x50x128xf32, #tpu.memory_space<hbm>> -> memref<50x128xf32, #tpu.memory_space<hbm>>
    %dma_wait3A_1566 = arith.constant 0 : i32
    %dma_wait3A_1567 = arith.constant 0 : i32
    %dma_wait3A_1568 = tpu.memref_slice %arg4[%dma_wait3A_1554, %dma_wait3A_1566, %dma_wait3A_1567] : memref<4096x50x128xf32, #tpu.memory_space<hbm>> -> memref<1x50x128xf32, #tpu.memory_space<hbm>>
    %dma_wait3A_1569 = tpu.memref_squeeze %dma_wait3A_1568 : memref<1x50x128xf32, #tpu.memory_space<hbm>> -> memref<50x128xf32, #tpu.memory_space<hbm>>
    %dma_wait3A_1570 = arith.constant 0 : i32
    %dma_wait3A_1571 = arith.constant 0 : i32
    %dma_wait3A_1572 = tpu.memref_slice %arg6[%dma_wait3A_1553, %dma_wait3A_1570, %dma_wait3A_1571] : memref<3x200x128xf32, #tpu.memory_space<vmem>> -> memref<1x200x128xf32, #tpu.memory_space<vmem>>
    %dma_wait3A_1573 = tpu.memref_squeeze %dma_wait3A_1572 : memref<1x200x128xf32, #tpu.memory_space<vmem>> -> memref<200x128xf32, #tpu.memory_space<vmem>>
    %dma_wait3A_1574 = arith.constant 0 : i32
    %dma_wait3A_1575 = arith.constant 0 : i32
    %dma_wait3A_1576 = tpu.memref_slice %dma_wait3A_1573[%dma_wait3A_1574, %dma_wait3A_1575] : memref<200x128xf32, #tpu.memory_space<vmem>> -> memref<50x128xf32, #tpu.memory_space<vmem>>
    tpu.wait_dma2 semaphore(%arg12 : memref<!tpu.dma_semaphore, #tpu.memory_space<semaphore_mem>>) src(%dma_wait3A_1576 : memref<50x128xf32, #tpu.memory_space<vmem>>) dst(%dma_wait3A_1569 : memref<50x128xf32, #tpu.memory_space<hbm>>)
    %dma_wait3A_1577 = arith.constant 2 : i32
    %dma_wait3A_1578 = arith.constant 0 : i32
    %dma_wait3A_1579 = arith.constant 0 : i32
    %dma_wait3A_1580 = arith.constant 0 : i32
    %dma_wait3A_1581 = tpu.memref_slice %arg6[%dma_wait3A_1577, %dma_wait3A_1579, %dma_wait3A_1580] : memref<3x200x128xf32, #tpu.memory_space<vmem>> -> memref<1x200x128xf32, #tpu.memory_space<vmem>>
    %dma_wait3A_1582 = tpu.memref_squeeze %dma_wait3A_1581 : memref<1x200x128xf32, #tpu.memory_space<vmem>> -> memref<200x128xf32, #tpu.memory_space<vmem>>
    %dma_wait3A_1583 = arith.constant 0 : i32
    %dma_wait3A_1584 = arith.constant 0 : i32
    %dma_wait3A_1585 = tpu.memref_slice %dma_wait3A_1582[%dma_wait3A_1583, %dma_wait3A_1584] : memref<200x128xf32, #tpu.memory_space<vmem>> -> memref<50x128xf32, #tpu.memory_space<vmem>>
    %dma_wait3A_1586 = arith.constant 0 : i32
    %dma_wait3A_1587 = arith.constant 0 : i32
    %dma_wait3A_1588 = tpu.memref_slice %arg4[%dma_wait3A_1578, %dma_wait3A_1586, %dma_wait3A_1587] : memref<4096x50x128xf32, #tpu.memory_space<hbm>> -> memref<1x50x128xf32, #tpu.memory_space<hbm>>
    %dma_wait3A_1589 = tpu.memref_squeeze %dma_wait3A_1588 : memref<1x50x128xf32, #tpu.memory_space<hbm>> -> memref<50x128xf32, #tpu.memory_space<hbm>>
    %dma_wait3A_1590 = arith.constant 0 : i32
    %dma_wait3A_1591 = arith.constant 0 : i32
    %dma_wait3A_1592 = tpu.memref_slice %arg4[%dma_wait3A_1578, %dma_wait3A_1590, %dma_wait3A_1591] : memref<4096x50x128xf32, #tpu.memory_space<hbm>> -> memref<1x50x128xf32, #tpu.memory_space<hbm>>
    %dma_wait3A_1593 = tpu.memref_squeeze %dma_wait3A_1592 : memref<1x50x128xf32, #tpu.memory_space<hbm>> -> memref<50x128xf32, #tpu.memory_space<hbm>>
    %dma_wait3A_1594 = arith.constant 0 : i32
    %dma_wait3A_1595 = arith.constant 0 : i32
    %dma_wait3A_1596 = tpu.memref_slice %arg6[%dma_wait3A_1577, %dma_wait3A_1594, %dma_wait3A_1595] : memref<3x200x128xf32, #tpu.memory_space<vmem>> -> memref<1x200x128xf32, #tpu.memory_space<vmem>>
    %dma_wait3A_1597 = tpu.memref_squeeze %dma_wait3A_1596 : memref<1x200x128xf32, #tpu.memory_space<vmem>> -> memref<200x128xf32, #tpu.memory_space<vmem>>
    %dma_wait3A_1598 = arith.constant 0 : i32
    %dma_wait3A_1599 = arith.constant 0 : i32
    %dma_wait3A_1600 = tpu.memref_slice %dma_wait3A_1597[%dma_wait3A_1598, %dma_wait3A_1599] : memref<200x128xf32, #tpu.memory_space<vmem>> -> memref<50x128xf32, #tpu.memory_space<vmem>>
    tpu.wait_dma2 semaphore(%arg12 : memref<!tpu.dma_semaphore, #tpu.memory_space<semaphore_mem>>) src(%dma_wait3A_1600 : memref<50x128xf32, #tpu.memory_space<vmem>>) dst(%dma_wait3A_1593 : memref<50x128xf32, #tpu.memory_space<hbm>>)
    %dma_wait3A_1601 = arith.constant 2 : i32
    %dma_wait3A_1602 = arith.constant 0 : i32
    %dma_wait3A_1603 = arith.constant 0 : i32
    %dma_wait3A_1604 = arith.constant 0 : i32
    %dma_wait3A_1605 = tpu.memref_slice %arg6[%dma_wait3A_1601, %dma_wait3A_1603, %dma_wait3A_1604] : memref<3x200x128xf32, #tpu.memory_space<vmem>> -> memref<1x200x128xf32, #tpu.memory_space<vmem>>
    %dma_wait3A_1606 = tpu.memref_squeeze %dma_wait3A_1605 : memref<1x200x128xf32, #tpu.memory_space<vmem>> -> memref<200x128xf32, #tpu.memory_space<vmem>>
    %dma_wait3A_1607 = arith.constant 0 : i32
    %dma_wait3A_1608 = arith.constant 0 : i32
    %dma_wait3A_1609 = tpu.memref_slice %dma_wait3A_1606[%dma_wait3A_1607, %dma_wait3A_1608] : memref<200x128xf32, #tpu.memory_space<vmem>> -> memref<50x128xf32, #tpu.memory_space<vmem>>
    %dma_wait3A_1610 = arith.constant 0 : i32
    %dma_wait3A_1611 = arith.constant 0 : i32
    %dma_wait3A_1612 = tpu.memref_slice %arg4[%dma_wait3A_1602, %dma_wait3A_1610, %dma_wait3A_1611] : memref<4096x50x128xf32, #tpu.memory_space<hbm>> -> memref<1x50x128xf32, #tpu.memory_space<hbm>>
    %dma_wait3A_1613 = tpu.memref_squeeze %dma_wait3A_1612 : memref<1x50x128xf32, #tpu.memory_space<hbm>> -> memref<50x128xf32, #tpu.memory_space<hbm>>
    %dma_wait3A_1614 = arith.constant 0 : i32
    %dma_wait3A_1615 = arith.constant 0 : i32
    %dma_wait3A_1616 = tpu.memref_slice %arg4[%dma_wait3A_1602, %dma_wait3A_1614, %dma_wait3A_1615] : memref<4096x50x128xf32, #tpu.memory_space<hbm>> -> memref<1x50x128xf32, #tpu.memory_space<hbm>>
    %dma_wait3A_1617 = tpu.memref_squeeze %dma_wait3A_1616 : memref<1x50x128xf32, #tpu.memory_space<hbm>> -> memref<50x128xf32, #tpu.memory_space<hbm>>
    %dma_wait3A_1618 = arith.constant 0 : i32
    %dma_wait3A_1619 = arith.constant 0 : i32
    %dma_wait3A_1620 = tpu.memref_slice %arg6[%dma_wait3A_1601, %dma_wait3A_1618, %dma_wait3A_1619] : memref<3x200x128xf32, #tpu.memory_space<vmem>> -> memref<1x200x128xf32, #tpu.memory_space<vmem>>
    %dma_wait3A_1621 = tpu.memref_squeeze %dma_wait3A_1620 : memref<1x200x128xf32, #tpu.memory_space<vmem>> -> memref<200x128xf32, #tpu.memory_space<vmem>>
    %dma_wait3A_1622 = arith.constant 0 : i32
    %dma_wait3A_1623 = arith.constant 0 : i32
    %dma_wait3A_1624 = tpu.memref_slice %dma_wait3A_1621[%dma_wait3A_1622, %dma_wait3A_1623] : memref<200x128xf32, #tpu.memory_space<vmem>> -> memref<50x128xf32, #tpu.memory_space<vmem>>
    tpu.wait_dma2 semaphore(%arg12 : memref<!tpu.dma_semaphore, #tpu.memory_space<semaphore_mem>>) src(%dma_wait3A_1624 : memref<50x128xf32, #tpu.memory_space<vmem>>) dst(%dma_wait3A_1617 : memref<50x128xf32, #tpu.memory_space<hbm>>)
    return
  }
}

</mosaic_0001>

<sc_bundles>
// kernel: kernel.3.cloned.1.call-start
scs
__scs_entry_jumppad:
0x0: {  	(pc) =	sbr.rel $0x88, $3  }
0x1: {  	(tag) =	ssettag $0x0;
	lr =	simm.s32 $0x1  }
0x2: {  	[smem:$0x3F9F] =	sst lr;
	_ =	strace $0xD0000000  }
0x3: {  	_ = 	snop  }
0x4: {  	_ = 	snop  }
0x5: {  	_ = 	snop  }
0x6: {  	_ = 	snop  }
0x7: {  	_ = 	snop  }
__scs_overlays_trampoline_lowered:
0x8: {  	[smem:$0x3FAE] =	sst s0  }
0x9: {  	[smem:$0x3FAF] =	sst s1  }
0xa: {  	[smem:$0x3FB0] =	sst s2  }
0xb: {  	[smem:$0x3FB1] =	sst s3  }
0xc: {  	[smem:$0x3FB2] =	sst s4  }
0xd: {  	[smem:$0x3FB3] =	sst s5  }
0xe: {  	[smem:$0x3FB4] =	sst s6  }
0xf: {  	[smem:$0x3FB5] =	sst s7  }
0x10: {  	[smem:$0x3FB6] =	sst s8  }
0x11: {  	[smem:$0x3FB7] =	sst s9;
	s0 =	simm.s32 @!p0 $0x0  }
0x12: {  	s1 =	sld [smem:$0x3F9D];
	s0 =	simm.s32 @p0 $0x1  }
0x13: {  	[smem:$0x3FB8] =	sst s0;
	s0 =	simm.s32 @!p1 $0x0  }
0x14: {  	s2 =	sld [smem:$0x3F9C];
	s0 =	simm.s32 @p1 $0x1  }
0x15: {  	[smem:$0x3FB9] =	sst s0;
	s0 =	simm.s32 @!p2 $0x0  }
0x16: {  	s3 =	sld [smem:$0x3FDB];
	s0 =	simm.s32 @p2 $0x1  }
0x17: {  	s4 =	simm.s32 $0x1BF5;
	[smem:$0x3FBB] =	sst s0  }
0x18: {  	s0 =	sld [smem:$0x3F9E];
	_ =	swait.ge [sflag:s4], $0x0  }
0x19: {  	s7 =	sld [smem:$0x3F9F]  }
0x1a: {  	s8 =	sadd.s32 $0xFFFFE003, lr  }
0x1b: {  	s9 =	sadd.s32 $0xFFFFFEF7, lr;
	s5 =	simm.s32 $0xFFFFFFFF;
	p2 =	slt.u32 s8, $0xFFFFF086  }
0x1c: {  	p1 =	slt.u32 s9, $0xF7A;
	s5 =	simm.s32 @!p2 $0x0  }
0x1d: {  	s5 =	simm.s32 @p1 $0x1;
	p0 =	seq.s32 s7, s2  }
0x1e: {  	s7 =	smul.u32 @!p0 $0xF7A, s2;
	p2 =	seq.s32 @!p0 s5, $0x0  }
0x1f: {  	s9 =	smul.u32 $0xF7A, s1;
	s8 =	simm.s32 @!p0 $0x1BF5;
	p2 =	por !p2, p0  }
0x20: {  	[sflag:s8] =	ssyncset.s32 @!p0 $0xFFFFF086;
	s6 =	sadd.s32 @!p0 s3, s7;
	s7 =	simm.s32 @!p0 $0x108  }
0x21: {  	s3 =	sadd.s32 s3, s9;
	s6 =	sadd.s32 @!p0 $0x88, s6;
	s7 =	simm.s32 @p2 $0x1082  }
0x22: {  	[simem:s7], [sflag:s8] =	dma.local @!p0 [hbm:s6], $0xF7A  }
0x23: {  	s9 =	sor.u32 $0xD0000000, s2;
	s6 =	simm.s32 $0x108;
	_ =	swait.ge @!p0 [sflag:s8], $0x0  }
0x24: {  	s3 =	sadd.s32 $0x88, s3;
	s6 =	simm.s32 @!p1 $0x1082;
	[sflag:s4] =	ssyncset.s32 $0xFFFFF086  }
0x25: {  	[simem:s6], [sflag:s4] =	dma.local [hbm:s3], $0xF7A  }
0x26: {  	[smem:$0x3F9F] =	sst s1;
	(tag) =	ssettag s2;
	_ =	strace s9  }
0x27: {  	s1 =	sld [smem:$0x3FAF]  }
0x28: {  	s2 =	sld [smem:$0x3FB0]  }
0x29: {  	s4 =	sld [smem:$0x3FB2]  }
0x2a: {  	p0 =	seq.s32 s5, $0x0;
	s5 =	sld [smem:$0x3FB3]  }
0x2b: {  	s6 =	sld [smem:$0x3FB4]  }
0x2c: {  	s7 =	sld [smem:$0x3FB5]  }
0x2d: {  	s3 =	simm.s32 $0x108;
	s8 =	sld [smem:$0x3FB6]  }
0x2e: {  	s3 =	simm.s32 @!p0 $0x1082;
	s9 =	sld [smem:$0x3FB7]  }
0x2f: {  	lr =	sadd.s32 s0, s3;
	s0 =	sld [smem:$0x3FAE]  }
0x30: {  	s3 =	sld [smem:$0x3FB1]  }
0x31: {  	[smem:$0x3FBA] =	sst s10  }
0x32: {  	s10 =	sld [smem:$0x3FB8];
	_ =	sdelay $0x3  }
0x33: {  	p0 =	seq.s32 s10, $0x1;
	s10 =	sld [smem:$0x3FBA];
	_ =	sdelay $0x3  }
0x34: {  	[smem:$0x3FBA] =	sst s10  }
0x35: {  	s10 =	sld [smem:$0x3FB9];
	_ =	sdelay $0x3  }
0x36: {  	p1 =	seq.s32 s10, $0x1;
	s10 =	sld [smem:$0x3FBA];
	_ =	sdelay $0x3  }
0x37: {  	[smem:$0x3FBA] =	sst s10  }
0x38: {  	s10 =	sld [smem:$0x3FBB]  }
0x39: {  	_ = 	snop;
	(pc) =	sbr.ind lr, $3  }
0x3a: {  	_ = 	snop  }
0x3b: {  	_ = 	snop  }
0x3c: {  	p2 =	seq.s32 s10, $0x1;
	s10 =	sld [smem:$0x3FBA]  }
0x3d: {  	_ =	shalt  }
0x3e: {  	_ =	shalt  }
0x3f: {  	_ =	shalt  }
0x40: {  	_ =	shalt  }
0x41: {  	_ =	shalt  }
0x42: {  	_ =	shalt  }
0x43: {  	_ =	shalt  }
0x44: {  	_ =	shalt  }
0x45: {  	_ =	shalt  }
0x46: {  	_ =	shalt  }
0x47: {  	_ =	shalt  }
0x48: {  	_ =	shalt  }
0x49: {  	_ =	shalt  }
0x4a: {  	_ =	shalt  }
0x4b: {  	_ =	shalt  }
0x4c: {  	_ =	shalt  }
0x4d: {  	_ =	shalt  }
0x4e: {  	_ =	shalt  }
0x4f: {  	_ =	shalt  }
0x50: {  	_ =	shalt  }
0x51: {  	_ =	shalt  }
0x52: {  	_ =	shalt  }
0x53: {  	_ =	shalt  }
0x54: {  	_ =	shalt  }
0x55: {  	_ =	shalt  }
0x56: {  	_ =	shalt  }
0x57: {  	_ =	shalt  }
0x58: {  	_ =	shalt  }
0x59: {  	_ =	shalt  }
0x5a: {  	_ =	shalt  }
0x5b: {  	_ =	shalt  }
0x5c: {  	_ =	shalt  }
0x5d: {  	_ =	shalt  }
0x5e: {  	_ =	shalt  }
0x5f: {  	_ =	shalt  }
0x60: {  	_ =	shalt  }
0x61: {  	_ =	shalt  }
0x62: {  	_ =	shalt  }
0x63: {  	_ =	shalt  }
0x64: {  	_ =	shalt  }
0x65: {  	_ =	shalt  }
0x66: {  	_ =	shalt  }
0x67: {  	_ =	shalt  }
0x68: {  	_ =	shalt  }
0x69: {  	_ =	shalt  }
0x6a: {  	_ =	shalt  }
0x6b: {  	_ =	shalt  }
0x6c: {  	_ =	shalt  }
0x6d: {  	_ =	shalt  }
0x6e: {  	_ =	shalt  }
0x6f: {  	_ =	shalt  }
0x70: {  	_ =	shalt  }
0x71: {  	_ =	shalt  }
0x72: {  	_ =	shalt  }
0x73: {  	_ =	shalt  }
0x74: {  	_ =	shalt  }
0x75: {  	_ =	shalt  }
0x76: {  	_ =	shalt  }
0x77: {  	_ =	shalt  }
0x78: {  	_ =	shalt  }
0x79: {  	_ =	shalt  }
0x7a: {  	_ =	shalt  }
0x7b: {  	_ =	shalt  }
0x7c: {  	_ =	shalt  }
0x7d: {  	_ =	shalt  }
0x7e: {  	_ =	shalt  }
0x7f: {  	_ =	shalt  }
0x80: {  	_ =	shalt  }
0x81: {  	_ =	shalt  }
0x82: {  	_ =	shalt  }
0x83: {  	_ =	shalt  }
0x84: {  	_ =	shalt  }
0x85: {  	_ =	shalt  }
0x86: {  	_ =	shalt  }
0x87: {  	_ =	shalt  }
.Lfunc_end0:
.L_simem_size_0:
called_computation_lowered:
.L_overlay_start_0:
0x88: {  	s2 =	sld [smem:$0x3FD9]  }
0x89: {  	s3 =	sld [smem:$0x3FFE];
	_ =	sdelay $0x1  }
0x8a: {  	s1 =	srdreg.scid  }
0x8b: {  	s0 =	sand.u32 $0x1, s1  }
0x8c: {  	s17 =	sshll.u32 s0, $0xA;
	s2 =	sadd.s32 s3, s2  }
0x8d: {  	s2 =	sadd.s32 s2, s17  }
0x8e: {  	[smem:$0x3FC6] =	sst s2  }
0x8f: {  	_ = 	snop  }
0x90: {  	s2 =	sld [smem:$0x3FC8]  }
0x91: {  	s18 =	sld [smem:$0x3FD0];
	(tm) =	ssettm $0x1  }
0x92: {  	s4 =	sld [smem:$0x3FFB];
	_ =	sdelay $0x3  }
0x93: {  	_ =	strace s4  }
0x94: {  	s4 =	sld [smem:$0x3FFC];
	_ =	sdelay $0x3  }
0x95: {  	_ =	strace s4  }
0x96: {  	s4 =	sld [smem:$0x3FFD];
	_ =	sdelay $0x3  }
0x97: {  	_ =	strace s4  }
0x98: {  	_ =	strace $0x8FFFFFFF  }
0x99: {  	s19 =	sld [smem:$0x3FDB];
	_ =	sdelay $0x1  }
0x9a: {  	s5 =	simm.s32 $_scs_section_size  }
0x9b: {  	s6 =	simm.s32 $_size__tile_overlayer_lowered;
	s7 =	simm.s32 $_tile_overlayer_lowered  }
0x9c: {  	s22 =	simm.s32 $0x1BFF;
	s21 =	sshll.u32 s7, $0x1;
	s4 =	sadd.s32 s5, s19  }
0x9d: {  	s8 =	simm.s32 $0x0;
	s20 =	sshll.u32 s6, $0x1;
	s6 =	sadd.s32 s21, s4  }
0x9e: {  	[timem:s8], [sflag:s22] =	dma.local [hbm:s6], s20  }
0x9f: {  	_ =	swait.ge [sflag:s22], s20  }
0xa0: {  	s5 =	ssub.s32 $0x0, s20;
	[sflag:s22] =	ssyncset.done $0x0  }
0xa1: {  	[sflag:s22] =	ssyncadd.s32 s5;
	_ =	sdelay $0x1  }
0xa2: {  	s23 =	simm.s32 $0x1B8B  }
0xa3: {  	_ =	swait.ge [sflag:s23], $0x1  }
0xa4: {  	[sflag:s23] =	ssyncset.done $0x0  }
0xa5: {  	s25 =	simm.s32 $0x1B8E;
	s24 =	sld [smem:$0x3FFE];
	[sflag:s23] =	ssyncadd.s32 $0xFFFFFFFF  }
0xa6: {  	s26 =	simm.s32 $execute0_lowered;
	[smem:$0x3FD2] =	sst s25  }
0xa7: {  	s6 =	sshll.u32 s26, $0x1;
	_ =	strace $0x80000046;
	[dreg:$0x1] =	wrdreg $0xFFFFFFFF  }
0xa8: {  	s28 =	simm.s32 $_size_execute0_lowered;
	s4 =	sadd.s32 s4, s6;
	[dreg:$0x0] =	wrdreg $0x0  }
0xa9: {  	s6 =	sshll.u32 s28, $0x1;
	[dreg:$0x2] =	wrdreg s4  }
0xaa: {  	[dreg:$0x3] =	wrdreg s6  }
0xab: {  	[dreg:$0x4] =	wrdreg $0xC0  }
0xac: {  	_ =	task [dreg:s8], $0x5FFFF  }
0xad: {  	[dreg:$0x1] =	wrdreg $0xFFFFFFFF  }
0xae: {  	[dreg:$0x0] =	wrdreg $0x60  }
0xaf: {  	[dreg:$0x2] =	wrdreg s2  }
0xb0: {  	[dreg:$0x3] =	wrdreg s18  }
0xb1: {  	[dreg:$0x4] =	wrdreg s24  }
0xb2: {  	[dreg:$0x5] =	wrdreg $0x9  }
0xb3: {  	_ =	task.clear_ibuf [dreg:s8], $0x6FFFF;
	_ =	strace $0x90000046  }
0xb4: {  	s29 =	simm.s32 $0x9;
	_ =	strace $0x80000048  }
0xb5: {  	_ =	swait.ge [sflag:s29], $0x1  }
0xb6: {  	[sflag:s29] =	ssyncadd.s32 $0xFFFFFFFF  }
0xb7: {  	_ =	strace $0x90000048  }
0xb8: {  	_ =	sfence  }
0xb9: {  	s30 =	sld [smem:$0x0];
	_ =	sdelay $0x2  }
0xba: {  	s31 =	sshll.u32 s1, $0xD;
	s1 =	sshrl.u32 s1, $0x2  }
0xbb: {  	s3 =	sand.u32 $0x4000, s31;
	s1 =	sadd.s32 s1, s30  }
0xbc: {  	s0 =	sor.u32 s3, s0;
	s1 =	sshll.u32 s1, $0x11  }
0xbd: {  	s0 =	sor.u32 s1, s0  }
0xbe: {  	s0 =	sadd.s32 $0x8F2B, s0  }
0xbf: {  	[sflag:s0] =	ssyncadd.remote.s32 $0x1  }
0xc0: {  	_ =	sfence.sel $0xFFFF  }
0xc1: {  	[dreg:$0x0] =	wrdreg $0xFFFFFFFF;
	(pc) =	sbr.abs _section_cstart, $3  }
0xc2: {  	[dreg:$0x1] =	wrdreg $0xFFFFFFFF  }
0xc3: {  	_ =	task.clear_ibuf [dreg:s8], $0x2FFFF;
	_ =	strace $0x9FFFFFFF  }
0xc4: {  	(tm) =	ssettm $0x7FFFFFFF  }
0xc5: {  	_ =	shalt  }
tec
execute0_lowered:
.L_overlay_start_1:
0x0: {  	(tag) =	ssettag $0x1  }
0x1: {  	s1 =	rddreg [dreg:$0x0]  }
0x2: {  	s0 =	rddreg [dreg:$0x1];
	s2 =	srdreg.scid  }
0x3: {  	s9 =	stileid.u32;
	s4 =	rddreg [dreg:$0x2]  }
0x4: {  	s2 =	sand.u32 $0x1, s2;
	s5 =	sshll.u32 s9, $0x1;
	s10 =	smul.u32 $0x38000, s9  }
0x5: {  	s3 =	simm.s32 $0x0;
	s5 =	sor.u32 s2, s5;
	s16 =	smul.u32 $0xE0000, s2  }
0x6: {  	[smem:$0x7FF] =	sst s3;
	s4 =	sadd.s32 $0x400, s4;
	s6 =	smul.u32 $0xE0000, s5  }
0x7: {  	s7 =	ssub.s32 $0x2, s2;
	s2 =	smul.u32 $0x1C000, s2;
	s5 =	sshll.u32 s5, $0xB  }
0x8: {  	_ =	strace $0x80000047;
	s0 =	sadd.s32 s0, s5;
	s6 =	sshrl.u32 s6, $0x3  }
0x9: {  	[dreg:$0xe] =	wrdreg s0;
	s0 =	sadd.s32 s2, s10;
	s6 =	sadd.s32 s4, s6  }
0xa: {  	[dreg:$0x4] =	wrdreg s0;
	s25 =	sadd.s32 $0x17A00, s6  }
0xb: {  	s26 =	sadd.s32 $0x17D80, s6;
	[dreg:$0xf] =	wrdreg s25  }
0xc: {  	s8 =	sshrl.u32 s7, $0x1;
	s5 =	sadd.s32 $0x18100, s6;
	[dreg:$0x10] =	wrdreg s26  }
0xd: {  	s7 =	ssub.s32 s7, s8;
	s8 =	sadd.s32 $0x18480, s6;
	[dreg:$0x11] =	wrdreg s5  }
0xe: {  	s11 =	sadd.s32 $0x18800, s6;
	[dreg:$0x12] =	wrdreg s8  }
0xf: {  	s12 =	sadd.s32 $0x18B80, s6;
	[dreg:$0x13] =	wrdreg s11  }
0x10: {  	s14 =	sadd.s32 $0x18F00, s6;
	[dreg:$0x14] =	wrdreg s12  }
0x11: {  	s15 =	sadd.s32 $0x19280, s6;
	[dreg:$0x15] =	wrdreg s14  }
0x12: {  	s17 =	sadd.s32 $0x19600, s6;
	[dreg:$0x16] =	wrdreg s15  }
0x13: {  	s28 =	simm.s32 $0x7;
	s18 =	sadd.s32 $0x19980, s6;
	[dreg:$0x17] =	wrdreg s17  }
0x14: {  	s29 =	simm.s32 $0x32;
	s19 =	sadd.s32 $0x19D00, s6;
	[dreg:$0x18] =	wrdreg s18  }
0x15: {  	s13 =	smul.u32 $0x1C0000, s9;
	s20 =	sadd.s32 $0x1A080, s6;
	[dreg:$0x19] =	wrdreg s19  }
0x16: {  	s30 =	simm.s32 $0x4000;
	s21 =	sadd.s32 $0x1A400, s6;
	[dreg:$0x1a] =	wrdreg s20  }
0x17: {  	s31 =	simm.s32 $0x7200;
	s5 =	sadd.s32 s16, s13;
	[dreg:$0x1b] =	wrdreg s21  }
0x18: {  	s15 =	sadd.s32 $0x1A780, s6;
	s17 =	sadd.s32 $0x1AB00, s6;
	s19 =	sadd.s32 $0x1AE80, s6  }
0x19: {  	s21 =	sadd.s32 $0x1B200, s6;
	s22 =	sor.u32 $0x13400, s5;
	s24 =	sor.u32 $0x11800, s5  }
0x1a: {  	s26 =	sor.u32 $0xFC00, s5;
	s8 =	sor.u32 $0xC400, s5;
	[dreg:$0x1c] =	wrdreg s15  }
0x1b: {  	s10 =	sor.u32 $0xA800, s5;
	s12 =	sor.u32 $0x8C00, s5;
	[dreg:$0x1d] =	wrdreg s17  }
0x1c: {  	s14 =	sor.u32 $0x5400, s5;
	s18 =	sor.u32 $0x3800, s5;
	[dreg:$0x1e] =	wrdreg s19  }
0x1d: {  	s20 =	sor.u32 $0x1C00, s5;
	[dreg:$0x1f] =	wrdreg s21;
	s23 =	sshrl.u32 s22, $0x3  }
0x1e: {  	s5 =	simm.s32 $0xA400;
	s25 =	sshrl.u32 s24, $0x3;
	[dreg:$0x5] =	wrdreg s23  }
0x1f: {  	s15 =	simm.s32 $0x3;
	s2 =	sshrl.u32 s26, $0x3;
	[dreg:$0x6] =	wrdreg s25  }
0x20: {  	s17 =	simm.s32 $0x5;
	s9 =	sshrl.u32 s8, $0x3;
	[dreg:$0x7] =	wrdreg s2  }
0x21: {  	s19 =	simm.s32 $0x0;
	s11 =	sshrl.u32 s10, $0x3;
	[dreg:$0x8] =	wrdreg s9  }
0x22: {  	s13 =	sshrl.u32 s12, $0x3;
	s16 =	sshrl.u32 s14, $0x3;
	[dreg:$0x9] =	wrdreg s11  }
0x23: {  	s0 =	sshrl.u32 s18, $0x3;
	s22 =	sshrl.u32 s20, $0x3;
	[dreg:$0xa] =	wrdreg s13  }
0x24: {  	s24 =	sadd.s32 $0x1B900, s6;
	s26 =	smax.u32 s7, $0x1;
	[dreg:$0xb] =	wrdreg s16  }
0x25: {  	s7 =	simm.s32 $0xD600;
	s8 =	simm.s32 $0xEF00;
	[dreg:$0xc] =	wrdreg s0  }
0x26: {  	s10 =	simm.s32 $0x12100;
	s12 =	simm.s32 $0x15300;
	[dreg:$0xd] =	wrdreg s22  }
0x27: {  	s14 =	simm.s32 $0x2;
	s18 =	simm.s32 $0x6;
	[smem:$0x7FB] =	sst s24  }
0x28: {  	s23 =	sadd.s32 $0x1B580, s6;
	s25 =	sadd.s32 $0x1BC80, s6;
	[smem:$0x7FD] =	sst s26  }
0x29: {  	s2 =	simm.s32 $0x5900;
	s0 =	simm.s32 $0x8B00;
	s6 =	simm.s32 $0xBD00  }
0x2a: {  	s9 =	simm.s32 $0x10800;
	s11 =	simm.s32 $0x13A00;
	[smem:$0x7FA] =	sst s23  }
0x2b: {  	s13 =	simm.s32 $0x1;
	s16 =	simm.s32 $0x4;
	[smem:$0x7FC] =	sst s25  }
.LBB2_1:
0x2c: {  	s20 =	rddreg [dreg:$0xe]  }
0x2d: {  	[tilespmem:s3], [sflag:$0x7] =	stream.linear.gather [hbm4b:s20+s3], $0x4000, $0x38;
	[tilespmem:$0x16C00] =	vst v63  }
0x2e: {  	_ =	swait.ge [sflag:s28], $0x4000  }
0x2f: {  	[sflag:s28] =	ssyncset.done $0x0  }
0x30: {  	[sflag:s28] =	ssyncadd.s32 $0xFFFFC000  }
0x31: {  	[tilespmem:s30], [sflag:$0x1] =	stream.indirect.gather [hbm4b:s1+s29], $0x80, s3, s29, $0xb8;
	[tilespmem:$0x16C00] =	vst v63  }
0x32: {  	s26 =	simm.s32 $0x80  }
0x33: {  	[tilespmem:s2], [sflag:$0x1] =	stream.indirect.gather [hbm4b:s1+s29], $0x80, s26, s29, $0xb8;
	[tilespmem:$0x16C00] =	vst v63  }
0x34: {  	s21 =	simm.s32 $0x100  }
0x35: {  	[tilespmem:s31], [sflag:$0x1] =	stream.indirect.gather [hbm4b:s1+s29], $0x80, s21, s29, $0xb8;
	[tilespmem:$0x16C00] =	vst v63  }
0x36: {  	s22 =	simm.s32 $0x180  }
0x37: {  	[tilespmem:s0], [sflag:$0x1] =	stream.indirect.gather [hbm4b:s1+s29], $0x80, s22, s29, $0xb8;
	[tilespmem:$0x16C00] =	vst v63  }
0x38: {  	s23 =	simm.s32 $0x200  }
0x39: {  	[tilespmem:s5], [sflag:$0x2] =	stream.indirect.gather [hbm4b:s1+s29], $0x80, s23, s29, $0xb8;
	[tilespmem:$0x16C00] =	vst v63  }
0x3a: {  	s24 =	simm.s32 $0x280  }
0x3b: {  	[tilespmem:s6], [sflag:$0x2] =	stream.indirect.gather [hbm4b:s1+s29], $0x80, s24, s29, $0xb8;
	[tilespmem:$0x16C00] =	vst v63  }
0x3c: {  	s25 =	simm.s32 $0x300  }
0x3d: {  	[tilespmem:s7], [sflag:$0x2] =	stream.indirect.gather [hbm4b:s1+s29], $0x80, s25, s29, $0xb8;
	[tilespmem:$0x16C00] =	vst v63  }
0x3e: {  	s26 =	simm.s32 $0x380  }
0x3f: {  	[tilespmem:s8], [sflag:$0x2] =	stream.indirect.gather [hbm4b:s1+s29], $0x80, s26, s29, $0xb8;
	[tilespmem:$0x16C00] =	vst v63  }
0x40: {  	s21 =	simm.s32 $0x400  }
0x41: {  	[tilespmem:s9], [sflag:$0x3] =	stream.indirect.gather [hbm4b:s1+s29], $0x80, s21, s29, $0xb8;
	[tilespmem:$0x16C00] =	vst v63  }
0x42: {  	s22 =	simm.s32 $0x480  }
0x43: {  	[tilespmem:s10], [sflag:$0x3] =	stream.indirect.gather [hbm4b:s1+s29], $0x80, s22, s29, $0xb8;
	[tilespmem:$0x16C00] =	vst v63  }
0x44: {  	s23 =	simm.s32 $0x500  }
0x45: {  	[tilespmem:s11], [sflag:$0x3] =	stream.indirect.gather [hbm4b:s1+s29], $0x80, s23, s29, $0xb8;
	[tilespmem:$0x16C00] =	vst v63  }
0x46: {  	s24 =	simm.s32 $0x580  }
0x47: {  	[tilespmem:s12], [sflag:$0x3] =	stream.indirect.gather [hbm4b:s1+s29], $0x80, s24, s29, $0xb8;
	[tilespmem:$0x16C00] =	vst v63  }
0x48: {  	_ =	swait.ge [sflag:s13], $0x1900  }
0x49: {  	[sflag:s13] =	ssyncset.done $0x0  }
0x4a: {  	[sflag:s13] =	ssyncadd.s32 $0xFFFFE700  }
0x4b: {  	_ =	swait.ge [sflag:s13], $0x1900  }
0x4c: {  	[sflag:s13] =	ssyncset.done $0x0  }
0x4d: {  	[sflag:s13] =	ssyncadd.s32 $0xFFFFE700  }
0x4e: {  	_ =	swait.ge [sflag:s13], $0x1900  }
0x4f: {  	[sflag:s13] =	ssyncset.done $0x0  }
0x50: {  	[sflag:s13] =	ssyncadd.s32 $0xFFFFE700  }
0x51: {  	_ =	swait.ge [sflag:s13], $0x1900  }
0x52: {  	s25 =	rddreg [dreg:$0x4];
	[sflag:s13] =	ssyncset.done $0x0  }
0x53: {  	s21 =	rddreg [dreg:$0xd];
	[sflag:s13] =	ssyncadd.s32 $0xFFFFE700;
	s20 =	sadd.s32 s4, s25  }
0x54: {  	[hbm4b:s20+s3] =	stream.linear.scatter [tilespmem:s30], [sflag:$0x4], $0x1900, $0x38;
	[tilespmem:$0x16C00] =	vst v63  }
0x55: {  	s22 =	rddreg [dreg:$0xc];
	s21 =	sadd.s32 s4, s21  }
0x56: {  	[hbm4b:s21+s3] =	stream.linear.scatter [tilespmem:s2], [sflag:$0x4], $0x1900, $0x38;
	[tilespmem:$0x16C00] =	vst v63  }
0x57: {  	s26 =	rddreg [dreg:$0xb];
	s22 =	sadd.s32 s4, s22  }
0x58: {  	[hbm4b:s22+s3] =	stream.linear.scatter [tilespmem:s31], [sflag:$0x4], $0x1900, $0x38;
	[tilespmem:$0x16C00] =	vst v63  }
0x59: {  	s21 =	sadd.s32 s4, s26  }
0x5a: {  	[hbm4b:s21+s3] =	stream.linear.scatter [tilespmem:s0], [sflag:$0x4], $0x1900, $0x38;
	[tilespmem:$0x16C00] =	vst v63  }
0x5b: {  	_ =	swait.ge [sflag:s14], $0x1900  }
0x5c: {  	[sflag:s14] =	ssyncset.done $0x0  }
0x5d: {  	[sflag:s14] =	ssyncadd.s32 $0xFFFFE700  }
0x5e: {  	_ =	swait.ge [sflag:s14], $0x1900  }
0x5f: {  	[sflag:s14] =	ssyncset.done $0x0  }
0x60: {  	[sflag:s14] =	ssyncadd.s32 $0xFFFFE700  }
0x61: {  	_ =	swait.ge [sflag:s14], $0x1900  }
0x62: {  	[sflag:s14] =	ssyncset.done $0x0  }
0x63: {  	[sflag:s14] =	ssyncadd.s32 $0xFFFFE700  }
0x64: {  	_ =	swait.ge [sflag:s14], $0x1900  }
0x65: {  	[sflag:s14] =	ssyncset.done $0x0  }
0x66: {  	s24 =	sadd.s32 $0xE00, s20;
	s23 =	rddreg [dreg:$0xa];
	[sflag:s14] =	ssyncadd.s32 $0xFFFFE700  }
0x67: {  	[hbm4b:s24+s3] =	stream.linear.scatter [tilespmem:s5], [sflag:$0x5], $0x1900, $0x38;
	[tilespmem:$0x16C00] =	vst v63  }
0x68: {  	s25 =	rddreg [dreg:$0x9];
	s21 =	sadd.s32 s4, s23  }
0x69: {  	[hbm4b:s21+s3] =	stream.linear.scatter [tilespmem:s6], [sflag:$0x5], $0x1900, $0x38;
	[tilespmem:$0x16C00] =	vst v63  }
0x6a: {  	s26 =	rddreg [dreg:$0x8];
	s22 =	sadd.s32 s4, s25  }
0x6b: {  	[hbm4b:s22+s3] =	stream.linear.scatter [tilespmem:s7], [sflag:$0x5], $0x1900, $0x38;
	[tilespmem:$0x16C00] =	vst v63  }
0x6c: {  	s21 =	sadd.s32 s4, s26  }
0x6d: {  	[hbm4b:s21+s3] =	stream.linear.scatter [tilespmem:s8], [sflag:$0x5], $0x1900, $0x38;
	[tilespmem:$0x16C00] =	vst v63  }
0x6e: {  	_ =	swait.ge [sflag:s15], $0x1900  }
0x6f: {  	[sflag:s15] =	ssyncset.done $0x0  }
0x70: {  	[sflag:s15] =	ssyncadd.s32 $0xFFFFE700  }
0x71: {  	_ =	swait.ge [sflag:s15], $0x1900  }
0x72: {  	[sflag:s15] =	ssyncset.done $0x0  }
0x73: {  	[sflag:s15] =	ssyncadd.s32 $0xFFFFE700  }
0x74: {  	_ =	swait.ge [sflag:s15], $0x1900  }
0x75: {  	[sflag:s15] =	ssyncset.done $0x0  }
0x76: {  	[sflag:s15] =	ssyncadd.s32 $0xFFFFE700  }
0x77: {  	_ =	swait.ge [sflag:s15], $0x1900  }
0x78: {  	[sflag:s15] =	ssyncset.done $0x0  }
0x79: {  	s20 =	sadd.s32 $0x1C00, s20;
	s22 =	rddreg [dreg:$0x7];
	[sflag:s15] =	ssyncadd.s32 $0xFFFFE700  }
0x7a: {  	[hbm4b:s20+s3] =	stream.linear.scatter [tilespmem:s9], [sflag:$0x6], $0x1900, $0x38;
	[tilespmem:$0x16C00] =	vst v63  }
0x7b: {  	s23 =	rddreg [dreg:$0x6];
	s24 =	sadd.s32 s4, s22  }
0x7c: {  	[hbm4b:s24+s3] =	stream.linear.scatter [tilespmem:s10], [sflag:$0x6], $0x1900, $0x38;
	[tilespmem:$0x16C00] =	vst v63  }
0x7d: {  	s25 =	rddreg [dreg:$0x5];
	s26 =	sadd.s32 s4, s23  }
0x7e: {  	[hbm4b:s26+s3] =	stream.linear.scatter [tilespmem:s11], [sflag:$0x6], $0x1900, $0x38;
	[tilespmem:$0x16C00] =	vst v63  }
0x7f: {  	s21 =	sadd.s32 s4, s25  }
0x80: {  	[hbm4b:s21+s3] =	stream.linear.scatter [tilespmem:s12], [sflag:$0x6], $0x1900, $0x38;
	[tilespmem:$0x16C00] =	vst v63  }
0x81: {  	_ =	swait.ge [sflag:s16], $0x1900  }
0x82: {  	[sflag:s16] =	ssyncset.done $0x0  }
0x83: {  	[sflag:s16] =	ssyncadd.s32 $0xFFFFE700  }
0x84: {  	_ =	swait.ge [sflag:s16], $0x1900  }
0x85: {  	[sflag:s16] =	ssyncset.done $0x0  }
0x86: {  	[sflag:s16] =	ssyncadd.s32 $0xFFFFE700  }
0x87: {  	_ =	swait.ge [sflag:s16], $0x1900  }
0x88: {  	[sflag:s16] =	ssyncset.done $0x0  }
0x89: {  	[sflag:s16] =	ssyncadd.s32 $0xFFFFE700  }
0x8a: {  	_ =	swait.ge [sflag:s16], $0x1900  }
0x8b: {  	[sflag:s16] =	ssyncset.done $0x0  }
0x8c: {  	s22 =	simm.s32 $0x600;
	[sflag:s16] =	ssyncadd.s32 $0xFFFFE700  }
0x8d: {  	[tilespmem:s30], [sflag:$0x1] =	stream.indirect.gather [hbm4b:s1+s29], $0x80, s22, s29, $0xb8;
	[tilespmem:$0x16C00] =	vst v63  }
0x8e: {  	s23 =	simm.s32 $0x680  }
0x8f: {  	[tilespmem:s2], [sflag:$0x1] =	stream.indirect.gather [hbm4b:s1+s29], $0x80, s23, s29, $0xb8;
	[tilespmem:$0x16C00] =	vst v63  }
0x90: {  	s24 =	simm.s32 $0x700  }
0x91: {  	[tilespmem:s31], [sflag:$0x1] =	stream.indirect.gather [hbm4b:s1+s29], $0x80, s24, s29, $0xb8;
	[tilespmem:$0x16C00] =	vst v63  }
0x92: {  	s25 =	simm.s32 $0x780  }
0x93: {  	[tilespmem:s0], [sflag:$0x1] =	stream.indirect.gather [hbm4b:s1+s29], $0x80, s25, s29, $0xb8;
	[tilespmem:$0x16C00] =	vst v63  }
0x94: {  	_ =	swait.ge [sflag:s17], $0x1900  }
0x95: {  	[sflag:s17] =	ssyncset.done $0x0  }
0x96: {  	[sflag:s17] =	ssyncadd.s32 $0xFFFFE700  }
0x97: {  	_ =	swait.ge [sflag:s17], $0x1900  }
0x98: {  	[sflag:s17] =	ssyncset.done $0x0  }
0x99: {  	[sflag:s17] =	ssyncadd.s32 $0xFFFFE700  }
0x9a: {  	_ =	swait.ge [sflag:s17], $0x1900  }
0x9b: {  	[sflag:s17] =	ssyncset.done $0x0  }
0x9c: {  	[sflag:s17] =	ssyncadd.s32 $0xFFFFE700  }
0x9d: {  	_ =	swait.ge [sflag:s17], $0x1900  }
0x9e: {  	[sflag:s17] =	ssyncset.done $0x0  }
0x9f: {  	s26 =	simm.s32 $0x800;
	[sflag:s17] =	ssyncadd.s32 $0xFFFFE700  }
0xa0: {  	[tilespmem:s5], [sflag:$0x2] =	stream.indirect.gather [hbm4b:s1+s29], $0x80, s26, s29, $0xb8;
	[tilespmem:$0x16C00] =	vst v63  }
0xa1: {  	s21 =	simm.s32 $0x880  }
0xa2: {  	[tilespmem:s6], [sflag:$0x2] =	stream.indirect.gather [hbm4b:s1+s29], $0x80, s21, s29, $0xb8;
	[tilespmem:$0x16C00] =	vst v63  }
0xa3: {  	s22 =	simm.s32 $0x900  }
0xa4: {  	[tilespmem:s7], [sflag:$0x2] =	stream.indirect.gather [hbm4b:s1+s29], $0x80, s22, s29, $0xb8;
	[tilespmem:$0x16C00] =	vst v63  }
0xa5: {  	s23 =	simm.s32 $0x980  }
0xa6: {  	[tilespmem:s8], [sflag:$0x2] =	stream.indirect.gather [hbm4b:s1+s29], $0x80, s23, s29, $0xb8;
	[tilespmem:$0x16C00] =	vst v63  }
0xa7: {  	_ =	swait.ge [sflag:s18], $0x1900  }
0xa8: {  	[sflag:s18] =	ssyncset.done $0x0  }
0xa9: {  	[sflag:s18] =	ssyncadd.s32 $0xFFFFE700  }
0xaa: {  	_ =	swait.ge [sflag:s18], $0x1900  }
0xab: {  	[sflag:s18] =	ssyncset.done $0x0  }
0xac: {  	[sflag:s18] =	ssyncadd.s32 $0xFFFFE700  }
0xad: {  	_ =	swait.ge [sflag:s18], $0x1900  }
0xae: {  	[sflag:s18] =	ssyncset.done $0x0  }
0xaf: {  	[sflag:s18] =	ssyncadd.s32 $0xFFFFE700  }
0xb0: {  	_ =	swait.ge [sflag:s18], $0x1900  }
0xb1: {  	[sflag:s18] =	ssyncset.done $0x0  }
0xb2: {  	s24 =	simm.s32 $0xA00;
	[sflag:s18] =	ssyncadd.s32 $0xFFFFE700  }
0xb3: {  	[tilespmem:s9], [sflag:$0x3] =	stream.indirect.gather [hbm4b:s1+s29], $0x80, s24, s29, $0xb8;
	[tilespmem:$0x16C00] =	vst v63  }
0xb4: {  	s20 =	simm.s32 $0x1800;
	s25 =	simm.s32 $0xA80  }
0xb5: {  	[tilespmem:s10], [sflag:$0x3] =	stream.indirect.gather [hbm4b:s1+s29], $0x80, s25, s29, $0xb8;
	[tilespmem:$0x16C00] =	vst v63  }
0xb6: {  	s26 =	simm.s32 $0xB00;
	s21 =	sadd.s32 $0x2A00, s4;
	s22 =	simm.s32 $0xB80  }
0xb7: {  	[tilespmem:s11], [sflag:$0x3] =	stream.indirect.gather [hbm4b:s1+s29], $0x80, s26, s29, $0xb8;
	[tilespmem:$0x16C00] =	vst v63  }
.LBB2_2:
0xb8: {  	[tilespmem:s12], [sflag:$0x3] =	stream.indirect.gather [hbm4b:s1+s29], $0x80, s22, s29, $0xb8;
	[tilespmem:$0x16C00] =	vst v63  }
0xb9: {  	_ =	swait.ge [sflag:s13], $0x1900  }
0xba: {  	[sflag:s13] =	ssyncset.done $0x0  }
0xbb: {  	[sflag:s13] =	ssyncadd.s32 $0xFFFFE700  }
0xbc: {  	_ =	swait.ge [sflag:s13], $0x1900  }
0xbd: {  	[sflag:s13] =	ssyncset.done $0x0  }
0xbe: {  	[sflag:s13] =	ssyncadd.s32 $0xFFFFE700  }
0xbf: {  	_ =	swait.ge [sflag:s13], $0x1900  }
0xc0: {  	[sflag:s13] =	ssyncset.done $0x0  }
0xc1: {  	[sflag:s13] =	ssyncadd.s32 $0xFFFFE700  }
0xc2: {  	_ =	swait.ge [sflag:s13], $0x1900  }
0xc3: {  	s23 =	rddreg [dreg:$0x4];
	[sflag:s13] =	ssyncset.done $0x0  }
0xc4: {  	s24 =	rddreg [dreg:$0xd];
	[sflag:s13] =	ssyncadd.s32 $0xFFFFE700;
	s23 =	sadd.s32 s21, s23  }
0xc5: {  	[hbm4b:s23+s3] =	stream.linear.scatter [tilespmem:s30], [sflag:$0x4], $0x1900, $0x38;
	[tilespmem:$0x16C00] =	vst v63  }
0xc6: {  	s25 =	rddreg [dreg:$0xc];
	s24 =	sadd.s32 s21, s24  }
0xc7: {  	[hbm4b:s24+s3] =	stream.linear.scatter [tilespmem:s2], [sflag:$0x4], $0x1900, $0x38;
	[tilespmem:$0x16C00] =	vst v63  }
0xc8: {  	s26 =	rddreg [dreg:$0xb];
	s25 =	sadd.s32 s21, s25  }
0xc9: {  	[hbm4b:s25+s3] =	stream.linear.scatter [tilespmem:s31], [sflag:$0x4], $0x1900, $0x38;
	[tilespmem:$0x16C00] =	vst v63  }
0xca: {  	s25 =	sadd.s32 s21, s26  }
0xcb: {  	[hbm4b:s25+s3] =	stream.linear.scatter [tilespmem:s0], [sflag:$0x4], $0x1900, $0x38;
	[tilespmem:$0x16C00] =	vst v63  }
0xcc: {  	_ =	swait.ge [sflag:s14], $0x1900  }
0xcd: {  	[sflag:s14] =	ssyncset.done $0x0  }
0xce: {  	[sflag:s14] =	ssyncadd.s32 $0xFFFFE700  }
0xcf: {  	_ =	swait.ge [sflag:s14], $0x1900  }
0xd0: {  	[sflag:s14] =	ssyncset.done $0x0  }
0xd1: {  	[sflag:s14] =	ssyncadd.s32 $0xFFFFE700  }
0xd2: {  	_ =	swait.ge [sflag:s14], $0x1900  }
0xd3: {  	[sflag:s14] =	ssyncset.done $0x0  }
0xd4: {  	[sflag:s14] =	ssyncadd.s32 $0xFFFFE700  }
0xd5: {  	_ =	swait.ge [sflag:s14], $0x1900  }
0xd6: {  	[sflag:s14] =	ssyncset.done $0x0  }
0xd7: {  	s25 =	sadd.s32 $0xE00, s23;
	s24 =	rddreg [dreg:$0xa];
	[sflag:s14] =	ssyncadd.s32 $0xFFFFE700  }
0xd8: {  	[hbm4b:s25+s3] =	stream.linear.scatter [tilespmem:s5], [sflag:$0x5], $0x1900, $0x38;
	[tilespmem:$0x16C00] =	vst v63  }
0xd9: {  	s26 =	rddreg [dreg:$0x9];
	s24 =	sadd.s32 s21, s24  }
0xda: {  	[hbm4b:s24+s3] =	stream.linear.scatter [tilespmem:s6], [sflag:$0x5], $0x1900, $0x38;
	[tilespmem:$0x16C00] =	vst v63  }
0xdb: {  	s26 =	sadd.s32 s21, s26;
	s25 =	rddreg [dreg:$0x8]  }
0xdc: {  	[hbm4b:s26+s3] =	stream.linear.scatter [tilespmem:s7], [sflag:$0x5], $0x1900, $0x38;
	[tilespmem:$0x16C00] =	vst v63  }
0xdd: {  	s25 =	sadd.s32 s21, s25  }
0xde: {  	[hbm4b:s25+s3] =	stream.linear.scatter [tilespmem:s8], [sflag:$0x5], $0x1900, $0x38;
	[tilespmem:$0x16C00] =	vst v63  }
0xdf: {  	_ =	swait.ge [sflag:s15], $0x1900  }
0xe0: {  	[sflag:s15] =	ssyncset.done $0x0  }
0xe1: {  	[sflag:s15] =	ssyncadd.s32 $0xFFFFE700  }
0xe2: {  	_ =	swait.ge [sflag:s15], $0x1900  }
0xe3: {  	[sflag:s15] =	ssyncset.done $0x0  }
0xe4: {  	[sflag:s15] =	ssyncadd.s32 $0xFFFFE700  }
0xe5: {  	_ =	swait.ge [sflag:s15], $0x1900  }
0xe6: {  	[sflag:s15] =	ssyncset.done $0x0  }
0xe7: {  	[sflag:s15] =	ssyncadd.s32 $0xFFFFE700  }
0xe8: {  	_ =	swait.ge [sflag:s15], $0x1900  }
0xe9: {  	[sflag:s15] =	ssyncset.done $0x0  }
0xea: {  	s23 =	sadd.s32 $0x1C00, s23;
	s26 =	rddreg [dreg:$0x7];
	[sflag:s15] =	ssyncadd.s32 $0xFFFFE700  }
0xeb: {  	[hbm4b:s23+s3] =	stream.linear.scatter [tilespmem:s9], [sflag:$0x6], $0x1900, $0x38;
	[tilespmem:$0x16C00] =	vst v63  }
0xec: {  	s25 =	rddreg [dreg:$0x6];
	s26 =	sadd.s32 s21, s26  }
0xed: {  	[hbm4b:s26+s3] =	stream.linear.scatter [tilespmem:s10], [sflag:$0x6], $0x1900, $0x38;
	[tilespmem:$0x16C00] =	vst v63  }
0xee: {  	s24 =	rddreg [dreg:$0x5];
	s26 =	sadd.s32 s21, s25  }
0xef: {  	[hbm4b:s26+s3] =	stream.linear.scatter [tilespmem:s11], [sflag:$0x6], $0x1900, $0x38;
	[tilespmem:$0x16C00] =	vst v63  }
0xf0: {  	s24 =	sadd.s32 s21, s24  }
0xf1: {  	[hbm4b:s24+s3] =	stream.linear.scatter [tilespmem:s12], [sflag:$0x6], $0x1900, $0x38;
	[tilespmem:$0x16C00] =	vst v63  }
0xf2: {  	_ =	swait.ge [sflag:s16], $0x1900  }
0xf3: {  	[sflag:s16] =	ssyncset.done $0x0  }
0xf4: {  	[sflag:s16] =	ssyncadd.s32 $0xFFFFE700  }
0xf5: {  	_ =	swait.ge [sflag:s16], $0x1900  }
0xf6: {  	[sflag:s16] =	ssyncset.done $0x0  }
0xf7: {  	[sflag:s16] =	ssyncadd.s32 $0xFFFFE700  }
0xf8: {  	_ =	swait.ge [sflag:s16], $0x1900  }
0xf9: {  	[sflag:s16] =	ssyncset.done $0x0  }
0xfa: {  	[sflag:s16] =	ssyncadd.s32 $0xFFFFE700  }
0xfb: {  	s22 =	smov.u32 s20;
	_ =	swait.ge [sflag:s16], $0x1900  }
0xfc: {  	s22 =	sshra.s32 s22, $0x2;
	[sflag:s16] =	ssyncset.done $0x0  }
0xfd: {  	s25 =	sadd.s32 $0x600, s22;
	[sflag:s16] =	ssyncadd.s32 $0xFFFFE700  }
0xfe: {  	[tilespmem:s30], [sflag:$0x1] =	stream.indirect.gather [hbm4b:s1+s29], $0x80, s25, s29, $0xb8;
	[tilespmem:$0x16C00] =	vst v63  }
0xff: {  	s26 =	sadd.s32 $0x680, s22  }
0x100: {  	[tilespmem:s2], [sflag:$0x1] =	stream.indirect.gather [hbm4b:s1+s29], $0x80, s26, s29, $0xb8;
	[tilespmem:$0x16C00] =	vst v63  }
0x101: {  	s24 =	sadd.s32 $0x700, s22  }
0x102: {  	[tilespmem:s31], [sflag:$0x1] =	stream.indirect.gather [hbm4b:s1+s29], $0x80, s24, s29, $0xb8;
	[tilespmem:$0x16C00] =	vst v63  }
0x103: {  	s25 =	sadd.s32 $0x780, s22  }
0x104: {  	[tilespmem:s0], [sflag:$0x1] =	stream.indirect.gather [hbm4b:s1+s29], $0x80, s25, s29, $0xb8;
	[tilespmem:$0x16C00] =	vst v63  }
0x105: {  	_ =	swait.ge [sflag:s17], $0x1900  }
0x106: {  	[sflag:s17] =	ssyncset.done $0x0  }
0x107: {  	[sflag:s17] =	ssyncadd.s32 $0xFFFFE700  }
0x108: {  	_ =	swait.ge [sflag:s17], $0x1900  }
0x109: {  	[sflag:s17] =	ssyncset.done $0x0  }
0x10a: {  	[sflag:s17] =	ssyncadd.s32 $0xFFFFE700  }
0x10b: {  	_ =	swait.ge [sflag:s17], $0x1900  }
0x10c: {  	[sflag:s17] =	ssyncset.done $0x0  }
0x10d: {  	[sflag:s17] =	ssyncadd.s32 $0xFFFFE700  }
0x10e: {  	_ =	swait.ge [sflag:s17], $0x1900  }
0x10f: {  	[sflag:s17] =	ssyncset.done $0x0  }
0x110: {  	s26 =	sadd.s32 $0x800, s22;
	[sflag:s17] =	ssyncadd.s32 $0xFFFFE700  }
0x111: {  	[tilespmem:s5], [sflag:$0x2] =	stream.indirect.gather [hbm4b:s1+s29], $0x80, s26, s29, $0xb8;
	[tilespmem:$0x16C00] =	vst v63  }
0x112: {  	s24 =	sadd.s32 $0x880, s22  }
0x113: {  	[tilespmem:s6], [sflag:$0x2] =	stream.indirect.gather [hbm4b:s1+s29], $0x80, s24, s29, $0xb8;
	[tilespmem:$0x16C00] =	vst v63  }
0x114: {  	s25 =	sadd.s32 $0x900, s22  }
0x115: {  	[tilespmem:s7], [sflag:$0x2] =	stream.indirect.gather [hbm4b:s1+s29], $0x80, s25, s29, $0xb8;
	[tilespmem:$0x16C00] =	vst v63  }
0x116: {  	s26 =	sadd.s32 $0x980, s22  }
0x117: {  	[tilespmem:s8], [sflag:$0x2] =	stream.indirect.gather [hbm4b:s1+s29], $0x80, s26, s29, $0xb8;
	[tilespmem:$0x16C00] =	vst v63  }
0x118: {  	_ =	swait.ge [sflag:s18], $0x1900  }
0x119: {  	[sflag:s18] =	ssyncset.done $0x0  }
0x11a: {  	[sflag:s18] =	ssyncadd.s32 $0xFFFFE700  }
0x11b: {  	_ =	swait.ge [sflag:s18], $0x1900  }
0x11c: {  	[sflag:s18] =	ssyncset.done $0x0  }
0x11d: {  	[sflag:s18] =	ssyncadd.s32 $0xFFFFE700  }
0x11e: {  	_ =	swait.ge [sflag:s18], $0x1900  }
0x11f: {  	[sflag:s18] =	ssyncset.done $0x0  }
0x120: {  	[sflag:s18] =	ssyncadd.s32 $0xFFFFE700  }
0x121: {  	_ =	swait.ge [sflag:s18], $0x1900  }
0x122: {  	[sflag:s18] =	ssyncset.done $0x0  }
0x123: {  	p0 =	sne.s32 s20, $0xC000;
	s24 =	sadd.s32 $0xA00, s22;
	[sflag:s18] =	ssyncadd.s32 $0xFFFFE700  }
0x124: {  	[tilespmem:s9], [sflag:$0x3] =	stream.indirect.gather [hbm4b:s1+s29], $0x80, s24, s29, $0xb8;
	[tilespmem:$0x16C00] =	vst v63  }
.Ltmp0:
0x125: {  	_ = 	snop;
	(pc) =	sbr.rel @p0 .LBB2_2-.Ltmp0, $4  }
0x126: {  	s20 =	sadd.s32 $0x1800, s20;
	s25 =	sadd.s32 $0xA80, s22  }
0x127: {  	[tilespmem:s10], [sflag:$0x3] =	stream.indirect.gather [hbm4b:s1+s29], $0x80, s25, s29, $0xb8;
	[tilespmem:$0x16C00] =	vst v63  }
0x128: {  	s21 =	sadd.s32 $0x2A00, s21;
	s26 =	sadd.s32 $0xB00, s22;
	s22 =	sadd.s32 $0xB80, s22  }
0x129: {  	[tilespmem:s11], [sflag:$0x3] =	stream.indirect.gather [hbm4b:s1+s29], $0x80, s26, s29, $0xb8;
	[tilespmem:$0x16C00] =	vst v63  }
0x12a: {  	[tilespmem:s12], [sflag:$0x3] =	stream.indirect.gather [hbm4b:s1+s29], $0x80, s22, s29, $0xb8;
	[tilespmem:$0x16C00] =	vst v63  }
0x12b: {  	_ =	swait.ge [sflag:s13], $0x1900  }
0x12c: {  	[sflag:s13] =	ssyncset.done $0x0  }
0x12d: {  	[sflag:s13] =	ssyncadd.s32 $0xFFFFE700  }
0x12e: {  	_ =	swait.ge [sflag:s13], $0x1900  }
0x12f: {  	[sflag:s13] =	ssyncset.done $0x0  }
0x130: {  	[sflag:s13] =	ssyncadd.s32 $0xFFFFE700  }
0x131: {  	_ =	swait.ge [sflag:s13], $0x1900  }
0x132: {  	[sflag:s13] =	ssyncset.done $0x0  }
0x133: {  	[sflag:s13] =	ssyncadd.s32 $0xFFFFE700  }
0x134: {  	_ =	swait.ge [sflag:s13], $0x1900  }
0x135: {  	[sflag:s13] =	ssyncset.done $0x0  }
0x136: {  	s20 =	rddreg [dreg:$0xf];
	[sflag:s13] =	ssyncadd.s32 $0xFFFFE700  }
0x137: {  	[hbm4b:s20+s3] =	stream.linear.scatter [tilespmem:s30], [sflag:$0x4], $0x1900, $0x38;
	[tilespmem:$0x16C00] =	vst v63  }
0x138: {  	s23 =	rddreg [dreg:$0x10]  }
0x139: {  	[hbm4b:s23+s3] =	stream.linear.scatter [tilespmem:s2], [sflag:$0x4], $0x1900, $0x38;
	[tilespmem:$0x16C00] =	vst v63  }
0x13a: {  	s24 =	rddreg [dreg:$0x11]  }
0x13b: {  	[hbm4b:s24+s3] =	stream.linear.scatter [tilespmem:s31], [sflag:$0x4], $0x1900, $0x38;
	[tilespmem:$0x16C00] =	vst v63  }
0x13c: {  	s25 =	rddreg [dreg:$0x12]  }
0x13d: {  	[hbm4b:s25+s3] =	stream.linear.scatter [tilespmem:s0], [sflag:$0x4], $0x1900, $0x38;
	[tilespmem:$0x16C00] =	vst v63  }
0x13e: {  	_ =	swait.ge [sflag:s14], $0x1900  }
0x13f: {  	[sflag:s14] =	ssyncset.done $0x0  }
0x140: {  	[sflag:s14] =	ssyncadd.s32 $0xFFFFE700  }
0x141: {  	_ =	swait.ge [sflag:s14], $0x1900  }
0x142: {  	[sflag:s14] =	ssyncset.done $0x0  }
0x143: {  	[sflag:s14] =	ssyncadd.s32 $0xFFFFE700  }
0x144: {  	_ =	swait.ge [sflag:s14], $0x1900  }
0x145: {  	[sflag:s14] =	ssyncset.done $0x0  }
0x146: {  	[sflag:s14] =	ssyncadd.s32 $0xFFFFE700  }
0x147: {  	_ =	swait.ge [sflag:s14], $0x1900  }
0x148: {  	[sflag:s14] =	ssyncset.done $0x0  }
0x149: {  	s26 =	rddreg [dreg:$0x13];
	[sflag:s14] =	ssyncadd.s32 $0xFFFFE700  }
0x14a: {  	[hbm4b:s26+s3] =	stream.linear.scatter [tilespmem:s5], [sflag:$0x5], $0x1900, $0x38;
	[tilespmem:$0x16C00] =	vst v63  }
0x14b: {  	s21 =	rddreg [dreg:$0x14]  }
0x14c: {  	[hbm4b:s21+s3] =	stream.linear.scatter [tilespmem:s6], [sflag:$0x5], $0x1900, $0x38;
	[tilespmem:$0x16C00] =	vst v63  }
0x14d: {  	s22 =	rddreg [dreg:$0x15]  }
0x14e: {  	[hbm4b:s22+s3] =	stream.linear.scatter [tilespmem:s7], [sflag:$0x5], $0x1900, $0x38;
	[tilespmem:$0x16C00] =	vst v63  }
0x14f: {  	s23 =	rddreg [dreg:$0x16]  }
0x150: {  	[hbm4b:s23+s3] =	stream.linear.scatter [tilespmem:s8], [sflag:$0x5], $0x1900, $0x38;
	[tilespmem:$0x16C00] =	vst v63  }
0x151: {  	_ =	swait.ge [sflag:s15], $0x1900  }
0x152: {  	[sflag:s15] =	ssyncset.done $0x0  }
0x153: {  	[sflag:s15] =	ssyncadd.s32 $0xFFFFE700  }
0x154: {  	_ =	swait.ge [sflag:s15], $0x1900  }
0x155: {  	[sflag:s15] =	ssyncset.done $0x0  }
0x156: {  	[sflag:s15] =	ssyncadd.s32 $0xFFFFE700  }
0x157: {  	_ =	swait.ge [sflag:s15], $0x1900  }
0x158: {  	[sflag:s15] =	ssyncset.done $0x0  }
0x159: {  	[sflag:s15] =	ssyncadd.s32 $0xFFFFE700  }
0x15a: {  	_ =	swait.ge [sflag:s15], $0x1900  }
0x15b: {  	[sflag:s15] =	ssyncset.done $0x0  }
0x15c: {  	s24 =	rddreg [dreg:$0x17];
	[sflag:s15] =	ssyncadd.s32 $0xFFFFE700  }
0x15d: {  	[hbm4b:s24+s3] =	stream.linear.scatter [tilespmem:s9], [sflag:$0x6], $0x1900, $0x38;
	[tilespmem:$0x16C00] =	vst v63  }
0x15e: {  	s25 =	rddreg [dreg:$0x18]  }
0x15f: {  	[hbm4b:s25+s3] =	stream.linear.scatter [tilespmem:s10], [sflag:$0x6], $0x1900, $0x38;
	[tilespmem:$0x16C00] =	vst v63  }
0x160: {  	s26 =	rddreg [dreg:$0x19]  }
0x161: {  	[hbm4b:s26+s3] =	stream.linear.scatter [tilespmem:s11], [sflag:$0x6], $0x1900, $0x38;
	[tilespmem:$0x16C00] =	vst v63  }
0x162: {  	s21 =	rddreg [dreg:$0x1a]  }
0x163: {  	[hbm4b:s21+s3] =	stream.linear.scatter [tilespmem:s12], [sflag:$0x6], $0x1900, $0x38;
	[tilespmem:$0x16C00] =	vst v63  }
0x164: {  	_ =	swait.ge [sflag:s16], $0x1900  }
0x165: {  	[sflag:s16] =	ssyncset.done $0x0  }
0x166: {  	[sflag:s16] =	ssyncadd.s32 $0xFFFFE700  }
0x167: {  	_ =	swait.ge [sflag:s16], $0x1900  }
0x168: {  	[sflag:s16] =	ssyncset.done $0x0  }
0x169: {  	[sflag:s16] =	ssyncadd.s32 $0xFFFFE700  }
0x16a: {  	_ =	swait.ge [sflag:s16], $0x1900  }
0x16b: {  	[sflag:s16] =	ssyncset.done $0x0  }
0x16c: {  	[sflag:s16] =	ssyncadd.s32 $0xFFFFE700  }
0x16d: {  	_ =	swait.ge [sflag:s16], $0x1900  }
0x16e: {  	[sflag:s16] =	ssyncset.done $0x0  }
0x16f: {  	s22 =	simm.s32 $0x3C00;
	[sflag:s16] =	ssyncadd.s32 $0xFFFFE700  }
0x170: {  	[tilespmem:s30], [sflag:$0x1] =	stream.indirect.gather [hbm4b:s1+s29], $0x80, s22, s29, $0xb8;
	[tilespmem:$0x16C00] =	vst v63  }
0x171: {  	s23 =	simm.s32 $0x3C80  }
0x172: {  	[tilespmem:s2], [sflag:$0x1] =	stream.indirect.gather [hbm4b:s1+s29], $0x80, s23, s29, $0xb8;
	[tilespmem:$0x16C00] =	vst v63  }
0x173: {  	s24 =	simm.s32 $0x3D00  }
0x174: {  	[tilespmem:s31], [sflag:$0x1] =	stream.indirect.gather [hbm4b:s1+s29], $0x80, s24, s29, $0xb8;
	[tilespmem:$0x16C00] =	vst v63  }
0x175: {  	s25 =	simm.s32 $0x3D80  }
0x176: {  	[tilespmem:s0], [sflag:$0x1] =	stream.indirect.gather [hbm4b:s1+s29], $0x80, s25, s29, $0xb8;
	[tilespmem:$0x16C00] =	vst v63  }
0x177: {  	_ =	swait.ge [sflag:s13], $0x1900  }
0x178: {  	[sflag:s13] =	ssyncset.done $0x0  }
0x179: {  	[sflag:s13] =	ssyncadd.s32 $0xFFFFE700  }
0x17a: {  	_ =	swait.ge [sflag:s13], $0x1900  }
0x17b: {  	[sflag:s13] =	ssyncset.done $0x0  }
0x17c: {  	[sflag:s13] =	ssyncadd.s32 $0xFFFFE700  }
0x17d: {  	_ =	swait.ge [sflag:s13], $0x1900  }
0x17e: {  	[sflag:s13] =	ssyncset.done $0x0  }
0x17f: {  	[sflag:s13] =	ssyncadd.s32 $0xFFFFE700  }
0x180: {  	_ =	swait.ge [sflag:s13], $0x1900  }
0x181: {  	[sflag:s13] =	ssyncset.done $0x0  }
0x182: {  	s26 =	rddreg [dreg:$0x1b];
	[sflag:s13] =	ssyncadd.s32 $0xFFFFE700  }
0x183: {  	[hbm4b:s26+s3] =	stream.linear.scatter [tilespmem:s30], [sflag:$0x4], $0x1900, $0x38;
	[tilespmem:$0x16C00] =	vst v63  }
0x184: {  	s21 =	rddreg [dreg:$0x1c]  }
0x185: {  	[hbm4b:s21+s3] =	stream.linear.scatter [tilespmem:s2], [sflag:$0x4], $0x1900, $0x38;
	[tilespmem:$0x16C00] =	vst v63  }
0x186: {  	s22 =	rddreg [dreg:$0x1d]  }
0x187: {  	[hbm4b:s22+s3] =	stream.linear.scatter [tilespmem:s31], [sflag:$0x4], $0x1900, $0x38;
	[tilespmem:$0x16C00] =	vst v63  }
0x188: {  	s23 =	rddreg [dreg:$0x1e]  }
0x189: {  	[hbm4b:s23+s3] =	stream.linear.scatter [tilespmem:s0], [sflag:$0x4], $0x1900, $0x38;
	[tilespmem:$0x16C00] =	vst v63  }
0x18a: {  	_ =	swait.ge [sflag:s17], $0x1900  }
0x18b: {  	[sflag:s17] =	ssyncset.done $0x0  }
0x18c: {  	[sflag:s17] =	ssyncadd.s32 $0xFFFFE700  }
0x18d: {  	_ =	swait.ge [sflag:s17], $0x1900  }
0x18e: {  	[sflag:s17] =	ssyncset.done $0x0  }
0x18f: {  	[sflag:s17] =	ssyncadd.s32 $0xFFFFE700  }
0x190: {  	_ =	swait.ge [sflag:s17], $0x1900  }
0x191: {  	[sflag:s17] =	ssyncset.done $0x0  }
0x192: {  	[sflag:s17] =	ssyncadd.s32 $0xFFFFE700  }
0x193: {  	_ =	swait.ge [sflag:s17], $0x1900  }
0x194: {  	[sflag:s17] =	ssyncset.done $0x0  }
0x195: {  	s24 =	simm.s32 $0x3E00;
	[sflag:s17] =	ssyncadd.s32 $0xFFFFE700  }
0x196: {  	[tilespmem:s5], [sflag:$0x2] =	stream.indirect.gather [hbm4b:s1+s29], $0x80, s24, s29, $0xb8;
	[tilespmem:$0x16C00] =	vst v63  }
0x197: {  	s25 =	simm.s32 $0x3E80  }
0x198: {  	[tilespmem:s6], [sflag:$0x2] =	stream.indirect.gather [hbm4b:s1+s29], $0x80, s25, s29, $0xb8;
	[tilespmem:$0x16C00] =	vst v63  }
0x199: {  	s26 =	simm.s32 $0x3F00  }
0x19a: {  	[tilespmem:s7], [sflag:$0x2] =	stream.indirect.gather [hbm4b:s1+s29], $0x80, s26, s29, $0xb8;
	[tilespmem:$0x16C00] =	vst v63  }
0x19b: {  	s21 =	simm.s32 $0x3F80  }
0x19c: {  	[tilespmem:s8], [sflag:$0x2] =	stream.indirect.gather [hbm4b:s1+s29], $0x80, s21, s29, $0xb8;
	[tilespmem:$0x16C00] =	vst v63  }
0x19d: {  	_ =	swait.ge [sflag:s14], $0x1900  }
0x19e: {  	[sflag:s14] =	ssyncset.done $0x0  }
0x19f: {  	[sflag:s14] =	ssyncadd.s32 $0xFFFFE700  }
0x1a0: {  	_ =	swait.ge [sflag:s14], $0x1900  }
0x1a1: {  	[sflag:s14] =	ssyncset.done $0x0  }
0x1a2: {  	[sflag:s14] =	ssyncadd.s32 $0xFFFFE700  }
0x1a3: {  	_ =	swait.ge [sflag:s14], $0x1900  }
0x1a4: {  	[sflag:s14] =	ssyncset.done $0x0  }
0x1a5: {  	[sflag:s14] =	ssyncadd.s32 $0xFFFFE700  }
0x1a6: {  	_ =	swait.ge [sflag:s14], $0x1900  }
0x1a7: {  	[sflag:s14] =	ssyncset.done $0x0;
	s22 =	rddreg [dreg:$0x1f]  }
0x1a8: {  	s23 =	sld [smem:$0x7FA];
	[sflag:s14] =	ssyncadd.s32 $0xFFFFE700  }
0x1a9: {  	[hbm4b:s22+s3] =	stream.linear.scatter [tilespmem:s5], [sflag:$0x5], $0x1900, $0x38;
	[tilespmem:$0x16C00] =	vst v63  }
0x1aa: {  	s24 =	sld [smem:$0x7FB]  }
0x1ab: {  	[hbm4b:s23+s3] =	stream.linear.scatter [tilespmem:s6], [sflag:$0x5], $0x1900, $0x38;
	[tilespmem:$0x16C00] =	vst v63  }
0x1ac: {  	s25 =	sld [smem:$0x7FC]  }
0x1ad: {  	[hbm4b:s24+s3] =	stream.linear.scatter [tilespmem:s7], [sflag:$0x5], $0x1900, $0x38;
	[tilespmem:$0x16C00] =	vst v63  }
0x1ae: {  	_ = 	snop  }
0x1af: {  	[hbm4b:s25+s3] =	stream.linear.scatter [tilespmem:s8], [sflag:$0x5], $0x1900, $0x38;
	[tilespmem:$0x16C00] =	vst v63  }
0x1b0: {  	_ =	swait.ge [sflag:s16], $0x1900  }
0x1b1: {  	[sflag:s16] =	ssyncset.done $0x0  }
0x1b2: {  	[sflag:s16] =	ssyncadd.s32 $0xFFFFE700  }
0x1b3: {  	_ =	swait.ge [sflag:s16], $0x1900  }
0x1b4: {  	[sflag:s16] =	ssyncset.done $0x0  }
0x1b5: {  	[sflag:s16] =	ssyncadd.s32 $0xFFFFE700  }
0x1b6: {  	_ =	swait.ge [sflag:s16], $0x1900  }
0x1b7: {  	[sflag:s16] =	ssyncset.done $0x0  }
0x1b8: {  	[sflag:s16] =	ssyncadd.s32 $0xFFFFE700  }
0x1b9: {  	_ =	swait.ge [sflag:s16], $0x1900  }
0x1ba: {  	[sflag:s16] =	ssyncset.done $0x0  }
0x1bb: {  	[sflag:s16] =	ssyncadd.s32 $0xFFFFE700  }
0x1bc: {  	_ =	swait.ge [sflag:s17], $0x1900  }
0x1bd: {  	[sflag:s17] =	ssyncset.done $0x0  }
0x1be: {  	[sflag:s17] =	ssyncadd.s32 $0xFFFFE700  }
0x1bf: {  	_ =	swait.ge [sflag:s17], $0x1900  }
0x1c0: {  	[sflag:s17] =	ssyncset.done $0x0  }
0x1c1: {  	[sflag:s17] =	ssyncadd.s32 $0xFFFFE700  }
0x1c2: {  	_ =	swait.ge [sflag:s17], $0x1900  }
0x1c3: {  	[sflag:s17] =	ssyncset.done $0x0  }
0x1c4: {  	[sflag:s17] =	ssyncadd.s32 $0xFFFFE700  }
0x1c5: {  	_ =	swait.ge [sflag:s17], $0x1900  }
0x1c6: {  	[sflag:s17] =	ssyncset.done $0x0  }
0x1c7: {  	[sflag:s17] =	ssyncadd.s32 $0xFFFFE700  }
0x1c8: {  	_ =	swait.ge [sflag:s18], $0x1900  }
0x1c9: {  	[sflag:s18] =	ssyncset.done $0x0  }
0x1ca: {  	[sflag:s18] =	ssyncadd.s32 $0xFFFFE700  }
0x1cb: {  	_ =	swait.ge [sflag:s18], $0x1900  }
0x1cc: {  	[sflag:s18] =	ssyncset.done $0x0  }
0x1cd: {  	[sflag:s18] =	ssyncadd.s32 $0xFFFFE700  }
0x1ce: {  	_ =	swait.ge [sflag:s18], $0x1900  }
0x1cf: {  	[sflag:s18] =	ssyncset.done $0x0  }
0x1d0: {  	[sflag:s18] =	ssyncadd.s32 $0xFFFFE700  }
0x1d1: {  	_ =	swait.ge [sflag:s18], $0x1900  }
0x1d2: {  	s26 =	sld [smem:$0x7FD];
	_ =	sdelay $0x1  }
0x1d3: {  	s19 =	sadd.s32 $0x1, s19  }
0x1d4: {  	p0 =	sne.s32 s19, s26  }
.Ltmp1:
0x1d5: {  	_ = 	snop;
	(pc) =	sbr.rel @p0 .LBB2_1-.Ltmp1, $3  }
0x1d6: {  	_ =	sdelay $0x1  }
0x1d7: {  	[sflag:s18] =	ssyncset.done $0x0  }
0x1d8: {  	[sflag:s18] =	ssyncadd.s32 $0xFFFFE700  }
0x1d9: {  	_ =	sfence.sel $0x180000  }
0x1da: {  	[bflag:$0x0] =	sbarrier.arrive $0xFFFF  }
0x1db: {  	_ =	strace $0x90000047  }
0x1dc: {  	s0 =	stileid.u32;
	[bflag:$0x2] =	sbarrier.arrive $0xFFFF  }
0x1dd: {  	p0 =	sne.s32 s0, $0x0;
	s0 =	rddreg [dreg:$0x3]  }
0x1de: {  	s0 =	sadd.s32 @!p0 $0x100000, s0  }
0x1df: {  	[sflag:s0] =	ssyncadd.tile.s32 @!p0 $0x1;
	_ =	shalt  }
.Lfunc_end2:
_tile_overlayer_lowered:
.L_overlay_start_2:
0x1e0: {  	(tag) =	ssettag $0x2  }
0x1e1: {  	s0 =	rddreg [dreg:$0x0];
	s2 =	stileid.u32  }
0x1e2: {  	s1 =	rddreg [dreg:$0x1];
	p0 =	sne.s32 s2, $0x0  }
0x1e3: {  	s3 =	rddreg [dreg:$0x2];
	[bflag:$0x3] =	sbarrier.arrive $0xFFFF;
	s2 =	simm.s32 @!p0 $0x1C07  }
0x1e4: {  	[timem:s3], [sflag:s2] =	dma.local @!p0 [hbm:s0], s1  }
0x1e5: {  	s0 =	simm.s32 @!p0 $0x7  }
0x1e6: {  	_ =	swait.ge @!p0 [sflag:s0], s1  }
0x1e7: {  	s1 =	ssub.s32 @!p0 $0x0, s1;
	[sflag:s0] =	ssyncset.done @!p0 $0x0  }
0x1e8: {  	[sflag:s0] =	ssyncadd.s32 @!p0 s1  }
0x1e9: {  	[bflag:$0x3] =	sbarrier.arrive $0xFFFF  }
0x1ea: {  	_ =	shalt  }

</sc_bundles>
